<compile_context>
chip_gen: v7x
topology: tpu7x:2x2x1
jax: 0.10.2.dev20260603
libtpu: 0.0.44.dev20260713+nightly
codegen_flags: <defaults>
</compile_context>

<pallas_src>
import math

import jax
import jax.numpy as jnp
from jax import lax
from jax.experimental import pallas as pl
from jax.experimental.pallas import tpu as pltpu
from jax.experimental.pallas import tpu_sc as plsc

N_NODES = 10000
DIM = 128
ALPHA_ITERS = 20
BLOCKS = 2

_ROWS = 632

_NC = 2
_NS = 16
_NW = _NC * _NS
_L = 16
_CHUNK = 128


def _sc_mesh():
    return plsc.VectorSubcoreMesh(
        core_axis_name="c", subcore_axis_name="s", num_cores=_NC, num_subcores=_NS)


def _sc_seg_pass(table, gidx, sidx, zeros, n, acc_rows, k_chunks):
    z_per_tile = acc_rows // _NS

    def body(table_h, gidx_h, sidx_h, zeros_h, out_h,
             gidx_v, sidx_v, rb0, acc_sh, semA):
        c = lax.axis_index("c")
        s = lax.axis_index("s")
        wid = c * _NS + s
        pltpu.sync_copy(gidx_h.at[wid], gidx_v)
        pltpu.sync_copy(sidx_h.at[wid], sidx_v)
        pltpu.sync_copy(zeros_h.at[pl.ds(s * z_per_tile, z_per_tile)],
                        acc_sh.at[pl.ds(s * z_per_tile, z_per_tile)])
        plsc.subcore_barrier()

        def chunk(j, carry):
            pltpu.async_copy(table_h.at[gidx_v.at[j]], rb0, semA).wait()
            pltpu.sync_copy(rb0, acc_sh.at[sidx_v.at[j]], add=True)
            return carry

        lax.fori_loop(0, k_chunks, chunk, 0, unroll=False)

        plsc.subcore_barrier()
        pltpu.sync_copy(
            acc_sh.at[pl.ds(s * z_per_tile, z_per_tile)],
            out_h.at[pl.ds(c * acc_rows + s * z_per_tile, z_per_tile)])

    return pl.kernel(
        body,
        out_type=jax.ShapeDtypeStruct((2 * acc_rows, DIM), jnp.float32),
        mesh=_sc_mesh(),
        scratch_types=[
            pltpu.VMEM((k_chunks, _CHUNK), jnp.int32),
            pltpu.VMEM((k_chunks, _CHUNK), jnp.int32),
            pltpu.VMEM((_CHUNK, DIM), jnp.float32),
            pltpu.VMEM_SHARED((acc_rows, DIM), jnp.float32),
            pltpu.SemaphoreType.DMA,
        ],
    )(table, gidx, sidx, zeros)


def _row_spec():
    return pl.BlockSpec((_ROWS, DIM), lambda i: (i, 0))


def _col_spec():
    return pl.BlockSpec((_ROWS, 1), lambda i: (i, 0))


def _stage_a_body(x_ref, wl_ref, bl_ref, w1_ref, w2_ref, u_ref, v_ref, d_ref,
                  out0_ref, a_ref, b_ref, dh_ref, y_ref, yt_ref):
    x = x_ref[...]
    out0_ref[...] = jnp.dot(x, wl_ref[...], preferred_element_type=jnp.float32) + bl_ref[...]
    h1 = jnp.dot(x, w1_ref[...], preferred_element_type=jnp.float32)
    y = jnp.dot(x, w2_ref[...], preferred_element_type=jnp.float32)
    a_ref[...] = u_ref[...] * h1
    b_ref[...] = v_ref[...] * h1
    dh_ref[...] = d_ref[...] * h1
    y_ref[...] = y
    yt_ref[...] = d_ref[...] * y


def _stage_a(x, W_lin, b_lin, W1, W2, u, v, dinv):
    n = x.shape[0]
    grid = (n // _ROWS,)
    full_spec = pl.BlockSpec((DIM, DIM), lambda i: (0, 0))
    bias_spec = pl.BlockSpec((1, DIM), lambda i: (0, 0))
    return pl.pallas_call(
        _stage_a_body,
        grid=grid,
        in_specs=[_row_spec(), full_spec, bias_spec, full_spec, full_spec,
                  _col_spec(), _col_spec(), _col_spec()],
        out_specs=[_row_spec()] * 6,
        out_shape=[jax.ShapeDtypeStruct((n, DIM), jnp.float32)] * 6,
    )(x, W_lin, b_lin.reshape(1, DIM), W1, W2, u, v, dinv)


def _stage_b_body(t1a_ref, t1b_ref, y_ref, t2a_ref, t2b_ref, yt_ref, d_ref,
                  pys_ref, pty_ref):
    d = d_ref[...]
    pys_ref[...] = d * d * (t1a_ref[...] + t1b_ref[...] + y_ref[...])
    pty_ref[...] = t2a_ref[...] + t2b_ref[...] + yt_ref[...]


def _stage_b(t1, y, t2, yt, dinv):
    n = y.shape[0]
    grid = (n // _ROWS,)
    lo = pl.BlockSpec((_ROWS, DIM), lambda i: (i, 0))
    hi = pl.BlockSpec((_ROWS, DIM), lambda i: (i + n // _ROWS, 0))
    return pl.pallas_call(
        _stage_b_body,
        grid=grid,
        in_specs=[lo, hi, _row_spec(), lo, hi, _row_spec(), _col_spec()],
        out_specs=[_row_spec()] * 2,
        out_shape=[jax.ShapeDtypeStruct((n, DIM), jnp.float32)] * 2,
    )(t1, t1, y, t2, t2, yt, dinv)


def _stage_c_body(out0_ref, s1a_ref, s1b_ref, s2a_ref, s2b_ref, dh_ref,
                  t3a_ref, t3b_ref, t4a_ref, t4b_ref, pys_ref, pty_ref,
                  u_ref, v_ref, d_ref, b1_ref, b2_ref, x_ref):
    out1 = (v_ref[...] * (s1a_ref[...] + s1b_ref[...])
            + u_ref[...] * (s2a_ref[...] + s2b_ref[...])
            + dh_ref[...] + b1_ref[...])
    l_in = t3a_ref[...] + t3b_ref[...] + pys_ref[...]
    l_out = d_ref[...] * (t4a_ref[...] + t4b_ref[...] + pty_ref[...])
    x_ref[...] = out0_ref[...] + out1 + 0.5 * (l_in + l_out) + b2_ref[...]


def _stage_c(out0, s1, s2, dh, t3, t4, pys, pty, u, v, dinv, b1, b2):
    n = out0.shape[0]
    grid = (n // _ROWS,)
    lo = pl.BlockSpec((_ROWS, DIM), lambda i: (i, 0))
    hi = pl.BlockSpec((_ROWS, DIM), lambda i: (i + n // _ROWS, 0))
    bias_spec = pl.BlockSpec((1, DIM), lambda i: (0, 0))
    return pl.pallas_call(
        _stage_c_body,
        grid=grid,
        in_specs=[_row_spec(), lo, hi, lo, hi, _row_spec(), lo, hi, lo, hi,
                  _row_spec(), _row_spec(), _col_spec(), _col_spec(),
                  _col_spec(), bias_spec, bias_spec],
        out_specs=_row_spec(),
        out_shape=jax.ShapeDtypeStruct((n, DIM), jnp.float32),
    )(out0, s1, s1, s2, s2, dh, t3, t3, t4, t4, pys, pty, u, v, dinv,
      b1.reshape(1, DIM), b2.reshape(1, DIM))


def _scalar_prep_body(pi_ref, d_ref, u_ref, v_ref):
    pis = jnp.sqrt(jnp.clip(pi_ref[...], 1e-12, None))
    u_ref[...] = 0.5 * d_ref[...] * pis
    v_ref[...] = 1.0 / pis


def _scalar_prep(pi_p, dinv_p):
    shp = pi_p.shape
    return pl.pallas_call(
        _scalar_prep_body,
        out_shape=[jax.ShapeDtypeStruct(shp, jnp.float32)] * 2,
    )(pi_p, dinv_p)


def _sc_power_iter(srcf, dstf, ca_in, cb_in, np_rows):
    rpt = np_rows // _NS
    nv = rpt // _L
    n_ch = srcf.shape[1]
    fpc = _CHUNK // _L

    def body(srcf_h, dstf_h, ca_h, cb_h, pi_h, dinv_h,
             src2, dst2, q_tab, vb, ones_b, zbuf, slc, dinv_l, pi_l, qs,
             ca, cb, sem0, sem1, acc_sh, q_sh):
        c = lax.axis_index("c")
        s = lax.axis_index("s")

        @pl.when(c == 0)
        def _run():
            base = s * rpt
            pltpu.sync_copy(srcf_h.at[s], src2)
            pltpu.sync_copy(dstf_h.at[s], dst2)
            pltpu.sync_copy(ca_h, ca)
            pltpu.sync_copy(cb_h, cb)
            zeros16 = jnp.zeros((_L,), jnp.float32)
            ones16 = jnp.ones((_L,), jnp.float32)
            for t in range(fpc):
                ones_b[pl.ds(t * _L, _L)] = ones16

            def zero16(j, _):
                zbuf[pl.ds(j * _L, _L)] = zeros16
                return _

            lax.fori_loop(0, nv, zero16, 0)
            pltpu.sync_copy(zbuf, acc_sh.at[pl.ds(base, rpt)])
            plsc.subcore_barrier()

            def hpair(i, _):
                d0 = pltpu.async_copy(ones_b, acc_sh.at[src2.at[2 * i]],
                                      sem0, add=True)
                d1 = pltpu.async_copy(ones_b, acc_sh.at[src2.at[2 * i + 1]],
                                      sem1, add=True)
                d0.wait()
                d1.wait()
                return _

            lax.fori_loop(0, n_ch // 2, hpair, 0)
            plsc.subcore_barrier()
            pltpu.sync_copy(acc_sh.at[pl.ds(base, rpt)], slc)
            inv_n = 1.0 / float(N_NODES)

            def dstep(j, _):
                di = 1.0 / (slc[pl.ds(j * _L, _L)] + 1.0)
                dinv_l[pl.ds(j * _L, _L)] = di
                qs[pl.ds(j * _L, _L)] = di * inv_n
                return _

            lax.fori_loop(0, nv, dstep, 0)
            pltpu.sync_copy(qs, q_sh.at[pl.ds(base, rpt)])
            pltpu.sync_copy(zbuf, acc_sh.at[pl.ds(base, rpt)])
            plsc.subcore_barrier()
            pltpu.sync_copy(q_sh, q_tab)

            def gath(k, b, sem):
                return pltpu.async_copy(q_sh.at[src2.at[k]], vb.at[b], sem)

            def one_iter(it, _):
                g0 = gath(0, 0, sem0)
                g0.wait()

                def pair(i, _c):
                    k0 = 2 * i
                    d0 = pltpu.async_copy(vb.at[0], acc_sh.at[dst2.at[k0]],
                                          sem0, add=True)
                    g1 = gath(k0 + 1, 1, sem1)
                    g1.wait()
                    d1 = pltpu.async_copy(vb.at[1], acc_sh.at[dst2.at[k0 + 1]],
                                          sem1, add=True)
                    d0.wait()

                    @pl.when(k0 + 2 < n_ch)
                    def _():
                        gath(k0 + 2, 0, sem0).wait()

                    d1.wait()
                    return _c

                lax.fori_loop(0, n_ch // 2, pair, 0)
                plsc.subcore_barrier()
                pltpu.sync_copy(acc_sh.at[pl.ds(base, rpt)], slc)
                A = ca[...]
                B = cb[...]

                def ustep(j, _c):
                    acc16 = slc[pl.ds(j * _L, _L)] + q_tab[pl.ds(base + j * _L, _L)]
                    pi16 = A * acc16 + B
                    pi_l[pl.ds(j * _L, _L)] = pi16
                    qs[pl.ds(j * _L, _L)] = dinv_l[pl.ds(j * _L, _L)] * pi16
                    return _c

                lax.fori_loop(0, nv, ustep, 0)
                pltpu.sync_copy(qs, q_sh.at[pl.ds(base, rpt)])
                pltpu.sync_copy(zbuf, acc_sh.at[pl.ds(base, rpt)])
                plsc.subcore_barrier()
                pltpu.sync_copy(q_sh, q_tab)
                return _

            lax.fori_loop(0, ALPHA_ITERS, one_iter, 0)
            pltpu.sync_copy(pi_l, pi_h.at[pl.ds(base, rpt)])
            pltpu.sync_copy(dinv_l, dinv_h.at[pl.ds(base, rpt)])

    return pl.kernel(
        body,
        out_type=(jax.ShapeDtypeStruct((np_rows,), jnp.float32),
                  jax.ShapeDtypeStruct((np_rows,), jnp.float32)),
        mesh=_sc_mesh(),
        scratch_types=[
            pltpu.VMEM((n_ch, _CHUNK), jnp.int32),
            pltpu.VMEM((n_ch, _CHUNK), jnp.int32),
            pltpu.VMEM((np_rows,), jnp.float32),
            pltpu.VMEM((2, _CHUNK), jnp.float32),
            pltpu.VMEM((_CHUNK,), jnp.float32),
            pltpu.VMEM((np_rows // _NS,), jnp.float32),
            pltpu.VMEM((np_rows // _NS,), jnp.float32),
            pltpu.VMEM((np_rows // _NS,), jnp.float32),
            pltpu.VMEM((np_rows // _NS,), jnp.float32),
            pltpu.VMEM((np_rows // _NS,), jnp.float32),
            pltpu.VMEM((_L,), jnp.float32),
            pltpu.VMEM((_L,), jnp.float32),
            pltpu.SemaphoreType.DMA,
            pltpu.SemaphoreType.DMA,
            pltpu.VMEM_SHARED((np_rows,), jnp.float32),
            pltpu.VMEM_SHARED((np_rows,), jnp.float32),
        ],
    )(srcf, dstf, ca_in, cb_in)


def kernel(x, edge_index, alpha, W_lin, b_lin, W1, b1, W2, b2):
    n = x.shape[0]
    src = edge_index[0]
    dst = edge_index[1]

    np_rows = -(-(n + 1) // (_NS * _L * 8)) * (_NS * _L * 8)
    ca_in = jnp.full((_L,), 1.0, jnp.float32) - alpha
    cb_in = jnp.full((_L,), 1.0 / n, jnp.float32) * alpha
    ept = src.shape[0] // _NS
    ept_pad = -(-ept // (2 * _CHUNK)) * (2 * _CHUNK)
    srcp = jnp.pad(src.reshape(_NS, ept), ((0, 0), (0, ept_pad - ept)),
                   constant_values=n).reshape(_NS, -1, _CHUNK)
    dstp = jnp.pad(dst.reshape(_NS, ept), ((0, 0), (0, ept_pad - ept)),
                   constant_values=n).reshape(_NS, -1, _CHUNK)
    pi_p, dinv_p = _sc_power_iter(srcp, dstp, ca_in, cb_in, np_rows)
    u_p, v_p = _scalar_prep(pi_p, dinv_p)

    e = src.shape[0]
    e_pad = -(-e // (_NW * _CHUNK)) * (_NW * _CHUNK)
    k_chunks = e_pad // (_NW * _CHUNK)
    blk = math.lcm(_NS * 8, _ROWS)
    acc_rows = -(-(n + 1) // blk) * blk
    srcg = jnp.pad(src, (0, e_pad - e)).reshape(_NW, k_chunks, _CHUNK)
    dstg = jnp.pad(dst, (0, e_pad - e)).reshape(_NW, k_chunks, _CHUNK)
    srcs = jnp.pad(src, (0, e_pad - e), constant_values=n).reshape(_NW, k_chunks, _CHUNK)
    dsts = jnp.pad(dst, (0, e_pad - e), constant_values=n).reshape(_NW, k_chunks, _CHUNK)
    zeros = jnp.zeros((acc_rows, DIM), jnp.float32)

    u = u_p.reshape(-1)[:acc_rows].reshape(acc_rows, 1)
    v = v_p.reshape(-1)[:acc_rows].reshape(acc_rows, 1)
    dinv = dinv_p.reshape(-1)[:acc_rows].reshape(acc_rows, 1)
    xp = jnp.pad(x, ((0, acc_rows - n), (0, 0)))

    def seg(table, gi, si):
        return _sc_seg_pass(table, gi, si, zeros, n, acc_rows, k_chunks)

    for _ in range(BLOCKS):
        out0, a_tab, b_tab, dh, y, yt = _stage_a(xp, W_lin, b_lin, W1, W2,
                                                 u, v, dinv)
        s1 = seg(a_tab, srcg, dsts)
        s2 = seg(b_tab, dstg, srcs)
        t1 = seg(y, dstg, srcs)
        t2 = seg(yt, srcg, dsts)

        pys, pty = _stage_b(t1, y, t2, yt, dinv)

        t3 = seg(pys, srcg, dsts)
        t4 = seg(pty, dstg, srcs)

        xp = _stage_c(out0, s1, s2, dh, t3, t4, pys, pty, u, v, dinv, b1, b2)
    return xp[:n]

# --- scband reference (transcript-rebuilt; emitter-appended) ---
"""Pipeline reference for scband-di-gcn-76647986364862 (READ-ONLY COPY).

The authoritative reference and input builder live on the scoring server;
editing this copy changes nothing except your own understanding.
"""

import jax, jax.numpy as jnp
import numpy as np

N = 10000
DIM = 128
E = 320000
NOS_BLOCK = 2
POWER_ITERS = 20


def _prop(h, src, dst, w, n):
    return jax.ops.segment_sum(w[:, None] * h[src], dst, num_segments=n)


def _first_order_adj(edge_index, alpha, n):
    # approximate personalized-pagerank based directed laplacian (DiGCN eq. 8)
    # stationary distribution pi obtained via power iteration (scalable stand-in
    # for the scipy.linalg.eig call in the original helper)
    loops = jnp.arange(n, dtype=edge_index.dtype)
    src = jnp.concatenate([edge_index[0], loops])
    dst = jnp.concatenate([edge_index[1], loops])
    w = jnp.ones((src.shape[0],), jnp.float32)
    deg = jax.ops.segment_sum(w, src, num_segments=n)
    deg_inv = jnp.where(deg > 0, 1.0 / deg, 0.0)
    p = deg_inv[src] * w  # row-stochastic transition P[src, dst]
    pi = jnp.full((n,), 1.0 / n, jnp.float32)
    for _ in range(POWER_ITERS):
        pi = (1.0 - alpha) * jax.ops.segment_sum(p * pi[src], dst, num_segments=n) + alpha / n
        pi = pi / jnp.sum(pi)
    pis = jnp.sqrt(jnp.clip(pi, 1e-12))
    # L = 0.5 * (Pi^{1/2} P Pi^{-1/2} + (Pi^{1/2} P Pi^{-1/2})^T), kept sparse
    wh = 0.5 * pis[src] * p / pis[dst]
    src1 = jnp.concatenate([src, dst])
    dst1 = jnp.concatenate([dst, src])
    w1 = jnp.concatenate([wh, wh])
    return src1, dst1, w1, src, dst, p


def _digcn_forward(x, edge_index, alpha, W_lin, b_lin, W1, b1, W2, b2):
    n = x.shape[0]
    src1, dst1, w1, src, dst, p = _first_order_adj(edge_index, alpha, n)
    # eval mode: dropout is identity
    for _ in range(NOS_BLOCK):
        out0 = x @ W_lin + b_lin
        h1 = x @ W1
        out1 = _prop(h1, src1, dst1, w1, n) + b1
        # second-order: L2 = 0.5*(P^T P + P P^T); applied as two-step sparse
        # propagation instead of materializing the dense N x N product
        y = x @ W2
        Py = jax.ops.segment_sum(p[:, None] * y[dst], src, num_segments=n)    # P y
        Pty = jax.ops.segment_sum(p[:, None] * y[src], dst, num_segments=n)   # P^T y
        L_in_y = jax.ops.segment_sum(p[:, None] * Py[src], dst, num_segments=n)   # P^T (P y)
        L_out_y = jax.ops.segment_sum(p[:, None] * Pty[dst], src, num_segments=n)  # P (P^T y)
        out2 = 0.5 * (L_in_y + L_out_y) + b2
        x = out0 + out1 + out2  # fusion_type == 'sum'
    return x


def setup_inputs(seed: int = 0):
    key = jax.random.key(seed)
    ks = jax.random.split(key, 8)
    x = jax.random.normal(ks[0], (N, DIM), dtype=jnp.float32)
    edge_index = jax.random.randint(ks[1], (2, E), 0, N, dtype=jnp.int32)
    alpha = jnp.asarray(0.1, jnp.float32)
    s = 1.0 / np.sqrt(DIM)
    W_lin = jax.random.uniform(ks[2], (DIM, DIM), jnp.float32, -s, s)
    b_lin = jnp.zeros((DIM,), jnp.float32)
    W1 = jax.random.uniform(ks[3], (DIM, DIM), jnp.float32, -s, s)
    b1 = jnp.zeros((DIM,), jnp.float32)
    W2 = jax.random.uniform(ks[4], (DIM, DIM), jnp.float32, -s, s)
    b2 = jnp.zeros((DIM,), jnp.float32)
    return {"x": x, "edge_index": edge_index, "alpha": alpha,
            "W_lin": W_lin, "b_lin": b_lin, "W1": W1, "b1": b1, "W2": W2, "b2": b2}


def reference(x, edge_index, alpha, W_lin, b_lin, W1, b1, W2, b2):
    return _digcn_forward(x, edge_index, alpha, W_lin, b_lin, W1, b1, W2, b2)

if __name__ == "__main__":
    import jax
    _d = setup_inputs()
    print(jax.jit(kernel)(*tuple(_d.values())))

</pallas_src>

<mosaic_0001>
#map = affine_map<(d0, d1) -> (0, 0, 0)>
#map1 = affine_map<(d0, d1) -> (0)>
module attributes {stable_mosaic.version = 14 : i64} {
  func.func @body(%arg0: i32, %arg1: i32, %arg2: memref<16x158x128xi32, #tpu.memory_space<hbm>>, %arg3: memref<16x158x128xi32, #tpu.memory_space<hbm>>, %arg4: memref<16xf32, #tpu.memory_space<hbm>>, %arg5: memref<16xf32, #tpu.memory_space<hbm>>, %arg6: memref<10240xf32, #tpu.memory_space<hbm>>, %arg7: memref<10240xf32, #tpu.memory_space<hbm>>, %arg8: memref<158x128xi32, #tpu.memory_space<vmem>>, %arg9: memref<158x128xi32, #tpu.memory_space<vmem>>, %arg10: memref<10240xf32, #tpu.memory_space<vmem>>, %arg11: memref<2x128xf32, #tpu.memory_space<vmem>>, %arg12: memref<128xf32, #tpu.memory_space<vmem>>, %arg13: memref<640xf32, #tpu.memory_space<vmem>>, %arg14: memref<640xf32, #tpu.memory_space<vmem>>, %arg15: memref<640xf32, #tpu.memory_space<vmem>>, %arg16: memref<640xf32, #tpu.memory_space<vmem>>, %arg17: memref<640xf32, #tpu.memory_space<vmem>>, %arg18: memref<16xf32, #tpu.memory_space<vmem>>, %arg19: memref<16xf32, #tpu.memory_space<vmem>>, %arg20: memref<!tpu.dma_semaphore, #tpu.memory_space<semaphore_mem>>, %arg21: memref<!tpu.dma_semaphore, #tpu.memory_space<semaphore_mem>>, %arg22: memref<10240xf32, #tpu.memory_space<vmem_shared>>, %arg23: memref<10240xf32, #tpu.memory_space<vmem_shared>>) attributes {dimension_semantics = [#tpu.dimension_semantics<core_parallel>, #tpu.dimension_semantics<subcore_parallel>], iteration_bounds = array<i64: 2, 16>, scalar_prefetch = 0 : i64, scratch_operands = 16 : i64, tpu.core_type = #tpu.core_type<sc_vector_subcore>, window_params = [{transform_indices = #map}, {transform_indices = #map}, {transform_indices = #map1}, {transform_indices = #map1}, {transform_indices = #map1}, {transform_indices = #map1}]} {
    %eq3A = arith.constant 0 : i32
    %eq3A_0 = arith.cmpi eq, %arg0, %eq3A : i32
    %convert_element_type3A = arith.extui %eq3A_0 : i1 to i32
    %cond3A = arith.constant 0 : i32
    %cond3A_1 = arith.cmpi ne, %convert_element_type3A, %cond3A : i32
    scf.if %cond3A_1 {
      %mul3A = arith.constant 640 : i32
      %mul3A_2 = arith.muli %arg1, %mul3A : i32
      "tpu.region"() ({
        %run_scoped3A = tpu.sem_alloc : memref<!tpu.dma_semaphore, #tpu.memory_space<semaphore_mem>>
        %dma_start3A = arith.constant 0 : i32
        %dma_start3A_62 = arith.constant 0 : i32
        %dma_start3A_63 = tpu.memref_slice %arg2[%arg1, %dma_start3A, %dma_start3A_62] : memref<16x158x128xi32, #tpu.memory_space<hbm>> -> memref<1x158x128xi32, #tpu.memory_space<hbm>>
        %dma_start3A_64 = tpu.memref_squeeze %dma_start3A_63 : memref<1x158x128xi32, #tpu.memory_space<hbm>> -> memref<158x128xi32, #tpu.memory_space<hbm>>
        %dma_start3A_65 = arith.constant 0 : i32
        %dma_start3A_66 = arith.constant 0 : i32
        %dma_start3A_67 = tpu.memref_slice %arg2[%arg1, %dma_start3A_65, %dma_start3A_66] : memref<16x158x128xi32, #tpu.memory_space<hbm>> -> memref<1x158x128xi32, #tpu.memory_space<hbm>>
        %dma_start3A_68 = tpu.memref_squeeze %dma_start3A_67 : memref<1x158x128xi32, #tpu.memory_space<hbm>> -> memref<158x128xi32, #tpu.memory_space<hbm>>
        tpu.enqueue_dma source(%dma_start3A_68 : memref<158x128xi32, #tpu.memory_space<hbm>>) target(%arg8 : memref<158x128xi32, #tpu.memory_space<vmem>>) target_semaphore(%run_scoped3A : memref<!tpu.dma_semaphore, #tpu.memory_space<semaphore_mem>>)
        %dma_wait3A = arith.constant 0 : i32
        %dma_wait3A_69 = arith.constant 0 : i32
        %dma_wait3A_70 = tpu.memref_slice %arg2[%arg1, %dma_wait3A, %dma_wait3A_69] : memref<16x158x128xi32, #tpu.memory_space<hbm>> -> memref<1x158x128xi32, #tpu.memory_space<hbm>>
        %dma_wait3A_71 = tpu.memref_squeeze %dma_wait3A_70 : memref<1x158x128xi32, #tpu.memory_space<hbm>> -> memref<158x128xi32, #tpu.memory_space<hbm>>
        %dma_wait3A_72 = arith.constant 0 : i32
        %dma_wait3A_73 = arith.constant 0 : i32
        %dma_wait3A_74 = tpu.memref_slice %arg2[%arg1, %dma_wait3A_72, %dma_wait3A_73] : memref<16x158x128xi32, #tpu.memory_space<hbm>> -> memref<1x158x128xi32, #tpu.memory_space<hbm>>
        %dma_wait3A_75 = tpu.memref_squeeze %dma_wait3A_74 : memref<1x158x128xi32, #tpu.memory_space<hbm>> -> memref<158x128xi32, #tpu.memory_space<hbm>>
        tpu.wait_dma2 semaphore(%run_scoped3A : memref<!tpu.dma_semaphore, #tpu.memory_space<semaphore_mem>>) src(%dma_wait3A_75 : memref<158x128xi32, #tpu.memory_space<hbm>>) dst(%arg8 : memref<158x128xi32, #tpu.memory_space<vmem>>)
        tpu.yield
      }) : () -> ()
      "tpu.region"() ({
        %run_scoped3A = tpu.sem_alloc : memref<!tpu.dma_semaphore, #tpu.memory_space<semaphore_mem>>
        %dma_start3A = arith.constant 0 : i32
        %dma_start3A_62 = arith.constant 0 : i32
        %dma_start3A_63 = tpu.memref_slice %arg3[%arg1, %dma_start3A, %dma_start3A_62] : memref<16x158x128xi32, #tpu.memory_space<hbm>> -> memref<1x158x128xi32, #tpu.memory_space<hbm>>
        %dma_start3A_64 = tpu.memref_squeeze %dma_start3A_63 : memref<1x158x128xi32, #tpu.memory_space<hbm>> -> memref<158x128xi32, #tpu.memory_space<hbm>>
        %dma_start3A_65 = arith.constant 0 : i32
        %dma_start3A_66 = arith.constant 0 : i32
        %dma_start3A_67 = tpu.memref_slice %arg3[%arg1, %dma_start3A_65, %dma_start3A_66] : memref<16x158x128xi32, #tpu.memory_space<hbm>> -> memref<1x158x128xi32, #tpu.memory_space<hbm>>
        %dma_start3A_68 = tpu.memref_squeeze %dma_start3A_67 : memref<1x158x128xi32, #tpu.memory_space<hbm>> -> memref<158x128xi32, #tpu.memory_space<hbm>>
        tpu.enqueue_dma source(%dma_start3A_68 : memref<158x128xi32, #tpu.memory_space<hbm>>) target(%arg9 : memref<158x128xi32, #tpu.memory_space<vmem>>) target_semaphore(%run_scoped3A : memref<!tpu.dma_semaphore, #tpu.memory_space<semaphore_mem>>)
        %dma_wait3A = arith.constant 0 : i32
        %dma_wait3A_69 = arith.constant 0 : i32
        %dma_wait3A_70 = tpu.memref_slice %arg3[%arg1, %dma_wait3A, %dma_wait3A_69] : memref<16x158x128xi32, #tpu.memory_space<hbm>> -> memref<1x158x128xi32, #tpu.memory_space<hbm>>
        %dma_wait3A_71 = tpu.memref_squeeze %dma_wait3A_70 : memref<1x158x128xi32, #tpu.memory_space<hbm>> -> memref<158x128xi32, #tpu.memory_space<hbm>>
        %dma_wait3A_72 = arith.constant 0 : i32
        %dma_wait3A_73 = arith.constant 0 : i32
        %dma_wait3A_74 = tpu.memref_slice %arg3[%arg1, %dma_wait3A_72, %dma_wait3A_73] : memref<16x158x128xi32, #tpu.memory_space<hbm>> -> memref<1x158x128xi32, #tpu.memory_space<hbm>>
        %dma_wait3A_75 = tpu.memref_squeeze %dma_wait3A_74 : memref<1x158x128xi32, #tpu.memory_space<hbm>> -> memref<158x128xi32, #tpu.memory_space<hbm>>
        tpu.wait_dma2 semaphore(%run_scoped3A : memref<!tpu.dma_semaphore, #tpu.memory_space<semaphore_mem>>) src(%dma_wait3A_75 : memref<158x128xi32, #tpu.memory_space<hbm>>) dst(%arg9 : memref<158x128xi32, #tpu.memory_space<vmem>>)
        tpu.yield
      }) : () -> ()
      "tpu.region"() ({
        %run_scoped3A = tpu.sem_alloc : memref<!tpu.dma_semaphore, #tpu.memory_space<semaphore_mem>>
        tpu.enqueue_dma source(%arg4 : memref<16xf32, #tpu.memory_space<hbm>>) target(%arg18 : memref<16xf32, #tpu.memory_space<vmem>>) target_semaphore(%run_scoped3A : memref<!tpu.dma_semaphore, #tpu.memory_space<semaphore_mem>>)
        tpu.wait_dma2 semaphore(%run_scoped3A : memref<!tpu.dma_semaphore, #tpu.memory_space<semaphore_mem>>) src(%arg4 : memref<16xf32, #tpu.memory_space<hbm>>) dst(%arg18 : memref<16xf32, #tpu.memory_space<vmem>>)
        tpu.yield
      }) : () -> ()
      "tpu.region"() ({
        %run_scoped3A = tpu.sem_alloc : memref<!tpu.dma_semaphore, #tpu.memory_space<semaphore_mem>>
        tpu.enqueue_dma source(%arg5 : memref<16xf32, #tpu.memory_space<hbm>>) target(%arg19 : memref<16xf32, #tpu.memory_space<vmem>>) target_semaphore(%run_scoped3A : memref<!tpu.dma_semaphore, #tpu.memory_space<semaphore_mem>>)
        tpu.wait_dma2 semaphore(%run_scoped3A : memref<!tpu.dma_semaphore, #tpu.memory_space<semaphore_mem>>) src(%arg5 : memref<16xf32, #tpu.memory_space<hbm>>) dst(%arg19 : memref<16xf32, #tpu.memory_space<vmem>>)
        tpu.yield
      }) : () -> ()
      %broadcast_in_dim3A = arith.constant 0.000000e+00 : f32
      %broadcast_in_dim3A_3 = vector.broadcast %broadcast_in_dim3A : f32 to vector<16xf32>
      %broadcast_in_dim3A_4 = arith.constant 1.000000e+00 : f32
      %broadcast_in_dim3A_5 = vector.broadcast %broadcast_in_dim3A_4 : f32 to vector<16xf32>
      %swap3A = arith.constant 0 : index
      %swap3A_6 = tpu.vector_load %arg12[%swap3A] {strides = array<i32>} : memref<128xf32, #tpu.memory_space<vmem>>, vector<16xf32>,
      %swap3A_7 = vector.shape_cast %swap3A_6 : vector<16xf32> to vector<16xf32>
      %swap3A_8 = vector.shape_cast %broadcast_in_dim3A_5 : vector<16xf32> to vector<16xf32>
      tpu.vector_store %arg12[%swap3A], %swap3A_8 {strides = array<i32>} : memref<128xf32, #tpu.memory_space<vmem>>, vector<16xf32>,
      %swap3A_9 = arith.constant 16 : index
      %swap3A_10 = tpu.vector_load %arg12[%swap3A_9] {strides = array<i32>} : memref<128xf32, #tpu.memory_space<vmem>>, vector<16xf32>,
      %swap3A_11 = vector.shape_cast %swap3A_10 : vector<16xf32> to vector<16xf32>
      %swap3A_12 = vector.shape_cast %broadcast_in_dim3A_5 : vector<16xf32> to vector<16xf32>
      tpu.vector_store %arg12[%swap3A_9], %swap3A_12 {strides = array<i32>} : memref<128xf32, #tpu.memory_space<vmem>>, vector<16xf32>,
      %swap3A_13 = arith.constant 32 : index
      %swap3A_14 = tpu.vector_load %arg12[%swap3A_13] {strides = array<i32>} : memref<128xf32, #tpu.memory_space<vmem>>, vector<16xf32>,
      %swap3A_15 = vector.shape_cast %swap3A_14 : vector<16xf32> to vector<16xf32>
      %swap3A_16 = vector.shape_cast %broadcast_in_dim3A_5 : vector<16xf32> to vector<16xf32>
      tpu.vector_store %arg12[%swap3A_13], %swap3A_16 {strides = array<i32>} : memref<128xf32, #tpu.memory_space<vmem>>, vector<16xf32>,
      %swap3A_17 = arith.constant 48 : index
      %swap3A_18 = tpu.vector_load %arg12[%swap3A_17] {strides = array<i32>} : memref<128xf32, #tpu.memory_space<vmem>>, vector<16xf32>,
      %swap3A_19 = vector.shape_cast %swap3A_18 : vector<16xf32> to vector<16xf32>
      %swap3A_20 = vector.shape_cast %broadcast_in_dim3A_5 : vector<16xf32> to vector<16xf32>
      tpu.vector_store %arg12[%swap3A_17], %swap3A_20 {strides = array<i32>} : memref<128xf32, #tpu.memory_space<vmem>>, vector<16xf32>,
      %swap3A_21 = arith.constant 64 : index
      %swap3A_22 = tpu.vector_load %arg12[%swap3A_21] {strides = array<i32>} : memref<128xf32, #tpu.memory_space<vmem>>, vector<16xf32>,
      %swap3A_23 = vector.shape_cast %swap3A_22 : vector<16xf32> to vector<16xf32>
      %swap3A_24 = vector.shape_cast %broadcast_in_dim3A_5 : vector<16xf32> to vector<16xf32>
      tpu.vector_store %arg12[%swap3A_21], %swap3A_24 {strides = array<i32>} : memref<128xf32, #tpu.memory_space<vmem>>, vector<16xf32>,
      %swap3A_25 = arith.constant 80 : index
      %swap3A_26 = tpu.vector_load %arg12[%swap3A_25] {strides = array<i32>} : memref<128xf32, #tpu.memory_space<vmem>>, vector<16xf32>,
      %swap3A_27 = vector.shape_cast %swap3A_26 : vector<16xf32> to vector<16xf32>
      %swap3A_28 = vector.shape_cast %broadcast_in_dim3A_5 : vector<16xf32> to vector<16xf32>
      tpu.vector_store %arg12[%swap3A_25], %swap3A_28 {strides = array<i32>} : memref<128xf32, #tpu.memory_space<vmem>>, vector<16xf32>,
      %swap3A_29 = arith.constant 96 : index
      %swap3A_30 = tpu.vector_load %arg12[%swap3A_29] {strides = array<i32>} : memref<128xf32, #tpu.memory_space<vmem>>, vector<16xf32>,
      %swap3A_31 = vector.shape_cast %swap3A_30 : vector<16xf32> to vector<16xf32>
      %swap3A_32 = vector.shape_cast %broadcast_in_dim3A_5 : vector<16xf32> to vector<16xf32>
      tpu.vector_store %arg12[%swap3A_29], %swap3A_32 {strides = array<i32>} : memref<128xf32, #tpu.memory_space<vmem>>, vector<16xf32>,
      %swap3A_33 = arith.constant 112 : index
      %swap3A_34 = tpu.vector_load %arg12[%swap3A_33] {strides = array<i32>} : memref<128xf32, #tpu.memory_space<vmem>>, vector<16xf32>,
      %swap3A_35 = vector.shape_cast %swap3A_34 : vector<16xf32> to vector<16xf32>
      %swap3A_36 = vector.shape_cast %broadcast_in_dim3A_5 : vector<16xf32> to vector<16xf32>
      tpu.vector_store %arg12[%swap3A_33], %swap3A_36 {strides = array<i32>} : memref<128xf32, #tpu.memory_space<vmem>>, vector<16xf32>,
      %scan3A = arith.constant 0 : i32
      %scan3A_37 = arith.constant 0 : i32
      %scan3A_38 = arith.constant 40 : i32
      %scan3A_39 = arith.addi %scan3A_37, %scan3A_38 : i32
      %scan3A_40 = arith.constant 1 : i32
      scf.for %scan3A_62 = %scan3A_37 to %scan3A_39 step %scan3A_40  : i32 {
        %mul3A_63 = arith.constant 16 : i32
        %mul3A_64 = arith.muli %scan3A_62, %mul3A_63 : i32
        %swap3A_65 = arith.index_cast %mul3A_64 : i32 to index
        %swap3A_66 = tpu.vector_load %arg13[%swap3A_65] {strides = array<i32>} : memref<640xf32, #tpu.memory_space<vmem>>, vector<16xf32>,
        %swap3A_67 = vector.shape_cast %swap3A_66 : vector<16xf32> to vector<16xf32>
        %swap3A_68 = vector.shape_cast %broadcast_in_dim3A_3 : vector<16xf32> to vector<16xf32>
        tpu.vector_store %arg13[%swap3A_65], %swap3A_68 {strides = array<i32>} : memref<640xf32, #tpu.memory_space<vmem>>, vector<16xf32>,
      }
      %scan3A_41 = arith.constant 40 : i32
      "tpu.region"() ({
        %run_scoped3A = tpu.sem_alloc : memref<!tpu.dma_semaphore, #tpu.memory_space<semaphore_mem>>
        %dma_start3A = tpu.memref_slice %arg22[%mul3A_2] : memref<10240xf32, #tpu.memory_space<vmem_shared>> -> memref<640xf32, #tpu.memory_space<vmem_shared>>
        %dma_start3A_62 = tpu.memref_slice %arg22[%mul3A_2] : memref<10240xf32, #tpu.memory_space<vmem_shared>> -> memref<640xf32, #tpu.memory_space<vmem_shared>>
        tpu.enqueue_dma source(%arg13 : memref<640xf32, #tpu.memory_space<vmem>>) target(%dma_start3A_62 : memref<640xf32, #tpu.memory_space<vmem_shared>>) target_semaphore(%run_scoped3A : memref<!tpu.dma_semaphore, #tpu.memory_space<semaphore_mem>>)
        %dma_wait3A = tpu.memref_slice %arg22[%mul3A_2] : memref<10240xf32, #tpu.memory_space<vmem_shared>> -> memref<640xf32, #tpu.memory_space<vmem_shared>>
        %dma_wait3A_63 = tpu.memref_slice %arg22[%mul3A_2] : memref<10240xf32, #tpu.memory_space<vmem_shared>> -> memref<640xf32, #tpu.memory_space<vmem_shared>>
        tpu.wait_dma2 semaphore(%run_scoped3A : memref<!tpu.dma_semaphore, #tpu.memory_space<semaphore_mem>>) src(%arg13 : memref<640xf32, #tpu.memory_space<vmem>>) dst(%dma_wait3A_63 : memref<640xf32, #tpu.memory_space<vmem_shared>>)
        tpu.yield
      }) : () -> ()
      %barrier3A = arith.constant 0 : index
      tpu.barrier barrier_id(%barrier3A)
      %scan3A_42 = arith.constant 0 : i32
      %scan3A_43 = arith.constant 0 : i32
      %scan3A_44 = arith.constant 79 : i32
      %scan3A_45 = arith.addi %scan3A_43, %scan3A_44 : i32
      %scan3A_46 = arith.constant 1 : i32
      scf.for %scan3A_62 = %scan3A_43 to %scan3A_45 step %scan3A_46  : i32 {
        %mul3A_63 = arith.constant 2 : i32
        %mul3A_64 = arith.muli %mul3A_63, %scan3A_62 : i32
        %dma_start3A = arith.constant 0 : i32
        %dma_start3A_65 = tpu.memref_slice %arg8[%mul3A_64, %dma_start3A] : memref<158x128xi32, #tpu.memory_space<vmem>> -> memref<1x128xi32, #tpu.memory_space<vmem>>
        %dma_start3A_66 = tpu.memref_squeeze %dma_start3A_65 : memref<1x128xi32, #tpu.memory_space<vmem>> -> memref<128xi32, #tpu.memory_space<vmem>>
        %dma_start3A_67 = arith.constant 0 : i32
        %dma_start3A_68 = tpu.memref_slice %arg22[%dma_start3A_67] : memref<10240xf32, #tpu.memory_space<vmem_shared>> -> memref<10240xf32, #tpu.memory_space<vmem_shared>>
        tpu.enqueue_indirect_dma source(%arg12 : memref<128xf32, #tpu.memory_space<vmem>>) target(%dma_start3A_68 : memref<10240xf32, #tpu.memory_space<vmem_shared>>) offsets(%dma_start3A_66 : memref<128xi32, #tpu.memory_space<vmem>>) semaphore(%arg20 : memref<!tpu.dma_semaphore, #tpu.memory_space<semaphore_mem>>) {add = true}
        %mul3A_69 = arith.constant 2 : i32
        %mul3A_70 = arith.muli %mul3A_69, %scan3A_62 : i32
        %add3A = arith.constant 1 : i32
        %add3A_71 = arith.addi %mul3A_70, %add3A : i32
        %dma_start3A_72 = arith.constant 0 : i32
        %dma_start3A_73 = tpu.memref_slice %arg8[%add3A_71, %dma_start3A_72] : memref<158x128xi32, #tpu.memory_space<vmem>> -> memref<1x128xi32, #tpu.memory_space<vmem>>
        %dma_start3A_74 = tpu.memref_squeeze %dma_start3A_73 : memref<1x128xi32, #tpu.memory_space<vmem>> -> memref<128xi32, #tpu.memory_space<vmem>>
        %dma_start3A_75 = arith.constant 0 : i32
        %dma_start3A_76 = tpu.memref_slice %arg22[%dma_start3A_75] : memref<10240xf32, #tpu.memory_space<vmem_shared>> -> memref<10240xf32, #tpu.memory_space<vmem_shared>>
        tpu.enqueue_indirect_dma source(%arg12 : memref<128xf32, #tpu.memory_space<vmem>>) target(%dma_start3A_76 : memref<10240xf32, #tpu.memory_space<vmem_shared>>) offsets(%dma_start3A_74 : memref<128xi32, #tpu.memory_space<vmem>>) semaphore(%arg21 : memref<!tpu.dma_semaphore, #tpu.memory_space<semaphore_mem>>) {add = true}
        %dma_wait3A = arith.constant 0 : i32
        %dma_wait3A_77 = tpu.memref_slice %arg8[%mul3A_64, %dma_wait3A] : memref<158x128xi32, #tpu.memory_space<vmem>> -> memref<1x128xi32, #tpu.memory_space<vmem>>
        %dma_wait3A_78 = tpu.memref_squeeze %dma_wait3A_77 : memref<1x128xi32, #tpu.memory_space<vmem>> -> memref<128xi32, #tpu.memory_space<vmem>>
        %dma_wait3A_79 = arith.constant 0 : i32
        %dma_wait3A_80 = tpu.memref_slice %arg22[%dma_wait3A_79] : memref<10240xf32, #tpu.memory_space<vmem_shared>> -> memref<10240xf32, #tpu.memory_space<vmem_shared>>
        tpu.wait_indirect_dma semaphore(%arg20 : memref<!tpu.dma_semaphore, #tpu.memory_space<semaphore_mem>>) src(%arg12 : memref<128xf32, #tpu.memory_space<vmem>>) dst(%dma_wait3A_80 : memref<10240xf32, #tpu.memory_space<vmem_shared>>)
        %dma_wait3A_81 = arith.constant 0 : i32
        %dma_wait3A_82 = tpu.memref_slice %arg8[%add3A_71, %dma_wait3A_81] : memref<158x128xi32, #tpu.memory_space<vmem>> -> memref<1x128xi32, #tpu.memory_space<vmem>>
        %dma_wait3A_83 = tpu.memref_squeeze %dma_wait3A_82 : memref<1x128xi32, #tpu.memory_space<vmem>> -> memref<128xi32, #tpu.memory_space<vmem>>
        %dma_wait3A_84 = arith.constant 0 : i32
        %dma_wait3A_85 = tpu.memref_slice %arg22[%dma_wait3A_84] : memref<10240xf32, #tpu.memory_space<vmem_shared>> -> memref<10240xf32, #tpu.memory_space<vmem_shared>>
        tpu.wait_indirect_dma semaphore(%arg21 : memref<!tpu.dma_semaphore, #tpu.memory_space<semaphore_mem>>) src(%arg12 : memref<128xf32, #tpu.memory_space<vmem>>) dst(%dma_wait3A_85 : memref<10240xf32, #tpu.memory_space<vmem_shared>>)
      }
      %scan3A_47 = arith.constant 79 : i32
      %barrier3A_48 = arith.constant 0 : index
      tpu.barrier barrier_id(%barrier3A_48)
      "tpu.region"() ({
        %run_scoped3A = tpu.sem_alloc : memref<!tpu.dma_semaphore, #tpu.memory_space<semaphore_mem>>
        %dma_start3A = tpu.memref_slice %arg22[%mul3A_2] : memref<10240xf32, #tpu.memory_space<vmem_shared>> -> memref<640xf32, #tpu.memory_space<vmem_shared>>
        %dma_start3A_62 = tpu.memref_slice %arg22[%mul3A_2] : memref<10240xf32, #tpu.memory_space<vmem_shared>> -> memref<640xf32, #tpu.memory_space<vmem_shared>>
        tpu.enqueue_dma source(%dma_start3A_62 : memref<640xf32, #tpu.memory_space<vmem_shared>>) target(%arg14 : memref<640xf32, #tpu.memory_space<vmem>>) target_semaphore(%run_scoped3A : memref<!tpu.dma_semaphore, #tpu.memory_space<semaphore_mem>>)
        %dma_wait3A = tpu.memref_slice %arg22[%mul3A_2] : memref<10240xf32, #tpu.memory_space<vmem_shared>> -> memref<640xf32, #tpu.memory_space<vmem_shared>>
        %dma_wait3A_63 = tpu.memref_slice %arg22[%mul3A_2] : memref<10240xf32, #tpu.memory_space<vmem_shared>> -> memref<640xf32, #tpu.memory_space<vmem_shared>>
        tpu.wait_dma2 semaphore(%run_scoped3A : memref<!tpu.dma_semaphore, #tpu.memory_space<semaphore_mem>>) src(%dma_wait3A_63 : memref<640xf32, #tpu.memory_space<vmem_shared>>) dst(%arg14 : memref<640xf32, #tpu.memory_space<vmem>>)
        tpu.yield
      }) : () -> ()
      %scan3A_49 = arith.constant 0 : i32
      %scan3A_50 = arith.constant 0 : i32
      %scan3A_51 = arith.constant 40 : i32
      %scan3A_52 = arith.addi %scan3A_50, %scan3A_51 : i32
      %scan3A_53 = arith.constant 1 : i32
      scf.for %scan3A_62 = %scan3A_50 to %scan3A_52 step %scan3A_53  : i32 {
        %mul3A_63 = arith.constant 16 : i32
        %mul3A_64 = arith.muli %scan3A_62, %mul3A_63 : i32
        %get3A = arith.index_cast %mul3A_64 : i32 to index
        %get3A_65 = tpu.vector_load %arg14[%get3A] {strides = array<i32>} : memref<640xf32, #tpu.memory_space<vmem>>, vector<16xf32>,
        %get3A_66 = vector.shape_cast %get3A_65 : vector<16xf32> to vector<16xf32>
        %add3A = arith.constant 1.000000e+00 : f32
        %add3A_67 = vector.broadcast %add3A : f32 to vector<16xf32>
        %add3A_68 = arith.addf %get3A_66, %add3A_67 : vector<16xf32>
        %div3A = arith.constant 1.000000e+00 : f32
        %div3A_69 = vector.broadcast %div3A : f32 to vector<16xf32>
        %div3A_70 = arith.divf %div3A_69, %add3A_68 : vector<16xf32>
        %mul3A_71 = arith.constant 16 : i32
        %mul3A_72 = arith.muli %scan3A_62, %mul3A_71 : i32
        %swap3A_73 = arith.index_cast %mul3A_72 : i32 to index
        %swap3A_74 = tpu.vector_load %arg15[%swap3A_73] {strides = array<i32>} : memref<640xf32, #tpu.memory_space<vmem>>, vector<16xf32>,
        %swap3A_75 = vector.shape_cast %swap3A_74 : vector<16xf32> to vector<16xf32>
        %swap3A_76 = vector.shape_cast %div3A_70 : vector<16xf32> to vector<16xf32>
        tpu.vector_store %arg15[%swap3A_73], %swap3A_76 {strides = array<i32>} : memref<640xf32, #tpu.memory_space<vmem>>, vector<16xf32>,
        %mul3A_77 = arith.constant 9.99999974E-5 : f32
        %mul3A_78 = vector.broadcast %mul3A_77 : f32 to vector<16xf32>
        %mul3A_79 = arith.mulf %div3A_70, %mul3A_78 : vector<16xf32>
        %mul3A_80 = arith.constant 16 : i32
        %mul3A_81 = arith.muli %scan3A_62, %mul3A_80 : i32
        %swap3A_82 = arith.index_cast %mul3A_81 : i32 to index
        %swap3A_83 = tpu.vector_load %arg17[%swap3A_82] {strides = array<i32>} : memref<640xf32, #tpu.memory_space<vmem>>, vector<16xf32>,
        %swap3A_84 = vector.shape_cast %swap3A_83 : vector<16xf32> to vector<16xf32>
        %swap3A_85 = vector.shape_cast %mul3A_79 : vector<16xf32> to vector<16xf32>
        tpu.vector_store %arg17[%swap3A_82], %swap3A_85 {strides = array<i32>} : memref<640xf32, #tpu.memory_space<vmem>>, vector<16xf32>,
      }
      %scan3A_54 = arith.constant 40 : i32
      "tpu.region"() ({
        %run_scoped3A = tpu.sem_alloc : memref<!tpu.dma_semaphore, #tpu.memory_space<semaphore_mem>>
        %dma_start3A = tpu.memref_slice %arg23[%mul3A_2] : memref<10240xf32, #tpu.memory_space<vmem_shared>> -> memref<640xf32, #tpu.memory_space<vmem_shared>>
        %dma_start3A_62 = tpu.memref_slice %arg23[%mul3A_2] : memref<10240xf32, #tpu.memory_space<vmem_shared>> -> memref<640xf32, #tpu.memory_space<vmem_shared>>
        tpu.enqueue_dma source(%arg17 : memref<640xf32, #tpu.memory_space<vmem>>) target(%dma_start3A_62 : memref<640xf32, #tpu.memory_space<vmem_shared>>) target_semaphore(%run_scoped3A : memref<!tpu.dma_semaphore, #tpu.memory_space<semaphore_mem>>)
        %dma_wait3A = tpu.memref_slice %arg23[%mul3A_2] : memref<10240xf32, #tpu.memory_space<vmem_shared>> -> memref<640xf32, #tpu.memory_space<vmem_shared>>
        %dma_wait3A_63 = tpu.memref_slice %arg23[%mul3A_2] : memref<10240xf32, #tpu.memory_space<vmem_shared>> -> memref<640xf32, #tpu.memory_space<vmem_shared>>
        tpu.wait_dma2 semaphore(%run_scoped3A : memref<!tpu.dma_semaphore, #tpu.memory_space<semaphore_mem>>) src(%arg17 : memref<640xf32, #tpu.memory_space<vmem>>) dst(%dma_wait3A_63 : memref<640xf32, #tpu.memory_space<vmem_shared>>)
        tpu.yield
      }) : () -> ()
      "tpu.region"() ({
        %run_scoped3A = tpu.sem_alloc : memref<!tpu.dma_semaphore, #tpu.memory_space<semaphore_mem>>
        %dma_start3A = tpu.memref_slice %arg22[%mul3A_2] : memref<10240xf32, #tpu.memory_space<vmem_shared>> -> memref<640xf32, #tpu.memory_space<vmem_shared>>
        %dma_start3A_62 = tpu.memref_slice %arg22[%mul3A_2] : memref<10240xf32, #tpu.memory_space<vmem_shared>> -> memref<640xf32, #tpu.memory_space<vmem_shared>>
        tpu.enqueue_dma source(%arg13 : memref<640xf32, #tpu.memory_space<vmem>>) target(%dma_start3A_62 : memref<640xf32, #tpu.memory_space<vmem_shared>>) target_semaphore(%run_scoped3A : memref<!tpu.dma_semaphore, #tpu.memory_space<semaphore_mem>>)
        %dma_wait3A = tpu.memref_slice %arg22[%mul3A_2] : memref<10240xf32, #tpu.memory_space<vmem_shared>> -> memref<640xf32, #tpu.memory_space<vmem_shared>>
        %dma_wait3A_63 = tpu.memref_slice %arg22[%mul3A_2] : memref<10240xf32, #tpu.memory_space<vmem_shared>> -> memref<640xf32, #tpu.memory_space<vmem_shared>>
        tpu.wait_dma2 semaphore(%run_scoped3A : memref<!tpu.dma_semaphore, #tpu.memory_space<semaphore_mem>>) src(%arg13 : memref<640xf32, #tpu.memory_space<vmem>>) dst(%dma_wait3A_63 : memref<640xf32, #tpu.memory_space<vmem_shared>>)
        tpu.yield
      }) : () -> ()
      %barrier3A_55 = arith.constant 0 : index
      tpu.barrier barrier_id(%barrier3A_55)
      "tpu.region"() ({
        %run_scoped3A = tpu.sem_alloc : memref<!tpu.dma_semaphore, #tpu.memory_space<semaphore_mem>>
        tpu.enqueue_dma source(%arg23 : memref<10240xf32, #tpu.memory_space<vmem_shared>>) target(%arg10 : memref<10240xf32, #tpu.memory_space<vmem>>) target_semaphore(%run_scoped3A : memref<!tpu.dma_semaphore, #tpu.memory_space<semaphore_mem>>)
        tpu.wait_dma2 semaphore(%run_scoped3A : memref<!tpu.dma_semaphore, #tpu.memory_space<semaphore_mem>>) src(%arg23 : memref<10240xf32, #tpu.memory_space<vmem_shared>>) dst(%arg10 : memref<10240xf32, #tpu.memory_space<vmem>>)
        tpu.yield
      }) : () -> ()
      %scan3A_56 = arith.constant 0 : i32
      %scan3A_57 = arith.constant 0 : i32
      %scan3A_58 = arith.constant 20 : i32
      %scan3A_59 = arith.addi %scan3A_57, %scan3A_58 : i32
      %scan3A_60 = arith.constant 1 : i32
      scf.for %scan3A_62 = %scan3A_57 to %scan3A_59 step %scan3A_60  : i32 {
        %dma_start3A = arith.constant 0 : i32
        %dma_start3A_63 = arith.constant 0 : i32
        %dma_start3A_64 = arith.constant 0 : i32
        %dma_start3A_65 = tpu.memref_slice %arg11[%dma_start3A_63, %dma_start3A_64] : memref<2x128xf32, #tpu.memory_space<vmem>> -> memref<1x128xf32, #tpu.memory_space<vmem>>
        %dma_start3A_66 = tpu.memref_squeeze %dma_start3A_65 : memref<1x128xf32, #tpu.memory_space<vmem>> -> memref<128xf32, #tpu.memory_space<vmem>>
        %dma_start3A_67 = arith.constant 0 : i32
        %dma_start3A_68 = tpu.memref_slice %arg8[%dma_start3A, %dma_start3A_67] : memref<158x128xi32, #tpu.memory_space<vmem>> -> memref<1x128xi32, #tpu.memory_space<vmem>>
        %dma_start3A_69 = tpu.memref_squeeze %dma_start3A_68 : memref<1x128xi32, #tpu.memory_space<vmem>> -> memref<128xi32, #tpu.memory_space<vmem>>
        %dma_start3A_70 = arith.constant 0 : i32
        %dma_start3A_71 = tpu.memref_slice %arg23[%dma_start3A_70] : memref<10240xf32, #tpu.memory_space<vmem_shared>> -> memref<10240xf32, #tpu.memory_space<vmem_shared>>
        tpu.enqueue_indirect_dma source(%dma_start3A_71 : memref<10240xf32, #tpu.memory_space<vmem_shared>>) target(%dma_start3A_66 : memref<128xf32, #tpu.memory_space<vmem>>) offsets(%dma_start3A_69 : memref<128xi32, #tpu.memory_space<vmem>>) semaphore(%arg20 : memref<!tpu.dma_semaphore, #tpu.memory_space<semaphore_mem>>)
        %dma_wait3A = arith.constant 0 : i32
        %dma_wait3A_72 = arith.constant 0 : i32
        %dma_wait3A_73 = arith.constant 0 : i32
        %dma_wait3A_74 = tpu.memref_slice %arg11[%dma_wait3A_72, %dma_wait3A_73] : memref<2x128xf32, #tpu.memory_space<vmem>> -> memref<1x128xf32, #tpu.memory_space<vmem>>
        %dma_wait3A_75 = tpu.memref_squeeze %dma_wait3A_74 : memref<1x128xf32, #tpu.memory_space<vmem>> -> memref<128xf32, #tpu.memory_space<vmem>>
        %dma_wait3A_76 = arith.constant 0 : i32
        %dma_wait3A_77 = tpu.memref_slice %arg8[%dma_wait3A, %dma_wait3A_76] : memref<158x128xi32, #tpu.memory_space<vmem>> -> memref<1x128xi32, #tpu.memory_space<vmem>>
        %dma_wait3A_78 = tpu.memref_squeeze %dma_wait3A_77 : memref<1x128xi32, #tpu.memory_space<vmem>> -> memref<128xi32, #tpu.memory_space<vmem>>
        %dma_wait3A_79 = arith.constant 0 : i32
        %dma_wait3A_80 = tpu.memref_slice %arg23[%dma_wait3A_79] : memref<10240xf32, #tpu.memory_space<vmem_shared>> -> memref<10240xf32, #tpu.memory_space<vmem_shared>>
        tpu.wait_indirect_dma semaphore(%arg20 : memref<!tpu.dma_semaphore, #tpu.memory_space<semaphore_mem>>) src(%dma_wait3A_80 : memref<10240xf32, #tpu.memory_space<vmem_shared>>) dst(%dma_wait3A_75 : memref<128xf32, #tpu.memory_space<vmem>>)
        %scan3A_81 = arith.constant 0 : i32
        %scan3A_82 = arith.constant 0 : i32
        %scan3A_83 = arith.constant 79 : i32
        %scan3A_84 = arith.addi %scan3A_82, %scan3A_83 : i32
        %scan3A_85 = arith.constant 1 : i32
        scf.for %scan3A_100 = %scan3A_82 to %scan3A_84 step %scan3A_85  : i32 {
          %mul3A_101 = arith.constant 2 : i32
          %mul3A_102 = arith.muli %mul3A_101, %scan3A_100 : i32
          %dma_start3A_103 = arith.constant 0 : i32
          %dma_start3A_104 = arith.constant 0 : i32
          %dma_start3A_105 = tpu.memref_slice %arg11[%dma_start3A_103, %dma_start3A_104] : memref<2x128xf32, #tpu.memory_space<vmem>> -> memref<1x128xf32, #tpu.memory_space<vmem>>
          %dma_start3A_106 = tpu.memref_squeeze %dma_start3A_105 : memref<1x128xf32, #tpu.memory_space<vmem>> -> memref<128xf32, #tpu.memory_space<vmem>>
          %dma_start3A_107 = arith.constant 0 : i32
          %dma_start3A_108 = tpu.memref_slice %arg9[%mul3A_102, %dma_start3A_107] : memref<158x128xi32, #tpu.memory_space<vmem>> -> memref<1x128xi32, #tpu.memory_space<vmem>>
          %dma_start3A_109 = tpu.memref_squeeze %dma_start3A_108 : memref<1x128xi32, #tpu.memory_space<vmem>> -> memref<128xi32, #tpu.memory_space<vmem>>
          %dma_start3A_110 = arith.constant 0 : i32
          %dma_start3A_111 = tpu.memref_slice %arg22[%dma_start3A_110] : memref<10240xf32, #tpu.memory_space<vmem_shared>> -> memref<10240xf32, #tpu.memory_space<vmem_shared>>
          tpu.enqueue_indirect_dma source(%dma_start3A_106 : memref<128xf32, #tpu.memory_space<vmem>>) target(%dma_start3A_111 : memref<10240xf32, #tpu.memory_space<vmem_shared>>) offsets(%dma_start3A_109 : memref<128xi32, #tpu.memory_space<vmem>>) semaphore(%arg20 : memref<!tpu.dma_semaphore, #tpu.memory_space<semaphore_mem>>) {add = true}
          %add3A = arith.constant 1 : i32
          %add3A_112 = arith.addi %mul3A_102, %add3A : i32
          %dma_start3A_113 = arith.constant 1 : i32
          %dma_start3A_114 = arith.constant 0 : i32
          %dma_start3A_115 = tpu.memref_slice %arg11[%dma_start3A_113, %dma_start3A_114] : memref<2x128xf32, #tpu.memory_space<vmem>> -> memref<1x128xf32, #tpu.memory_space<vmem>>
          %dma_start3A_116 = tpu.memref_squeeze %dma_start3A_115 : memref<1x128xf32, #tpu.memory_space<vmem>> -> memref<128xf32, #tpu.memory_space<vmem>>
          %dma_start3A_117 = arith.constant 0 : i32
          %dma_start3A_118 = tpu.memref_slice %arg8[%add3A_112, %dma_start3A_117] : memref<158x128xi32, #tpu.memory_space<vmem>> -> memref<1x128xi32, #tpu.memory_space<vmem>>
          %dma_start3A_119 = tpu.memref_squeeze %dma_start3A_118 : memref<1x128xi32, #tpu.memory_space<vmem>> -> memref<128xi32, #tpu.memory_space<vmem>>
          %dma_start3A_120 = arith.constant 0 : i32
          %dma_start3A_121 = tpu.memref_slice %arg23[%dma_start3A_120] : memref<10240xf32, #tpu.memory_space<vmem_shared>> -> memref<10240xf32, #tpu.memory_space<vmem_shared>>
          tpu.enqueue_indirect_dma source(%dma_start3A_121 : memref<10240xf32, #tpu.memory_space<vmem_shared>>) target(%dma_start3A_116 : memref<128xf32, #tpu.memory_space<vmem>>) offsets(%dma_start3A_119 : memref<128xi32, #tpu.memory_space<vmem>>) semaphore(%arg21 : memref<!tpu.dma_semaphore, #tpu.memory_space<semaphore_mem>>)
          %dma_wait3A_122 = arith.constant 1 : i32
          %dma_wait3A_123 = arith.constant 0 : i32
          %dma_wait3A_124 = tpu.memref_slice %arg11[%dma_wait3A_122, %dma_wait3A_123] : memref<2x128xf32, #tpu.memory_space<vmem>> -> memref<1x128xf32, #tpu.memory_space<vmem>>
          %dma_wait3A_125 = tpu.memref_squeeze %dma_wait3A_124 : memref<1x128xf32, #tpu.memory_space<vmem>> -> memref<128xf32, #tpu.memory_space<vmem>>
          %dma_wait3A_126 = arith.constant 0 : i32
          %dma_wait3A_127 = tpu.memref_slice %arg8[%add3A_112, %dma_wait3A_126] : memref<158x128xi32, #tpu.memory_space<vmem>> -> memref<1x128xi32, #tpu.memory_space<vmem>>
          %dma_wait3A_128 = tpu.memref_squeeze %dma_wait3A_127 : memref<1x128xi32, #tpu.memory_space<vmem>> -> memref<128xi32, #tpu.memory_space<vmem>>
          %dma_wait3A_129 = arith.constant 0 : i32
          %dma_wait3A_130 = tpu.memref_slice %arg23[%dma_wait3A_129] : memref<10240xf32, #tpu.memory_space<vmem_shared>> -> memref<10240xf32, #tpu.memory_space<vmem_shared>>
          tpu.wait_indirect_dma semaphore(%arg21 : memref<!tpu.dma_semaphore, #tpu.memory_space<semaphore_mem>>) src(%dma_wait3A_130 : memref<10240xf32, #tpu.memory_space<vmem_shared>>) dst(%dma_wait3A_125 : memref<128xf32, #tpu.memory_space<vmem>>)
          %add3A_131 = arith.constant 1 : i32
          %add3A_132 = arith.addi %mul3A_102, %add3A_131 : i32
          %dma_start3A_133 = arith.constant 1 : i32
          %dma_start3A_134 = arith.constant 0 : i32
          %dma_start3A_135 = tpu.memref_slice %arg11[%dma_start3A_133, %dma_start3A_134] : memref<2x128xf32, #tpu.memory_space<vmem>> -> memref<1x128xf32, #tpu.memory_space<vmem>>
          %dma_start3A_136 = tpu.memref_squeeze %dma_start3A_135 : memref<1x128xf32, #tpu.memory_space<vmem>> -> memref<128xf32, #tpu.memory_space<vmem>>
          %dma_start3A_137 = arith.constant 0 : i32
          %dma_start3A_138 = tpu.memref_slice %arg9[%add3A_132, %dma_start3A_137] : memref<158x128xi32, #tpu.memory_space<vmem>> -> memref<1x128xi32, #tpu.memory_space<vmem>>
          %dma_start3A_139 = tpu.memref_squeeze %dma_start3A_138 : memref<1x128xi32, #tpu.memory_space<vmem>> -> memref<128xi32, #tpu.memory_space<vmem>>
          %dma_start3A_140 = arith.constant 0 : i32
          %dma_start3A_141 = tpu.memref_slice %arg22[%dma_start3A_140] : memref<10240xf32, #tpu.memory_space<vmem_shared>> -> memref<10240xf32, #tpu.memory_space<vmem_shared>>
          tpu.enqueue_indirect_dma source(%dma_start3A_136 : memref<128xf32, #tpu.memory_space<vmem>>) target(%dma_start3A_141 : memref<10240xf32, #tpu.memory_space<vmem_shared>>) offsets(%dma_start3A_139 : memref<128xi32, #tpu.memory_space<vmem>>) semaphore(%arg21 : memref<!tpu.dma_semaphore, #tpu.memory_space<semaphore_mem>>) {add = true}
          %dma_wait3A_142 = arith.constant 0 : i32
          %dma_wait3A_143 = arith.constant 0 : i32
          %dma_wait3A_144 = tpu.memref_slice %arg11[%dma_wait3A_142, %dma_wait3A_143] : memref<2x128xf32, #tpu.memory_space<vmem>> -> memref<1x128xf32, #tpu.memory_space<vmem>>
          %dma_wait3A_145 = tpu.memref_squeeze %dma_wait3A_144 : memref<1x128xf32, #tpu.memory_space<vmem>> -> memref<128xf32, #tpu.memory_space<vmem>>
          %dma_wait3A_146 = arith.constant 0 : i32
          %dma_wait3A_147 = tpu.memref_slice %arg9[%mul3A_102, %dma_wait3A_146] : memref<158x128xi32, #tpu.memory_space<vmem>> -> memref<1x128xi32, #tpu.memory_space<vmem>>
          %dma_wait3A_148 = tpu.memref_squeeze %dma_wait3A_147 : memref<1x128xi32, #tpu.memory_space<vmem>> -> memref<128xi32, #tpu.memory_space<vmem>>
          %dma_wait3A_149 = arith.constant 0 : i32
          %dma_wait3A_150 = tpu.memref_slice %arg22[%dma_wait3A_149] : memref<10240xf32, #tpu.memory_space<vmem_shared>> -> memref<10240xf32, #tpu.memory_space<vmem_shared>>
          tpu.wait_indirect_dma semaphore(%arg20 : memref<!tpu.dma_semaphore, #tpu.memory_space<semaphore_mem>>) src(%dma_wait3A_145 : memref<128xf32, #tpu.memory_space<vmem>>) dst(%dma_wait3A_150 : memref<10240xf32, #tpu.memory_space<vmem_shared>>)
          %add3A_151 = arith.constant 2 : i32
          %add3A_152 = arith.addi %mul3A_102, %add3A_151 : i32
          %lt3A = arith.constant 158 : i32
          %lt3A_153 = arith.cmpi slt, %add3A_152, %lt3A : i32
          %convert_element_type3A_154 = arith.extui %lt3A_153 : i1 to i32
          %cond3A_155 = arith.constant 0 : i32
          %cond3A_156 = arith.cmpi ne, %convert_element_type3A_154, %cond3A_155 : i32
          scf.if %cond3A_156 {
            %add3A_166 = arith.constant 2 : i32
            %add3A_167 = arith.addi %mul3A_102, %add3A_166 : i32
            %dma_start3A_168 = arith.constant 0 : i32
            %dma_start3A_169 = arith.constant 0 : i32
            %dma_start3A_170 = tpu.memref_slice %arg11[%dma_start3A_168, %dma_start3A_169] : memref<2x128xf32, #tpu.memory_space<vmem>> -> memref<1x128xf32, #tpu.memory_space<vmem>>
            %dma_start3A_171 = tpu.memref_squeeze %dma_start3A_170 : memref<1x128xf32, #tpu.memory_space<vmem>> -> memref<128xf32, #tpu.memory_space<vmem>>
            %dma_start3A_172 = arith.constant 0 : i32
            %dma_start3A_173 = tpu.memref_slice %arg8[%add3A_167, %dma_start3A_172] : memref<158x128xi32, #tpu.memory_space<vmem>> -> memref<1x128xi32, #tpu.memory_space<vmem>>
            %dma_start3A_174 = tpu.memref_squeeze %dma_start3A_173 : memref<1x128xi32, #tpu.memory_space<vmem>> -> memref<128xi32, #tpu.memory_space<vmem>>
            %dma_start3A_175 = arith.constant 0 : i32
            %dma_start3A_176 = tpu.memref_slice %arg23[%dma_start3A_175] : memref<10240xf32, #tpu.memory_space<vmem_shared>> -> memref<10240xf32, #tpu.memory_space<vmem_shared>>
            tpu.enqueue_indirect_dma source(%dma_start3A_176 : memref<10240xf32, #tpu.memory_space<vmem_shared>>) target(%dma_start3A_171 : memref<128xf32, #tpu.memory_space<vmem>>) offsets(%dma_start3A_174 : memref<128xi32, #tpu.memory_space<vmem>>) semaphore(%arg20 : memref<!tpu.dma_semaphore, #tpu.memory_space<semaphore_mem>>)
            %dma_wait3A_177 = arith.constant 0 : i32
            %dma_wait3A_178 = arith.constant 0 : i32
            %dma_wait3A_179 = tpu.memref_slice %arg11[%dma_wait3A_177, %dma_wait3A_178] : memref<2x128xf32, #tpu.memory_space<vmem>> -> memref<1x128xf32, #tpu.memory_space<vmem>>
            %dma_wait3A_180 = tpu.memref_squeeze %dma_wait3A_179 : memref<1x128xf32, #tpu.memory_space<vmem>> -> memref<128xf32, #tpu.memory_space<vmem>>
            %dma_wait3A_181 = arith.constant 0 : i32
            %dma_wait3A_182 = tpu.memref_slice %arg8[%add3A_167, %dma_wait3A_181] : memref<158x128xi32, #tpu.memory_space<vmem>> -> memref<1x128xi32, #tpu.memory_space<vmem>>
            %dma_wait3A_183 = tpu.memref_squeeze %dma_wait3A_182 : memref<1x128xi32, #tpu.memory_space<vmem>> -> memref<128xi32, #tpu.memory_space<vmem>>
            %dma_wait3A_184 = arith.constant 0 : i32
            %dma_wait3A_185 = tpu.memref_slice %arg23[%dma_wait3A_184] : memref<10240xf32, #tpu.memory_space<vmem_shared>> -> memref<10240xf32, #tpu.memory_space<vmem_shared>>
            tpu.wait_indirect_dma semaphore(%arg20 : memref<!tpu.dma_semaphore, #tpu.memory_space<semaphore_mem>>) src(%dma_wait3A_185 : memref<10240xf32, #tpu.memory_space<vmem_shared>>) dst(%dma_wait3A_180 : memref<128xf32, #tpu.memory_space<vmem>>)
          } else {
          }
          %dma_wait3A_157 = arith.constant 1 : i32
          %dma_wait3A_158 = arith.constant 0 : i32
          %dma_wait3A_159 = tpu.memref_slice %arg11[%dma_wait3A_157, %dma_wait3A_158] : memref<2x128xf32, #tpu.memory_space<vmem>> -> memref<1x128xf32, #tpu.memory_space<vmem>>
          %dma_wait3A_160 = tpu.memref_squeeze %dma_wait3A_159 : memref<1x128xf32, #tpu.memory_space<vmem>> -> memref<128xf32, #tpu.memory_space<vmem>>
          %dma_wait3A_161 = arith.constant 0 : i32
          %dma_wait3A_162 = tpu.memref_slice %arg9[%add3A_132, %dma_wait3A_161] : memref<158x128xi32, #tpu.memory_space<vmem>> -> memref<1x128xi32, #tpu.memory_space<vmem>>
          %dma_wait3A_163 = tpu.memref_squeeze %dma_wait3A_162 : memref<1x128xi32, #tpu.memory_space<vmem>> -> memref<128xi32, #tpu.memory_space<vmem>>
          %dma_wait3A_164 = arith.constant 0 : i32
          %dma_wait3A_165 = tpu.memref_slice %arg22[%dma_wait3A_164] : memref<10240xf32, #tpu.memory_space<vmem_shared>> -> memref<10240xf32, #tpu.memory_space<vmem_shared>>
          tpu.wait_indirect_dma semaphore(%arg21 : memref<!tpu.dma_semaphore, #tpu.memory_space<semaphore_mem>>) src(%dma_wait3A_160 : memref<128xf32, #tpu.memory_space<vmem>>) dst(%dma_wait3A_165 : memref<10240xf32, #tpu.memory_space<vmem_shared>>)
        }
        %scan3A_86 = arith.constant 79 : i32
        %barrier3A_87 = arith.constant 0 : index
        tpu.barrier barrier_id(%barrier3A_87)
        "tpu.region"() ({
          %run_scoped3A = tpu.sem_alloc : memref<!tpu.dma_semaphore, #tpu.memory_space<semaphore_mem>>
          %dma_start3A_100 = tpu.memref_slice %arg22[%mul3A_2] : memref<10240xf32, #tpu.memory_space<vmem_shared>> -> memref<640xf32, #tpu.memory_space<vmem_shared>>
          %dma_start3A_101 = tpu.memref_slice %arg22[%mul3A_2] : memref<10240xf32, #tpu.memory_space<vmem_shared>> -> memref<640xf32, #tpu.memory_space<vmem_shared>>
          tpu.enqueue_dma source(%dma_start3A_101 : memref<640xf32, #tpu.memory_space<vmem_shared>>) target(%arg14 : memref<640xf32, #tpu.memory_space<vmem>>) target_semaphore(%run_scoped3A : memref<!tpu.dma_semaphore, #tpu.memory_space<semaphore_mem>>)
          %dma_wait3A_102 = tpu.memref_slice %arg22[%mul3A_2] : memref<10240xf32, #tpu.memory_space<vmem_shared>> -> memref<640xf32, #tpu.memory_space<vmem_shared>>
          %dma_wait3A_103 = tpu.memref_slice %arg22[%mul3A_2] : memref<10240xf32, #tpu.memory_space<vmem_shared>> -> memref<640xf32, #tpu.memory_space<vmem_shared>>
          tpu.wait_dma2 semaphore(%run_scoped3A : memref<!tpu.dma_semaphore, #tpu.memory_space<semaphore_mem>>) src(%dma_wait3A_103 : memref<640xf32, #tpu.memory_space<vmem_shared>>) dst(%arg14 : memref<640xf32, #tpu.memory_space<vmem>>)
          tpu.yield
        }) : () -> ()
        %get3A = arith.constant 0 : index
        %get3A_88 = tpu.vector_load %arg18[%get3A] {strides = array<i32>} : memref<16xf32, #tpu.memory_space<vmem>>, vector<16xf32>,
        %get3A_89 = vector.shape_cast %get3A_88 : vector<16xf32> to vector<16xf32>
        %get3A_90 = arith.constant 0 : index
        %get3A_91 = tpu.vector_load %arg19[%get3A_90] {strides = array<i32>} : memref<16xf32, #tpu.memory_space<vmem>>, vector<16xf32>,
        %get3A_92 = vector.shape_cast %get3A_91 : vector<16xf32> to vector<16xf32>
        %scan3A_93 = arith.constant 0 : i32
        %scan3A_94 = arith.constant 0 : i32
        %scan3A_95 = arith.constant 40 : i32
        %scan3A_96 = arith.addi %scan3A_94, %scan3A_95 : i32
        %scan3A_97 = arith.constant 1 : i32
        scf.for %scan3A_100 = %scan3A_94 to %scan3A_96 step %scan3A_97  : i32 {
          %mul3A_101 = arith.constant 16 : i32
          %mul3A_102 = arith.muli %scan3A_100, %mul3A_101 : i32
          %get3A_103 = arith.index_cast %mul3A_102 : i32 to index
          %get3A_104 = tpu.vector_load %arg14[%get3A_103] {strides = array<i32>} : memref<640xf32, #tpu.memory_space<vmem>>, vector<16xf32>,
          %get3A_105 = vector.shape_cast %get3A_104 : vector<16xf32> to vector<16xf32>
          %mul3A_106 = arith.constant 16 : i32
          %mul3A_107 = arith.muli %scan3A_100, %mul3A_106 : i32
          %add3A = arith.addi %mul3A_2, %mul3A_107 : i32
          %get3A_108 = arith.index_cast %add3A : i32 to index
          %get3A_109 = tpu.vector_load %arg10[%get3A_108] {strides = array<i32>} : memref<10240xf32, #tpu.memory_space<vmem>>, vector<16xf32>,
          %get3A_110 = vector.shape_cast %get3A_109 : vector<16xf32> to vector<16xf32>
          %add3A_111 = arith.addf %get3A_105, %get3A_110 : vector<16xf32>
          %mul3A_112 = arith.mulf %get3A_89, %add3A_111 : vector<16xf32>
          %add3A_113 = arith.addf %mul3A_112, %get3A_92 : vector<16xf32>
          %mul3A_114 = arith.constant 16 : i32
          %mul3A_115 = arith.muli %scan3A_100, %mul3A_114 : i32
          %swap3A_116 = arith.index_cast %mul3A_115 : i32 to index
          %swap3A_117 = tpu.vector_load %arg16[%swap3A_116] {strides = array<i32>} : memref<640xf32, #tpu.memory_space<vmem>>, vector<16xf32>,
          %swap3A_118 = vector.shape_cast %swap3A_117 : vector<16xf32> to vector<16xf32>
          %swap3A_119 = vector.shape_cast %add3A_113 : vector<16xf32> to vector<16xf32>
          tpu.vector_store %arg16[%swap3A_116], %swap3A_119 {strides = array<i32>} : memref<640xf32, #tpu.memory_space<vmem>>, vector<16xf32>,
          %mul3A_120 = arith.constant 16 : i32
          %mul3A_121 = arith.muli %scan3A_100, %mul3A_120 : i32
          %get3A_122 = arith.index_cast %mul3A_121 : i32 to index
          %get3A_123 = tpu.vector_load %arg15[%get3A_122] {strides = array<i32>} : memref<640xf32, #tpu.memory_space<vmem>>, vector<16xf32>,
          %get3A_124 = vector.shape_cast %get3A_123 : vector<16xf32> to vector<16xf32>
          %mul3A_125 = arith.mulf %get3A_124, %add3A_113 : vector<16xf32>
          %mul3A_126 = arith.constant 16 : i32
          %mul3A_127 = arith.muli %scan3A_100, %mul3A_126 : i32
          %swap3A_128 = arith.index_cast %mul3A_127 : i32 to index
          %swap3A_129 = tpu.vector_load %arg17[%swap3A_128] {strides = array<i32>} : memref<640xf32, #tpu.memory_space<vmem>>, vector<16xf32>,
          %swap3A_130 = vector.shape_cast %swap3A_129 : vector<16xf32> to vector<16xf32>
          %swap3A_131 = vector.shape_cast %mul3A_125 : vector<16xf32> to vector<16xf32>
          tpu.vector_store %arg17[%swap3A_128], %swap3A_131 {strides = array<i32>} : memref<640xf32, #tpu.memory_space<vmem>>, vector<16xf32>,
        }
        %scan3A_98 = arith.constant 40 : i32
        "tpu.region"() ({
          %run_scoped3A = tpu.sem_alloc : memref<!tpu.dma_semaphore, #tpu.memory_space<semaphore_mem>>
          %dma_start3A_100 = tpu.memref_slice %arg23[%mul3A_2] : memref<10240xf32, #tpu.memory_space<vmem_shared>> -> memref<640xf32, #tpu.memory_space<vmem_shared>>
          %dma_start3A_101 = tpu.memref_slice %arg23[%mul3A_2] : memref<10240xf32, #tpu.memory_space<vmem_shared>> -> memref<640xf32, #tpu.memory_space<vmem_shared>>
          tpu.enqueue_dma source(%arg17 : memref<640xf32, #tpu.memory_space<vmem>>) target(%dma_start3A_101 : memref<640xf32, #tpu.memory_space<vmem_shared>>) target_semaphore(%run_scoped3A : memref<!tpu.dma_semaphore, #tpu.memory_space<semaphore_mem>>)
          %dma_wait3A_102 = tpu.memref_slice %arg23[%mul3A_2] : memref<10240xf32, #tpu.memory_space<vmem_shared>> -> memref<640xf32, #tpu.memory_space<vmem_shared>>
          %dma_wait3A_103 = tpu.memref_slice %arg23[%mul3A_2] : memref<10240xf32, #tpu.memory_space<vmem_shared>> -> memref<640xf32, #tpu.memory_space<vmem_shared>>
          tpu.wait_dma2 semaphore(%run_scoped3A : memref<!tpu.dma_semaphore, #tpu.memory_space<semaphore_mem>>) src(%arg17 : memref<640xf32, #tpu.memory_space<vmem>>) dst(%dma_wait3A_103 : memref<640xf32, #tpu.memory_space<vmem_shared>>)
          tpu.yield
        }) : () -> ()
        "tpu.region"() ({
          %run_scoped3A = tpu.sem_alloc : memref<!tpu.dma_semaphore, #tpu.memory_space<semaphore_mem>>
          %dma_start3A_100 = tpu.memref_slice %arg22[%mul3A_2] : memref<10240xf32, #tpu.memory_space<vmem_shared>> -> memref<640xf32, #tpu.memory_space<vmem_shared>>
          %dma_start3A_101 = tpu.memref_slice %arg22[%mul3A_2] : memref<10240xf32, #tpu.memory_space<vmem_shared>> -> memref<640xf32, #tpu.memory_space<vmem_shared>>
          tpu.enqueue_dma source(%arg13 : memref<640xf32, #tpu.memory_space<vmem>>) target(%dma_start3A_101 : memref<640xf32, #tpu.memory_space<vmem_shared>>) target_semaphore(%run_scoped3A : memref<!tpu.dma_semaphore, #tpu.memory_space<semaphore_mem>>)
          %dma_wait3A_102 = tpu.memref_slice %arg22[%mul3A_2] : memref<10240xf32, #tpu.memory_space<vmem_shared>> -> memref<640xf32, #tpu.memory_space<vmem_shared>>
          %dma_wait3A_103 = tpu.memref_slice %arg22[%mul3A_2] : memref<10240xf32, #tpu.memory_space<vmem_shared>> -> memref<640xf32, #tpu.memory_space<vmem_shared>>
          tpu.wait_dma2 semaphore(%run_scoped3A : memref<!tpu.dma_semaphore, #tpu.memory_space<semaphore_mem>>) src(%arg13 : memref<640xf32, #tpu.memory_space<vmem>>) dst(%dma_wait3A_103 : memref<640xf32, #tpu.memory_space<vmem_shared>>)
          tpu.yield
        }) : () -> ()
        %barrier3A_99 = arith.constant 0 : index
        tpu.barrier barrier_id(%barrier3A_99)
        "tpu.region"() ({
          %run_scoped3A = tpu.sem_alloc : memref<!tpu.dma_semaphore, #tpu.memory_space<semaphore_mem>>
          tpu.enqueue_dma source(%arg23 : memref<10240xf32, #tpu.memory_space<vmem_shared>>) target(%arg10 : memref<10240xf32, #tpu.memory_space<vmem>>) target_semaphore(%run_scoped3A : memref<!tpu.dma_semaphore, #tpu.memory_space<semaphore_mem>>)
          tpu.wait_dma2 semaphore(%run_scoped3A : memref<!tpu.dma_semaphore, #tpu.memory_space<semaphore_mem>>) src(%arg23 : memref<10240xf32, #tpu.memory_space<vmem_shared>>) dst(%arg10 : memref<10240xf32, #tpu.memory_space<vmem>>)
          tpu.yield
        }) : () -> ()
      }
      %scan3A_61 = arith.constant 20 : i32
      "tpu.region"() ({
        %run_scoped3A = tpu.sem_alloc : memref<!tpu.dma_semaphore, #tpu.memory_space<semaphore_mem>>
        %dma_start3A = tpu.memref_slice %arg6[%mul3A_2] : memref<10240xf32, #tpu.memory_space<hbm>> -> memref<640xf32, #tpu.memory_space<hbm>>
        %dma_start3A_62 = tpu.memref_slice %arg6[%mul3A_2] : memref<10240xf32, #tpu.memory_space<hbm>> -> memref<640xf32, #tpu.memory_space<hbm>>
        tpu.enqueue_dma source(%arg16 : memref<640xf32, #tpu.memory_space<vmem>>) target(%dma_start3A_62 : memref<640xf32, #tpu.memory_space<hbm>>) target_semaphore(%run_scoped3A : memref<!tpu.dma_semaphore, #tpu.memory_space<semaphore_mem>>)
        %dma_wait3A = tpu.memref_slice %arg6[%mul3A_2] : memref<10240xf32, #tpu.memory_space<hbm>> -> memref<640xf32, #tpu.memory_space<hbm>>
        %dma_wait3A_63 = tpu.memref_slice %arg6[%mul3A_2] : memref<10240xf32, #tpu.memory_space<hbm>> -> memref<640xf32, #tpu.memory_space<hbm>>
        tpu.wait_dma2 semaphore(%run_scoped3A : memref<!tpu.dma_semaphore, #tpu.memory_space<semaphore_mem>>) src(%arg16 : memref<640xf32, #tpu.memory_space<vmem>>) dst(%dma_wait3A_63 : memref<640xf32, #tpu.memory_space<hbm>>)
        tpu.yield
      }) : () -> ()
      "tpu.region"() ({
        %run_scoped3A = tpu.sem_alloc : memref<!tpu.dma_semaphore, #tpu.memory_space<semaphore_mem>>
        %dma_start3A = tpu.memref_slice %arg7[%mul3A_2] : memref<10240xf32, #tpu.memory_space<hbm>> -> memref<640xf32, #tpu.memory_space<hbm>>
        %dma_start3A_62 = tpu.memref_slice %arg7[%mul3A_2] : memref<10240xf32, #tpu.memory_space<hbm>> -> memref<640xf32, #tpu.memory_space<hbm>>
        tpu.enqueue_dma source(%arg15 : memref<640xf32, #tpu.memory_space<vmem>>) target(%dma_start3A_62 : memref<640xf32, #tpu.memory_space<hbm>>) target_semaphore(%run_scoped3A : memref<!tpu.dma_semaphore, #tpu.memory_space<semaphore_mem>>)
        %dma_wait3A = tpu.memref_slice %arg7[%mul3A_2] : memref<10240xf32, #tpu.memory_space<hbm>> -> memref<640xf32, #tpu.memory_space<hbm>>
        %dma_wait3A_63 = tpu.memref_slice %arg7[%mul3A_2] : memref<10240xf32, #tpu.memory_space<hbm>> -> memref<640xf32, #tpu.memory_space<hbm>>
        tpu.wait_dma2 semaphore(%run_scoped3A : memref<!tpu.dma_semaphore, #tpu.memory_space<semaphore_mem>>) src(%arg15 : memref<640xf32, #tpu.memory_space<vmem>>) dst(%dma_wait3A_63 : memref<640xf32, #tpu.memory_space<hbm>>)
        tpu.yield
      }) : () -> ()
    } else {
    }
    return
  }
}

#map = affine_map<(d0, d1) -> (0, 0)>
#map1 = affine_map<(d0, d1) -> (0, 0, 0)>
module attributes {stable_mosaic.version = 14 : i64} {
  func.func @body(%arg0: i32, %arg1: i32, %arg2: memref<10112x128xf32, #tpu.memory_space<hbm>>, %arg3: memref<32x79x128xi32, #tpu.memory_space<hbm>>, %arg4: memref<32x79x128xi32, #tpu.memory_space<hbm>>, %arg5: memref<10112x128xf32, #tpu.memory_space<hbm>>, %arg6: memref<20224x128xf32, #tpu.memory_space<hbm>>, %arg7: memref<79x128xi32, #tpu.memory_space<vmem>>, %arg8: memref<79x128xi32, #tpu.memory_space<vmem>>, %arg9: memref<128x128xf32, #tpu.memory_space<vmem>>, %arg10: memref<10112x128xf32, #tpu.memory_space<vmem_shared>>, %arg11: memref<!tpu.dma_semaphore, #tpu.memory_space<semaphore_mem>>) attributes {dimension_semantics = [#tpu.dimension_semantics<core_parallel>, #tpu.dimension_semantics<subcore_parallel>], iteration_bounds = array<i64: 2, 16>, scalar_prefetch = 0 : i64, scratch_operands = 5 : i64, tpu.core_type = #tpu.core_type<sc_vector_subcore>, window_params = [{transform_indices = #map}, {transform_indices = #map1}, {transform_indices = #map1}, {transform_indices = #map}, {transform_indices = #map}]} {
    %mul3A = arith.constant 16 : i32
    %mul3A_0 = arith.muli %arg0, %mul3A : i32
    %add3A = arith.addi %mul3A_0, %arg1 : i32
    "tpu.region"() ({
      %run_scoped3A = tpu.sem_alloc : memref<!tpu.dma_semaphore, #tpu.memory_space<semaphore_mem>>
      %dma_start3A = arith.constant 0 : i32
      %dma_start3A_18 = arith.constant 0 : i32
      %dma_start3A_19 = tpu.memref_slice %arg3[%add3A, %dma_start3A, %dma_start3A_18] : memref<32x79x128xi32, #tpu.memory_space<hbm>> -> memref<1x79x128xi32, #tpu.memory_space<hbm>>
      %dma_start3A_20 = tpu.memref_squeeze %dma_start3A_19 : memref<1x79x128xi32, #tpu.memory_space<hbm>> -> memref<79x128xi32, #tpu.memory_space<hbm>>
      %dma_start3A_21 = arith.constant 0 : i32
      %dma_start3A_22 = arith.constant 0 : i32
      %dma_start3A_23 = tpu.memref_slice %arg3[%add3A, %dma_start3A_21, %dma_start3A_22] : memref<32x79x128xi32, #tpu.memory_space<hbm>> -> memref<1x79x128xi32, #tpu.memory_space<hbm>>
      %dma_start3A_24 = tpu.memref_squeeze %dma_start3A_23 : memref<1x79x128xi32, #tpu.memory_space<hbm>> -> memref<79x128xi32, #tpu.memory_space<hbm>>
      tpu.enqueue_dma source(%dma_start3A_24 : memref<79x128xi32, #tpu.memory_space<hbm>>) target(%arg7 : memref<79x128xi32, #tpu.memory_space<vmem>>) target_semaphore(%run_scoped3A : memref<!tpu.dma_semaphore, #tpu.memory_space<semaphore_mem>>)
      %dma_wait3A = arith.constant 0 : i32
      %dma_wait3A_25 = arith.constant 0 : i32
      %dma_wait3A_26 = tpu.memref_slice %arg3[%add3A, %dma_wait3A, %dma_wait3A_25] : memref<32x79x128xi32, #tpu.memory_space<hbm>> -> memref<1x79x128xi32, #tpu.memory_space<hbm>>
      %dma_wait3A_27 = tpu.memref_squeeze %dma_wait3A_26 : memref<1x79x128xi32, #tpu.memory_space<hbm>> -> memref<79x128xi32, #tpu.memory_space<hbm>>
      %dma_wait3A_28 = arith.constant 0 : i32
      %dma_wait3A_29 = arith.constant 0 : i32
      %dma_wait3A_30 = tpu.memref_slice %arg3[%add3A, %dma_wait3A_28, %dma_wait3A_29] : memref<32x79x128xi32, #tpu.memory_space<hbm>> -> memref<1x79x128xi32, #tpu.memory_space<hbm>>
      %dma_wait3A_31 = tpu.memref_squeeze %dma_wait3A_30 : memref<1x79x128xi32, #tpu.memory_space<hbm>> -> memref<79x128xi32, #tpu.memory_space<hbm>>
      tpu.wait_dma2 semaphore(%run_scoped3A : memref<!tpu.dma_semaphore, #tpu.memory_space<semaphore_mem>>) src(%dma_wait3A_31 : memref<79x128xi32, #tpu.memory_space<hbm>>) dst(%arg7 : memref<79x128xi32, #tpu.memory_space<vmem>>)
      tpu.yield
    }) : () -> ()
    "tpu.region"() ({
      %run_scoped3A = tpu.sem_alloc : memref<!tpu.dma_semaphore, #tpu.memory_space<semaphore_mem>>
      %dma_start3A = arith.constant 0 : i32
      %dma_start3A_18 = arith.constant 0 : i32
      %dma_start3A_19 = tpu.memref_slice %arg4[%add3A, %dma_start3A, %dma_start3A_18] : memref<32x79x128xi32, #tpu.memory_space<hbm>> -> memref<1x79x128xi32, #tpu.memory_space<hbm>>
      %dma_start3A_20 = tpu.memref_squeeze %dma_start3A_19 : memref<1x79x128xi32, #tpu.memory_space<hbm>> -> memref<79x128xi32, #tpu.memory_space<hbm>>
      %dma_start3A_21 = arith.constant 0 : i32
      %dma_start3A_22 = arith.constant 0 : i32
      %dma_start3A_23 = tpu.memref_slice %arg4[%add3A, %dma_start3A_21, %dma_start3A_22] : memref<32x79x128xi32, #tpu.memory_space<hbm>> -> memref<1x79x128xi32, #tpu.memory_space<hbm>>
      %dma_start3A_24 = tpu.memref_squeeze %dma_start3A_23 : memref<1x79x128xi32, #tpu.memory_space<hbm>> -> memref<79x128xi32, #tpu.memory_space<hbm>>
      tpu.enqueue_dma source(%dma_start3A_24 : memref<79x128xi32, #tpu.memory_space<hbm>>) target(%arg8 : memref<79x128xi32, #tpu.memory_space<vmem>>) target_semaphore(%run_scoped3A : memref<!tpu.dma_semaphore, #tpu.memory_space<semaphore_mem>>)
      %dma_wait3A = arith.constant 0 : i32
      %dma_wait3A_25 = arith.constant 0 : i32
      %dma_wait3A_26 = tpu.memref_slice %arg4[%add3A, %dma_wait3A, %dma_wait3A_25] : memref<32x79x128xi32, #tpu.memory_space<hbm>> -> memref<1x79x128xi32, #tpu.memory_space<hbm>>
      %dma_wait3A_27 = tpu.memref_squeeze %dma_wait3A_26 : memref<1x79x128xi32, #tpu.memory_space<hbm>> -> memref<79x128xi32, #tpu.memory_space<hbm>>
      %dma_wait3A_28 = arith.constant 0 : i32
      %dma_wait3A_29 = arith.constant 0 : i32
      %dma_wait3A_30 = tpu.memref_slice %arg4[%add3A, %dma_wait3A_28, %dma_wait3A_29] : memref<32x79x128xi32, #tpu.memory_space<hbm>> -> memref<1x79x128xi32, #tpu.memory_space<hbm>>
      %dma_wait3A_31 = tpu.memref_squeeze %dma_wait3A_30 : memref<1x79x128xi32, #tpu.memory_space<hbm>> -> memref<79x128xi32, #tpu.memory_space<hbm>>
      tpu.wait_dma2 semaphore(%run_scoped3A : memref<!tpu.dma_semaphore, #tpu.memory_space<semaphore_mem>>) src(%dma_wait3A_31 : memref<79x128xi32, #tpu.memory_space<hbm>>) dst(%arg8 : memref<79x128xi32, #tpu.memory_space<vmem>>)
      tpu.yield
    }) : () -> ()
    %mul3A_1 = arith.constant 632 : i32
    %mul3A_2 = arith.muli %arg1, %mul3A_1 : i32
    %mul3A_3 = arith.constant 632 : i32
    %mul3A_4 = arith.muli %arg1, %mul3A_3 : i32
    "tpu.region"() ({
      %run_scoped3A = tpu.sem_alloc : memref<!tpu.dma_semaphore, #tpu.memory_space<semaphore_mem>>
      %dma_start3A = arith.constant 0 : i32
      %dma_start3A_18 = tpu.memref_slice %arg10[%mul3A_4, %dma_start3A] : memref<10112x128xf32, #tpu.memory_space<vmem_shared>> -> memref<632x128xf32, #tpu.memory_space<vmem_shared>>
      %dma_start3A_19 = arith.constant 0 : i32
      %dma_start3A_20 = tpu.memref_slice %arg5[%mul3A_2, %dma_start3A_19] : memref<10112x128xf32, #tpu.memory_space<hbm>> -> memref<632x128xf32, #tpu.memory_space<hbm>>
      tpu.enqueue_dma source(%dma_start3A_20 : memref<632x128xf32, #tpu.memory_space<hbm>>) target(%dma_start3A_18 : memref<632x128xf32, #tpu.memory_space<vmem_shared>>) target_semaphore(%run_scoped3A : memref<!tpu.dma_semaphore, #tpu.memory_space<semaphore_mem>>)
      %dma_wait3A = arith.constant 0 : i32
      %dma_wait3A_21 = tpu.memref_slice %arg10[%mul3A_4, %dma_wait3A] : memref<10112x128xf32, #tpu.memory_space<vmem_shared>> -> memref<632x128xf32, #tpu.memory_space<vmem_shared>>
      %dma_wait3A_22 = arith.constant 0 : i32
      %dma_wait3A_23 = tpu.memref_slice %arg5[%mul3A_2, %dma_wait3A_22] : memref<10112x128xf32, #tpu.memory_space<hbm>> -> memref<632x128xf32, #tpu.memory_space<hbm>>
      tpu.wait_dma2 semaphore(%run_scoped3A : memref<!tpu.dma_semaphore, #tpu.memory_space<semaphore_mem>>) src(%dma_wait3A_23 : memref<632x128xf32, #tpu.memory_space<hbm>>) dst(%dma_wait3A_21 : memref<632x128xf32, #tpu.memory_space<vmem_shared>>)
      tpu.yield
    }) : () -> ()
    %barrier3A = arith.constant 0 : index
    tpu.barrier barrier_id(%barrier3A)
    %scan3A = arith.constant 0 : i32
    %scan3A_5 = arith.constant 0 : i32
    %scan3A_6 = arith.constant 79 : i32
    %scan3A_7 = arith.addi %scan3A_5, %scan3A_6 : i32
    %scan3A_8 = arith.constant 1 : i32
    scf.for %scan3A_18 = %scan3A_5 to %scan3A_7 step %scan3A_8  : i32 {
      %dma_start3A = arith.constant 0 : i32
      %dma_start3A_19 = tpu.memref_slice %arg7[%scan3A_18, %dma_start3A] : memref<79x128xi32, #tpu.memory_space<vmem>> -> memref<1x128xi32, #tpu.memory_space<vmem>>
      %dma_start3A_20 = tpu.memref_squeeze %dma_start3A_19 : memref<1x128xi32, #tpu.memory_space<vmem>> -> memref<128xi32, #tpu.memory_space<vmem>>
      %dma_start3A_21 = arith.constant 0 : i32
      %dma_start3A_22 = arith.constant 0 : i32
      %dma_start3A_23 = tpu.memref_slice %arg2[%dma_start3A_21, %dma_start3A_22] : memref<10112x128xf32, #tpu.memory_space<hbm>> -> memref<10112x128xf32, #tpu.memory_space<hbm>>
      tpu.enqueue_indirect_dma source(%dma_start3A_23 : memref<10112x128xf32, #tpu.memory_space<hbm>>) target(%arg9 : memref<128x128xf32, #tpu.memory_space<vmem>>) offsets(%dma_start3A_20 : memref<128xi32, #tpu.memory_space<vmem>>) semaphore(%arg11 : memref<!tpu.dma_semaphore, #tpu.memory_space<semaphore_mem>>)
      %dma_wait3A = arith.constant 0 : i32
      %dma_wait3A_24 = tpu.memref_slice %arg7[%scan3A_18, %dma_wait3A] : memref<79x128xi32, #tpu.memory_space<vmem>> -> memref<1x128xi32, #tpu.memory_space<vmem>>
      %dma_wait3A_25 = tpu.memref_squeeze %dma_wait3A_24 : memref<1x128xi32, #tpu.memory_space<vmem>> -> memref<128xi32, #tpu.memory_space<vmem>>
      %dma_wait3A_26 = arith.constant 0 : i32
      %dma_wait3A_27 = arith.constant 0 : i32
      %dma_wait3A_28 = tpu.memref_slice %arg2[%dma_wait3A_26, %dma_wait3A_27] : memref<10112x128xf32, #tpu.memory_space<hbm>> -> memref<10112x128xf32, #tpu.memory_space<hbm>>
      tpu.wait_indirect_dma semaphore(%arg11 : memref<!tpu.dma_semaphore, #tpu.memory_space<semaphore_mem>>) src(%dma_wait3A_28 : memref<10112x128xf32, #tpu.memory_space<hbm>>) dst(%arg9 : memref<128x128xf32, #tpu.memory_space<vmem>>)
      "tpu.region"() ({
        %run_scoped3A = tpu.sem_alloc : memref<!tpu.dma_semaphore, #tpu.memory_space<semaphore_mem>>
        %dma_start3A_29 = arith.constant 0 : i32
        %dma_start3A_30 = tpu.memref_slice %arg8[%scan3A_18, %dma_start3A_29] : memref<79x128xi32, #tpu.memory_space<vmem>> -> memref<1x128xi32, #tpu.memory_space<vmem>>
        %dma_start3A_31 = tpu.memref_squeeze %dma_start3A_30 : memref<1x128xi32, #tpu.memory_space<vmem>> -> memref<128xi32, #tpu.memory_space<vmem>>
        %dma_start3A_32 = arith.constant 0 : i32
        %dma_start3A_33 = arith.constant 0 : i32
        %dma_start3A_34 = tpu.memref_slice %arg10[%dma_start3A_32, %dma_start3A_33] : memref<10112x128xf32, #tpu.memory_space<vmem_shared>> -> memref<10112x128xf32, #tpu.memory_space<vmem_shared>>
        tpu.enqueue_indirect_dma source(%arg9 : memref<128x128xf32, #tpu.memory_space<vmem>>) target(%dma_start3A_34 : memref<10112x128xf32, #tpu.memory_space<vmem_shared>>) offsets(%dma_start3A_31 : memref<128xi32, #tpu.memory_space<vmem>>) semaphore(%run_scoped3A : memref<!tpu.dma_semaphore, #tpu.memory_space<semaphore_mem>>) {add = true}
        %dma_wait3A_35 = arith.constant 0 : i32
        %dma_wait3A_36 = tpu.memref_slice %arg8[%scan3A_18, %dma_wait3A_35] : memref<79x128xi32, #tpu.memory_space<vmem>> -> memref<1x128xi32, #tpu.memory_space<vmem>>
        %dma_wait3A_37 = tpu.memref_squeeze %dma_wait3A_36 : memref<1x128xi32, #tpu.memory_space<vmem>> -> memref<128xi32, #tpu.memory_space<vmem>>
        %dma_wait3A_38 = arith.constant 0 : i32
        %dma_wait3A_39 = arith.constant 0 : i32
        %dma_wait3A_40 = tpu.memref_slice %arg10[%dma_wait3A_38, %dma_wait3A_39] : memref<10112x128xf32, #tpu.memory_space<vmem_shared>> -> memref<10112x128xf32, #tpu.memory_space<vmem_shared>>
        tpu.wait_indirect_dma semaphore(%run_scoped3A : memref<!tpu.dma_semaphore, #tpu.memory_space<semaphore_mem>>) src(%arg9 : memref<128x128xf32, #tpu.memory_space<vmem>>) dst(%dma_wait3A_40 : memref<10112x128xf32, #tpu.memory_space<vmem_shared>>)
        tpu.yield
      }) : () -> ()
    }
    %scan3A_9 = arith.constant 79 : i32
    %barrier3A_10 = arith.constant 0 : index
    tpu.barrier barrier_id(%barrier3A_10)
    %mul3A_11 = arith.constant 632 : i32
    %mul3A_12 = arith.muli %arg1, %mul3A_11 : i32
    %mul3A_13 = arith.constant 10112 : i32
    %mul3A_14 = arith.muli %arg0, %mul3A_13 : i32
    %mul3A_15 = arith.constant 632 : i32
    %mul3A_16 = arith.muli %arg1, %mul3A_15 : i32
    %add3A_17 = arith.addi %mul3A_14, %mul3A_16 : i32
    "tpu.region"() ({
      %run_scoped3A = tpu.sem_alloc : memref<!tpu.dma_semaphore, #tpu.memory_space<semaphore_mem>>
      %dma_start3A = arith.constant 0 : i32
      %dma_start3A_18 = tpu.memref_slice %arg6[%add3A_17, %dma_start3A] : memref<20224x128xf32, #tpu.memory_space<hbm>> -> memref<632x128xf32, #tpu.memory_space<hbm>>
      %dma_start3A_19 = arith.constant 0 : i32
      %dma_start3A_20 = tpu.memref_slice %arg10[%mul3A_12, %dma_start3A_19] : memref<10112x128xf32, #tpu.memory_space<vmem_shared>> -> memref<632x128xf32, #tpu.memory_space<vmem_shared>>
      tpu.enqueue_dma source(%dma_start3A_20 : memref<632x128xf32, #tpu.memory_space<vmem_shared>>) target(%dma_start3A_18 : memref<632x128xf32, #tpu.memory_space<hbm>>) target_semaphore(%run_scoped3A : memref<!tpu.dma_semaphore, #tpu.memory_space<semaphore_mem>>)
      %dma_wait3A = arith.constant 0 : i32
      %dma_wait3A_21 = tpu.memref_slice %arg6[%add3A_17, %dma_wait3A] : memref<20224x128xf32, #tpu.memory_space<hbm>> -> memref<632x128xf32, #tpu.memory_space<hbm>>
      %dma_wait3A_22 = arith.constant 0 : i32
      %dma_wait3A_23 = tpu.memref_slice %arg10[%mul3A_12, %dma_wait3A_22] : memref<10112x128xf32, #tpu.memory_space<vmem_shared>> -> memref<632x128xf32, #tpu.memory_space<vmem_shared>>
      tpu.wait_dma2 semaphore(%run_scoped3A : memref<!tpu.dma_semaphore, #tpu.memory_space<semaphore_mem>>) src(%dma_wait3A_23 : memref<632x128xf32, #tpu.memory_space<vmem_shared>>) dst(%dma_wait3A_21 : memref<632x128xf32, #tpu.memory_space<hbm>>)
      tpu.yield
    }) : () -> ()
    return
  }
}

#map = affine_map<(d0, d1) -> (0, 0)>
#map1 = affine_map<(d0, d1) -> (0, 0, 0)>
module attributes {stable_mosaic.version = 14 : i64} {
  func.func @body(%arg0: i32, %arg1: i32, %arg2: memref<10112x128xf32, #tpu.memory_space<hbm>>, %arg3: memref<32x79x128xi32, #tpu.memory_space<hbm>>, %arg4: memref<32x79x128xi32, #tpu.memory_space<hbm>>, %arg5: memref<10112x128xf32, #tpu.memory_space<hbm>>, %arg6: memref<20224x128xf32, #tpu.memory_space<hbm>>, %arg7: memref<79x128xi32, #tpu.memory_space<vmem>>, %arg8: memref<79x128xi32, #tpu.memory_space<vmem>>, %arg9: memref<128x128xf32, #tpu.memory_space<vmem>>, %arg10: memref<10112x128xf32, #tpu.memory_space<vmem_shared>>, %arg11: memref<!tpu.dma_semaphore, #tpu.memory_space<semaphore_mem>>) attributes {dimension_semantics = [#tpu.dimension_semantics<core_parallel>, #tpu.dimension_semantics<subcore_parallel>], iteration_bounds = array<i64: 2, 16>, scalar_prefetch = 0 : i64, scratch_operands = 5 : i64, tpu.core_type = #tpu.core_type<sc_vector_subcore>, window_params = [{transform_indices = #map}, {transform_indices = #map1}, {transform_indices = #map1}, {transform_indices = #map}, {transform_indices = #map}]} {
    %mul3A = arith.constant 16 : i32
    %mul3A_0 = arith.muli %arg0, %mul3A : i32
    %add3A = arith.addi %mul3A_0, %arg1 : i32
    "tpu.region"() ({
      %run_scoped3A = tpu.sem_alloc : memref<!tpu.dma_semaphore, #tpu.memory_space<semaphore_mem>>
      %dma_start3A = arith.constant 0 : i32
      %dma_start3A_18 = arith.constant 0 : i32
      %dma_start3A_19 = tpu.memref_slice %arg3[%add3A, %dma_start3A, %dma_start3A_18] : memref<32x79x128xi32, #tpu.memory_space<hbm>> -> memref<1x79x128xi32, #tpu.memory_space<hbm>>
      %dma_start3A_20 = tpu.memref_squeeze %dma_start3A_19 : memref<1x79x128xi32, #tpu.memory_space<hbm>> -> memref<79x128xi32, #tpu.memory_space<hbm>>
      %dma_start3A_21 = arith.constant 0 : i32
      %dma_start3A_22 = arith.constant 0 : i32
      %dma_start3A_23 = tpu.memref_slice %arg3[%add3A, %dma_start3A_21, %dma_start3A_22] : memref<32x79x128xi32, #tpu.memory_space<hbm>> -> memref<1x79x128xi32, #tpu.memory_space<hbm>>
      %dma_start3A_24 = tpu.memref_squeeze %dma_start3A_23 : memref<1x79x128xi32, #tpu.memory_space<hbm>> -> memref<79x128xi32, #tpu.memory_space<hbm>>
      tpu.enqueue_dma source(%dma_start3A_24 : memref<79x128xi32, #tpu.memory_space<hbm>>) target(%arg7 : memref<79x128xi32, #tpu.memory_space<vmem>>) target_semaphore(%run_scoped3A : memref<!tpu.dma_semaphore, #tpu.memory_space<semaphore_mem>>)
      %dma_wait3A = arith.constant 0 : i32
      %dma_wait3A_25 = arith.constant 0 : i32
      %dma_wait3A_26 = tpu.memref_slice %arg3[%add3A, %dma_wait3A, %dma_wait3A_25] : memref<32x79x128xi32, #tpu.memory_space<hbm>> -> memref<1x79x128xi32, #tpu.memory_space<hbm>>
      %dma_wait3A_27 = tpu.memref_squeeze %dma_wait3A_26 : memref<1x79x128xi32, #tpu.memory_space<hbm>> -> memref<79x128xi32, #tpu.memory_space<hbm>>
      %dma_wait3A_28 = arith.constant 0 : i32
      %dma_wait3A_29 = arith.constant 0 : i32
      %dma_wait3A_30 = tpu.memref_slice %arg3[%add3A, %dma_wait3A_28, %dma_wait3A_29] : memref<32x79x128xi32, #tpu.memory_space<hbm>> -> memref<1x79x128xi32, #tpu.memory_space<hbm>>
      %dma_wait3A_31 = tpu.memref_squeeze %dma_wait3A_30 : memref<1x79x128xi32, #tpu.memory_space<hbm>> -> memref<79x128xi32, #tpu.memory_space<hbm>>
      tpu.wait_dma2 semaphore(%run_scoped3A : memref<!tpu.dma_semaphore, #tpu.memory_space<semaphore_mem>>) src(%dma_wait3A_31 : memref<79x128xi32, #tpu.memory_space<hbm>>) dst(%arg7 : memref<79x128xi32, #tpu.memory_space<vmem>>)
      tpu.yield
    }) : () -> ()
    "tpu.region"() ({
      %run_scoped3A = tpu.sem_alloc : memref<!tpu.dma_semaphore, #tpu.memory_space<semaphore_mem>>
      %dma_start3A = arith.constant 0 : i32
      %dma_start3A_18 = arith.constant 0 : i32
      %dma_start3A_19 = tpu.memref_slice %arg4[%add3A, %dma_start3A, %dma_start3A_18] : memref<32x79x128xi32, #tpu.memory_space<hbm>> -> memref<1x79x128xi32, #tpu.memory_space<hbm>>
      %dma_start3A_20 = tpu.memref_squeeze %dma_start3A_19 : memref<1x79x128xi32, #tpu.memory_space<hbm>> -> memref<79x128xi32, #tpu.memory_space<hbm>>
      %dma_start3A_21 = arith.constant 0 : i32
      %dma_start3A_22 = arith.constant 0 : i32
      %dma_start3A_23 = tpu.memref_slice %arg4[%add3A, %dma_start3A_21, %dma_start3A_22] : memref<32x79x128xi32, #tpu.memory_space<hbm>> -> memref<1x79x128xi32, #tpu.memory_space<hbm>>
      %dma_start3A_24 = tpu.memref_squeeze %dma_start3A_23 : memref<1x79x128xi32, #tpu.memory_space<hbm>> -> memref<79x128xi32, #tpu.memory_space<hbm>>
      tpu.enqueue_dma source(%dma_start3A_24 : memref<79x128xi32, #tpu.memory_space<hbm>>) target(%arg8 : memref<79x128xi32, #tpu.memory_space<vmem>>) target_semaphore(%run_scoped3A : memref<!tpu.dma_semaphore, #tpu.memory_space<semaphore_mem>>)
      %dma_wait3A = arith.constant 0 : i32
      %dma_wait3A_25 = arith.constant 0 : i32
      %dma_wait3A_26 = tpu.memref_slice %arg4[%add3A, %dma_wait3A, %dma_wait3A_25] : memref<32x79x128xi32, #tpu.memory_space<hbm>> -> memref<1x79x128xi32, #tpu.memory_space<hbm>>
      %dma_wait3A_27 = tpu.memref_squeeze %dma_wait3A_26 : memref<1x79x128xi32, #tpu.memory_space<hbm>> -> memref<79x128xi32, #tpu.memory_space<hbm>>
      %dma_wait3A_28 = arith.constant 0 : i32
      %dma_wait3A_29 = arith.constant 0 : i32
      %dma_wait3A_30 = tpu.memref_slice %arg4[%add3A, %dma_wait3A_28, %dma_wait3A_29] : memref<32x79x128xi32, #tpu.memory_space<hbm>> -> memref<1x79x128xi32, #tpu.memory_space<hbm>>
      %dma_wait3A_31 = tpu.memref_squeeze %dma_wait3A_30 : memref<1x79x128xi32, #tpu.memory_space<hbm>> -> memref<79x128xi32, #tpu.memory_space<hbm>>
      tpu.wait_dma2 semaphore(%run_scoped3A : memref<!tpu.dma_semaphore, #tpu.memory_space<semaphore_mem>>) src(%dma_wait3A_31 : memref<79x128xi32, #tpu.memory_space<hbm>>) dst(%arg8 : memref<79x128xi32, #tpu.memory_space<vmem>>)
      tpu.yield
    }) : () -> ()
    %mul3A_1 = arith.constant 632 : i32
    %mul3A_2 = arith.muli %arg1, %mul3A_1 : i32
    %mul3A_3 = arith.constant 632 : i32
    %mul3A_4 = arith.muli %arg1, %mul3A_3 : i32
    "tpu.region"() ({
      %run_scoped3A = tpu.sem_alloc : memref<!tpu.dma_semaphore, #tpu.memory_space<semaphore_mem>>
      %dma_start3A = arith.constant 0 : i32
      %dma_start3A_18 = tpu.memref_slice %arg10[%mul3A_4, %dma_start3A] : memref<10112x128xf32, #tpu.memory_space<vmem_shared>> -> memref<632x128xf32, #tpu.memory_space<vmem_shared>>
      %dma_start3A_19 = arith.constant 0 : i32
      %dma_start3A_20 = tpu.memref_slice %arg5[%mul3A_2, %dma_start3A_19] : memref<10112x128xf32, #tpu.memory_space<hbm>> -> memref<632x128xf32, #tpu.memory_space<hbm>>
      tpu.enqueue_dma source(%dma_start3A_20 : memref<632x128xf32, #tpu.memory_space<hbm>>) target(%dma_start3A_18 : memref<632x128xf32, #tpu.memory_space<vmem_shared>>) target_semaphore(%run_scoped3A : memref<!tpu.dma_semaphore, #tpu.memory_space<semaphore_mem>>)
      %dma_wait3A = arith.constant 0 : i32
      %dma_wait3A_21 = tpu.memref_slice %arg10[%mul3A_4, %dma_wait3A] : memref<10112x128xf32, #tpu.memory_space<vmem_shared>> -> memref<632x128xf32, #tpu.memory_space<vmem_shared>>
      %dma_wait3A_22 = arith.constant 0 : i32
      %dma_wait3A_23 = tpu.memref_slice %arg5[%mul3A_2, %dma_wait3A_22] : memref<10112x128xf32, #tpu.memory_space<hbm>> -> memref<632x128xf32, #tpu.memory_space<hbm>>
      tpu.wait_dma2 semaphore(%run_scoped3A : memref<!tpu.dma_semaphore, #tpu.memory_space<semaphore_mem>>) src(%dma_wait3A_23 : memref<632x128xf32, #tpu.memory_space<hbm>>) dst(%dma_wait3A_21 : memref<632x128xf32, #tpu.memory_space<vmem_shared>>)
      tpu.yield
    }) : () -> ()
    %barrier3A = arith.constant 0 : index
    tpu.barrier barrier_id(%barrier3A)
    %scan3A = arith.constant 0 : i32
    %scan3A_5 = arith.constant 0 : i32
    %scan3A_6 = arith.constant 79 : i32
    %scan3A_7 = arith.addi %scan3A_5, %scan3A_6 : i32
    %scan3A_8 = arith.constant 1 : i32
    scf.for %scan3A_18 = %scan3A_5 to %scan3A_7 step %scan3A_8  : i32 {
      %dma_start3A = arith.constant 0 : i32
      %dma_start3A_19 = tpu.memref_slice %arg7[%scan3A_18, %dma_start3A] : memref<79x128xi32, #tpu.memory_space<vmem>> -> memref<1x128xi32, #tpu.memory_space<vmem>>
      %dma_start3A_20 = tpu.memref_squeeze %dma_start3A_19 : memref<1x128xi32, #tpu.memory_space<vmem>> -> memref<128xi32, #tpu.memory_space<vmem>>
      %dma_start3A_21 = arith.constant 0 : i32
      %dma_start3A_22 = arith.constant 0 : i32
      %dma_start3A_23 = tpu.memref_slice %arg2[%dma_start3A_21, %dma_start3A_22] : memref<10112x128xf32, #tpu.memory_space<hbm>> -> memref<10112x128xf32, #tpu.memory_space<hbm>>
      tpu.enqueue_indirect_dma source(%dma_start3A_23 : memref<10112x128xf32, #tpu.memory_space<hbm>>) target(%arg9 : memref<128x128xf32, #tpu.memory_space<vmem>>) offsets(%dma_start3A_20 : memref<128xi32, #tpu.memory_space<vmem>>) semaphore(%arg11 : memref<!tpu.dma_semaphore, #tpu.memory_space<semaphore_mem>>)
      %dma_wait3A = arith.constant 0 : i32
      %dma_wait3A_24 = tpu.memref_slice %arg7[%scan3A_18, %dma_wait3A] : memref<79x128xi32, #tpu.memory_space<vmem>> -> memref<1x128xi32, #tpu.memory_space<vmem>>
      %dma_wait3A_25 = tpu.memref_squeeze %dma_wait3A_24 : memref<1x128xi32, #tpu.memory_space<vmem>> -> memref<128xi32, #tpu.memory_space<vmem>>
      %dma_wait3A_26 = arith.constant 0 : i32
      %dma_wait3A_27 = arith.constant 0 : i32
      %dma_wait3A_28 = tpu.memref_slice %arg2[%dma_wait3A_26, %dma_wait3A_27] : memref<10112x128xf32, #tpu.memory_space<hbm>> -> memref<10112x128xf32, #tpu.memory_space<hbm>>
      tpu.wait_indirect_dma semaphore(%arg11 : memref<!tpu.dma_semaphore, #tpu.memory_space<semaphore_mem>>) src(%dma_wait3A_28 : memref<10112x128xf32, #tpu.memory_space<hbm>>) dst(%arg9 : memref<128x128xf32, #tpu.memory_space<vmem>>)
      "tpu.region"() ({
        %run_scoped3A = tpu.sem_alloc : memref<!tpu.dma_semaphore, #tpu.memory_space<semaphore_mem>>
        %dma_start3A_29 = arith.constant 0 : i32
        %dma_start3A_30 = tpu.memref_slice %arg8[%scan3A_18, %dma_start3A_29] : memref<79x128xi32, #tpu.memory_space<vmem>> -> memref<1x128xi32, #tpu.memory_space<vmem>>
        %dma_start3A_31 = tpu.memref_squeeze %dma_start3A_30 : memref<1x128xi32, #tpu.memory_space<vmem>> -> memref<128xi32, #tpu.memory_space<vmem>>
        %dma_start3A_32 = arith.constant 0 : i32
        %dma_start3A_33 = arith.constant 0 : i32
        %dma_start3A_34 = tpu.memref_slice %arg10[%dma_start3A_32, %dma_start3A_33] : memref<10112x128xf32, #tpu.memory_space<vmem_shared>> -> memref<10112x128xf32, #tpu.memory_space<vmem_shared>>
        tpu.enqueue_indirect_dma source(%arg9 : memref<128x128xf32, #tpu.memory_space<vmem>>) target(%dma_start3A_34 : memref<10112x128xf32, #tpu.memory_space<vmem_shared>>) offsets(%dma_start3A_31 : memref<128xi32, #tpu.memory_space<vmem>>) semaphore(%run_scoped3A : memref<!tpu.dma_semaphore, #tpu.memory_space<semaphore_mem>>) {add = true}
        %dma_wait3A_35 = arith.constant 0 : i32
        %dma_wait3A_36 = tpu.memref_slice %arg8[%scan3A_18, %dma_wait3A_35] : memref<79x128xi32, #tpu.memory_space<vmem>> -> memref<1x128xi32, #tpu.memory_space<vmem>>
        %dma_wait3A_37 = tpu.memref_squeeze %dma_wait3A_36 : memref<1x128xi32, #tpu.memory_space<vmem>> -> memref<128xi32, #tpu.memory_space<vmem>>
        %dma_wait3A_38 = arith.constant 0 : i32
        %dma_wait3A_39 = arith.constant 0 : i32
        %dma_wait3A_40 = tpu.memref_slice %arg10[%dma_wait3A_38, %dma_wait3A_39] : memref<10112x128xf32, #tpu.memory_space<vmem_shared>> -> memref<10112x128xf32, #tpu.memory_space<vmem_shared>>
        tpu.wait_indirect_dma semaphore(%run_scoped3A : memref<!tpu.dma_semaphore, #tpu.memory_space<semaphore_mem>>) src(%arg9 : memref<128x128xf32, #tpu.memory_space<vmem>>) dst(%dma_wait3A_40 : memref<10112x128xf32, #tpu.memory_space<vmem_shared>>)
        tpu.yield
      }) : () -> ()
    }
    %scan3A_9 = arith.constant 79 : i32
    %barrier3A_10 = arith.constant 0 : index
    tpu.barrier barrier_id(%barrier3A_10)
    %mul3A_11 = arith.constant 632 : i32
    %mul3A_12 = arith.muli %arg1, %mul3A_11 : i32
    %mul3A_13 = arith.constant 10112 : i32
    %mul3A_14 = arith.muli %arg0, %mul3A_13 : i32
    %mul3A_15 = arith.constant 632 : i32
    %mul3A_16 = arith.muli %arg1, %mul3A_15 : i32
    %add3A_17 = arith.addi %mul3A_14, %mul3A_16 : i32
    "tpu.region"() ({
      %run_scoped3A = tpu.sem_alloc : memref<!tpu.dma_semaphore, #tpu.memory_space<semaphore_mem>>
      %dma_start3A = arith.constant 0 : i32
      %dma_start3A_18 = tpu.memref_slice %arg6[%add3A_17, %dma_start3A] : memref<20224x128xf32, #tpu.memory_space<hbm>> -> memref<632x128xf32, #tpu.memory_space<hbm>>
      %dma_start3A_19 = arith.constant 0 : i32
      %dma_start3A_20 = tpu.memref_slice %arg10[%mul3A_12, %dma_start3A_19] : memref<10112x128xf32, #tpu.memory_space<vmem_shared>> -> memref<632x128xf32, #tpu.memory_space<vmem_shared>>
      tpu.enqueue_dma source(%dma_start3A_20 : memref<632x128xf32, #tpu.memory_space<vmem_shared>>) target(%dma_start3A_18 : memref<632x128xf32, #tpu.memory_space<hbm>>) target_semaphore(%run_scoped3A : memref<!tpu.dma_semaphore, #tpu.memory_space<semaphore_mem>>)
      %dma_wait3A = arith.constant 0 : i32
      %dma_wait3A_21 = tpu.memref_slice %arg6[%add3A_17, %dma_wait3A] : memref<20224x128xf32, #tpu.memory_space<hbm>> -> memref<632x128xf32, #tpu.memory_space<hbm>>
      %dma_wait3A_22 = arith.constant 0 : i32
      %dma_wait3A_23 = tpu.memref_slice %arg10[%mul3A_12, %dma_wait3A_22] : memref<10112x128xf32, #tpu.memory_space<vmem_shared>> -> memref<632x128xf32, #tpu.memory_space<vmem_shared>>
      tpu.wait_dma2 semaphore(%run_scoped3A : memref<!tpu.dma_semaphore, #tpu.memory_space<semaphore_mem>>) src(%dma_wait3A_23 : memref<632x128xf32, #tpu.memory_space<vmem_shared>>) dst(%dma_wait3A_21 : memref<632x128xf32, #tpu.memory_space<hbm>>)
      tpu.yield
    }) : () -> ()
    return
  }
}

#map = affine_map<(d0, d1) -> (0, 0)>
#map1 = affine_map<(d0, d1) -> (0, 0, 0)>
module attributes {stable_mosaic.version = 14 : i64} {
  func.func @body(%arg0: i32, %arg1: i32, %arg2: memref<10112x128xf32, #tpu.memory_space<hbm>>, %arg3: memref<32x79x128xi32, #tpu.memory_space<hbm>>, %arg4: memref<32x79x128xi32, #tpu.memory_space<hbm>>, %arg5: memref<10112x128xf32, #tpu.memory_space<hbm>>, %arg6: memref<20224x128xf32, #tpu.memory_space<hbm>>, %arg7: memref<79x128xi32, #tpu.memory_space<vmem>>, %arg8: memref<79x128xi32, #tpu.memory_space<vmem>>, %arg9: memref<128x128xf32, #tpu.memory_space<vmem>>, %arg10: memref<10112x128xf32, #tpu.memory_space<vmem_shared>>, %arg11: memref<!tpu.dma_semaphore, #tpu.memory_space<semaphore_mem>>) attributes {dimension_semantics = [#tpu.dimension_semantics<core_parallel>, #tpu.dimension_semantics<subcore_parallel>], iteration_bounds = array<i64: 2, 16>, scalar_prefetch = 0 : i64, scratch_operands = 5 : i64, tpu.core_type = #tpu.core_type<sc_vector_subcore>, window_params = [{transform_indices = #map}, {transform_indices = #map1}, {transform_indices = #map1}, {transform_indices = #map}, {transform_indices = #map}]} {
    %mul3A = arith.constant 16 : i32
    %mul3A_0 = arith.muli %arg0, %mul3A : i32
    %add3A = arith.addi %mul3A_0, %arg1 : i32
    "tpu.region"() ({
      %run_scoped3A = tpu.sem_alloc : memref<!tpu.dma_semaphore, #tpu.memory_space<semaphore_mem>>
      %dma_start3A = arith.constant 0 : i32
      %dma_start3A_18 = arith.constant 0 : i32
      %dma_start3A_19 = tpu.memref_slice %arg3[%add3A, %dma_start3A, %dma_start3A_18] : memref<32x79x128xi32, #tpu.memory_space<hbm>> -> memref<1x79x128xi32, #tpu.memory_space<hbm>>
      %dma_start3A_20 = tpu.memref_squeeze %dma_start3A_19 : memref<1x79x128xi32, #tpu.memory_space<hbm>> -> memref<79x128xi32, #tpu.memory_space<hbm>>
      %dma_start3A_21 = arith.constant 0 : i32
      %dma_start3A_22 = arith.constant 0 : i32
      %dma_start3A_23 = tpu.memref_slice %arg3[%add3A, %dma_start3A_21, %dma_start3A_22] : memref<32x79x128xi32, #tpu.memory_space<hbm>> -> memref<1x79x128xi32, #tpu.memory_space<hbm>>
      %dma_start3A_24 = tpu.memref_squeeze %dma_start3A_23 : memref<1x79x128xi32, #tpu.memory_space<hbm>> -> memref<79x128xi32, #tpu.memory_space<hbm>>
      tpu.enqueue_dma source(%dma_start3A_24 : memref<79x128xi32, #tpu.memory_space<hbm>>) target(%arg7 : memref<79x128xi32, #tpu.memory_space<vmem>>) target_semaphore(%run_scoped3A : memref<!tpu.dma_semaphore, #tpu.memory_space<semaphore_mem>>)
      %dma_wait3A = arith.constant 0 : i32
      %dma_wait3A_25 = arith.constant 0 : i32
      %dma_wait3A_26 = tpu.memref_slice %arg3[%add3A, %dma_wait3A, %dma_wait3A_25] : memref<32x79x128xi32, #tpu.memory_space<hbm>> -> memref<1x79x128xi32, #tpu.memory_space<hbm>>
      %dma_wait3A_27 = tpu.memref_squeeze %dma_wait3A_26 : memref<1x79x128xi32, #tpu.memory_space<hbm>> -> memref<79x128xi32, #tpu.memory_space<hbm>>
      %dma_wait3A_28 = arith.constant 0 : i32
      %dma_wait3A_29 = arith.constant 0 : i32
      %dma_wait3A_30 = tpu.memref_slice %arg3[%add3A, %dma_wait3A_28, %dma_wait3A_29] : memref<32x79x128xi32, #tpu.memory_space<hbm>> -> memref<1x79x128xi32, #tpu.memory_space<hbm>>
      %dma_wait3A_31 = tpu.memref_squeeze %dma_wait3A_30 : memref<1x79x128xi32, #tpu.memory_space<hbm>> -> memref<79x128xi32, #tpu.memory_space<hbm>>
      tpu.wait_dma2 semaphore(%run_scoped3A : memref<!tpu.dma_semaphore, #tpu.memory_space<semaphore_mem>>) src(%dma_wait3A_31 : memref<79x128xi32, #tpu.memory_space<hbm>>) dst(%arg7 : memref<79x128xi32, #tpu.memory_space<vmem>>)
      tpu.yield
    }) : () -> ()
    "tpu.region"() ({
      %run_scoped3A = tpu.sem_alloc : memref<!tpu.dma_semaphore, #tpu.memory_space<semaphore_mem>>
      %dma_start3A = arith.constant 0 : i32
      %dma_start3A_18 = arith.constant 0 : i32
      %dma_start3A_19 = tpu.memref_slice %arg4[%add3A, %dma_start3A, %dma_start3A_18] : memref<32x79x128xi32, #tpu.memory_space<hbm>> -> memref<1x79x128xi32, #tpu.memory_space<hbm>>
      %dma_start3A_20 = tpu.memref_squeeze %dma_start3A_19 : memref<1x79x128xi32, #tpu.memory_space<hbm>> -> memref<79x128xi32, #tpu.memory_space<hbm>>
      %dma_start3A_21 = arith.constant 0 : i32
      %dma_start3A_22 = arith.constant 0 : i32
      %dma_start3A_23 = tpu.memref_slice %arg4[%add3A, %dma_start3A_21, %dma_start3A_22] : memref<32x79x128xi32, #tpu.memory_space<hbm>> -> memref<1x79x128xi32, #tpu.memory_space<hbm>>
      %dma_start3A_24 = tpu.memref_squeeze %dma_start3A_23 : memref<1x79x128xi32, #tpu.memory_space<hbm>> -> memref<79x128xi32, #tpu.memory_space<hbm>>
      tpu.enqueue_dma source(%dma_start3A_24 : memref<79x128xi32, #tpu.memory_space<hbm>>) target(%arg8 : memref<79x128xi32, #tpu.memory_space<vmem>>) target_semaphore(%run_scoped3A : memref<!tpu.dma_semaphore, #tpu.memory_space<semaphore_mem>>)
      %dma_wait3A = arith.constant 0 : i32
      %dma_wait3A_25 = arith.constant 0 : i32
      %dma_wait3A_26 = tpu.memref_slice %arg4[%add3A, %dma_wait3A, %dma_wait3A_25] : memref<32x79x128xi32, #tpu.memory_space<hbm>> -> memref<1x79x128xi32, #tpu.memory_space<hbm>>
      %dma_wait3A_27 = tpu.memref_squeeze %dma_wait3A_26 : memref<1x79x128xi32, #tpu.memory_space<hbm>> -> memref<79x128xi32, #tpu.memory_space<hbm>>
      %dma_wait3A_28 = arith.constant 0 : i32
      %dma_wait3A_29 = arith.constant 0 : i32
      %dma_wait3A_30 = tpu.memref_slice %arg4[%add3A, %dma_wait3A_28, %dma_wait3A_29] : memref<32x79x128xi32, #tpu.memory_space<hbm>> -> memref<1x79x128xi32, #tpu.memory_space<hbm>>
      %dma_wait3A_31 = tpu.memref_squeeze %dma_wait3A_30 : memref<1x79x128xi32, #tpu.memory_space<hbm>> -> memref<79x128xi32, #tpu.memory_space<hbm>>
      tpu.wait_dma2 semaphore(%run_scoped3A : memref<!tpu.dma_semaphore, #tpu.memory_space<semaphore_mem>>) src(%dma_wait3A_31 : memref<79x128xi32, #tpu.memory_space<hbm>>) dst(%arg8 : memref<79x128xi32, #tpu.memory_space<vmem>>)
      tpu.yield
    }) : () -> ()
    %mul3A_1 = arith.constant 632 : i32
    %mul3A_2 = arith.muli %arg1, %mul3A_1 : i32
    %mul3A_3 = arith.constant 632 : i32
    %mul3A_4 = arith.muli %arg1, %mul3A_3 : i32
    "tpu.region"() ({
      %run_scoped3A = tpu.sem_alloc : memref<!tpu.dma_semaphore, #tpu.memory_space<semaphore_mem>>
      %dma_start3A = arith.constant 0 : i32
      %dma_start3A_18 = tpu.memref_slice %arg10[%mul3A_4, %dma_start3A] : memref<10112x128xf32, #tpu.memory_space<vmem_shared>> -> memref<632x128xf32, #tpu.memory_space<vmem_shared>>
      %dma_start3A_19 = arith.constant 0 : i32
      %dma_start3A_20 = tpu.memref_slice %arg5[%mul3A_2, %dma_start3A_19] : memref<10112x128xf32, #tpu.memory_space<hbm>> -> memref<632x128xf32, #tpu.memory_space<hbm>>
      tpu.enqueue_dma source(%dma_start3A_20 : memref<632x128xf32, #tpu.memory_space<hbm>>) target(%dma_start3A_18 : memref<632x128xf32, #tpu.memory_space<vmem_shared>>) target_semaphore(%run_scoped3A : memref<!tpu.dma_semaphore, #tpu.memory_space<semaphore_mem>>)
      %dma_wait3A = arith.constant 0 : i32
      %dma_wait3A_21 = tpu.memref_slice %arg10[%mul3A_4, %dma_wait3A] : memref<10112x128xf32, #tpu.memory_space<vmem_shared>> -> memref<632x128xf32, #tpu.memory_space<vmem_shared>>
      %dma_wait3A_22 = arith.constant 0 : i32
      %dma_wait3A_23 = tpu.memref_slice %arg5[%mul3A_2, %dma_wait3A_22] : memref<10112x128xf32, #tpu.memory_space<hbm>> -> memref<632x128xf32, #tpu.memory_space<hbm>>
      tpu.wait_dma2 semaphore(%run_scoped3A : memref<!tpu.dma_semaphore, #tpu.memory_space<semaphore_mem>>) src(%dma_wait3A_23 : memref<632x128xf32, #tpu.memory_space<hbm>>) dst(%dma_wait3A_21 : memref<632x128xf32, #tpu.memory_space<vmem_shared>>)
      tpu.yield
    }) : () -> ()
    %barrier3A = arith.constant 0 : index
    tpu.barrier barrier_id(%barrier3A)
    %scan3A = arith.constant 0 : i32
    %scan3A_5 = arith.constant 0 : i32
    %scan3A_6 = arith.constant 79 : i32
    %scan3A_7 = arith.addi %scan3A_5, %scan3A_6 : i32
    %scan3A_8 = arith.constant 1 : i32
    scf.for %scan3A_18 = %scan3A_5 to %scan3A_7 step %scan3A_8  : i32 {
      %dma_start3A = arith.constant 0 : i32
      %dma_start3A_19 = tpu.memref_slice %arg7[%scan3A_18, %dma_start3A] : memref<79x128xi32, #tpu.memory_space<vmem>> -> memref<1x128xi32, #tpu.memory_space<vmem>>
      %dma_start3A_20 = tpu.memref_squeeze %dma_start3A_19 : memref<1x128xi32, #tpu.memory_space<vmem>> -> memref<128xi32, #tpu.memory_space<vmem>>
      %dma_start3A_21 = arith.constant 0 : i32
      %dma_start3A_22 = arith.constant 0 : i32
      %dma_start3A_23 = tpu.memref_slice %arg2[%dma_start3A_21, %dma_start3A_22] : memref<10112x128xf32, #tpu.memory_space<hbm>> -> memref<10112x128xf32, #tpu.memory_space<hbm>>
      tpu.enqueue_indirect_dma source(%dma_start3A_23 : memref<10112x128xf32, #tpu.memory_space<hbm>>) target(%arg9 : memref<128x128xf32, #tpu.memory_space<vmem>>) offsets(%dma_start3A_20 : memref<128xi32, #tpu.memory_space<vmem>>) semaphore(%arg11 : memref<!tpu.dma_semaphore, #tpu.memory_space<semaphore_mem>>)
      %dma_wait3A = arith.constant 0 : i32
      %dma_wait3A_24 = tpu.memref_slice %arg7[%scan3A_18, %dma_wait3A] : memref<79x128xi32, #tpu.memory_space<vmem>> -> memref<1x128xi32, #tpu.memory_space<vmem>>
      %dma_wait3A_25 = tpu.memref_squeeze %dma_wait3A_24 : memref<1x128xi32, #tpu.memory_space<vmem>> -> memref<128xi32, #tpu.memory_space<vmem>>
      %dma_wait3A_26 = arith.constant 0 : i32
      %dma_wait3A_27 = arith.constant 0 : i32
      %dma_wait3A_28 = tpu.memref_slice %arg2[%dma_wait3A_26, %dma_wait3A_27] : memref<10112x128xf32, #tpu.memory_space<hbm>> -> memref<10112x128xf32, #tpu.memory_space<hbm>>
      tpu.wait_indirect_dma semaphore(%arg11 : memref<!tpu.dma_semaphore, #tpu.memory_space<semaphore_mem>>) src(%dma_wait3A_28 : memref<10112x128xf32, #tpu.memory_space<hbm>>) dst(%arg9 : memref<128x128xf32, #tpu.memory_space<vmem>>)
      "tpu.region"() ({
        %run_scoped3A = tpu.sem_alloc : memref<!tpu.dma_semaphore, #tpu.memory_space<semaphore_mem>>
        %dma_start3A_29 = arith.constant 0 : i32
        %dma_start3A_30 = tpu.memref_slice %arg8[%scan3A_18, %dma_start3A_29] : memref<79x128xi32, #tpu.memory_space<vmem>> -> memref<1x128xi32, #tpu.memory_space<vmem>>
        %dma_start3A_31 = tpu.memref_squeeze %dma_start3A_30 : memref<1x128xi32, #tpu.memory_space<vmem>> -> memref<128xi32, #tpu.memory_space<vmem>>
        %dma_start3A_32 = arith.constant 0 : i32
        %dma_start3A_33 = arith.constant 0 : i32
        %dma_start3A_34 = tpu.memref_slice %arg10[%dma_start3A_32, %dma_start3A_33] : memref<10112x128xf32, #tpu.memory_space<vmem_shared>> -> memref<10112x128xf32, #tpu.memory_space<vmem_shared>>
        tpu.enqueue_indirect_dma source(%arg9 : memref<128x128xf32, #tpu.memory_space<vmem>>) target(%dma_start3A_34 : memref<10112x128xf32, #tpu.memory_space<vmem_shared>>) offsets(%dma_start3A_31 : memref<128xi32, #tpu.memory_space<vmem>>) semaphore(%run_scoped3A : memref<!tpu.dma_semaphore, #tpu.memory_space<semaphore_mem>>) {add = true}
        %dma_wait3A_35 = arith.constant 0 : i32
        %dma_wait3A_36 = tpu.memref_slice %arg8[%scan3A_18, %dma_wait3A_35] : memref<79x128xi32, #tpu.memory_space<vmem>> -> memref<1x128xi32, #tpu.memory_space<vmem>>
        %dma_wait3A_37 = tpu.memref_squeeze %dma_wait3A_36 : memref<1x128xi32, #tpu.memory_space<vmem>> -> memref<128xi32, #tpu.memory_space<vmem>>
        %dma_wait3A_38 = arith.constant 0 : i32
        %dma_wait3A_39 = arith.constant 0 : i32
        %dma_wait3A_40 = tpu.memref_slice %arg10[%dma_wait3A_38, %dma_wait3A_39] : memref<10112x128xf32, #tpu.memory_space<vmem_shared>> -> memref<10112x128xf32, #tpu.memory_space<vmem_shared>>
        tpu.wait_indirect_dma semaphore(%run_scoped3A : memref<!tpu.dma_semaphore, #tpu.memory_space<semaphore_mem>>) src(%arg9 : memref<128x128xf32, #tpu.memory_space<vmem>>) dst(%dma_wait3A_40 : memref<10112x128xf32, #tpu.memory_space<vmem_shared>>)
        tpu.yield
      }) : () -> ()
    }
    %scan3A_9 = arith.constant 79 : i32
    %barrier3A_10 = arith.constant 0 : index
    tpu.barrier barrier_id(%barrier3A_10)
    %mul3A_11 = arith.constant 632 : i32
    %mul3A_12 = arith.muli %arg1, %mul3A_11 : i32
    %mul3A_13 = arith.constant 10112 : i32
    %mul3A_14 = arith.muli %arg0, %mul3A_13 : i32
    %mul3A_15 = arith.constant 632 : i32
    %mul3A_16 = arith.muli %arg1, %mul3A_15 : i32
    %add3A_17 = arith.addi %mul3A_14, %mul3A_16 : i32
    "tpu.region"() ({
      %run_scoped3A = tpu.sem_alloc : memref<!tpu.dma_semaphore, #tpu.memory_space<semaphore_mem>>
      %dma_start3A = arith.constant 0 : i32
      %dma_start3A_18 = tpu.memref_slice %arg6[%add3A_17, %dma_start3A] : memref<20224x128xf32, #tpu.memory_space<hbm>> -> memref<632x128xf32, #tpu.memory_space<hbm>>
      %dma_start3A_19 = arith.constant 0 : i32
      %dma_start3A_20 = tpu.memref_slice %arg10[%mul3A_12, %dma_start3A_19] : memref<10112x128xf32, #tpu.memory_space<vmem_shared>> -> memref<632x128xf32, #tpu.memory_space<vmem_shared>>
      tpu.enqueue_dma source(%dma_start3A_20 : memref<632x128xf32, #tpu.memory_space<vmem_shared>>) target(%dma_start3A_18 : memref<632x128xf32, #tpu.memory_space<hbm>>) target_semaphore(%run_scoped3A : memref<!tpu.dma_semaphore, #tpu.memory_space<semaphore_mem>>)
      %dma_wait3A = arith.constant 0 : i32
      %dma_wait3A_21 = tpu.memref_slice %arg6[%add3A_17, %dma_wait3A] : memref<20224x128xf32, #tpu.memory_space<hbm>> -> memref<632x128xf32, #tpu.memory_space<hbm>>
      %dma_wait3A_22 = arith.constant 0 : i32
      %dma_wait3A_23 = tpu.memref_slice %arg10[%mul3A_12, %dma_wait3A_22] : memref<10112x128xf32, #tpu.memory_space<vmem_shared>> -> memref<632x128xf32, #tpu.memory_space<vmem_shared>>
      tpu.wait_dma2 semaphore(%run_scoped3A : memref<!tpu.dma_semaphore, #tpu.memory_space<semaphore_mem>>) src(%dma_wait3A_23 : memref<632x128xf32, #tpu.memory_space<vmem_shared>>) dst(%dma_wait3A_21 : memref<632x128xf32, #tpu.memory_space<hbm>>)
      tpu.yield
    }) : () -> ()
    return
  }
}

#map = affine_map<(d0, d1) -> (0, 0)>
#map1 = affine_map<(d0, d1) -> (0, 0, 0)>
module attributes {stable_mosaic.version = 14 : i64} {
  func.func @body(%arg0: i32, %arg1: i32, %arg2: memref<10112x128xf32, #tpu.memory_space<hbm>>, %arg3: memref<32x79x128xi32, #tpu.memory_space<hbm>>, %arg4: memref<32x79x128xi32, #tpu.memory_space<hbm>>, %arg5: memref<10112x128xf32, #tpu.memory_space<hbm>>, %arg6: memref<20224x128xf32, #tpu.memory_space<hbm>>, %arg7: memref<79x128xi32, #tpu.memory_space<vmem>>, %arg8: memref<79x128xi32, #tpu.memory_space<vmem>>, %arg9: memref<128x128xf32, #tpu.memory_space<vmem>>, %arg10: memref<10112x128xf32, #tpu.memory_space<vmem_shared>>, %arg11: memref<!tpu.dma_semaphore, #tpu.memory_space<semaphore_mem>>) attributes {dimension_semantics = [#tpu.dimension_semantics<core_parallel>, #tpu.dimension_semantics<subcore_parallel>], iteration_bounds = array<i64: 2, 16>, scalar_prefetch = 0 : i64, scratch_operands = 5 : i64, tpu.core_type = #tpu.core_type<sc_vector_subcore>, window_params = [{transform_indices = #map}, {transform_indices = #map1}, {transform_indices = #map1}, {transform_indices = #map}, {transform_indices = #map}]} {
    %mul3A = arith.constant 16 : i32
    %mul3A_0 = arith.muli %arg0, %mul3A : i32
    %add3A = arith.addi %mul3A_0, %arg1 : i32
    "tpu.region"() ({
      %run_scoped3A = tpu.sem_alloc : memref<!tpu.dma_semaphore, #tpu.memory_space<semaphore_mem>>
      %dma_start3A = arith.constant 0 : i32
      %dma_start3A_18 = arith.constant 0 : i32
      %dma_start3A_19 = tpu.memref_slice %arg3[%add3A, %dma_start3A, %dma_start3A_18] : memref<32x79x128xi32, #tpu.memory_space<hbm>> -> memref<1x79x128xi32, #tpu.memory_space<hbm>>
      %dma_start3A_20 = tpu.memref_squeeze %dma_start3A_19 : memref<1x79x128xi32, #tpu.memory_space<hbm>> -> memref<79x128xi32, #tpu.memory_space<hbm>>
      %dma_start3A_21 = arith.constant 0 : i32
      %dma_start3A_22 = arith.constant 0 : i32
      %dma_start3A_23 = tpu.memref_slice %arg3[%add3A, %dma_start3A_21, %dma_start3A_22] : memref<32x79x128xi32, #tpu.memory_space<hbm>> -> memref<1x79x128xi32, #tpu.memory_space<hbm>>
      %dma_start3A_24 = tpu.memref_squeeze %dma_start3A_23 : memref<1x79x128xi32, #tpu.memory_space<hbm>> -> memref<79x128xi32, #tpu.memory_space<hbm>>
      tpu.enqueue_dma source(%dma_start3A_24 : memref<79x128xi32, #tpu.memory_space<hbm>>) target(%arg7 : memref<79x128xi32, #tpu.memory_space<vmem>>) target_semaphore(%run_scoped3A : memref<!tpu.dma_semaphore, #tpu.memory_space<semaphore_mem>>)
      %dma_wait3A = arith.constant 0 : i32
      %dma_wait3A_25 = arith.constant 0 : i32
      %dma_wait3A_26 = tpu.memref_slice %arg3[%add3A, %dma_wait3A, %dma_wait3A_25] : memref<32x79x128xi32, #tpu.memory_space<hbm>> -> memref<1x79x128xi32, #tpu.memory_space<hbm>>
      %dma_wait3A_27 = tpu.memref_squeeze %dma_wait3A_26 : memref<1x79x128xi32, #tpu.memory_space<hbm>> -> memref<79x128xi32, #tpu.memory_space<hbm>>
      %dma_wait3A_28 = arith.constant 0 : i32
      %dma_wait3A_29 = arith.constant 0 : i32
      %dma_wait3A_30 = tpu.memref_slice %arg3[%add3A, %dma_wait3A_28, %dma_wait3A_29] : memref<32x79x128xi32, #tpu.memory_space<hbm>> -> memref<1x79x128xi32, #tpu.memory_space<hbm>>
      %dma_wait3A_31 = tpu.memref_squeeze %dma_wait3A_30 : memref<1x79x128xi32, #tpu.memory_space<hbm>> -> memref<79x128xi32, #tpu.memory_space<hbm>>
      tpu.wait_dma2 semaphore(%run_scoped3A : memref<!tpu.dma_semaphore, #tpu.memory_space<semaphore_mem>>) src(%dma_wait3A_31 : memref<79x128xi32, #tpu.memory_space<hbm>>) dst(%arg7 : memref<79x128xi32, #tpu.memory_space<vmem>>)
      tpu.yield
    }) : () -> ()
    "tpu.region"() ({
      %run_scoped3A = tpu.sem_alloc : memref<!tpu.dma_semaphore, #tpu.memory_space<semaphore_mem>>
      %dma_start3A = arith.constant 0 : i32
      %dma_start3A_18 = arith.constant 0 : i32
      %dma_start3A_19 = tpu.memref_slice %arg4[%add3A, %dma_start3A, %dma_start3A_18] : memref<32x79x128xi32, #tpu.memory_space<hbm>> -> memref<1x79x128xi32, #tpu.memory_space<hbm>>
      %dma_start3A_20 = tpu.memref_squeeze %dma_start3A_19 : memref<1x79x128xi32, #tpu.memory_space<hbm>> -> memref<79x128xi32, #tpu.memory_space<hbm>>
      %dma_start3A_21 = arith.constant 0 : i32
      %dma_start3A_22 = arith.constant 0 : i32
      %dma_start3A_23 = tpu.memref_slice %arg4[%add3A, %dma_start3A_21, %dma_start3A_22] : memref<32x79x128xi32, #tpu.memory_space<hbm>> -> memref<1x79x128xi32, #tpu.memory_space<hbm>>
      %dma_start3A_24 = tpu.memref_squeeze %dma_start3A_23 : memref<1x79x128xi32, #tpu.memory_space<hbm>> -> memref<79x128xi32, #tpu.memory_space<hbm>>
      tpu.enqueue_dma source(%dma_start3A_24 : memref<79x128xi32, #tpu.memory_space<hbm>>) target(%arg8 : memref<79x128xi32, #tpu.memory_space<vmem>>) target_semaphore(%run_scoped3A : memref<!tpu.dma_semaphore, #tpu.memory_space<semaphore_mem>>)
      %dma_wait3A = arith.constant 0 : i32
      %dma_wait3A_25 = arith.constant 0 : i32
      %dma_wait3A_26 = tpu.memref_slice %arg4[%add3A, %dma_wait3A, %dma_wait3A_25] : memref<32x79x128xi32, #tpu.memory_space<hbm>> -> memref<1x79x128xi32, #tpu.memory_space<hbm>>
      %dma_wait3A_27 = tpu.memref_squeeze %dma_wait3A_26 : memref<1x79x128xi32, #tpu.memory_space<hbm>> -> memref<79x128xi32, #tpu.memory_space<hbm>>
      %dma_wait3A_28 = arith.constant 0 : i32
      %dma_wait3A_29 = arith.constant 0 : i32
      %dma_wait3A_30 = tpu.memref_slice %arg4[%add3A, %dma_wait3A_28, %dma_wait3A_29] : memref<32x79x128xi32, #tpu.memory_space<hbm>> -> memref<1x79x128xi32, #tpu.memory_space<hbm>>
      %dma_wait3A_31 = tpu.memref_squeeze %dma_wait3A_30 : memref<1x79x128xi32, #tpu.memory_space<hbm>> -> memref<79x128xi32, #tpu.memory_space<hbm>>
      tpu.wait_dma2 semaphore(%run_scoped3A : memref<!tpu.dma_semaphore, #tpu.memory_space<semaphore_mem>>) src(%dma_wait3A_31 : memref<79x128xi32, #tpu.memory_space<hbm>>) dst(%arg8 : memref<79x128xi32, #tpu.memory_space<vmem>>)
      tpu.yield
    }) : () -> ()
    %mul3A_1 = arith.constant 632 : i32
    %mul3A_2 = arith.muli %arg1, %mul3A_1 : i32
    %mul3A_3 = arith.constant 632 : i32
    %mul3A_4 = arith.muli %arg1, %mul3A_3 : i32
    "tpu.region"() ({
      %run_scoped3A = tpu.sem_alloc : memref<!tpu.dma_semaphore, #tpu.memory_space<semaphore_mem>>
      %dma_start3A = arith.constant 0 : i32
      %dma_start3A_18 = tpu.memref_slice %arg10[%mul3A_4, %dma_start3A] : memref<10112x128xf32, #tpu.memory_space<vmem_shared>> -> memref<632x128xf32, #tpu.memory_space<vmem_shared>>
      %dma_start3A_19 = arith.constant 0 : i32
      %dma_start3A_20 = tpu.memref_slice %arg5[%mul3A_2, %dma_start3A_19] : memref<10112x128xf32, #tpu.memory_space<hbm>> -> memref<632x128xf32, #tpu.memory_space<hbm>>
      tpu.enqueue_dma source(%dma_start3A_20 : memref<632x128xf32, #tpu.memory_space<hbm>>) target(%dma_start3A_18 : memref<632x128xf32, #tpu.memory_space<vmem_shared>>) target_semaphore(%run_scoped3A : memref<!tpu.dma_semaphore, #tpu.memory_space<semaphore_mem>>)
      %dma_wait3A = arith.constant 0 : i32
      %dma_wait3A_21 = tpu.memref_slice %arg10[%mul3A_4, %dma_wait3A] : memref<10112x128xf32, #tpu.memory_space<vmem_shared>> -> memref<632x128xf32, #tpu.memory_space<vmem_shared>>
      %dma_wait3A_22 = arith.constant 0 : i32
      %dma_wait3A_23 = tpu.memref_slice %arg5[%mul3A_2, %dma_wait3A_22] : memref<10112x128xf32, #tpu.memory_space<hbm>> -> memref<632x128xf32, #tpu.memory_space<hbm>>
      tpu.wait_dma2 semaphore(%run_scoped3A : memref<!tpu.dma_semaphore, #tpu.memory_space<semaphore_mem>>) src(%dma_wait3A_23 : memref<632x128xf32, #tpu.memory_space<hbm>>) dst(%dma_wait3A_21 : memref<632x128xf32, #tpu.memory_space<vmem_shared>>)
      tpu.yield
    }) : () -> ()
    %barrier3A = arith.constant 0 : index
    tpu.barrier barrier_id(%barrier3A)
    %scan3A = arith.constant 0 : i32
    %scan3A_5 = arith.constant 0 : i32
    %scan3A_6 = arith.constant 79 : i32
    %scan3A_7 = arith.addi %scan3A_5, %scan3A_6 : i32
    %scan3A_8 = arith.constant 1 : i32
    scf.for %scan3A_18 = %scan3A_5 to %scan3A_7 step %scan3A_8  : i32 {
      %dma_start3A = arith.constant 0 : i32
      %dma_start3A_19 = tpu.memref_slice %arg7[%scan3A_18, %dma_start3A] : memref<79x128xi32, #tpu.memory_space<vmem>> -> memref<1x128xi32, #tpu.memory_space<vmem>>
      %dma_start3A_20 = tpu.memref_squeeze %dma_start3A_19 : memref<1x128xi32, #tpu.memory_space<vmem>> -> memref<128xi32, #tpu.memory_space<vmem>>
      %dma_start3A_21 = arith.constant 0 : i32
      %dma_start3A_22 = arith.constant 0 : i32
      %dma_start3A_23 = tpu.memref_slice %arg2[%dma_start3A_21, %dma_start3A_22] : memref<10112x128xf32, #tpu.memory_space<hbm>> -> memref<10112x128xf32, #tpu.memory_space<hbm>>
      tpu.enqueue_indirect_dma source(%dma_start3A_23 : memref<10112x128xf32, #tpu.memory_space<hbm>>) target(%arg9 : memref<128x128xf32, #tpu.memory_space<vmem>>) offsets(%dma_start3A_20 : memref<128xi32, #tpu.memory_space<vmem>>) semaphore(%arg11 : memref<!tpu.dma_semaphore, #tpu.memory_space<semaphore_mem>>)
      %dma_wait3A = arith.constant 0 : i32
      %dma_wait3A_24 = tpu.memref_slice %arg7[%scan3A_18, %dma_wait3A] : memref<79x128xi32, #tpu.memory_space<vmem>> -> memref<1x128xi32, #tpu.memory_space<vmem>>
      %dma_wait3A_25 = tpu.memref_squeeze %dma_wait3A_24 : memref<1x128xi32, #tpu.memory_space<vmem>> -> memref<128xi32, #tpu.memory_space<vmem>>
      %dma_wait3A_26 = arith.constant 0 : i32
      %dma_wait3A_27 = arith.constant 0 : i32
      %dma_wait3A_28 = tpu.memref_slice %arg2[%dma_wait3A_26, %dma_wait3A_27] : memref<10112x128xf32, #tpu.memory_space<hbm>> -> memref<10112x128xf32, #tpu.memory_space<hbm>>
      tpu.wait_indirect_dma semaphore(%arg11 : memref<!tpu.dma_semaphore, #tpu.memory_space<semaphore_mem>>) src(%dma_wait3A_28 : memref<10112x128xf32, #tpu.memory_space<hbm>>) dst(%arg9 : memref<128x128xf32, #tpu.memory_space<vmem>>)
      "tpu.region"() ({
        %run_scoped3A = tpu.sem_alloc : memref<!tpu.dma_semaphore, #tpu.memory_space<semaphore_mem>>
        %dma_start3A_29 = arith.constant 0 : i32
        %dma_start3A_30 = tpu.memref_slice %arg8[%scan3A_18, %dma_start3A_29] : memref<79x128xi32, #tpu.memory_space<vmem>> -> memref<1x128xi32, #tpu.memory_space<vmem>>
        %dma_start3A_31 = tpu.memref_squeeze %dma_start3A_30 : memref<1x128xi32, #tpu.memory_space<vmem>> -> memref<128xi32, #tpu.memory_space<vmem>>
        %dma_start3A_32 = arith.constant 0 : i32
        %dma_start3A_33 = arith.constant 0 : i32
        %dma_start3A_34 = tpu.memref_slice %arg10[%dma_start3A_32, %dma_start3A_33] : memref<10112x128xf32, #tpu.memory_space<vmem_shared>> -> memref<10112x128xf32, #tpu.memory_space<vmem_shared>>
        tpu.enqueue_indirect_dma source(%arg9 : memref<128x128xf32, #tpu.memory_space<vmem>>) target(%dma_start3A_34 : memref<10112x128xf32, #tpu.memory_space<vmem_shared>>) offsets(%dma_start3A_31 : memref<128xi32, #tpu.memory_space<vmem>>) semaphore(%run_scoped3A : memref<!tpu.dma_semaphore, #tpu.memory_space<semaphore_mem>>) {add = true}
        %dma_wait3A_35 = arith.constant 0 : i32
        %dma_wait3A_36 = tpu.memref_slice %arg8[%scan3A_18, %dma_wait3A_35] : memref<79x128xi32, #tpu.memory_space<vmem>> -> memref<1x128xi32, #tpu.memory_space<vmem>>
        %dma_wait3A_37 = tpu.memref_squeeze %dma_wait3A_36 : memref<1x128xi32, #tpu.memory_space<vmem>> -> memref<128xi32, #tpu.memory_space<vmem>>
        %dma_wait3A_38 = arith.constant 0 : i32
        %dma_wait3A_39 = arith.constant 0 : i32
        %dma_wait3A_40 = tpu.memref_slice %arg10[%dma_wait3A_38, %dma_wait3A_39] : memref<10112x128xf32, #tpu.memory_space<vmem_shared>> -> memref<10112x128xf32, #tpu.memory_space<vmem_shared>>
        tpu.wait_indirect_dma semaphore(%run_scoped3A : memref<!tpu.dma_semaphore, #tpu.memory_space<semaphore_mem>>) src(%arg9 : memref<128x128xf32, #tpu.memory_space<vmem>>) dst(%dma_wait3A_40 : memref<10112x128xf32, #tpu.memory_space<vmem_shared>>)
        tpu.yield
      }) : () -> ()
    }
    %scan3A_9 = arith.constant 79 : i32
    %barrier3A_10 = arith.constant 0 : index
    tpu.barrier barrier_id(%barrier3A_10)
    %mul3A_11 = arith.constant 632 : i32
    %mul3A_12 = arith.muli %arg1, %mul3A_11 : i32
    %mul3A_13 = arith.constant 10112 : i32
    %mul3A_14 = arith.muli %arg0, %mul3A_13 : i32
    %mul3A_15 = arith.constant 632 : i32
    %mul3A_16 = arith.muli %arg1, %mul3A_15 : i32
    %add3A_17 = arith.addi %mul3A_14, %mul3A_16 : i32
    "tpu.region"() ({
      %run_scoped3A = tpu.sem_alloc : memref<!tpu.dma_semaphore, #tpu.memory_space<semaphore_mem>>
      %dma_start3A = arith.constant 0 : i32
      %dma_start3A_18 = tpu.memref_slice %arg6[%add3A_17, %dma_start3A] : memref<20224x128xf32, #tpu.memory_space<hbm>> -> memref<632x128xf32, #tpu.memory_space<hbm>>
      %dma_start3A_19 = arith.constant 0 : i32
      %dma_start3A_20 = tpu.memref_slice %arg10[%mul3A_12, %dma_start3A_19] : memref<10112x128xf32, #tpu.memory_space<vmem_shared>> -> memref<632x128xf32, #tpu.memory_space<vmem_shared>>
      tpu.enqueue_dma source(%dma_start3A_20 : memref<632x128xf32, #tpu.memory_space<vmem_shared>>) target(%dma_start3A_18 : memref<632x128xf32, #tpu.memory_space<hbm>>) target_semaphore(%run_scoped3A : memref<!tpu.dma_semaphore, #tpu.memory_space<semaphore_mem>>)
      %dma_wait3A = arith.constant 0 : i32
      %dma_wait3A_21 = tpu.memref_slice %arg6[%add3A_17, %dma_wait3A] : memref<20224x128xf32, #tpu.memory_space<hbm>> -> memref<632x128xf32, #tpu.memory_space<hbm>>
      %dma_wait3A_22 = arith.constant 0 : i32
      %dma_wait3A_23 = tpu.memref_slice %arg10[%mul3A_12, %dma_wait3A_22] : memref<10112x128xf32, #tpu.memory_space<vmem_shared>> -> memref<632x128xf32, #tpu.memory_space<vmem_shared>>
      tpu.wait_dma2 semaphore(%run_scoped3A : memref<!tpu.dma_semaphore, #tpu.memory_space<semaphore_mem>>) src(%dma_wait3A_23 : memref<632x128xf32, #tpu.memory_space<vmem_shared>>) dst(%dma_wait3A_21 : memref<632x128xf32, #tpu.memory_space<hbm>>)
      tpu.yield
    }) : () -> ()
    return
  }
}

#map = affine_map<(d0, d1) -> (0, 0)>
#map1 = affine_map<(d0, d1) -> (0, 0, 0)>
module attributes {stable_mosaic.version = 14 : i64} {
  func.func @body(%arg0: i32, %arg1: i32, %arg2: memref<10112x128xf32, #tpu.memory_space<hbm>>, %arg3: memref<32x79x128xi32, #tpu.memory_space<hbm>>, %arg4: memref<32x79x128xi32, #tpu.memory_space<hbm>>, %arg5: memref<10112x128xf32, #tpu.memory_space<hbm>>, %arg6: memref<20224x128xf32, #tpu.memory_space<hbm>>, %arg7: memref<79x128xi32, #tpu.memory_space<vmem>>, %arg8: memref<79x128xi32, #tpu.memory_space<vmem>>, %arg9: memref<128x128xf32, #tpu.memory_space<vmem>>, %arg10: memref<10112x128xf32, #tpu.memory_space<vmem_shared>>, %arg11: memref<!tpu.dma_semaphore, #tpu.memory_space<semaphore_mem>>) attributes {dimension_semantics = [#tpu.dimension_semantics<core_parallel>, #tpu.dimension_semantics<subcore_parallel>], iteration_bounds = array<i64: 2, 16>, scalar_prefetch = 0 : i64, scratch_operands = 5 : i64, tpu.core_type = #tpu.core_type<sc_vector_subcore>, window_params = [{transform_indices = #map}, {transform_indices = #map1}, {transform_indices = #map1}, {transform_indices = #map}, {transform_indices = #map}]} {
    %mul3A = arith.constant 16 : i32
    %mul3A_0 = arith.muli %arg0, %mul3A : i32
    %add3A = arith.addi %mul3A_0, %arg1 : i32
    "tpu.region"() ({
      %run_scoped3A = tpu.sem_alloc : memref<!tpu.dma_semaphore, #tpu.memory_space<semaphore_mem>>
      %dma_start3A = arith.constant 0 : i32
      %dma_start3A_18 = arith.constant 0 : i32
      %dma_start3A_19 = tpu.memref_slice %arg3[%add3A, %dma_start3A, %dma_start3A_18] : memref<32x79x128xi32, #tpu.memory_space<hbm>> -> memref<1x79x128xi32, #tpu.memory_space<hbm>>
      %dma_start3A_20 = tpu.memref_squeeze %dma_start3A_19 : memref<1x79x128xi32, #tpu.memory_space<hbm>> -> memref<79x128xi32, #tpu.memory_space<hbm>>
      %dma_start3A_21 = arith.constant 0 : i32
      %dma_start3A_22 = arith.constant 0 : i32
      %dma_start3A_23 = tpu.memref_slice %arg3[%add3A, %dma_start3A_21, %dma_start3A_22] : memref<32x79x128xi32, #tpu.memory_space<hbm>> -> memref<1x79x128xi32, #tpu.memory_space<hbm>>
      %dma_start3A_24 = tpu.memref_squeeze %dma_start3A_23 : memref<1x79x128xi32, #tpu.memory_space<hbm>> -> memref<79x128xi32, #tpu.memory_space<hbm>>
      tpu.enqueue_dma source(%dma_start3A_24 : memref<79x128xi32, #tpu.memory_space<hbm>>) target(%arg7 : memref<79x128xi32, #tpu.memory_space<vmem>>) target_semaphore(%run_scoped3A : memref<!tpu.dma_semaphore, #tpu.memory_space<semaphore_mem>>)
      %dma_wait3A = arith.constant 0 : i32
      %dma_wait3A_25 = arith.constant 0 : i32
      %dma_wait3A_26 = tpu.memref_slice %arg3[%add3A, %dma_wait3A, %dma_wait3A_25] : memref<32x79x128xi32, #tpu.memory_space<hbm>> -> memref<1x79x128xi32, #tpu.memory_space<hbm>>
      %dma_wait3A_27 = tpu.memref_squeeze %dma_wait3A_26 : memref<1x79x128xi32, #tpu.memory_space<hbm>> -> memref<79x128xi32, #tpu.memory_space<hbm>>
      %dma_wait3A_28 = arith.constant 0 : i32
      %dma_wait3A_29 = arith.constant 0 : i32
      %dma_wait3A_30 = tpu.memref_slice %arg3[%add3A, %dma_wait3A_28, %dma_wait3A_29] : memref<32x79x128xi32, #tpu.memory_space<hbm>> -> memref<1x79x128xi32, #tpu.memory_space<hbm>>
      %dma_wait3A_31 = tpu.memref_squeeze %dma_wait3A_30 : memref<1x79x128xi32, #tpu.memory_space<hbm>> -> memref<79x128xi32, #tpu.memory_space<hbm>>
      tpu.wait_dma2 semaphore(%run_scoped3A : memref<!tpu.dma_semaphore, #tpu.memory_space<semaphore_mem>>) src(%dma_wait3A_31 : memref<79x128xi32, #tpu.memory_space<hbm>>) dst(%arg7 : memref<79x128xi32, #tpu.memory_space<vmem>>)
      tpu.yield
    }) : () -> ()
    "tpu.region"() ({
      %run_scoped3A = tpu.sem_alloc : memref<!tpu.dma_semaphore, #tpu.memory_space<semaphore_mem>>
      %dma_start3A = arith.constant 0 : i32
      %dma_start3A_18 = arith.constant 0 : i32
      %dma_start3A_19 = tpu.memref_slice %arg4[%add3A, %dma_start3A, %dma_start3A_18] : memref<32x79x128xi32, #tpu.memory_space<hbm>> -> memref<1x79x128xi32, #tpu.memory_space<hbm>>
      %dma_start3A_20 = tpu.memref_squeeze %dma_start3A_19 : memref<1x79x128xi32, #tpu.memory_space<hbm>> -> memref<79x128xi32, #tpu.memory_space<hbm>>
      %dma_start3A_21 = arith.constant 0 : i32
      %dma_start3A_22 = arith.constant 0 : i32
      %dma_start3A_23 = tpu.memref_slice %arg4[%add3A, %dma_start3A_21, %dma_start3A_22] : memref<32x79x128xi32, #tpu.memory_space<hbm>> -> memref<1x79x128xi32, #tpu.memory_space<hbm>>
      %dma_start3A_24 = tpu.memref_squeeze %dma_start3A_23 : memref<1x79x128xi32, #tpu.memory_space<hbm>> -> memref<79x128xi32, #tpu.memory_space<hbm>>
      tpu.enqueue_dma source(%dma_start3A_24 : memref<79x128xi32, #tpu.memory_space<hbm>>) target(%arg8 : memref<79x128xi32, #tpu.memory_space<vmem>>) target_semaphore(%run_scoped3A : memref<!tpu.dma_semaphore, #tpu.memory_space<semaphore_mem>>)
      %dma_wait3A = arith.constant 0 : i32
      %dma_wait3A_25 = arith.constant 0 : i32
      %dma_wait3A_26 = tpu.memref_slice %arg4[%add3A, %dma_wait3A, %dma_wait3A_25] : memref<32x79x128xi32, #tpu.memory_space<hbm>> -> memref<1x79x128xi32, #tpu.memory_space<hbm>>
      %dma_wait3A_27 = tpu.memref_squeeze %dma_wait3A_26 : memref<1x79x128xi32, #tpu.memory_space<hbm>> -> memref<79x128xi32, #tpu.memory_space<hbm>>
      %dma_wait3A_28 = arith.constant 0 : i32
      %dma_wait3A_29 = arith.constant 0 : i32
      %dma_wait3A_30 = tpu.memref_slice %arg4[%add3A, %dma_wait3A_28, %dma_wait3A_29] : memref<32x79x128xi32, #tpu.memory_space<hbm>> -> memref<1x79x128xi32, #tpu.memory_space<hbm>>
      %dma_wait3A_31 = tpu.memref_squeeze %dma_wait3A_30 : memref<1x79x128xi32, #tpu.memory_space<hbm>> -> memref<79x128xi32, #tpu.memory_space<hbm>>
      tpu.wait_dma2 semaphore(%run_scoped3A : memref<!tpu.dma_semaphore, #tpu.memory_space<semaphore_mem>>) src(%dma_wait3A_31 : memref<79x128xi32, #tpu.memory_space<hbm>>) dst(%arg8 : memref<79x128xi32, #tpu.memory_space<vmem>>)
      tpu.yield
    }) : () -> ()
    %mul3A_1 = arith.constant 632 : i32
    %mul3A_2 = arith.muli %arg1, %mul3A_1 : i32
    %mul3A_3 = arith.constant 632 : i32
    %mul3A_4 = arith.muli %arg1, %mul3A_3 : i32
    "tpu.region"() ({
      %run_scoped3A = tpu.sem_alloc : memref<!tpu.dma_semaphore, #tpu.memory_space<semaphore_mem>>
      %dma_start3A = arith.constant 0 : i32
      %dma_start3A_18 = tpu.memref_slice %arg10[%mul3A_4, %dma_start3A] : memref<10112x128xf32, #tpu.memory_space<vmem_shared>> -> memref<632x128xf32, #tpu.memory_space<vmem_shared>>
      %dma_start3A_19 = arith.constant 0 : i32
      %dma_start3A_20 = tpu.memref_slice %arg5[%mul3A_2, %dma_start3A_19] : memref<10112x128xf32, #tpu.memory_space<hbm>> -> memref<632x128xf32, #tpu.memory_space<hbm>>
      tpu.enqueue_dma source(%dma_start3A_20 : memref<632x128xf32, #tpu.memory_space<hbm>>) target(%dma_start3A_18 : memref<632x128xf32, #tpu.memory_space<vmem_shared>>) target_semaphore(%run_scoped3A : memref<!tpu.dma_semaphore, #tpu.memory_space<semaphore_mem>>)
      %dma_wait3A = arith.constant 0 : i32
      %dma_wait3A_21 = tpu.memref_slice %arg10[%mul3A_4, %dma_wait3A] : memref<10112x128xf32, #tpu.memory_space<vmem_shared>> -> memref<632x128xf32, #tpu.memory_space<vmem_shared>>
      %dma_wait3A_22 = arith.constant 0 : i32
      %dma_wait3A_23 = tpu.memref_slice %arg5[%mul3A_2, %dma_wait3A_22] : memref<10112x128xf32, #tpu.memory_space<hbm>> -> memref<632x128xf32, #tpu.memory_space<hbm>>
      tpu.wait_dma2 semaphore(%run_scoped3A : memref<!tpu.dma_semaphore, #tpu.memory_space<semaphore_mem>>) src(%dma_wait3A_23 : memref<632x128xf32, #tpu.memory_space<hbm>>) dst(%dma_wait3A_21 : memref<632x128xf32, #tpu.memory_space<vmem_shared>>)
      tpu.yield
    }) : () -> ()
    %barrier3A = arith.constant 0 : index
    tpu.barrier barrier_id(%barrier3A)
    %scan3A = arith.constant 0 : i32
    %scan3A_5 = arith.constant 0 : i32
    %scan3A_6 = arith.constant 79 : i32
    %scan3A_7 = arith.addi %scan3A_5, %scan3A_6 : i32
    %scan3A_8 = arith.constant 1 : i32
    scf.for %scan3A_18 = %scan3A_5 to %scan3A_7 step %scan3A_8  : i32 {
      %dma_start3A = arith.constant 0 : i32
      %dma_start3A_19 = tpu.memref_slice %arg7[%scan3A_18, %dma_start3A] : memref<79x128xi32, #tpu.memory_space<vmem>> -> memref<1x128xi32, #tpu.memory_space<vmem>>
      %dma_start3A_20 = tpu.memref_squeeze %dma_start3A_19 : memref<1x128xi32, #tpu.memory_space<vmem>> -> memref<128xi32, #tpu.memory_space<vmem>>
      %dma_start3A_21 = arith.constant 0 : i32
      %dma_start3A_22 = arith.constant 0 : i32
      %dma_start3A_23 = tpu.memref_slice %arg2[%dma_start3A_21, %dma_start3A_22] : memref<10112x128xf32, #tpu.memory_space<hbm>> -> memref<10112x128xf32, #tpu.memory_space<hbm>>
      tpu.enqueue_indirect_dma source(%dma_start3A_23 : memref<10112x128xf32, #tpu.memory_space<hbm>>) target(%arg9 : memref<128x128xf32, #tpu.memory_space<vmem>>) offsets(%dma_start3A_20 : memref<128xi32, #tpu.memory_space<vmem>>) semaphore(%arg11 : memref<!tpu.dma_semaphore, #tpu.memory_space<semaphore_mem>>)
      %dma_wait3A = arith.constant 0 : i32
      %dma_wait3A_24 = tpu.memref_slice %arg7[%scan3A_18, %dma_wait3A] : memref<79x128xi32, #tpu.memory_space<vmem>> -> memref<1x128xi32, #tpu.memory_space<vmem>>
      %dma_wait3A_25 = tpu.memref_squeeze %dma_wait3A_24 : memref<1x128xi32, #tpu.memory_space<vmem>> -> memref<128xi32, #tpu.memory_space<vmem>>
      %dma_wait3A_26 = arith.constant 0 : i32
      %dma_wait3A_27 = arith.constant 0 : i32
      %dma_wait3A_28 = tpu.memref_slice %arg2[%dma_wait3A_26, %dma_wait3A_27] : memref<10112x128xf32, #tpu.memory_space<hbm>> -> memref<10112x128xf32, #tpu.memory_space<hbm>>
      tpu.wait_indirect_dma semaphore(%arg11 : memref<!tpu.dma_semaphore, #tpu.memory_space<semaphore_mem>>) src(%dma_wait3A_28 : memref<10112x128xf32, #tpu.memory_space<hbm>>) dst(%arg9 : memref<128x128xf32, #tpu.memory_space<vmem>>)
      "tpu.region"() ({
        %run_scoped3A = tpu.sem_alloc : memref<!tpu.dma_semaphore, #tpu.memory_space<semaphore_mem>>
        %dma_start3A_29 = arith.constant 0 : i32
        %dma_start3A_30 = tpu.memref_slice %arg8[%scan3A_18, %dma_start3A_29] : memref<79x128xi32, #tpu.memory_space<vmem>> -> memref<1x128xi32, #tpu.memory_space<vmem>>
        %dma_start3A_31 = tpu.memref_squeeze %dma_start3A_30 : memref<1x128xi32, #tpu.memory_space<vmem>> -> memref<128xi32, #tpu.memory_space<vmem>>
        %dma_start3A_32 = arith.constant 0 : i32
        %dma_start3A_33 = arith.constant 0 : i32
        %dma_start3A_34 = tpu.memref_slice %arg10[%dma_start3A_32, %dma_start3A_33] : memref<10112x128xf32, #tpu.memory_space<vmem_shared>> -> memref<10112x128xf32, #tpu.memory_space<vmem_shared>>
        tpu.enqueue_indirect_dma source(%arg9 : memref<128x128xf32, #tpu.memory_space<vmem>>) target(%dma_start3A_34 : memref<10112x128xf32, #tpu.memory_space<vmem_shared>>) offsets(%dma_start3A_31 : memref<128xi32, #tpu.memory_space<vmem>>) semaphore(%run_scoped3A : memref<!tpu.dma_semaphore, #tpu.memory_space<semaphore_mem>>) {add = true}
        %dma_wait3A_35 = arith.constant 0 : i32
        %dma_wait3A_36 = tpu.memref_slice %arg8[%scan3A_18, %dma_wait3A_35] : memref<79x128xi32, #tpu.memory_space<vmem>> -> memref<1x128xi32, #tpu.memory_space<vmem>>
        %dma_wait3A_37 = tpu.memref_squeeze %dma_wait3A_36 : memref<1x128xi32, #tpu.memory_space<vmem>> -> memref<128xi32, #tpu.memory_space<vmem>>
        %dma_wait3A_38 = arith.constant 0 : i32
        %dma_wait3A_39 = arith.constant 0 : i32
        %dma_wait3A_40 = tpu.memref_slice %arg10[%dma_wait3A_38, %dma_wait3A_39] : memref<10112x128xf32, #tpu.memory_space<vmem_shared>> -> memref<10112x128xf32, #tpu.memory_space<vmem_shared>>
        tpu.wait_indirect_dma semaphore(%run_scoped3A : memref<!tpu.dma_semaphore, #tpu.memory_space<semaphore_mem>>) src(%arg9 : memref<128x128xf32, #tpu.memory_space<vmem>>) dst(%dma_wait3A_40 : memref<10112x128xf32, #tpu.memory_space<vmem_shared>>)
        tpu.yield
      }) : () -> ()
    }
    %scan3A_9 = arith.constant 79 : i32
    %barrier3A_10 = arith.constant 0 : index
    tpu.barrier barrier_id(%barrier3A_10)
    %mul3A_11 = arith.constant 632 : i32
    %mul3A_12 = arith.muli %arg1, %mul3A_11 : i32
    %mul3A_13 = arith.constant 10112 : i32
    %mul3A_14 = arith.muli %arg0, %mul3A_13 : i32
    %mul3A_15 = arith.constant 632 : i32
    %mul3A_16 = arith.muli %arg1, %mul3A_15 : i32
    %add3A_17 = arith.addi %mul3A_14, %mul3A_16 : i32
    "tpu.region"() ({
      %run_scoped3A = tpu.sem_alloc : memref<!tpu.dma_semaphore, #tpu.memory_space<semaphore_mem>>
      %dma_start3A = arith.constant 0 : i32
      %dma_start3A_18 = tpu.memref_slice %arg6[%add3A_17, %dma_start3A] : memref<20224x128xf32, #tpu.memory_space<hbm>> -> memref<632x128xf32, #tpu.memory_space<hbm>>
      %dma_start3A_19 = arith.constant 0 : i32
      %dma_start3A_20 = tpu.memref_slice %arg10[%mul3A_12, %dma_start3A_19] : memref<10112x128xf32, #tpu.memory_space<vmem_shared>> -> memref<632x128xf32, #tpu.memory_space<vmem_shared>>
      tpu.enqueue_dma source(%dma_start3A_20 : memref<632x128xf32, #tpu.memory_space<vmem_shared>>) target(%dma_start3A_18 : memref<632x128xf32, #tpu.memory_space<hbm>>) target_semaphore(%run_scoped3A : memref<!tpu.dma_semaphore, #tpu.memory_space<semaphore_mem>>)
      %dma_wait3A = arith.constant 0 : i32
      %dma_wait3A_21 = tpu.memref_slice %arg6[%add3A_17, %dma_wait3A] : memref<20224x128xf32, #tpu.memory_space<hbm>> -> memref<632x128xf32, #tpu.memory_space<hbm>>
      %dma_wait3A_22 = arith.constant 0 : i32
      %dma_wait3A_23 = tpu.memref_slice %arg10[%mul3A_12, %dma_wait3A_22] : memref<10112x128xf32, #tpu.memory_space<vmem_shared>> -> memref<632x128xf32, #tpu.memory_space<vmem_shared>>
      tpu.wait_dma2 semaphore(%run_scoped3A : memref<!tpu.dma_semaphore, #tpu.memory_space<semaphore_mem>>) src(%dma_wait3A_23 : memref<632x128xf32, #tpu.memory_space<vmem_shared>>) dst(%dma_wait3A_21 : memref<632x128xf32, #tpu.memory_space<hbm>>)
      tpu.yield
    }) : () -> ()
    return
  }
}

#map = affine_map<(d0, d1) -> (0, 0)>
#map1 = affine_map<(d0, d1) -> (0, 0, 0)>
module attributes {stable_mosaic.version = 14 : i64} {
  func.func @body(%arg0: i32, %arg1: i32, %arg2: memref<10112x128xf32, #tpu.memory_space<hbm>>, %arg3: memref<32x79x128xi32, #tpu.memory_space<hbm>>, %arg4: memref<32x79x128xi32, #tpu.memory_space<hbm>>, %arg5: memref<10112x128xf32, #tpu.memory_space<hbm>>, %arg6: memref<20224x128xf32, #tpu.memory_space<hbm>>, %arg7: memref<79x128xi32, #tpu.memory_space<vmem>>, %arg8: memref<79x128xi32, #tpu.memory_space<vmem>>, %arg9: memref<128x128xf32, #tpu.memory_space<vmem>>, %arg10: memref<10112x128xf32, #tpu.memory_space<vmem_shared>>, %arg11: memref<!tpu.dma_semaphore, #tpu.memory_space<semaphore_mem>>) attributes {dimension_semantics = [#tpu.dimension_semantics<core_parallel>, #tpu.dimension_semantics<subcore_parallel>], iteration_bounds = array<i64: 2, 16>, scalar_prefetch = 0 : i64, scratch_operands = 5 : i64, tpu.core_type = #tpu.core_type<sc_vector_subcore>, window_params = [{transform_indices = #map}, {transform_indices = #map1}, {transform_indices = #map1}, {transform_indices = #map}, {transform_indices = #map}]} {
    %mul3A = arith.constant 16 : i32
    %mul3A_0 = arith.muli %arg0, %mul3A : i32
    %add3A = arith.addi %mul3A_0, %arg1 : i32
    "tpu.region"() ({
      %run_scoped3A = tpu.sem_alloc : memref<!tpu.dma_semaphore, #tpu.memory_space<semaphore_mem>>
      %dma_start3A = arith.constant 0 : i32
      %dma_start3A_18 = arith.constant 0 : i32
      %dma_start3A_19 = tpu.memref_slice %arg3[%add3A, %dma_start3A, %dma_start3A_18] : memref<32x79x128xi32, #tpu.memory_space<hbm>> -> memref<1x79x128xi32, #tpu.memory_space<hbm>>
      %dma_start3A_20 = tpu.memref_squeeze %dma_start3A_19 : memref<1x79x128xi32, #tpu.memory_space<hbm>> -> memref<79x128xi32, #tpu.memory_space<hbm>>
      %dma_start3A_21 = arith.constant 0 : i32
      %dma_start3A_22 = arith.constant 0 : i32
      %dma_start3A_23 = tpu.memref_slice %arg3[%add3A, %dma_start3A_21, %dma_start3A_22] : memref<32x79x128xi32, #tpu.memory_space<hbm>> -> memref<1x79x128xi32, #tpu.memory_space<hbm>>
      %dma_start3A_24 = tpu.memref_squeeze %dma_start3A_23 : memref<1x79x128xi32, #tpu.memory_space<hbm>> -> memref<79x128xi32, #tpu.memory_space<hbm>>
      tpu.enqueue_dma source(%dma_start3A_24 : memref<79x128xi32, #tpu.memory_space<hbm>>) target(%arg7 : memref<79x128xi32, #tpu.memory_space<vmem>>) target_semaphore(%run_scoped3A : memref<!tpu.dma_semaphore, #tpu.memory_space<semaphore_mem>>)
      %dma_wait3A = arith.constant 0 : i32
      %dma_wait3A_25 = arith.constant 0 : i32
      %dma_wait3A_26 = tpu.memref_slice %arg3[%add3A, %dma_wait3A, %dma_wait3A_25] : memref<32x79x128xi32, #tpu.memory_space<hbm>> -> memref<1x79x128xi32, #tpu.memory_space<hbm>>
      %dma_wait3A_27 = tpu.memref_squeeze %dma_wait3A_26 : memref<1x79x128xi32, #tpu.memory_space<hbm>> -> memref<79x128xi32, #tpu.memory_space<hbm>>
      %dma_wait3A_28 = arith.constant 0 : i32
      %dma_wait3A_29 = arith.constant 0 : i32
      %dma_wait3A_30 = tpu.memref_slice %arg3[%add3A, %dma_wait3A_28, %dma_wait3A_29] : memref<32x79x128xi32, #tpu.memory_space<hbm>> -> memref<1x79x128xi32, #tpu.memory_space<hbm>>
      %dma_wait3A_31 = tpu.memref_squeeze %dma_wait3A_30 : memref<1x79x128xi32, #tpu.memory_space<hbm>> -> memref<79x128xi32, #tpu.memory_space<hbm>>
      tpu.wait_dma2 semaphore(%run_scoped3A : memref<!tpu.dma_semaphore, #tpu.memory_space<semaphore_mem>>) src(%dma_wait3A_31 : memref<79x128xi32, #tpu.memory_space<hbm>>) dst(%arg7 : memref<79x128xi32, #tpu.memory_space<vmem>>)
      tpu.yield
    }) : () -> ()
    "tpu.region"() ({
      %run_scoped3A = tpu.sem_alloc : memref<!tpu.dma_semaphore, #tpu.memory_space<semaphore_mem>>
      %dma_start3A = arith.constant 0 : i32
      %dma_start3A_18 = arith.constant 0 : i32
      %dma_start3A_19 = tpu.memref_slice %arg4[%add3A, %dma_start3A, %dma_start3A_18] : memref<32x79x128xi32, #tpu.memory_space<hbm>> -> memref<1x79x128xi32, #tpu.memory_space<hbm>>
      %dma_start3A_20 = tpu.memref_squeeze %dma_start3A_19 : memref<1x79x128xi32, #tpu.memory_space<hbm>> -> memref<79x128xi32, #tpu.memory_space<hbm>>
      %dma_start3A_21 = arith.constant 0 : i32
      %dma_start3A_22 = arith.constant 0 : i32
      %dma_start3A_23 = tpu.memref_slice %arg4[%add3A, %dma_start3A_21, %dma_start3A_22] : memref<32x79x128xi32, #tpu.memory_space<hbm>> -> memref<1x79x128xi32, #tpu.memory_space<hbm>>
      %dma_start3A_24 = tpu.memref_squeeze %dma_start3A_23 : memref<1x79x128xi32, #tpu.memory_space<hbm>> -> memref<79x128xi32, #tpu.memory_space<hbm>>
      tpu.enqueue_dma source(%dma_start3A_24 : memref<79x128xi32, #tpu.memory_space<hbm>>) target(%arg8 : memref<79x128xi32, #tpu.memory_space<vmem>>) target_semaphore(%run_scoped3A : memref<!tpu.dma_semaphore, #tpu.memory_space<semaphore_mem>>)
      %dma_wait3A = arith.constant 0 : i32
      %dma_wait3A_25 = arith.constant 0 : i32
      %dma_wait3A_26 = tpu.memref_slice %arg4[%add3A, %dma_wait3A, %dma_wait3A_25] : memref<32x79x128xi32, #tpu.memory_space<hbm>> -> memref<1x79x128xi32, #tpu.memory_space<hbm>>
      %dma_wait3A_27 = tpu.memref_squeeze %dma_wait3A_26 : memref<1x79x128xi32, #tpu.memory_space<hbm>> -> memref<79x128xi32, #tpu.memory_space<hbm>>
      %dma_wait3A_28 = arith.constant 0 : i32
      %dma_wait3A_29 = arith.constant 0 : i32
      %dma_wait3A_30 = tpu.memref_slice %arg4[%add3A, %dma_wait3A_28, %dma_wait3A_29] : memref<32x79x128xi32, #tpu.memory_space<hbm>> -> memref<1x79x128xi32, #tpu.memory_space<hbm>>
      %dma_wait3A_31 = tpu.memref_squeeze %dma_wait3A_30 : memref<1x79x128xi32, #tpu.memory_space<hbm>> -> memref<79x128xi32, #tpu.memory_space<hbm>>
      tpu.wait_dma2 semaphore(%run_scoped3A : memref<!tpu.dma_semaphore, #tpu.memory_space<semaphore_mem>>) src(%dma_wait3A_31 : memref<79x128xi32, #tpu.memory_space<hbm>>) dst(%arg8 : memref<79x128xi32, #tpu.memory_space<vmem>>)
      tpu.yield
    }) : () -> ()
    %mul3A_1 = arith.constant 632 : i32
    %mul3A_2 = arith.muli %arg1, %mul3A_1 : i32
    %mul3A_3 = arith.constant 632 : i32
    %mul3A_4 = arith.muli %arg1, %mul3A_3 : i32
    "tpu.region"() ({
      %run_scoped3A = tpu.sem_alloc : memref<!tpu.dma_semaphore, #tpu.memory_space<semaphore_mem>>
      %dma_start3A = arith.constant 0 : i32
      %dma_start3A_18 = tpu.memref_slice %arg10[%mul3A_4, %dma_start3A] : memref<10112x128xf32, #tpu.memory_space<vmem_shared>> -> memref<632x128xf32, #tpu.memory_space<vmem_shared>>
      %dma_start3A_19 = arith.constant 0 : i32
      %dma_start3A_20 = tpu.memref_slice %arg5[%mul3A_2, %dma_start3A_19] : memref<10112x128xf32, #tpu.memory_space<hbm>> -> memref<632x128xf32, #tpu.memory_space<hbm>>
      tpu.enqueue_dma source(%dma_start3A_20 : memref<632x128xf32, #tpu.memory_space<hbm>>) target(%dma_start3A_18 : memref<632x128xf32, #tpu.memory_space<vmem_shared>>) target_semaphore(%run_scoped3A : memref<!tpu.dma_semaphore, #tpu.memory_space<semaphore_mem>>)
      %dma_wait3A = arith.constant 0 : i32
      %dma_wait3A_21 = tpu.memref_slice %arg10[%mul3A_4, %dma_wait3A] : memref<10112x128xf32, #tpu.memory_space<vmem_shared>> -> memref<632x128xf32, #tpu.memory_space<vmem_shared>>
      %dma_wait3A_22 = arith.constant 0 : i32
      %dma_wait3A_23 = tpu.memref_slice %arg5[%mul3A_2, %dma_wait3A_22] : memref<10112x128xf32, #tpu.memory_space<hbm>> -> memref<632x128xf32, #tpu.memory_space<hbm>>
      tpu.wait_dma2 semaphore(%run_scoped3A : memref<!tpu.dma_semaphore, #tpu.memory_space<semaphore_mem>>) src(%dma_wait3A_23 : memref<632x128xf32, #tpu.memory_space<hbm>>) dst(%dma_wait3A_21 : memref<632x128xf32, #tpu.memory_space<vmem_shared>>)
      tpu.yield
    }) : () -> ()
    %barrier3A = arith.constant 0 : index
    tpu.barrier barrier_id(%barrier3A)
    %scan3A = arith.constant 0 : i32
    %scan3A_5 = arith.constant 0 : i32
    %scan3A_6 = arith.constant 79 : i32
    %scan3A_7 = arith.addi %scan3A_5, %scan3A_6 : i32
    %scan3A_8 = arith.constant 1 : i32
    scf.for %scan3A_18 = %scan3A_5 to %scan3A_7 step %scan3A_8  : i32 {
      %dma_start3A = arith.constant 0 : i32
      %dma_start3A_19 = tpu.memref_slice %arg7[%scan3A_18, %dma_start3A] : memref<79x128xi32, #tpu.memory_space<vmem>> -> memref<1x128xi32, #tpu.memory_space<vmem>>
      %dma_start3A_20 = tpu.memref_squeeze %dma_start3A_19 : memref<1x128xi32, #tpu.memory_space<vmem>> -> memref<128xi32, #tpu.memory_space<vmem>>
      %dma_start3A_21 = arith.constant 0 : i32
      %dma_start3A_22 = arith.constant 0 : i32
      %dma_start3A_23 = tpu.memref_slice %arg2[%dma_start3A_21, %dma_start3A_22] : memref<10112x128xf32, #tpu.memory_space<hbm>> -> memref<10112x128xf32, #tpu.memory_space<hbm>>
      tpu.enqueue_indirect_dma source(%dma_start3A_23 : memref<10112x128xf32, #tpu.memory_space<hbm>>) target(%arg9 : memref<128x128xf32, #tpu.memory_space<vmem>>) offsets(%dma_start3A_20 : memref<128xi32, #tpu.memory_space<vmem>>) semaphore(%arg11 : memref<!tpu.dma_semaphore, #tpu.memory_space<semaphore_mem>>)
      %dma_wait3A = arith.constant 0 : i32
      %dma_wait3A_24 = tpu.memref_slice %arg7[%scan3A_18, %dma_wait3A] : memref<79x128xi32, #tpu.memory_space<vmem>> -> memref<1x128xi32, #tpu.memory_space<vmem>>
      %dma_wait3A_25 = tpu.memref_squeeze %dma_wait3A_24 : memref<1x128xi32, #tpu.memory_space<vmem>> -> memref<128xi32, #tpu.memory_space<vmem>>
      %dma_wait3A_26 = arith.constant 0 : i32
      %dma_wait3A_27 = arith.constant 0 : i32
      %dma_wait3A_28 = tpu.memref_slice %arg2[%dma_wait3A_26, %dma_wait3A_27] : memref<10112x128xf32, #tpu.memory_space<hbm>> -> memref<10112x128xf32, #tpu.memory_space<hbm>>
      tpu.wait_indirect_dma semaphore(%arg11 : memref<!tpu.dma_semaphore, #tpu.memory_space<semaphore_mem>>) src(%dma_wait3A_28 : memref<10112x128xf32, #tpu.memory_space<hbm>>) dst(%arg9 : memref<128x128xf32, #tpu.memory_space<vmem>>)
      "tpu.region"() ({
        %run_scoped3A = tpu.sem_alloc : memref<!tpu.dma_semaphore, #tpu.memory_space<semaphore_mem>>
        %dma_start3A_29 = arith.constant 0 : i32
        %dma_start3A_30 = tpu.memref_slice %arg8[%scan3A_18, %dma_start3A_29] : memref<79x128xi32, #tpu.memory_space<vmem>> -> memref<1x128xi32, #tpu.memory_space<vmem>>
        %dma_start3A_31 = tpu.memref_squeeze %dma_start3A_30 : memref<1x128xi32, #tpu.memory_space<vmem>> -> memref<128xi32, #tpu.memory_space<vmem>>
        %dma_start3A_32 = arith.constant 0 : i32
        %dma_start3A_33 = arith.constant 0 : i32
        %dma_start3A_34 = tpu.memref_slice %arg10[%dma_start3A_32, %dma_start3A_33] : memref<10112x128xf32, #tpu.memory_space<vmem_shared>> -> memref<10112x128xf32, #tpu.memory_space<vmem_shared>>
        tpu.enqueue_indirect_dma source(%arg9 : memref<128x128xf32, #tpu.memory_space<vmem>>) target(%dma_start3A_34 : memref<10112x128xf32, #tpu.memory_space<vmem_shared>>) offsets(%dma_start3A_31 : memref<128xi32, #tpu.memory_space<vmem>>) semaphore(%run_scoped3A : memref<!tpu.dma_semaphore, #tpu.memory_space<semaphore_mem>>) {add = true}
        %dma_wait3A_35 = arith.constant 0 : i32
        %dma_wait3A_36 = tpu.memref_slice %arg8[%scan3A_18, %dma_wait3A_35] : memref<79x128xi32, #tpu.memory_space<vmem>> -> memref<1x128xi32, #tpu.memory_space<vmem>>
        %dma_wait3A_37 = tpu.memref_squeeze %dma_wait3A_36 : memref<1x128xi32, #tpu.memory_space<vmem>> -> memref<128xi32, #tpu.memory_space<vmem>>
        %dma_wait3A_38 = arith.constant 0 : i32
        %dma_wait3A_39 = arith.constant 0 : i32
        %dma_wait3A_40 = tpu.memref_slice %arg10[%dma_wait3A_38, %dma_wait3A_39] : memref<10112x128xf32, #tpu.memory_space<vmem_shared>> -> memref<10112x128xf32, #tpu.memory_space<vmem_shared>>
        tpu.wait_indirect_dma semaphore(%run_scoped3A : memref<!tpu.dma_semaphore, #tpu.memory_space<semaphore_mem>>) src(%arg9 : memref<128x128xf32, #tpu.memory_space<vmem>>) dst(%dma_wait3A_40 : memref<10112x128xf32, #tpu.memory_space<vmem_shared>>)
        tpu.yield
      }) : () -> ()
    }
    %scan3A_9 = arith.constant 79 : i32
    %barrier3A_10 = arith.constant 0 : index
    tpu.barrier barrier_id(%barrier3A_10)
    %mul3A_11 = arith.constant 632 : i32
    %mul3A_12 = arith.muli %arg1, %mul3A_11 : i32
    %mul3A_13 = arith.constant 10112 : i32
    %mul3A_14 = arith.muli %arg0, %mul3A_13 : i32
    %mul3A_15 = arith.constant 632 : i32
    %mul3A_16 = arith.muli %arg1, %mul3A_15 : i32
    %add3A_17 = arith.addi %mul3A_14, %mul3A_16 : i32
    "tpu.region"() ({
      %run_scoped3A = tpu.sem_alloc : memref<!tpu.dma_semaphore, #tpu.memory_space<semaphore_mem>>
      %dma_start3A = arith.constant 0 : i32
      %dma_start3A_18 = tpu.memref_slice %arg6[%add3A_17, %dma_start3A] : memref<20224x128xf32, #tpu.memory_space<hbm>> -> memref<632x128xf32, #tpu.memory_space<hbm>>
      %dma_start3A_19 = arith.constant 0 : i32
      %dma_start3A_20 = tpu.memref_slice %arg10[%mul3A_12, %dma_start3A_19] : memref<10112x128xf32, #tpu.memory_space<vmem_shared>> -> memref<632x128xf32, #tpu.memory_space<vmem_shared>>
      tpu.enqueue_dma source(%dma_start3A_20 : memref<632x128xf32, #tpu.memory_space<vmem_shared>>) target(%dma_start3A_18 : memref<632x128xf32, #tpu.memory_space<hbm>>) target_semaphore(%run_scoped3A : memref<!tpu.dma_semaphore, #tpu.memory_space<semaphore_mem>>)
      %dma_wait3A = arith.constant 0 : i32
      %dma_wait3A_21 = tpu.memref_slice %arg6[%add3A_17, %dma_wait3A] : memref<20224x128xf32, #tpu.memory_space<hbm>> -> memref<632x128xf32, #tpu.memory_space<hbm>>
      %dma_wait3A_22 = arith.constant 0 : i32
      %dma_wait3A_23 = tpu.memref_slice %arg10[%mul3A_12, %dma_wait3A_22] : memref<10112x128xf32, #tpu.memory_space<vmem_shared>> -> memref<632x128xf32, #tpu.memory_space<vmem_shared>>
      tpu.wait_dma2 semaphore(%run_scoped3A : memref<!tpu.dma_semaphore, #tpu.memory_space<semaphore_mem>>) src(%dma_wait3A_23 : memref<632x128xf32, #tpu.memory_space<vmem_shared>>) dst(%dma_wait3A_21 : memref<632x128xf32, #tpu.memory_space<hbm>>)
      tpu.yield
    }) : () -> ()
    return
  }
}

#map = affine_map<(d0, d1) -> (0, 0)>
#map1 = affine_map<(d0, d1) -> (0, 0, 0)>
module attributes {stable_mosaic.version = 14 : i64} {
  func.func @body(%arg0: i32, %arg1: i32, %arg2: memref<10112x128xf32, #tpu.memory_space<hbm>>, %arg3: memref<32x79x128xi32, #tpu.memory_space<hbm>>, %arg4: memref<32x79x128xi32, #tpu.memory_space<hbm>>, %arg5: memref<10112x128xf32, #tpu.memory_space<hbm>>, %arg6: memref<20224x128xf32, #tpu.memory_space<hbm>>, %arg7: memref<79x128xi32, #tpu.memory_space<vmem>>, %arg8: memref<79x128xi32, #tpu.memory_space<vmem>>, %arg9: memref<128x128xf32, #tpu.memory_space<vmem>>, %arg10: memref<10112x128xf32, #tpu.memory_space<vmem_shared>>, %arg11: memref<!tpu.dma_semaphore, #tpu.memory_space<semaphore_mem>>) attributes {dimension_semantics = [#tpu.dimension_semantics<core_parallel>, #tpu.dimension_semantics<subcore_parallel>], iteration_bounds = array<i64: 2, 16>, scalar_prefetch = 0 : i64, scratch_operands = 5 : i64, tpu.core_type = #tpu.core_type<sc_vector_subcore>, window_params = [{transform_indices = #map}, {transform_indices = #map1}, {transform_indices = #map1}, {transform_indices = #map}, {transform_indices = #map}]} {
    %mul3A = arith.constant 16 : i32
    %mul3A_0 = arith.muli %arg0, %mul3A : i32
    %add3A = arith.addi %mul3A_0, %arg1 : i32
    "tpu.region"() ({
      %run_scoped3A = tpu.sem_alloc : memref<!tpu.dma_semaphore, #tpu.memory_space<semaphore_mem>>
      %dma_start3A = arith.constant 0 : i32
      %dma_start3A_18 = arith.constant 0 : i32
      %dma_start3A_19 = tpu.memref_slice %arg3[%add3A, %dma_start3A, %dma_start3A_18] : memref<32x79x128xi32, #tpu.memory_space<hbm>> -> memref<1x79x128xi32, #tpu.memory_space<hbm>>
      %dma_start3A_20 = tpu.memref_squeeze %dma_start3A_19 : memref<1x79x128xi32, #tpu.memory_space<hbm>> -> memref<79x128xi32, #tpu.memory_space<hbm>>
      %dma_start3A_21 = arith.constant 0 : i32
      %dma_start3A_22 = arith.constant 0 : i32
      %dma_start3A_23 = tpu.memref_slice %arg3[%add3A, %dma_start3A_21, %dma_start3A_22] : memref<32x79x128xi32, #tpu.memory_space<hbm>> -> memref<1x79x128xi32, #tpu.memory_space<hbm>>
      %dma_start3A_24 = tpu.memref_squeeze %dma_start3A_23 : memref<1x79x128xi32, #tpu.memory_space<hbm>> -> memref<79x128xi32, #tpu.memory_space<hbm>>
      tpu.enqueue_dma source(%dma_start3A_24 : memref<79x128xi32, #tpu.memory_space<hbm>>) target(%arg7 : memref<79x128xi32, #tpu.memory_space<vmem>>) target_semaphore(%run_scoped3A : memref<!tpu.dma_semaphore, #tpu.memory_space<semaphore_mem>>)
      %dma_wait3A = arith.constant 0 : i32
      %dma_wait3A_25 = arith.constant 0 : i32
      %dma_wait3A_26 = tpu.memref_slice %arg3[%add3A, %dma_wait3A, %dma_wait3A_25] : memref<32x79x128xi32, #tpu.memory_space<hbm>> -> memref<1x79x128xi32, #tpu.memory_space<hbm>>
      %dma_wait3A_27 = tpu.memref_squeeze %dma_wait3A_26 : memref<1x79x128xi32, #tpu.memory_space<hbm>> -> memref<79x128xi32, #tpu.memory_space<hbm>>
      %dma_wait3A_28 = arith.constant 0 : i32
      %dma_wait3A_29 = arith.constant 0 : i32
      %dma_wait3A_30 = tpu.memref_slice %arg3[%add3A, %dma_wait3A_28, %dma_wait3A_29] : memref<32x79x128xi32, #tpu.memory_space<hbm>> -> memref<1x79x128xi32, #tpu.memory_space<hbm>>
      %dma_wait3A_31 = tpu.memref_squeeze %dma_wait3A_30 : memref<1x79x128xi32, #tpu.memory_space<hbm>> -> memref<79x128xi32, #tpu.memory_space<hbm>>
      tpu.wait_dma2 semaphore(%run_scoped3A : memref<!tpu.dma_semaphore, #tpu.memory_space<semaphore_mem>>) src(%dma_wait3A_31 : memref<79x128xi32, #tpu.memory_space<hbm>>) dst(%arg7 : memref<79x128xi32, #tpu.memory_space<vmem>>)
      tpu.yield
    }) : () -> ()
    "tpu.region"() ({
      %run_scoped3A = tpu.sem_alloc : memref<!tpu.dma_semaphore, #tpu.memory_space<semaphore_mem>>
      %dma_start3A = arith.constant 0 : i32
      %dma_start3A_18 = arith.constant 0 : i32
      %dma_start3A_19 = tpu.memref_slice %arg4[%add3A, %dma_start3A, %dma_start3A_18] : memref<32x79x128xi32, #tpu.memory_space<hbm>> -> memref<1x79x128xi32, #tpu.memory_space<hbm>>
      %dma_start3A_20 = tpu.memref_squeeze %dma_start3A_19 : memref<1x79x128xi32, #tpu.memory_space<hbm>> -> memref<79x128xi32, #tpu.memory_space<hbm>>
      %dma_start3A_21 = arith.constant 0 : i32
      %dma_start3A_22 = arith.constant 0 : i32
      %dma_start3A_23 = tpu.memref_slice %arg4[%add3A, %dma_start3A_21, %dma_start3A_22] : memref<32x79x128xi32, #tpu.memory_space<hbm>> -> memref<1x79x128xi32, #tpu.memory_space<hbm>>
      %dma_start3A_24 = tpu.memref_squeeze %dma_start3A_23 : memref<1x79x128xi32, #tpu.memory_space<hbm>> -> memref<79x128xi32, #tpu.memory_space<hbm>>
      tpu.enqueue_dma source(%dma_start3A_24 : memref<79x128xi32, #tpu.memory_space<hbm>>) target(%arg8 : memref<79x128xi32, #tpu.memory_space<vmem>>) target_semaphore(%run_scoped3A : memref<!tpu.dma_semaphore, #tpu.memory_space<semaphore_mem>>)
      %dma_wait3A = arith.constant 0 : i32
      %dma_wait3A_25 = arith.constant 0 : i32
      %dma_wait3A_26 = tpu.memref_slice %arg4[%add3A, %dma_wait3A, %dma_wait3A_25] : memref<32x79x128xi32, #tpu.memory_space<hbm>> -> memref<1x79x128xi32, #tpu.memory_space<hbm>>
      %dma_wait3A_27 = tpu.memref_squeeze %dma_wait3A_26 : memref<1x79x128xi32, #tpu.memory_space<hbm>> -> memref<79x128xi32, #tpu.memory_space<hbm>>
      %dma_wait3A_28 = arith.constant 0 : i32
      %dma_wait3A_29 = arith.constant 0 : i32
      %dma_wait3A_30 = tpu.memref_slice %arg4[%add3A, %dma_wait3A_28, %dma_wait3A_29] : memref<32x79x128xi32, #tpu.memory_space<hbm>> -> memref<1x79x128xi32, #tpu.memory_space<hbm>>
      %dma_wait3A_31 = tpu.memref_squeeze %dma_wait3A_30 : memref<1x79x128xi32, #tpu.memory_space<hbm>> -> memref<79x128xi32, #tpu.memory_space<hbm>>
      tpu.wait_dma2 semaphore(%run_scoped3A : memref<!tpu.dma_semaphore, #tpu.memory_space<semaphore_mem>>) src(%dma_wait3A_31 : memref<79x128xi32, #tpu.memory_space<hbm>>) dst(%arg8 : memref<79x128xi32, #tpu.memory_space<vmem>>)
      tpu.yield
    }) : () -> ()
    %mul3A_1 = arith.constant 632 : i32
    %mul3A_2 = arith.muli %arg1, %mul3A_1 : i32
    %mul3A_3 = arith.constant 632 : i32
    %mul3A_4 = arith.muli %arg1, %mul3A_3 : i32
    "tpu.region"() ({
      %run_scoped3A = tpu.sem_alloc : memref<!tpu.dma_semaphore, #tpu.memory_space<semaphore_mem>>
      %dma_start3A = arith.constant 0 : i32
      %dma_start3A_18 = tpu.memref_slice %arg10[%mul3A_4, %dma_start3A] : memref<10112x128xf32, #tpu.memory_space<vmem_shared>> -> memref<632x128xf32, #tpu.memory_space<vmem_shared>>
      %dma_start3A_19 = arith.constant 0 : i32
      %dma_start3A_20 = tpu.memref_slice %arg5[%mul3A_2, %dma_start3A_19] : memref<10112x128xf32, #tpu.memory_space<hbm>> -> memref<632x128xf32, #tpu.memory_space<hbm>>
      tpu.enqueue_dma source(%dma_start3A_20 : memref<632x128xf32, #tpu.memory_space<hbm>>) target(%dma_start3A_18 : memref<632x128xf32, #tpu.memory_space<vmem_shared>>) target_semaphore(%run_scoped3A : memref<!tpu.dma_semaphore, #tpu.memory_space<semaphore_mem>>)
      %dma_wait3A = arith.constant 0 : i32
      %dma_wait3A_21 = tpu.memref_slice %arg10[%mul3A_4, %dma_wait3A] : memref<10112x128xf32, #tpu.memory_space<vmem_shared>> -> memref<632x128xf32, #tpu.memory_space<vmem_shared>>
      %dma_wait3A_22 = arith.constant 0 : i32
      %dma_wait3A_23 = tpu.memref_slice %arg5[%mul3A_2, %dma_wait3A_22] : memref<10112x128xf32, #tpu.memory_space<hbm>> -> memref<632x128xf32, #tpu.memory_space<hbm>>
      tpu.wait_dma2 semaphore(%run_scoped3A : memref<!tpu.dma_semaphore, #tpu.memory_space<semaphore_mem>>) src(%dma_wait3A_23 : memref<632x128xf32, #tpu.memory_space<hbm>>) dst(%dma_wait3A_21 : memref<632x128xf32, #tpu.memory_space<vmem_shared>>)
      tpu.yield
    }) : () -> ()
    %barrier3A = arith.constant 0 : index
    tpu.barrier barrier_id(%barrier3A)
    %scan3A = arith.constant 0 : i32
    %scan3A_5 = arith.constant 0 : i32
    %scan3A_6 = arith.constant 79 : i32
    %scan3A_7 = arith.addi %scan3A_5, %scan3A_6 : i32
    %scan3A_8 = arith.constant 1 : i32
    scf.for %scan3A_18 = %scan3A_5 to %scan3A_7 step %scan3A_8  : i32 {
      %dma_start3A = arith.constant 0 : i32
      %dma_start3A_19 = tpu.memref_slice %arg7[%scan3A_18, %dma_start3A] : memref<79x128xi32, #tpu.memory_space<vmem>> -> memref<1x128xi32, #tpu.memory_space<vmem>>
      %dma_start3A_20 = tpu.memref_squeeze %dma_start3A_19 : memref<1x128xi32, #tpu.memory_space<vmem>> -> memref<128xi32, #tpu.memory_space<vmem>>
      %dma_start3A_21 = arith.constant 0 : i32
      %dma_start3A_22 = arith.constant 0 : i32
      %dma_start3A_23 = tpu.memref_slice %arg2[%dma_start3A_21, %dma_start3A_22] : memref<10112x128xf32, #tpu.memory_space<hbm>> -> memref<10112x128xf32, #tpu.memory_space<hbm>>
      tpu.enqueue_indirect_dma source(%dma_start3A_23 : memref<10112x128xf32, #tpu.memory_space<hbm>>) target(%arg9 : memref<128x128xf32, #tpu.memory_space<vmem>>) offsets(%dma_start3A_20 : memref<128xi32, #tpu.memory_space<vmem>>) semaphore(%arg11 : memref<!tpu.dma_semaphore, #tpu.memory_space<semaphore_mem>>)
      %dma_wait3A = arith.constant 0 : i32
      %dma_wait3A_24 = tpu.memref_slice %arg7[%scan3A_18, %dma_wait3A] : memref<79x128xi32, #tpu.memory_space<vmem>> -> memref<1x128xi32, #tpu.memory_space<vmem>>
      %dma_wait3A_25 = tpu.memref_squeeze %dma_wait3A_24 : memref<1x128xi32, #tpu.memory_space<vmem>> -> memref<128xi32, #tpu.memory_space<vmem>>
      %dma_wait3A_26 = arith.constant 0 : i32
      %dma_wait3A_27 = arith.constant 0 : i32
      %dma_wait3A_28 = tpu.memref_slice %arg2[%dma_wait3A_26, %dma_wait3A_27] : memref<10112x128xf32, #tpu.memory_space<hbm>> -> memref<10112x128xf32, #tpu.memory_space<hbm>>
      tpu.wait_indirect_dma semaphore(%arg11 : memref<!tpu.dma_semaphore, #tpu.memory_space<semaphore_mem>>) src(%dma_wait3A_28 : memref<10112x128xf32, #tpu.memory_space<hbm>>) dst(%arg9 : memref<128x128xf32, #tpu.memory_space<vmem>>)
      "tpu.region"() ({
        %run_scoped3A = tpu.sem_alloc : memref<!tpu.dma_semaphore, #tpu.memory_space<semaphore_mem>>
        %dma_start3A_29 = arith.constant 0 : i32
        %dma_start3A_30 = tpu.memref_slice %arg8[%scan3A_18, %dma_start3A_29] : memref<79x128xi32, #tpu.memory_space<vmem>> -> memref<1x128xi32, #tpu.memory_space<vmem>>
        %dma_start3A_31 = tpu.memref_squeeze %dma_start3A_30 : memref<1x128xi32, #tpu.memory_space<vmem>> -> memref<128xi32, #tpu.memory_space<vmem>>
        %dma_start3A_32 = arith.constant 0 : i32
        %dma_start3A_33 = arith.constant 0 : i32
        %dma_start3A_34 = tpu.memref_slice %arg10[%dma_start3A_32, %dma_start3A_33] : memref<10112x128xf32, #tpu.memory_space<vmem_shared>> -> memref<10112x128xf32, #tpu.memory_space<vmem_shared>>
        tpu.enqueue_indirect_dma source(%arg9 : memref<128x128xf32, #tpu.memory_space<vmem>>) target(%dma_start3A_34 : memref<10112x128xf32, #tpu.memory_space<vmem_shared>>) offsets(%dma_start3A_31 : memref<128xi32, #tpu.memory_space<vmem>>) semaphore(%run_scoped3A : memref<!tpu.dma_semaphore, #tpu.memory_space<semaphore_mem>>) {add = true}
        %dma_wait3A_35 = arith.constant 0 : i32
        %dma_wait3A_36 = tpu.memref_slice %arg8[%scan3A_18, %dma_wait3A_35] : memref<79x128xi32, #tpu.memory_space<vmem>> -> memref<1x128xi32, #tpu.memory_space<vmem>>
        %dma_wait3A_37 = tpu.memref_squeeze %dma_wait3A_36 : memref<1x128xi32, #tpu.memory_space<vmem>> -> memref<128xi32, #tpu.memory_space<vmem>>
        %dma_wait3A_38 = arith.constant 0 : i32
        %dma_wait3A_39 = arith.constant 0 : i32
        %dma_wait3A_40 = tpu.memref_slice %arg10[%dma_wait3A_38, %dma_wait3A_39] : memref<10112x128xf32, #tpu.memory_space<vmem_shared>> -> memref<10112x128xf32, #tpu.memory_space<vmem_shared>>
        tpu.wait_indirect_dma semaphore(%run_scoped3A : memref<!tpu.dma_semaphore, #tpu.memory_space<semaphore_mem>>) src(%arg9 : memref<128x128xf32, #tpu.memory_space<vmem>>) dst(%dma_wait3A_40 : memref<10112x128xf32, #tpu.memory_space<vmem_shared>>)
        tpu.yield
      }) : () -> ()
    }
    %scan3A_9 = arith.constant 79 : i32
    %barrier3A_10 = arith.constant 0 : index
    tpu.barrier barrier_id(%barrier3A_10)
    %mul3A_11 = arith.constant 632 : i32
    %mul3A_12 = arith.muli %arg1, %mul3A_11 : i32
    %mul3A_13 = arith.constant 10112 : i32
    %mul3A_14 = arith.muli %arg0, %mul3A_13 : i32
    %mul3A_15 = arith.constant 632 : i32
    %mul3A_16 = arith.muli %arg1, %mul3A_15 : i32
    %add3A_17 = arith.addi %mul3A_14, %mul3A_16 : i32
    "tpu.region"() ({
      %run_scoped3A = tpu.sem_alloc : memref<!tpu.dma_semaphore, #tpu.memory_space<semaphore_mem>>
      %dma_start3A = arith.constant 0 : i32
      %dma_start3A_18 = tpu.memref_slice %arg6[%add3A_17, %dma_start3A] : memref<20224x128xf32, #tpu.memory_space<hbm>> -> memref<632x128xf32, #tpu.memory_space<hbm>>
      %dma_start3A_19 = arith.constant 0 : i32
      %dma_start3A_20 = tpu.memref_slice %arg10[%mul3A_12, %dma_start3A_19] : memref<10112x128xf32, #tpu.memory_space<vmem_shared>> -> memref<632x128xf32, #tpu.memory_space<vmem_shared>>
      tpu.enqueue_dma source(%dma_start3A_20 : memref<632x128xf32, #tpu.memory_space<vmem_shared>>) target(%dma_start3A_18 : memref<632x128xf32, #tpu.memory_space<hbm>>) target_semaphore(%run_scoped3A : memref<!tpu.dma_semaphore, #tpu.memory_space<semaphore_mem>>)
      %dma_wait3A = arith.constant 0 : i32
      %dma_wait3A_21 = tpu.memref_slice %arg6[%add3A_17, %dma_wait3A] : memref<20224x128xf32, #tpu.memory_space<hbm>> -> memref<632x128xf32, #tpu.memory_space<hbm>>
      %dma_wait3A_22 = arith.constant 0 : i32
      %dma_wait3A_23 = tpu.memref_slice %arg10[%mul3A_12, %dma_wait3A_22] : memref<10112x128xf32, #tpu.memory_space<vmem_shared>> -> memref<632x128xf32, #tpu.memory_space<vmem_shared>>
      tpu.wait_dma2 semaphore(%run_scoped3A : memref<!tpu.dma_semaphore, #tpu.memory_space<semaphore_mem>>) src(%dma_wait3A_23 : memref<632x128xf32, #tpu.memory_space<vmem_shared>>) dst(%dma_wait3A_21 : memref<632x128xf32, #tpu.memory_space<hbm>>)
      tpu.yield
    }) : () -> ()
    return
  }
}

#map = affine_map<(d0, d1) -> (0, 0)>
#map1 = affine_map<(d0, d1) -> (0, 0, 0)>
module attributes {stable_mosaic.version = 14 : i64} {
  func.func @body(%arg0: i32, %arg1: i32, %arg2: memref<10112x128xf32, #tpu.memory_space<hbm>>, %arg3: memref<32x79x128xi32, #tpu.memory_space<hbm>>, %arg4: memref<32x79x128xi32, #tpu.memory_space<hbm>>, %arg5: memref<10112x128xf32, #tpu.memory_space<hbm>>, %arg6: memref<20224x128xf32, #tpu.memory_space<hbm>>, %arg7: memref<79x128xi32, #tpu.memory_space<vmem>>, %arg8: memref<79x128xi32, #tpu.memory_space<vmem>>, %arg9: memref<128x128xf32, #tpu.memory_space<vmem>>, %arg10: memref<10112x128xf32, #tpu.memory_space<vmem_shared>>, %arg11: memref<!tpu.dma_semaphore, #tpu.memory_space<semaphore_mem>>) attributes {dimension_semantics = [#tpu.dimension_semantics<core_parallel>, #tpu.dimension_semantics<subcore_parallel>], iteration_bounds = array<i64: 2, 16>, scalar_prefetch = 0 : i64, scratch_operands = 5 : i64, tpu.core_type = #tpu.core_type<sc_vector_subcore>, window_params = [{transform_indices = #map}, {transform_indices = #map1}, {transform_indices = #map1}, {transform_indices = #map}, {transform_indices = #map}]} {
    %mul3A = arith.constant 16 : i32
    %mul3A_0 = arith.muli %arg0, %mul3A : i32
    %add3A = arith.addi %mul3A_0, %arg1 : i32
    "tpu.region"() ({
      %run_scoped3A = tpu.sem_alloc : memref<!tpu.dma_semaphore, #tpu.memory_space<semaphore_mem>>
      %dma_start3A = arith.constant 0 : i32
      %dma_start3A_18 = arith.constant 0 : i32
      %dma_start3A_19 = tpu.memref_slice %arg3[%add3A, %dma_start3A, %dma_start3A_18] : memref<32x79x128xi32, #tpu.memory_space<hbm>> -> memref<1x79x128xi32, #tpu.memory_space<hbm>>
      %dma_start3A_20 = tpu.memref_squeeze %dma_start3A_19 : memref<1x79x128xi32, #tpu.memory_space<hbm>> -> memref<79x128xi32, #tpu.memory_space<hbm>>
      %dma_start3A_21 = arith.constant 0 : i32
      %dma_start3A_22 = arith.constant 0 : i32
      %dma_start3A_23 = tpu.memref_slice %arg3[%add3A, %dma_start3A_21, %dma_start3A_22] : memref<32x79x128xi32, #tpu.memory_space<hbm>> -> memref<1x79x128xi32, #tpu.memory_space<hbm>>
      %dma_start3A_24 = tpu.memref_squeeze %dma_start3A_23 : memref<1x79x128xi32, #tpu.memory_space<hbm>> -> memref<79x128xi32, #tpu.memory_space<hbm>>
      tpu.enqueue_dma source(%dma_start3A_24 : memref<79x128xi32, #tpu.memory_space<hbm>>) target(%arg7 : memref<79x128xi32, #tpu.memory_space<vmem>>) target_semaphore(%run_scoped3A : memref<!tpu.dma_semaphore, #tpu.memory_space<semaphore_mem>>)
      %dma_wait3A = arith.constant 0 : i32
      %dma_wait3A_25 = arith.constant 0 : i32
      %dma_wait3A_26 = tpu.memref_slice %arg3[%add3A, %dma_wait3A, %dma_wait3A_25] : memref<32x79x128xi32, #tpu.memory_space<hbm>> -> memref<1x79x128xi32, #tpu.memory_space<hbm>>
      %dma_wait3A_27 = tpu.memref_squeeze %dma_wait3A_26 : memref<1x79x128xi32, #tpu.memory_space<hbm>> -> memref<79x128xi32, #tpu.memory_space<hbm>>
      %dma_wait3A_28 = arith.constant 0 : i32
      %dma_wait3A_29 = arith.constant 0 : i32
      %dma_wait3A_30 = tpu.memref_slice %arg3[%add3A, %dma_wait3A_28, %dma_wait3A_29] : memref<32x79x128xi32, #tpu.memory_space<hbm>> -> memref<1x79x128xi32, #tpu.memory_space<hbm>>
      %dma_wait3A_31 = tpu.memref_squeeze %dma_wait3A_30 : memref<1x79x128xi32, #tpu.memory_space<hbm>> -> memref<79x128xi32, #tpu.memory_space<hbm>>
      tpu.wait_dma2 semaphore(%run_scoped3A : memref<!tpu.dma_semaphore, #tpu.memory_space<semaphore_mem>>) src(%dma_wait3A_31 : memref<79x128xi32, #tpu.memory_space<hbm>>) dst(%arg7 : memref<79x128xi32, #tpu.memory_space<vmem>>)
      tpu.yield
    }) : () -> ()
    "tpu.region"() ({
      %run_scoped3A = tpu.sem_alloc : memref<!tpu.dma_semaphore, #tpu.memory_space<semaphore_mem>>
      %dma_start3A = arith.constant 0 : i32
      %dma_start3A_18 = arith.constant 0 : i32
      %dma_start3A_19 = tpu.memref_slice %arg4[%add3A, %dma_start3A, %dma_start3A_18] : memref<32x79x128xi32, #tpu.memory_space<hbm>> -> memref<1x79x128xi32, #tpu.memory_space<hbm>>
      %dma_start3A_20 = tpu.memref_squeeze %dma_start3A_19 : memref<1x79x128xi32, #tpu.memory_space<hbm>> -> memref<79x128xi32, #tpu.memory_space<hbm>>
      %dma_start3A_21 = arith.constant 0 : i32
      %dma_start3A_22 = arith.constant 0 : i32
      %dma_start3A_23 = tpu.memref_slice %arg4[%add3A, %dma_start3A_21, %dma_start3A_22] : memref<32x79x128xi32, #tpu.memory_space<hbm>> -> memref<1x79x128xi32, #tpu.memory_space<hbm>>
      %dma_start3A_24 = tpu.memref_squeeze %dma_start3A_23 : memref<1x79x128xi32, #tpu.memory_space<hbm>> -> memref<79x128xi32, #tpu.memory_space<hbm>>
      tpu.enqueue_dma source(%dma_start3A_24 : memref<79x128xi32, #tpu.memory_space<hbm>>) target(%arg8 : memref<79x128xi32, #tpu.memory_space<vmem>>) target_semaphore(%run_scoped3A : memref<!tpu.dma_semaphore, #tpu.memory_space<semaphore_mem>>)
      %dma_wait3A = arith.constant 0 : i32
      %dma_wait3A_25 = arith.constant 0 : i32
      %dma_wait3A_26 = tpu.memref_slice %arg4[%add3A, %dma_wait3A, %dma_wait3A_25] : memref<32x79x128xi32, #tpu.memory_space<hbm>> -> memref<1x79x128xi32, #tpu.memory_space<hbm>>
      %dma_wait3A_27 = tpu.memref_squeeze %dma_wait3A_26 : memref<1x79x128xi32, #tpu.memory_space<hbm>> -> memref<79x128xi32, #tpu.memory_space<hbm>>
      %dma_wait3A_28 = arith.constant 0 : i32
      %dma_wait3A_29 = arith.constant 0 : i32
      %dma_wait3A_30 = tpu.memref_slice %arg4[%add3A, %dma_wait3A_28, %dma_wait3A_29] : memref<32x79x128xi32, #tpu.memory_space<hbm>> -> memref<1x79x128xi32, #tpu.memory_space<hbm>>
      %dma_wait3A_31 = tpu.memref_squeeze %dma_wait3A_30 : memref<1x79x128xi32, #tpu.memory_space<hbm>> -> memref<79x128xi32, #tpu.memory_space<hbm>>
      tpu.wait_dma2 semaphore(%run_scoped3A : memref<!tpu.dma_semaphore, #tpu.memory_space<semaphore_mem>>) src(%dma_wait3A_31 : memref<79x128xi32, #tpu.memory_space<hbm>>) dst(%arg8 : memref<79x128xi32, #tpu.memory_space<vmem>>)
      tpu.yield
    }) : () -> ()
    %mul3A_1 = arith.constant 632 : i32
    %mul3A_2 = arith.muli %arg1, %mul3A_1 : i32
    %mul3A_3 = arith.constant 632 : i32
    %mul3A_4 = arith.muli %arg1, %mul3A_3 : i32
    "tpu.region"() ({
      %run_scoped3A = tpu.sem_alloc : memref<!tpu.dma_semaphore, #tpu.memory_space<semaphore_mem>>
      %dma_start3A = arith.constant 0 : i32
      %dma_start3A_18 = tpu.memref_slice %arg10[%mul3A_4, %dma_start3A] : memref<10112x128xf32, #tpu.memory_space<vmem_shared>> -> memref<632x128xf32, #tpu.memory_space<vmem_shared>>
      %dma_start3A_19 = arith.constant 0 : i32
      %dma_start3A_20 = tpu.memref_slice %arg5[%mul3A_2, %dma_start3A_19] : memref<10112x128xf32, #tpu.memory_space<hbm>> -> memref<632x128xf32, #tpu.memory_space<hbm>>
      tpu.enqueue_dma source(%dma_start3A_20 : memref<632x128xf32, #tpu.memory_space<hbm>>) target(%dma_start3A_18 : memref<632x128xf32, #tpu.memory_space<vmem_shared>>) target_semaphore(%run_scoped3A : memref<!tpu.dma_semaphore, #tpu.memory_space<semaphore_mem>>)
      %dma_wait3A = arith.constant 0 : i32
      %dma_wait3A_21 = tpu.memref_slice %arg10[%mul3A_4, %dma_wait3A] : memref<10112x128xf32, #tpu.memory_space<vmem_shared>> -> memref<632x128xf32, #tpu.memory_space<vmem_shared>>
      %dma_wait3A_22 = arith.constant 0 : i32
      %dma_wait3A_23 = tpu.memref_slice %arg5[%mul3A_2, %dma_wait3A_22] : memref<10112x128xf32, #tpu.memory_space<hbm>> -> memref<632x128xf32, #tpu.memory_space<hbm>>
      tpu.wait_dma2 semaphore(%run_scoped3A : memref<!tpu.dma_semaphore, #tpu.memory_space<semaphore_mem>>) src(%dma_wait3A_23 : memref<632x128xf32, #tpu.memory_space<hbm>>) dst(%dma_wait3A_21 : memref<632x128xf32, #tpu.memory_space<vmem_shared>>)
      tpu.yield
    }) : () -> ()
    %barrier3A = arith.constant 0 : index
    tpu.barrier barrier_id(%barrier3A)
    %scan3A = arith.constant 0 : i32
    %scan3A_5 = arith.constant 0 : i32
    %scan3A_6 = arith.constant 79 : i32
    %scan3A_7 = arith.addi %scan3A_5, %scan3A_6 : i32
    %scan3A_8 = arith.constant 1 : i32
    scf.for %scan3A_18 = %scan3A_5 to %scan3A_7 step %scan3A_8  : i32 {
      %dma_start3A = arith.constant 0 : i32
      %dma_start3A_19 = tpu.memref_slice %arg7[%scan3A_18, %dma_start3A] : memref<79x128xi32, #tpu.memory_space<vmem>> -> memref<1x128xi32, #tpu.memory_space<vmem>>
      %dma_start3A_20 = tpu.memref_squeeze %dma_start3A_19 : memref<1x128xi32, #tpu.memory_space<vmem>> -> memref<128xi32, #tpu.memory_space<vmem>>
      %dma_start3A_21 = arith.constant 0 : i32
      %dma_start3A_22 = arith.constant 0 : i32
      %dma_start3A_23 = tpu.memref_slice %arg2[%dma_start3A_21, %dma_start3A_22] : memref<10112x128xf32, #tpu.memory_space<hbm>> -> memref<10112x128xf32, #tpu.memory_space<hbm>>
      tpu.enqueue_indirect_dma source(%dma_start3A_23 : memref<10112x128xf32, #tpu.memory_space<hbm>>) target(%arg9 : memref<128x128xf32, #tpu.memory_space<vmem>>) offsets(%dma_start3A_20 : memref<128xi32, #tpu.memory_space<vmem>>) semaphore(%arg11 : memref<!tpu.dma_semaphore, #tpu.memory_space<semaphore_mem>>)
      %dma_wait3A = arith.constant 0 : i32
      %dma_wait3A_24 = tpu.memref_slice %arg7[%scan3A_18, %dma_wait3A] : memref<79x128xi32, #tpu.memory_space<vmem>> -> memref<1x128xi32, #tpu.memory_space<vmem>>
      %dma_wait3A_25 = tpu.memref_squeeze %dma_wait3A_24 : memref<1x128xi32, #tpu.memory_space<vmem>> -> memref<128xi32, #tpu.memory_space<vmem>>
      %dma_wait3A_26 = arith.constant 0 : i32
      %dma_wait3A_27 = arith.constant 0 : i32
      %dma_wait3A_28 = tpu.memref_slice %arg2[%dma_wait3A_26, %dma_wait3A_27] : memref<10112x128xf32, #tpu.memory_space<hbm>> -> memref<10112x128xf32, #tpu.memory_space<hbm>>
      tpu.wait_indirect_dma semaphore(%arg11 : memref<!tpu.dma_semaphore, #tpu.memory_space<semaphore_mem>>) src(%dma_wait3A_28 : memref<10112x128xf32, #tpu.memory_space<hbm>>) dst(%arg9 : memref<128x128xf32, #tpu.memory_space<vmem>>)
      "tpu.region"() ({
        %run_scoped3A = tpu.sem_alloc : memref<!tpu.dma_semaphore, #tpu.memory_space<semaphore_mem>>
        %dma_start3A_29 = arith.constant 0 : i32
        %dma_start3A_30 = tpu.memref_slice %arg8[%scan3A_18, %dma_start3A_29] : memref<79x128xi32, #tpu.memory_space<vmem>> -> memref<1x128xi32, #tpu.memory_space<vmem>>
        %dma_start3A_31 = tpu.memref_squeeze %dma_start3A_30 : memref<1x128xi32, #tpu.memory_space<vmem>> -> memref<128xi32, #tpu.memory_space<vmem>>
        %dma_start3A_32 = arith.constant 0 : i32
        %dma_start3A_33 = arith.constant 0 : i32
        %dma_start3A_34 = tpu.memref_slice %arg10[%dma_start3A_32, %dma_start3A_33] : memref<10112x128xf32, #tpu.memory_space<vmem_shared>> -> memref<10112x128xf32, #tpu.memory_space<vmem_shared>>
        tpu.enqueue_indirect_dma source(%arg9 : memref<128x128xf32, #tpu.memory_space<vmem>>) target(%dma_start3A_34 : memref<10112x128xf32, #tpu.memory_space<vmem_shared>>) offsets(%dma_start3A_31 : memref<128xi32, #tpu.memory_space<vmem>>) semaphore(%run_scoped3A : memref<!tpu.dma_semaphore, #tpu.memory_space<semaphore_mem>>) {add = true}
        %dma_wait3A_35 = arith.constant 0 : i32
        %dma_wait3A_36 = tpu.memref_slice %arg8[%scan3A_18, %dma_wait3A_35] : memref<79x128xi32, #tpu.memory_space<vmem>> -> memref<1x128xi32, #tpu.memory_space<vmem>>
        %dma_wait3A_37 = tpu.memref_squeeze %dma_wait3A_36 : memref<1x128xi32, #tpu.memory_space<vmem>> -> memref<128xi32, #tpu.memory_space<vmem>>
        %dma_wait3A_38 = arith.constant 0 : i32
        %dma_wait3A_39 = arith.constant 0 : i32
        %dma_wait3A_40 = tpu.memref_slice %arg10[%dma_wait3A_38, %dma_wait3A_39] : memref<10112x128xf32, #tpu.memory_space<vmem_shared>> -> memref<10112x128xf32, #tpu.memory_space<vmem_shared>>
        tpu.wait_indirect_dma semaphore(%run_scoped3A : memref<!tpu.dma_semaphore, #tpu.memory_space<semaphore_mem>>) src(%arg9 : memref<128x128xf32, #tpu.memory_space<vmem>>) dst(%dma_wait3A_40 : memref<10112x128xf32, #tpu.memory_space<vmem_shared>>)
        tpu.yield
      }) : () -> ()
    }
    %scan3A_9 = arith.constant 79 : i32
    %barrier3A_10 = arith.constant 0 : index
    tpu.barrier barrier_id(%barrier3A_10)
    %mul3A_11 = arith.constant 632 : i32
    %mul3A_12 = arith.muli %arg1, %mul3A_11 : i32
    %mul3A_13 = arith.constant 10112 : i32
    %mul3A_14 = arith.muli %arg0, %mul3A_13 : i32
    %mul3A_15 = arith.constant 632 : i32
    %mul3A_16 = arith.muli %arg1, %mul3A_15 : i32
    %add3A_17 = arith.addi %mul3A_14, %mul3A_16 : i32
    "tpu.region"() ({
      %run_scoped3A = tpu.sem_alloc : memref<!tpu.dma_semaphore, #tpu.memory_space<semaphore_mem>>
      %dma_start3A = arith.constant 0 : i32
      %dma_start3A_18 = tpu.memref_slice %arg6[%add3A_17, %dma_start3A] : memref<20224x128xf32, #tpu.memory_space<hbm>> -> memref<632x128xf32, #tpu.memory_space<hbm>>
      %dma_start3A_19 = arith.constant 0 : i32
      %dma_start3A_20 = tpu.memref_slice %arg10[%mul3A_12, %dma_start3A_19] : memref<10112x128xf32, #tpu.memory_space<vmem_shared>> -> memref<632x128xf32, #tpu.memory_space<vmem_shared>>
      tpu.enqueue_dma source(%dma_start3A_20 : memref<632x128xf32, #tpu.memory_space<vmem_shared>>) target(%dma_start3A_18 : memref<632x128xf32, #tpu.memory_space<hbm>>) target_semaphore(%run_scoped3A : memref<!tpu.dma_semaphore, #tpu.memory_space<semaphore_mem>>)
      %dma_wait3A = arith.constant 0 : i32
      %dma_wait3A_21 = tpu.memref_slice %arg6[%add3A_17, %dma_wait3A] : memref<20224x128xf32, #tpu.memory_space<hbm>> -> memref<632x128xf32, #tpu.memory_space<hbm>>
      %dma_wait3A_22 = arith.constant 0 : i32
      %dma_wait3A_23 = tpu.memref_slice %arg10[%mul3A_12, %dma_wait3A_22] : memref<10112x128xf32, #tpu.memory_space<vmem_shared>> -> memref<632x128xf32, #tpu.memory_space<vmem_shared>>
      tpu.wait_dma2 semaphore(%run_scoped3A : memref<!tpu.dma_semaphore, #tpu.memory_space<semaphore_mem>>) src(%dma_wait3A_23 : memref<632x128xf32, #tpu.memory_space<vmem_shared>>) dst(%dma_wait3A_21 : memref<632x128xf32, #tpu.memory_space<hbm>>)
      tpu.yield
    }) : () -> ()
    return
  }
}

#map = affine_map<(d0, d1) -> (0, 0)>
#map1 = affine_map<(d0, d1) -> (0, 0, 0)>
module attributes {stable_mosaic.version = 14 : i64} {
  func.func @body(%arg0: i32, %arg1: i32, %arg2: memref<10112x128xf32, #tpu.memory_space<hbm>>, %arg3: memref<32x79x128xi32, #tpu.memory_space<hbm>>, %arg4: memref<32x79x128xi32, #tpu.memory_space<hbm>>, %arg5: memref<10112x128xf32, #tpu.memory_space<hbm>>, %arg6: memref<20224x128xf32, #tpu.memory_space<hbm>>, %arg7: memref<79x128xi32, #tpu.memory_space<vmem>>, %arg8: memref<79x128xi32, #tpu.memory_space<vmem>>, %arg9: memref<128x128xf32, #tpu.memory_space<vmem>>, %arg10: memref<10112x128xf32, #tpu.memory_space<vmem_shared>>, %arg11: memref<!tpu.dma_semaphore, #tpu.memory_space<semaphore_mem>>) attributes {dimension_semantics = [#tpu.dimension_semantics<core_parallel>, #tpu.dimension_semantics<subcore_parallel>], iteration_bounds = array<i64: 2, 16>, scalar_prefetch = 0 : i64, scratch_operands = 5 : i64, tpu.core_type = #tpu.core_type<sc_vector_subcore>, window_params = [{transform_indices = #map}, {transform_indices = #map1}, {transform_indices = #map1}, {transform_indices = #map}, {transform_indices = #map}]} {
    %mul3A = arith.constant 16 : i32
    %mul3A_0 = arith.muli %arg0, %mul3A : i32
    %add3A = arith.addi %mul3A_0, %arg1 : i32
    "tpu.region"() ({
      %run_scoped3A = tpu.sem_alloc : memref<!tpu.dma_semaphore, #tpu.memory_space<semaphore_mem>>
      %dma_start3A = arith.constant 0 : i32
      %dma_start3A_18 = arith.constant 0 : i32
      %dma_start3A_19 = tpu.memref_slice %arg3[%add3A, %dma_start3A, %dma_start3A_18] : memref<32x79x128xi32, #tpu.memory_space<hbm>> -> memref<1x79x128xi32, #tpu.memory_space<hbm>>
      %dma_start3A_20 = tpu.memref_squeeze %dma_start3A_19 : memref<1x79x128xi32, #tpu.memory_space<hbm>> -> memref<79x128xi32, #tpu.memory_space<hbm>>
      %dma_start3A_21 = arith.constant 0 : i32
      %dma_start3A_22 = arith.constant 0 : i32
      %dma_start3A_23 = tpu.memref_slice %arg3[%add3A, %dma_start3A_21, %dma_start3A_22] : memref<32x79x128xi32, #tpu.memory_space<hbm>> -> memref<1x79x128xi32, #tpu.memory_space<hbm>>
      %dma_start3A_24 = tpu.memref_squeeze %dma_start3A_23 : memref<1x79x128xi32, #tpu.memory_space<hbm>> -> memref<79x128xi32, #tpu.memory_space<hbm>>
      tpu.enqueue_dma source(%dma_start3A_24 : memref<79x128xi32, #tpu.memory_space<hbm>>) target(%arg7 : memref<79x128xi32, #tpu.memory_space<vmem>>) target_semaphore(%run_scoped3A : memref<!tpu.dma_semaphore, #tpu.memory_space<semaphore_mem>>)
      %dma_wait3A = arith.constant 0 : i32
      %dma_wait3A_25 = arith.constant 0 : i32
      %dma_wait3A_26 = tpu.memref_slice %arg3[%add3A, %dma_wait3A, %dma_wait3A_25] : memref<32x79x128xi32, #tpu.memory_space<hbm>> -> memref<1x79x128xi32, #tpu.memory_space<hbm>>
      %dma_wait3A_27 = tpu.memref_squeeze %dma_wait3A_26 : memref<1x79x128xi32, #tpu.memory_space<hbm>> -> memref<79x128xi32, #tpu.memory_space<hbm>>
      %dma_wait3A_28 = arith.constant 0 : i32
      %dma_wait3A_29 = arith.constant 0 : i32
      %dma_wait3A_30 = tpu.memref_slice %arg3[%add3A, %dma_wait3A_28, %dma_wait3A_29] : memref<32x79x128xi32, #tpu.memory_space<hbm>> -> memref<1x79x128xi32, #tpu.memory_space<hbm>>
      %dma_wait3A_31 = tpu.memref_squeeze %dma_wait3A_30 : memref<1x79x128xi32, #tpu.memory_space<hbm>> -> memref<79x128xi32, #tpu.memory_space<hbm>>
      tpu.wait_dma2 semaphore(%run_scoped3A : memref<!tpu.dma_semaphore, #tpu.memory_space<semaphore_mem>>) src(%dma_wait3A_31 : memref<79x128xi32, #tpu.memory_space<hbm>>) dst(%arg7 : memref<79x128xi32, #tpu.memory_space<vmem>>)
      tpu.yield
    }) : () -> ()
    "tpu.region"() ({
      %run_scoped3A = tpu.sem_alloc : memref<!tpu.dma_semaphore, #tpu.memory_space<semaphore_mem>>
      %dma_start3A = arith.constant 0 : i32
      %dma_start3A_18 = arith.constant 0 : i32
      %dma_start3A_19 = tpu.memref_slice %arg4[%add3A, %dma_start3A, %dma_start3A_18] : memref<32x79x128xi32, #tpu.memory_space<hbm>> -> memref<1x79x128xi32, #tpu.memory_space<hbm>>
      %dma_start3A_20 = tpu.memref_squeeze %dma_start3A_19 : memref<1x79x128xi32, #tpu.memory_space<hbm>> -> memref<79x128xi32, #tpu.memory_space<hbm>>
      %dma_start3A_21 = arith.constant 0 : i32
      %dma_start3A_22 = arith.constant 0 : i32
      %dma_start3A_23 = tpu.memref_slice %arg4[%add3A, %dma_start3A_21, %dma_start3A_22] : memref<32x79x128xi32, #tpu.memory_space<hbm>> -> memref<1x79x128xi32, #tpu.memory_space<hbm>>
      %dma_start3A_24 = tpu.memref_squeeze %dma_start3A_23 : memref<1x79x128xi32, #tpu.memory_space<hbm>> -> memref<79x128xi32, #tpu.memory_space<hbm>>
      tpu.enqueue_dma source(%dma_start3A_24 : memref<79x128xi32, #tpu.memory_space<hbm>>) target(%arg8 : memref<79x128xi32, #tpu.memory_space<vmem>>) target_semaphore(%run_scoped3A : memref<!tpu.dma_semaphore, #tpu.memory_space<semaphore_mem>>)
      %dma_wait3A = arith.constant 0 : i32
      %dma_wait3A_25 = arith.constant 0 : i32
      %dma_wait3A_26 = tpu.memref_slice %arg4[%add3A, %dma_wait3A, %dma_wait3A_25] : memref<32x79x128xi32, #tpu.memory_space<hbm>> -> memref<1x79x128xi32, #tpu.memory_space<hbm>>
      %dma_wait3A_27 = tpu.memref_squeeze %dma_wait3A_26 : memref<1x79x128xi32, #tpu.memory_space<hbm>> -> memref<79x128xi32, #tpu.memory_space<hbm>>
      %dma_wait3A_28 = arith.constant 0 : i32
      %dma_wait3A_29 = arith.constant 0 : i32
      %dma_wait3A_30 = tpu.memref_slice %arg4[%add3A, %dma_wait3A_28, %dma_wait3A_29] : memref<32x79x128xi32, #tpu.memory_space<hbm>> -> memref<1x79x128xi32, #tpu.memory_space<hbm>>
      %dma_wait3A_31 = tpu.memref_squeeze %dma_wait3A_30 : memref<1x79x128xi32, #tpu.memory_space<hbm>> -> memref<79x128xi32, #tpu.memory_space<hbm>>
      tpu.wait_dma2 semaphore(%run_scoped3A : memref<!tpu.dma_semaphore, #tpu.memory_space<semaphore_mem>>) src(%dma_wait3A_31 : memref<79x128xi32, #tpu.memory_space<hbm>>) dst(%arg8 : memref<79x128xi32, #tpu.memory_space<vmem>>)
      tpu.yield
    }) : () -> ()
    %mul3A_1 = arith.constant 632 : i32
    %mul3A_2 = arith.muli %arg1, %mul3A_1 : i32
    %mul3A_3 = arith.constant 632 : i32
    %mul3A_4 = arith.muli %arg1, %mul3A_3 : i32
    "tpu.region"() ({
      %run_scoped3A = tpu.sem_alloc : memref<!tpu.dma_semaphore, #tpu.memory_space<semaphore_mem>>
      %dma_start3A = arith.constant 0 : i32
      %dma_start3A_18 = tpu.memref_slice %arg10[%mul3A_4, %dma_start3A] : memref<10112x128xf32, #tpu.memory_space<vmem_shared>> -> memref<632x128xf32, #tpu.memory_space<vmem_shared>>
      %dma_start3A_19 = arith.constant 0 : i32
      %dma_start3A_20 = tpu.memref_slice %arg5[%mul3A_2, %dma_start3A_19] : memref<10112x128xf32, #tpu.memory_space<hbm>> -> memref<632x128xf32, #tpu.memory_space<hbm>>
      tpu.enqueue_dma source(%dma_start3A_20 : memref<632x128xf32, #tpu.memory_space<hbm>>) target(%dma_start3A_18 : memref<632x128xf32, #tpu.memory_space<vmem_shared>>) target_semaphore(%run_scoped3A : memref<!tpu.dma_semaphore, #tpu.memory_space<semaphore_mem>>)
      %dma_wait3A = arith.constant 0 : i32
      %dma_wait3A_21 = tpu.memref_slice %arg10[%mul3A_4, %dma_wait3A] : memref<10112x128xf32, #tpu.memory_space<vmem_shared>> -> memref<632x128xf32, #tpu.memory_space<vmem_shared>>
      %dma_wait3A_22 = arith.constant 0 : i32
      %dma_wait3A_23 = tpu.memref_slice %arg5[%mul3A_2, %dma_wait3A_22] : memref<10112x128xf32, #tpu.memory_space<hbm>> -> memref<632x128xf32, #tpu.memory_space<hbm>>
      tpu.wait_dma2 semaphore(%run_scoped3A : memref<!tpu.dma_semaphore, #tpu.memory_space<semaphore_mem>>) src(%dma_wait3A_23 : memref<632x128xf32, #tpu.memory_space<hbm>>) dst(%dma_wait3A_21 : memref<632x128xf32, #tpu.memory_space<vmem_shared>>)
      tpu.yield
    }) : () -> ()
    %barrier3A = arith.constant 0 : index
    tpu.barrier barrier_id(%barrier3A)
    %scan3A = arith.constant 0 : i32
    %scan3A_5 = arith.constant 0 : i32
    %scan3A_6 = arith.constant 79 : i32
    %scan3A_7 = arith.addi %scan3A_5, %scan3A_6 : i32
    %scan3A_8 = arith.constant 1 : i32
    scf.for %scan3A_18 = %scan3A_5 to %scan3A_7 step %scan3A_8  : i32 {
      %dma_start3A = arith.constant 0 : i32
      %dma_start3A_19 = tpu.memref_slice %arg7[%scan3A_18, %dma_start3A] : memref<79x128xi32, #tpu.memory_space<vmem>> -> memref<1x128xi32, #tpu.memory_space<vmem>>
      %dma_start3A_20 = tpu.memref_squeeze %dma_start3A_19 : memref<1x128xi32, #tpu.memory_space<vmem>> -> memref<128xi32, #tpu.memory_space<vmem>>
      %dma_start3A_21 = arith.constant 0 : i32
      %dma_start3A_22 = arith.constant 0 : i32
      %dma_start3A_23 = tpu.memref_slice %arg2[%dma_start3A_21, %dma_start3A_22] : memref<10112x128xf32, #tpu.memory_space<hbm>> -> memref<10112x128xf32, #tpu.memory_space<hbm>>
      tpu.enqueue_indirect_dma source(%dma_start3A_23 : memref<10112x128xf32, #tpu.memory_space<hbm>>) target(%arg9 : memref<128x128xf32, #tpu.memory_space<vmem>>) offsets(%dma_start3A_20 : memref<128xi32, #tpu.memory_space<vmem>>) semaphore(%arg11 : memref<!tpu.dma_semaphore, #tpu.memory_space<semaphore_mem>>)
      %dma_wait3A = arith.constant 0 : i32
      %dma_wait3A_24 = tpu.memref_slice %arg7[%scan3A_18, %dma_wait3A] : memref<79x128xi32, #tpu.memory_space<vmem>> -> memref<1x128xi32, #tpu.memory_space<vmem>>
      %dma_wait3A_25 = tpu.memref_squeeze %dma_wait3A_24 : memref<1x128xi32, #tpu.memory_space<vmem>> -> memref<128xi32, #tpu.memory_space<vmem>>
      %dma_wait3A_26 = arith.constant 0 : i32
      %dma_wait3A_27 = arith.constant 0 : i32
      %dma_wait3A_28 = tpu.memref_slice %arg2[%dma_wait3A_26, %dma_wait3A_27] : memref<10112x128xf32, #tpu.memory_space<hbm>> -> memref<10112x128xf32, #tpu.memory_space<hbm>>
      tpu.wait_indirect_dma semaphore(%arg11 : memref<!tpu.dma_semaphore, #tpu.memory_space<semaphore_mem>>) src(%dma_wait3A_28 : memref<10112x128xf32, #tpu.memory_space<hbm>>) dst(%arg9 : memref<128x128xf32, #tpu.memory_space<vmem>>)
      "tpu.region"() ({
        %run_scoped3A = tpu.sem_alloc : memref<!tpu.dma_semaphore, #tpu.memory_space<semaphore_mem>>
        %dma_start3A_29 = arith.constant 0 : i32
        %dma_start3A_30 = tpu.memref_slice %arg8[%scan3A_18, %dma_start3A_29] : memref<79x128xi32, #tpu.memory_space<vmem>> -> memref<1x128xi32, #tpu.memory_space<vmem>>
        %dma_start3A_31 = tpu.memref_squeeze %dma_start3A_30 : memref<1x128xi32, #tpu.memory_space<vmem>> -> memref<128xi32, #tpu.memory_space<vmem>>
        %dma_start3A_32 = arith.constant 0 : i32
        %dma_start3A_33 = arith.constant 0 : i32
        %dma_start3A_34 = tpu.memref_slice %arg10[%dma_start3A_32, %dma_start3A_33] : memref<10112x128xf32, #tpu.memory_space<vmem_shared>> -> memref<10112x128xf32, #tpu.memory_space<vmem_shared>>
        tpu.enqueue_indirect_dma source(%arg9 : memref<128x128xf32, #tpu.memory_space<vmem>>) target(%dma_start3A_34 : memref<10112x128xf32, #tpu.memory_space<vmem_shared>>) offsets(%dma_start3A_31 : memref<128xi32, #tpu.memory_space<vmem>>) semaphore(%run_scoped3A : memref<!tpu.dma_semaphore, #tpu.memory_space<semaphore_mem>>) {add = true}
        %dma_wait3A_35 = arith.constant 0 : i32
        %dma_wait3A_36 = tpu.memref_slice %arg8[%scan3A_18, %dma_wait3A_35] : memref<79x128xi32, #tpu.memory_space<vmem>> -> memref<1x128xi32, #tpu.memory_space<vmem>>
        %dma_wait3A_37 = tpu.memref_squeeze %dma_wait3A_36 : memref<1x128xi32, #tpu.memory_space<vmem>> -> memref<128xi32, #tpu.memory_space<vmem>>
        %dma_wait3A_38 = arith.constant 0 : i32
        %dma_wait3A_39 = arith.constant 0 : i32
        %dma_wait3A_40 = tpu.memref_slice %arg10[%dma_wait3A_38, %dma_wait3A_39] : memref<10112x128xf32, #tpu.memory_space<vmem_shared>> -> memref<10112x128xf32, #tpu.memory_space<vmem_shared>>
        tpu.wait_indirect_dma semaphore(%run_scoped3A : memref<!tpu.dma_semaphore, #tpu.memory_space<semaphore_mem>>) src(%arg9 : memref<128x128xf32, #tpu.memory_space<vmem>>) dst(%dma_wait3A_40 : memref<10112x128xf32, #tpu.memory_space<vmem_shared>>)
        tpu.yield
      }) : () -> ()
    }
    %scan3A_9 = arith.constant 79 : i32
    %barrier3A_10 = arith.constant 0 : index
    tpu.barrier barrier_id(%barrier3A_10)
    %mul3A_11 = arith.constant 632 : i32
    %mul3A_12 = arith.muli %arg1, %mul3A_11 : i32
    %mul3A_13 = arith.constant 10112 : i32
    %mul3A_14 = arith.muli %arg0, %mul3A_13 : i32
    %mul3A_15 = arith.constant 632 : i32
    %mul3A_16 = arith.muli %arg1, %mul3A_15 : i32
    %add3A_17 = arith.addi %mul3A_14, %mul3A_16 : i32
    "tpu.region"() ({
      %run_scoped3A = tpu.sem_alloc : memref<!tpu.dma_semaphore, #tpu.memory_space<semaphore_mem>>
      %dma_start3A = arith.constant 0 : i32
      %dma_start3A_18 = tpu.memref_slice %arg6[%add3A_17, %dma_start3A] : memref<20224x128xf32, #tpu.memory_space<hbm>> -> memref<632x128xf32, #tpu.memory_space<hbm>>
      %dma_start3A_19 = arith.constant 0 : i32
      %dma_start3A_20 = tpu.memref_slice %arg10[%mul3A_12, %dma_start3A_19] : memref<10112x128xf32, #tpu.memory_space<vmem_shared>> -> memref<632x128xf32, #tpu.memory_space<vmem_shared>>
      tpu.enqueue_dma source(%dma_start3A_20 : memref<632x128xf32, #tpu.memory_space<vmem_shared>>) target(%dma_start3A_18 : memref<632x128xf32, #tpu.memory_space<hbm>>) target_semaphore(%run_scoped3A : memref<!tpu.dma_semaphore, #tpu.memory_space<semaphore_mem>>)
      %dma_wait3A = arith.constant 0 : i32
      %dma_wait3A_21 = tpu.memref_slice %arg6[%add3A_17, %dma_wait3A] : memref<20224x128xf32, #tpu.memory_space<hbm>> -> memref<632x128xf32, #tpu.memory_space<hbm>>
      %dma_wait3A_22 = arith.constant 0 : i32
      %dma_wait3A_23 = tpu.memref_slice %arg10[%mul3A_12, %dma_wait3A_22] : memref<10112x128xf32, #tpu.memory_space<vmem_shared>> -> memref<632x128xf32, #tpu.memory_space<vmem_shared>>
      tpu.wait_dma2 semaphore(%run_scoped3A : memref<!tpu.dma_semaphore, #tpu.memory_space<semaphore_mem>>) src(%dma_wait3A_23 : memref<632x128xf32, #tpu.memory_space<vmem_shared>>) dst(%dma_wait3A_21 : memref<632x128xf32, #tpu.memory_space<hbm>>)
      tpu.yield
    }) : () -> ()
    return
  }
}

#map = affine_map<(d0, d1) -> (0, 0)>
#map1 = affine_map<(d0, d1) -> (0, 0, 0)>
module attributes {stable_mosaic.version = 14 : i64} {
  func.func @body(%arg0: i32, %arg1: i32, %arg2: memref<10112x128xf32, #tpu.memory_space<hbm>>, %arg3: memref<32x79x128xi32, #tpu.memory_space<hbm>>, %arg4: memref<32x79x128xi32, #tpu.memory_space<hbm>>, %arg5: memref<10112x128xf32, #tpu.memory_space<hbm>>, %arg6: memref<20224x128xf32, #tpu.memory_space<hbm>>, %arg7: memref<79x128xi32, #tpu.memory_space<vmem>>, %arg8: memref<79x128xi32, #tpu.memory_space<vmem>>, %arg9: memref<128x128xf32, #tpu.memory_space<vmem>>, %arg10: memref<10112x128xf32, #tpu.memory_space<vmem_shared>>, %arg11: memref<!tpu.dma_semaphore, #tpu.memory_space<semaphore_mem>>) attributes {dimension_semantics = [#tpu.dimension_semantics<core_parallel>, #tpu.dimension_semantics<subcore_parallel>], iteration_bounds = array<i64: 2, 16>, scalar_prefetch = 0 : i64, scratch_operands = 5 : i64, tpu.core_type = #tpu.core_type<sc_vector_subcore>, window_params = [{transform_indices = #map}, {transform_indices = #map1}, {transform_indices = #map1}, {transform_indices = #map}, {transform_indices = #map}]} {
    %mul3A = arith.constant 16 : i32
    %mul3A_0 = arith.muli %arg0, %mul3A : i32
    %add3A = arith.addi %mul3A_0, %arg1 : i32
    "tpu.region"() ({
      %run_scoped3A = tpu.sem_alloc : memref<!tpu.dma_semaphore, #tpu.memory_space<semaphore_mem>>
      %dma_start3A = arith.constant 0 : i32
      %dma_start3A_18 = arith.constant 0 : i32
      %dma_start3A_19 = tpu.memref_slice %arg3[%add3A, %dma_start3A, %dma_start3A_18] : memref<32x79x128xi32, #tpu.memory_space<hbm>> -> memref<1x79x128xi32, #tpu.memory_space<hbm>>
      %dma_start3A_20 = tpu.memref_squeeze %dma_start3A_19 : memref<1x79x128xi32, #tpu.memory_space<hbm>> -> memref<79x128xi32, #tpu.memory_space<hbm>>
      %dma_start3A_21 = arith.constant 0 : i32
      %dma_start3A_22 = arith.constant 0 : i32
      %dma_start3A_23 = tpu.memref_slice %arg3[%add3A, %dma_start3A_21, %dma_start3A_22] : memref<32x79x128xi32, #tpu.memory_space<hbm>> -> memref<1x79x128xi32, #tpu.memory_space<hbm>>
      %dma_start3A_24 = tpu.memref_squeeze %dma_start3A_23 : memref<1x79x128xi32, #tpu.memory_space<hbm>> -> memref<79x128xi32, #tpu.memory_space<hbm>>
      tpu.enqueue_dma source(%dma_start3A_24 : memref<79x128xi32, #tpu.memory_space<hbm>>) target(%arg7 : memref<79x128xi32, #tpu.memory_space<vmem>>) target_semaphore(%run_scoped3A : memref<!tpu.dma_semaphore, #tpu.memory_space<semaphore_mem>>)
      %dma_wait3A = arith.constant 0 : i32
      %dma_wait3A_25 = arith.constant 0 : i32
      %dma_wait3A_26 = tpu.memref_slice %arg3[%add3A, %dma_wait3A, %dma_wait3A_25] : memref<32x79x128xi32, #tpu.memory_space<hbm>> -> memref<1x79x128xi32, #tpu.memory_space<hbm>>
      %dma_wait3A_27 = tpu.memref_squeeze %dma_wait3A_26 : memref<1x79x128xi32, #tpu.memory_space<hbm>> -> memref<79x128xi32, #tpu.memory_space<hbm>>
      %dma_wait3A_28 = arith.constant 0 : i32
      %dma_wait3A_29 = arith.constant 0 : i32
      %dma_wait3A_30 = tpu.memref_slice %arg3[%add3A, %dma_wait3A_28, %dma_wait3A_29] : memref<32x79x128xi32, #tpu.memory_space<hbm>> -> memref<1x79x128xi32, #tpu.memory_space<hbm>>
      %dma_wait3A_31 = tpu.memref_squeeze %dma_wait3A_30 : memref<1x79x128xi32, #tpu.memory_space<hbm>> -> memref<79x128xi32, #tpu.memory_space<hbm>>
      tpu.wait_dma2 semaphore(%run_scoped3A : memref<!tpu.dma_semaphore, #tpu.memory_space<semaphore_mem>>) src(%dma_wait3A_31 : memref<79x128xi32, #tpu.memory_space<hbm>>) dst(%arg7 : memref<79x128xi32, #tpu.memory_space<vmem>>)
      tpu.yield
    }) : () -> ()
    "tpu.region"() ({
      %run_scoped3A = tpu.sem_alloc : memref<!tpu.dma_semaphore, #tpu.memory_space<semaphore_mem>>
      %dma_start3A = arith.constant 0 : i32
      %dma_start3A_18 = arith.constant 0 : i32
      %dma_start3A_19 = tpu.memref_slice %arg4[%add3A, %dma_start3A, %dma_start3A_18] : memref<32x79x128xi32, #tpu.memory_space<hbm>> -> memref<1x79x128xi32, #tpu.memory_space<hbm>>
      %dma_start3A_20 = tpu.memref_squeeze %dma_start3A_19 : memref<1x79x128xi32, #tpu.memory_space<hbm>> -> memref<79x128xi32, #tpu.memory_space<hbm>>
      %dma_start3A_21 = arith.constant 0 : i32
      %dma_start3A_22 = arith.constant 0 : i32
      %dma_start3A_23 = tpu.memref_slice %arg4[%add3A, %dma_start3A_21, %dma_start3A_22] : memref<32x79x128xi32, #tpu.memory_space<hbm>> -> memref<1x79x128xi32, #tpu.memory_space<hbm>>
      %dma_start3A_24 = tpu.memref_squeeze %dma_start3A_23 : memref<1x79x128xi32, #tpu.memory_space<hbm>> -> memref<79x128xi32, #tpu.memory_space<hbm>>
      tpu.enqueue_dma source(%dma_start3A_24 : memref<79x128xi32, #tpu.memory_space<hbm>>) target(%arg8 : memref<79x128xi32, #tpu.memory_space<vmem>>) target_semaphore(%run_scoped3A : memref<!tpu.dma_semaphore, #tpu.memory_space<semaphore_mem>>)
      %dma_wait3A = arith.constant 0 : i32
      %dma_wait3A_25 = arith.constant 0 : i32
      %dma_wait3A_26 = tpu.memref_slice %arg4[%add3A, %dma_wait3A, %dma_wait3A_25] : memref<32x79x128xi32, #tpu.memory_space<hbm>> -> memref<1x79x128xi32, #tpu.memory_space<hbm>>
      %dma_wait3A_27 = tpu.memref_squeeze %dma_wait3A_26 : memref<1x79x128xi32, #tpu.memory_space<hbm>> -> memref<79x128xi32, #tpu.memory_space<hbm>>
      %dma_wait3A_28 = arith.constant 0 : i32
      %dma_wait3A_29 = arith.constant 0 : i32
      %dma_wait3A_30 = tpu.memref_slice %arg4[%add3A, %dma_wait3A_28, %dma_wait3A_29] : memref<32x79x128xi32, #tpu.memory_space<hbm>> -> memref<1x79x128xi32, #tpu.memory_space<hbm>>
      %dma_wait3A_31 = tpu.memref_squeeze %dma_wait3A_30 : memref<1x79x128xi32, #tpu.memory_space<hbm>> -> memref<79x128xi32, #tpu.memory_space<hbm>>
      tpu.wait_dma2 semaphore(%run_scoped3A : memref<!tpu.dma_semaphore, #tpu.memory_space<semaphore_mem>>) src(%dma_wait3A_31 : memref<79x128xi32, #tpu.memory_space<hbm>>) dst(%arg8 : memref<79x128xi32, #tpu.memory_space<vmem>>)
      tpu.yield
    }) : () -> ()
    %mul3A_1 = arith.constant 632 : i32
    %mul3A_2 = arith.muli %arg1, %mul3A_1 : i32
    %mul3A_3 = arith.constant 632 : i32
    %mul3A_4 = arith.muli %arg1, %mul3A_3 : i32
    "tpu.region"() ({
      %run_scoped3A = tpu.sem_alloc : memref<!tpu.dma_semaphore, #tpu.memory_space<semaphore_mem>>
      %dma_start3A = arith.constant 0 : i32
      %dma_start3A_18 = tpu.memref_slice %arg10[%mul3A_4, %dma_start3A] : memref<10112x128xf32, #tpu.memory_space<vmem_shared>> -> memref<632x128xf32, #tpu.memory_space<vmem_shared>>
      %dma_start3A_19 = arith.constant 0 : i32
      %dma_start3A_20 = tpu.memref_slice %arg5[%mul3A_2, %dma_start3A_19] : memref<10112x128xf32, #tpu.memory_space<hbm>> -> memref<632x128xf32, #tpu.memory_space<hbm>>
      tpu.enqueue_dma source(%dma_start3A_20 : memref<632x128xf32, #tpu.memory_space<hbm>>) target(%dma_start3A_18 : memref<632x128xf32, #tpu.memory_space<vmem_shared>>) target_semaphore(%run_scoped3A : memref<!tpu.dma_semaphore, #tpu.memory_space<semaphore_mem>>)
      %dma_wait3A = arith.constant 0 : i32
      %dma_wait3A_21 = tpu.memref_slice %arg10[%mul3A_4, %dma_wait3A] : memref<10112x128xf32, #tpu.memory_space<vmem_shared>> -> memref<632x128xf32, #tpu.memory_space<vmem_shared>>
      %dma_wait3A_22 = arith.constant 0 : i32
      %dma_wait3A_23 = tpu.memref_slice %arg5[%mul3A_2, %dma_wait3A_22] : memref<10112x128xf32, #tpu.memory_space<hbm>> -> memref<632x128xf32, #tpu.memory_space<hbm>>
      tpu.wait_dma2 semaphore(%run_scoped3A : memref<!tpu.dma_semaphore, #tpu.memory_space<semaphore_mem>>) src(%dma_wait3A_23 : memref<632x128xf32, #tpu.memory_space<hbm>>) dst(%dma_wait3A_21 : memref<632x128xf32, #tpu.memory_space<vmem_shared>>)
      tpu.yield
    }) : () -> ()
    %barrier3A = arith.constant 0 : index
    tpu.barrier barrier_id(%barrier3A)
    %scan3A = arith.constant 0 : i32
    %scan3A_5 = arith.constant 0 : i32
    %scan3A_6 = arith.constant 79 : i32
    %scan3A_7 = arith.addi %scan3A_5, %scan3A_6 : i32
    %scan3A_8 = arith.constant 1 : i32
    scf.for %scan3A_18 = %scan3A_5 to %scan3A_7 step %scan3A_8  : i32 {
      %dma_start3A = arith.constant 0 : i32
      %dma_start3A_19 = tpu.memref_slice %arg7[%scan3A_18, %dma_start3A] : memref<79x128xi32, #tpu.memory_space<vmem>> -> memref<1x128xi32, #tpu.memory_space<vmem>>
      %dma_start3A_20 = tpu.memref_squeeze %dma_start3A_19 : memref<1x128xi32, #tpu.memory_space<vmem>> -> memref<128xi32, #tpu.memory_space<vmem>>
      %dma_start3A_21 = arith.constant 0 : i32
      %dma_start3A_22 = arith.constant 0 : i32
      %dma_start3A_23 = tpu.memref_slice %arg2[%dma_start3A_21, %dma_start3A_22] : memref<10112x128xf32, #tpu.memory_space<hbm>> -> memref<10112x128xf32, #tpu.memory_space<hbm>>
      tpu.enqueue_indirect_dma source(%dma_start3A_23 : memref<10112x128xf32, #tpu.memory_space<hbm>>) target(%arg9 : memref<128x128xf32, #tpu.memory_space<vmem>>) offsets(%dma_start3A_20 : memref<128xi32, #tpu.memory_space<vmem>>) semaphore(%arg11 : memref<!tpu.dma_semaphore, #tpu.memory_space<semaphore_mem>>)
      %dma_wait3A = arith.constant 0 : i32
      %dma_wait3A_24 = tpu.memref_slice %arg7[%scan3A_18, %dma_wait3A] : memref<79x128xi32, #tpu.memory_space<vmem>> -> memref<1x128xi32, #tpu.memory_space<vmem>>
      %dma_wait3A_25 = tpu.memref_squeeze %dma_wait3A_24 : memref<1x128xi32, #tpu.memory_space<vmem>> -> memref<128xi32, #tpu.memory_space<vmem>>
      %dma_wait3A_26 = arith.constant 0 : i32
      %dma_wait3A_27 = arith.constant 0 : i32
      %dma_wait3A_28 = tpu.memref_slice %arg2[%dma_wait3A_26, %dma_wait3A_27] : memref<10112x128xf32, #tpu.memory_space<hbm>> -> memref<10112x128xf32, #tpu.memory_space<hbm>>
      tpu.wait_indirect_dma semaphore(%arg11 : memref<!tpu.dma_semaphore, #tpu.memory_space<semaphore_mem>>) src(%dma_wait3A_28 : memref<10112x128xf32, #tpu.memory_space<hbm>>) dst(%arg9 : memref<128x128xf32, #tpu.memory_space<vmem>>)
      "tpu.region"() ({
        %run_scoped3A = tpu.sem_alloc : memref<!tpu.dma_semaphore, #tpu.memory_space<semaphore_mem>>
        %dma_start3A_29 = arith.constant 0 : i32
        %dma_start3A_30 = tpu.memref_slice %arg8[%scan3A_18, %dma_start3A_29] : memref<79x128xi32, #tpu.memory_space<vmem>> -> memref<1x128xi32, #tpu.memory_space<vmem>>
        %dma_start3A_31 = tpu.memref_squeeze %dma_start3A_30 : memref<1x128xi32, #tpu.memory_space<vmem>> -> memref<128xi32, #tpu.memory_space<vmem>>
        %dma_start3A_32 = arith.constant 0 : i32
        %dma_start3A_33 = arith.constant 0 : i32
        %dma_start3A_34 = tpu.memref_slice %arg10[%dma_start3A_32, %dma_start3A_33] : memref<10112x128xf32, #tpu.memory_space<vmem_shared>> -> memref<10112x128xf32, #tpu.memory_space<vmem_shared>>
        tpu.enqueue_indirect_dma source(%arg9 : memref<128x128xf32, #tpu.memory_space<vmem>>) target(%dma_start3A_34 : memref<10112x128xf32, #tpu.memory_space<vmem_shared>>) offsets(%dma_start3A_31 : memref<128xi32, #tpu.memory_space<vmem>>) semaphore(%run_scoped3A : memref<!tpu.dma_semaphore, #tpu.memory_space<semaphore_mem>>) {add = true}
        %dma_wait3A_35 = arith.constant 0 : i32
        %dma_wait3A_36 = tpu.memref_slice %arg8[%scan3A_18, %dma_wait3A_35] : memref<79x128xi32, #tpu.memory_space<vmem>> -> memref<1x128xi32, #tpu.memory_space<vmem>>
        %dma_wait3A_37 = tpu.memref_squeeze %dma_wait3A_36 : memref<1x128xi32, #tpu.memory_space<vmem>> -> memref<128xi32, #tpu.memory_space<vmem>>
        %dma_wait3A_38 = arith.constant 0 : i32
        %dma_wait3A_39 = arith.constant 0 : i32
        %dma_wait3A_40 = tpu.memref_slice %arg10[%dma_wait3A_38, %dma_wait3A_39] : memref<10112x128xf32, #tpu.memory_space<vmem_shared>> -> memref<10112x128xf32, #tpu.memory_space<vmem_shared>>
        tpu.wait_indirect_dma semaphore(%run_scoped3A : memref<!tpu.dma_semaphore, #tpu.memory_space<semaphore_mem>>) src(%arg9 : memref<128x128xf32, #tpu.memory_space<vmem>>) dst(%dma_wait3A_40 : memref<10112x128xf32, #tpu.memory_space<vmem_shared>>)
        tpu.yield
      }) : () -> ()
    }
    %scan3A_9 = arith.constant 79 : i32
    %barrier3A_10 = arith.constant 0 : index
    tpu.barrier barrier_id(%barrier3A_10)
    %mul3A_11 = arith.constant 632 : i32
    %mul3A_12 = arith.muli %arg1, %mul3A_11 : i32
    %mul3A_13 = arith.constant 10112 : i32
    %mul3A_14 = arith.muli %arg0, %mul3A_13 : i32
    %mul3A_15 = arith.constant 632 : i32
    %mul3A_16 = arith.muli %arg1, %mul3A_15 : i32
    %add3A_17 = arith.addi %mul3A_14, %mul3A_16 : i32
    "tpu.region"() ({
      %run_scoped3A = tpu.sem_alloc : memref<!tpu.dma_semaphore, #tpu.memory_space<semaphore_mem>>
      %dma_start3A = arith.constant 0 : i32
      %dma_start3A_18 = tpu.memref_slice %arg6[%add3A_17, %dma_start3A] : memref<20224x128xf32, #tpu.memory_space<hbm>> -> memref<632x128xf32, #tpu.memory_space<hbm>>
      %dma_start3A_19 = arith.constant 0 : i32
      %dma_start3A_20 = tpu.memref_slice %arg10[%mul3A_12, %dma_start3A_19] : memref<10112x128xf32, #tpu.memory_space<vmem_shared>> -> memref<632x128xf32, #tpu.memory_space<vmem_shared>>
      tpu.enqueue_dma source(%dma_start3A_20 : memref<632x128xf32, #tpu.memory_space<vmem_shared>>) target(%dma_start3A_18 : memref<632x128xf32, #tpu.memory_space<hbm>>) target_semaphore(%run_scoped3A : memref<!tpu.dma_semaphore, #tpu.memory_space<semaphore_mem>>)
      %dma_wait3A = arith.constant 0 : i32
      %dma_wait3A_21 = tpu.memref_slice %arg6[%add3A_17, %dma_wait3A] : memref<20224x128xf32, #tpu.memory_space<hbm>> -> memref<632x128xf32, #tpu.memory_space<hbm>>
      %dma_wait3A_22 = arith.constant 0 : i32
      %dma_wait3A_23 = tpu.memref_slice %arg10[%mul3A_12, %dma_wait3A_22] : memref<10112x128xf32, #tpu.memory_space<vmem_shared>> -> memref<632x128xf32, #tpu.memory_space<vmem_shared>>
      tpu.wait_dma2 semaphore(%run_scoped3A : memref<!tpu.dma_semaphore, #tpu.memory_space<semaphore_mem>>) src(%dma_wait3A_23 : memref<632x128xf32, #tpu.memory_space<vmem_shared>>) dst(%dma_wait3A_21 : memref<632x128xf32, #tpu.memory_space<hbm>>)
      tpu.yield
    }) : () -> ()
    return
  }
}

#map = affine_map<(d0, d1) -> (0, 0)>
#map1 = affine_map<(d0, d1) -> (0, 0, 0)>
module attributes {stable_mosaic.version = 14 : i64} {
  func.func @body(%arg0: i32, %arg1: i32, %arg2: memref<10112x128xf32, #tpu.memory_space<hbm>>, %arg3: memref<32x79x128xi32, #tpu.memory_space<hbm>>, %arg4: memref<32x79x128xi32, #tpu.memory_space<hbm>>, %arg5: memref<10112x128xf32, #tpu.memory_space<hbm>>, %arg6: memref<20224x128xf32, #tpu.memory_space<hbm>>, %arg7: memref<79x128xi32, #tpu.memory_space<vmem>>, %arg8: memref<79x128xi32, #tpu.memory_space<vmem>>, %arg9: memref<128x128xf32, #tpu.memory_space<vmem>>, %arg10: memref<10112x128xf32, #tpu.memory_space<vmem_shared>>, %arg11: memref<!tpu.dma_semaphore, #tpu.memory_space<semaphore_mem>>) attributes {dimension_semantics = [#tpu.dimension_semantics<core_parallel>, #tpu.dimension_semantics<subcore_parallel>], iteration_bounds = array<i64: 2, 16>, scalar_prefetch = 0 : i64, scratch_operands = 5 : i64, tpu.core_type = #tpu.core_type<sc_vector_subcore>, window_params = [{transform_indices = #map}, {transform_indices = #map1}, {transform_indices = #map1}, {transform_indices = #map}, {transform_indices = #map}]} {
    %mul3A = arith.constant 16 : i32
    %mul3A_0 = arith.muli %arg0, %mul3A : i32
    %add3A = arith.addi %mul3A_0, %arg1 : i32
    "tpu.region"() ({
      %run_scoped3A = tpu.sem_alloc : memref<!tpu.dma_semaphore, #tpu.memory_space<semaphore_mem>>
      %dma_start3A = arith.constant 0 : i32
      %dma_start3A_18 = arith.constant 0 : i32
      %dma_start3A_19 = tpu.memref_slice %arg3[%add3A, %dma_start3A, %dma_start3A_18] : memref<32x79x128xi32, #tpu.memory_space<hbm>> -> memref<1x79x128xi32, #tpu.memory_space<hbm>>
      %dma_start3A_20 = tpu.memref_squeeze %dma_start3A_19 : memref<1x79x128xi32, #tpu.memory_space<hbm>> -> memref<79x128xi32, #tpu.memory_space<hbm>>
      %dma_start3A_21 = arith.constant 0 : i32
      %dma_start3A_22 = arith.constant 0 : i32
      %dma_start3A_23 = tpu.memref_slice %arg3[%add3A, %dma_start3A_21, %dma_start3A_22] : memref<32x79x128xi32, #tpu.memory_space<hbm>> -> memref<1x79x128xi32, #tpu.memory_space<hbm>>
      %dma_start3A_24 = tpu.memref_squeeze %dma_start3A_23 : memref<1x79x128xi32, #tpu.memory_space<hbm>> -> memref<79x128xi32, #tpu.memory_space<hbm>>
      tpu.enqueue_dma source(%dma_start3A_24 : memref<79x128xi32, #tpu.memory_space<hbm>>) target(%arg7 : memref<79x128xi32, #tpu.memory_space<vmem>>) target_semaphore(%run_scoped3A : memref<!tpu.dma_semaphore, #tpu.memory_space<semaphore_mem>>)
      %dma_wait3A = arith.constant 0 : i32
      %dma_wait3A_25 = arith.constant 0 : i32
      %dma_wait3A_26 = tpu.memref_slice %arg3[%add3A, %dma_wait3A, %dma_wait3A_25] : memref<32x79x128xi32, #tpu.memory_space<hbm>> -> memref<1x79x128xi32, #tpu.memory_space<hbm>>
      %dma_wait3A_27 = tpu.memref_squeeze %dma_wait3A_26 : memref<1x79x128xi32, #tpu.memory_space<hbm>> -> memref<79x128xi32, #tpu.memory_space<hbm>>
      %dma_wait3A_28 = arith.constant 0 : i32
      %dma_wait3A_29 = arith.constant 0 : i32
      %dma_wait3A_30 = tpu.memref_slice %arg3[%add3A, %dma_wait3A_28, %dma_wait3A_29] : memref<32x79x128xi32, #tpu.memory_space<hbm>> -> memref<1x79x128xi32, #tpu.memory_space<hbm>>
      %dma_wait3A_31 = tpu.memref_squeeze %dma_wait3A_30 : memref<1x79x128xi32, #tpu.memory_space<hbm>> -> memref<79x128xi32, #tpu.memory_space<hbm>>
      tpu.wait_dma2 semaphore(%run_scoped3A : memref<!tpu.dma_semaphore, #tpu.memory_space<semaphore_mem>>) src(%dma_wait3A_31 : memref<79x128xi32, #tpu.memory_space<hbm>>) dst(%arg7 : memref<79x128xi32, #tpu.memory_space<vmem>>)
      tpu.yield
    }) : () -> ()
    "tpu.region"() ({
      %run_scoped3A = tpu.sem_alloc : memref<!tpu.dma_semaphore, #tpu.memory_space<semaphore_mem>>
      %dma_start3A = arith.constant 0 : i32
      %dma_start3A_18 = arith.constant 0 : i32
      %dma_start3A_19 = tpu.memref_slice %arg4[%add3A, %dma_start3A, %dma_start3A_18] : memref<32x79x128xi32, #tpu.memory_space<hbm>> -> memref<1x79x128xi32, #tpu.memory_space<hbm>>
      %dma_start3A_20 = tpu.memref_squeeze %dma_start3A_19 : memref<1x79x128xi32, #tpu.memory_space<hbm>> -> memref<79x128xi32, #tpu.memory_space<hbm>>
      %dma_start3A_21 = arith.constant 0 : i32
      %dma_start3A_22 = arith.constant 0 : i32
      %dma_start3A_23 = tpu.memref_slice %arg4[%add3A, %dma_start3A_21, %dma_start3A_22] : memref<32x79x128xi32, #tpu.memory_space<hbm>> -> memref<1x79x128xi32, #tpu.memory_space<hbm>>
      %dma_start3A_24 = tpu.memref_squeeze %dma_start3A_23 : memref<1x79x128xi32, #tpu.memory_space<hbm>> -> memref<79x128xi32, #tpu.memory_space<hbm>>
      tpu.enqueue_dma source(%dma_start3A_24 : memref<79x128xi32, #tpu.memory_space<hbm>>) target(%arg8 : memref<79x128xi32, #tpu.memory_space<vmem>>) target_semaphore(%run_scoped3A : memref<!tpu.dma_semaphore, #tpu.memory_space<semaphore_mem>>)
      %dma_wait3A = arith.constant 0 : i32
      %dma_wait3A_25 = arith.constant 0 : i32
      %dma_wait3A_26 = tpu.memref_slice %arg4[%add3A, %dma_wait3A, %dma_wait3A_25] : memref<32x79x128xi32, #tpu.memory_space<hbm>> -> memref<1x79x128xi32, #tpu.memory_space<hbm>>
      %dma_wait3A_27 = tpu.memref_squeeze %dma_wait3A_26 : memref<1x79x128xi32, #tpu.memory_space<hbm>> -> memref<79x128xi32, #tpu.memory_space<hbm>>
      %dma_wait3A_28 = arith.constant 0 : i32
      %dma_wait3A_29 = arith.constant 0 : i32
      %dma_wait3A_30 = tpu.memref_slice %arg4[%add3A, %dma_wait3A_28, %dma_wait3A_29] : memref<32x79x128xi32, #tpu.memory_space<hbm>> -> memref<1x79x128xi32, #tpu.memory_space<hbm>>
      %dma_wait3A_31 = tpu.memref_squeeze %dma_wait3A_30 : memref<1x79x128xi32, #tpu.memory_space<hbm>> -> memref<79x128xi32, #tpu.memory_space<hbm>>
      tpu.wait_dma2 semaphore(%run_scoped3A : memref<!tpu.dma_semaphore, #tpu.memory_space<semaphore_mem>>) src(%dma_wait3A_31 : memref<79x128xi32, #tpu.memory_space<hbm>>) dst(%arg8 : memref<79x128xi32, #tpu.memory_space<vmem>>)
      tpu.yield
    }) : () -> ()
    %mul3A_1 = arith.constant 632 : i32
    %mul3A_2 = arith.muli %arg1, %mul3A_1 : i32
    %mul3A_3 = arith.constant 632 : i32
    %mul3A_4 = arith.muli %arg1, %mul3A_3 : i32
    "tpu.region"() ({
      %run_scoped3A = tpu.sem_alloc : memref<!tpu.dma_semaphore, #tpu.memory_space<semaphore_mem>>
      %dma_start3A = arith.constant 0 : i32
      %dma_start3A_18 = tpu.memref_slice %arg10[%mul3A_4, %dma_start3A] : memref<10112x128xf32, #tpu.memory_space<vmem_shared>> -> memref<632x128xf32, #tpu.memory_space<vmem_shared>>
      %dma_start3A_19 = arith.constant 0 : i32
      %dma_start3A_20 = tpu.memref_slice %arg5[%mul3A_2, %dma_start3A_19] : memref<10112x128xf32, #tpu.memory_space<hbm>> -> memref<632x128xf32, #tpu.memory_space<hbm>>
      tpu.enqueue_dma source(%dma_start3A_20 : memref<632x128xf32, #tpu.memory_space<hbm>>) target(%dma_start3A_18 : memref<632x128xf32, #tpu.memory_space<vmem_shared>>) target_semaphore(%run_scoped3A : memref<!tpu.dma_semaphore, #tpu.memory_space<semaphore_mem>>)
      %dma_wait3A = arith.constant 0 : i32
      %dma_wait3A_21 = tpu.memref_slice %arg10[%mul3A_4, %dma_wait3A] : memref<10112x128xf32, #tpu.memory_space<vmem_shared>> -> memref<632x128xf32, #tpu.memory_space<vmem_shared>>
      %dma_wait3A_22 = arith.constant 0 : i32
      %dma_wait3A_23 = tpu.memref_slice %arg5[%mul3A_2, %dma_wait3A_22] : memref<10112x128xf32, #tpu.memory_space<hbm>> -> memref<632x128xf32, #tpu.memory_space<hbm>>
      tpu.wait_dma2 semaphore(%run_scoped3A : memref<!tpu.dma_semaphore, #tpu.memory_space<semaphore_mem>>) src(%dma_wait3A_23 : memref<632x128xf32, #tpu.memory_space<hbm>>) dst(%dma_wait3A_21 : memref<632x128xf32, #tpu.memory_space<vmem_shared>>)
      tpu.yield
    }) : () -> ()
    %barrier3A = arith.constant 0 : index
    tpu.barrier barrier_id(%barrier3A)
    %scan3A = arith.constant 0 : i32
    %scan3A_5 = arith.constant 0 : i32
    %scan3A_6 = arith.constant 79 : i32
    %scan3A_7 = arith.addi %scan3A_5, %scan3A_6 : i32
    %scan3A_8 = arith.constant 1 : i32
    scf.for %scan3A_18 = %scan3A_5 to %scan3A_7 step %scan3A_8  : i32 {
      %dma_start3A = arith.constant 0 : i32
      %dma_start3A_19 = tpu.memref_slice %arg7[%scan3A_18, %dma_start3A] : memref<79x128xi32, #tpu.memory_space<vmem>> -> memref<1x128xi32, #tpu.memory_space<vmem>>
      %dma_start3A_20 = tpu.memref_squeeze %dma_start3A_19 : memref<1x128xi32, #tpu.memory_space<vmem>> -> memref<128xi32, #tpu.memory_space<vmem>>
      %dma_start3A_21 = arith.constant 0 : i32
      %dma_start3A_22 = arith.constant 0 : i32
      %dma_start3A_23 = tpu.memref_slice %arg2[%dma_start3A_21, %dma_start3A_22] : memref<10112x128xf32, #tpu.memory_space<hbm>> -> memref<10112x128xf32, #tpu.memory_space<hbm>>
      tpu.enqueue_indirect_dma source(%dma_start3A_23 : memref<10112x128xf32, #tpu.memory_space<hbm>>) target(%arg9 : memref<128x128xf32, #tpu.memory_space<vmem>>) offsets(%dma_start3A_20 : memref<128xi32, #tpu.memory_space<vmem>>) semaphore(%arg11 : memref<!tpu.dma_semaphore, #tpu.memory_space<semaphore_mem>>)
      %dma_wait3A = arith.constant 0 : i32
      %dma_wait3A_24 = tpu.memref_slice %arg7[%scan3A_18, %dma_wait3A] : memref<79x128xi32, #tpu.memory_space<vmem>> -> memref<1x128xi32, #tpu.memory_space<vmem>>
      %dma_wait3A_25 = tpu.memref_squeeze %dma_wait3A_24 : memref<1x128xi32, #tpu.memory_space<vmem>> -> memref<128xi32, #tpu.memory_space<vmem>>
      %dma_wait3A_26 = arith.constant 0 : i32
      %dma_wait3A_27 = arith.constant 0 : i32
      %dma_wait3A_28 = tpu.memref_slice %arg2[%dma_wait3A_26, %dma_wait3A_27] : memref<10112x128xf32, #tpu.memory_space<hbm>> -> memref<10112x128xf32, #tpu.memory_space<hbm>>
      tpu.wait_indirect_dma semaphore(%arg11 : memref<!tpu.dma_semaphore, #tpu.memory_space<semaphore_mem>>) src(%dma_wait3A_28 : memref<10112x128xf32, #tpu.memory_space<hbm>>) dst(%arg9 : memref<128x128xf32, #tpu.memory_space<vmem>>)
      "tpu.region"() ({
        %run_scoped3A = tpu.sem_alloc : memref<!tpu.dma_semaphore, #tpu.memory_space<semaphore_mem>>
        %dma_start3A_29 = arith.constant 0 : i32
        %dma_start3A_30 = tpu.memref_slice %arg8[%scan3A_18, %dma_start3A_29] : memref<79x128xi32, #tpu.memory_space<vmem>> -> memref<1x128xi32, #tpu.memory_space<vmem>>
        %dma_start3A_31 = tpu.memref_squeeze %dma_start3A_30 : memref<1x128xi32, #tpu.memory_space<vmem>> -> memref<128xi32, #tpu.memory_space<vmem>>
        %dma_start3A_32 = arith.constant 0 : i32
        %dma_start3A_33 = arith.constant 0 : i32
        %dma_start3A_34 = tpu.memref_slice %arg10[%dma_start3A_32, %dma_start3A_33] : memref<10112x128xf32, #tpu.memory_space<vmem_shared>> -> memref<10112x128xf32, #tpu.memory_space<vmem_shared>>
        tpu.enqueue_indirect_dma source(%arg9 : memref<128x128xf32, #tpu.memory_space<vmem>>) target(%dma_start3A_34 : memref<10112x128xf32, #tpu.memory_space<vmem_shared>>) offsets(%dma_start3A_31 : memref<128xi32, #tpu.memory_space<vmem>>) semaphore(%run_scoped3A : memref<!tpu.dma_semaphore, #tpu.memory_space<semaphore_mem>>) {add = true}
        %dma_wait3A_35 = arith.constant 0 : i32
        %dma_wait3A_36 = tpu.memref_slice %arg8[%scan3A_18, %dma_wait3A_35] : memref<79x128xi32, #tpu.memory_space<vmem>> -> memref<1x128xi32, #tpu.memory_space<vmem>>
        %dma_wait3A_37 = tpu.memref_squeeze %dma_wait3A_36 : memref<1x128xi32, #tpu.memory_space<vmem>> -> memref<128xi32, #tpu.memory_space<vmem>>
        %dma_wait3A_38 = arith.constant 0 : i32
        %dma_wait3A_39 = arith.constant 0 : i32
        %dma_wait3A_40 = tpu.memref_slice %arg10[%dma_wait3A_38, %dma_wait3A_39] : memref<10112x128xf32, #tpu.memory_space<vmem_shared>> -> memref<10112x128xf32, #tpu.memory_space<vmem_shared>>
        tpu.wait_indirect_dma semaphore(%run_scoped3A : memref<!tpu.dma_semaphore, #tpu.memory_space<semaphore_mem>>) src(%arg9 : memref<128x128xf32, #tpu.memory_space<vmem>>) dst(%dma_wait3A_40 : memref<10112x128xf32, #tpu.memory_space<vmem_shared>>)
        tpu.yield
      }) : () -> ()
    }
    %scan3A_9 = arith.constant 79 : i32
    %barrier3A_10 = arith.constant 0 : index
    tpu.barrier barrier_id(%barrier3A_10)
    %mul3A_11 = arith.constant 632 : i32
    %mul3A_12 = arith.muli %arg1, %mul3A_11 : i32
    %mul3A_13 = arith.constant 10112 : i32
    %mul3A_14 = arith.muli %arg0, %mul3A_13 : i32
    %mul3A_15 = arith.constant 632 : i32
    %mul3A_16 = arith.muli %arg1, %mul3A_15 : i32
    %add3A_17 = arith.addi %mul3A_14, %mul3A_16 : i32
    "tpu.region"() ({
      %run_scoped3A = tpu.sem_alloc : memref<!tpu.dma_semaphore, #tpu.memory_space<semaphore_mem>>
      %dma_start3A = arith.constant 0 : i32
      %dma_start3A_18 = tpu.memref_slice %arg6[%add3A_17, %dma_start3A] : memref<20224x128xf32, #tpu.memory_space<hbm>> -> memref<632x128xf32, #tpu.memory_space<hbm>>
      %dma_start3A_19 = arith.constant 0 : i32
      %dma_start3A_20 = tpu.memref_slice %arg10[%mul3A_12, %dma_start3A_19] : memref<10112x128xf32, #tpu.memory_space<vmem_shared>> -> memref<632x128xf32, #tpu.memory_space<vmem_shared>>
      tpu.enqueue_dma source(%dma_start3A_20 : memref<632x128xf32, #tpu.memory_space<vmem_shared>>) target(%dma_start3A_18 : memref<632x128xf32, #tpu.memory_space<hbm>>) target_semaphore(%run_scoped3A : memref<!tpu.dma_semaphore, #tpu.memory_space<semaphore_mem>>)
      %dma_wait3A = arith.constant 0 : i32
      %dma_wait3A_21 = tpu.memref_slice %arg6[%add3A_17, %dma_wait3A] : memref<20224x128xf32, #tpu.memory_space<hbm>> -> memref<632x128xf32, #tpu.memory_space<hbm>>
      %dma_wait3A_22 = arith.constant 0 : i32
      %dma_wait3A_23 = tpu.memref_slice %arg10[%mul3A_12, %dma_wait3A_22] : memref<10112x128xf32, #tpu.memory_space<vmem_shared>> -> memref<632x128xf32, #tpu.memory_space<vmem_shared>>
      tpu.wait_dma2 semaphore(%run_scoped3A : memref<!tpu.dma_semaphore, #tpu.memory_space<semaphore_mem>>) src(%dma_wait3A_23 : memref<632x128xf32, #tpu.memory_space<vmem_shared>>) dst(%dma_wait3A_21 : memref<632x128xf32, #tpu.memory_space<hbm>>)
      tpu.yield
    }) : () -> ()
    return
  }
}

#map = affine_map<(d0, d1) -> (0, 0)>
#map1 = affine_map<(d0, d1) -> (0, 0, 0)>
module attributes {stable_mosaic.version = 14 : i64} {
  func.func @body(%arg0: i32, %arg1: i32, %arg2: memref<10112x128xf32, #tpu.memory_space<hbm>>, %arg3: memref<32x79x128xi32, #tpu.memory_space<hbm>>, %arg4: memref<32x79x128xi32, #tpu.memory_space<hbm>>, %arg5: memref<10112x128xf32, #tpu.memory_space<hbm>>, %arg6: memref<20224x128xf32, #tpu.memory_space<hbm>>, %arg7: memref<79x128xi32, #tpu.memory_space<vmem>>, %arg8: memref<79x128xi32, #tpu.memory_space<vmem>>, %arg9: memref<128x128xf32, #tpu.memory_space<vmem>>, %arg10: memref<10112x128xf32, #tpu.memory_space<vmem_shared>>, %arg11: memref<!tpu.dma_semaphore, #tpu.memory_space<semaphore_mem>>) attributes {dimension_semantics = [#tpu.dimension_semantics<core_parallel>, #tpu.dimension_semantics<subcore_parallel>], iteration_bounds = array<i64: 2, 16>, scalar_prefetch = 0 : i64, scratch_operands = 5 : i64, tpu.core_type = #tpu.core_type<sc_vector_subcore>, window_params = [{transform_indices = #map}, {transform_indices = #map1}, {transform_indices = #map1}, {transform_indices = #map}, {transform_indices = #map}]} {
    %mul3A = arith.constant 16 : i32
    %mul3A_0 = arith.muli %arg0, %mul3A : i32
    %add3A = arith.addi %mul3A_0, %arg1 : i32
    "tpu.region"() ({
      %run_scoped3A = tpu.sem_alloc : memref<!tpu.dma_semaphore, #tpu.memory_space<semaphore_mem>>
      %dma_start3A = arith.constant 0 : i32
      %dma_start3A_18 = arith.constant 0 : i32
      %dma_start3A_19 = tpu.memref_slice %arg3[%add3A, %dma_start3A, %dma_start3A_18] : memref<32x79x128xi32, #tpu.memory_space<hbm>> -> memref<1x79x128xi32, #tpu.memory_space<hbm>>
      %dma_start3A_20 = tpu.memref_squeeze %dma_start3A_19 : memref<1x79x128xi32, #tpu.memory_space<hbm>> -> memref<79x128xi32, #tpu.memory_space<hbm>>
      %dma_start3A_21 = arith.constant 0 : i32
      %dma_start3A_22 = arith.constant 0 : i32
      %dma_start3A_23 = tpu.memref_slice %arg3[%add3A, %dma_start3A_21, %dma_start3A_22] : memref<32x79x128xi32, #tpu.memory_space<hbm>> -> memref<1x79x128xi32, #tpu.memory_space<hbm>>
      %dma_start3A_24 = tpu.memref_squeeze %dma_start3A_23 : memref<1x79x128xi32, #tpu.memory_space<hbm>> -> memref<79x128xi32, #tpu.memory_space<hbm>>
      tpu.enqueue_dma source(%dma_start3A_24 : memref<79x128xi32, #tpu.memory_space<hbm>>) target(%arg7 : memref<79x128xi32, #tpu.memory_space<vmem>>) target_semaphore(%run_scoped3A : memref<!tpu.dma_semaphore, #tpu.memory_space<semaphore_mem>>)
      %dma_wait3A = arith.constant 0 : i32
      %dma_wait3A_25 = arith.constant 0 : i32
      %dma_wait3A_26 = tpu.memref_slice %arg3[%add3A, %dma_wait3A, %dma_wait3A_25] : memref<32x79x128xi32, #tpu.memory_space<hbm>> -> memref<1x79x128xi32, #tpu.memory_space<hbm>>
      %dma_wait3A_27 = tpu.memref_squeeze %dma_wait3A_26 : memref<1x79x128xi32, #tpu.memory_space<hbm>> -> memref<79x128xi32, #tpu.memory_space<hbm>>
      %dma_wait3A_28 = arith.constant 0 : i32
      %dma_wait3A_29 = arith.constant 0 : i32
      %dma_wait3A_30 = tpu.memref_slice %arg3[%add3A, %dma_wait3A_28, %dma_wait3A_29] : memref<32x79x128xi32, #tpu.memory_space<hbm>> -> memref<1x79x128xi32, #tpu.memory_space<hbm>>
      %dma_wait3A_31 = tpu.memref_squeeze %dma_wait3A_30 : memref<1x79x128xi32, #tpu.memory_space<hbm>> -> memref<79x128xi32, #tpu.memory_space<hbm>>
      tpu.wait_dma2 semaphore(%run_scoped3A : memref<!tpu.dma_semaphore, #tpu.memory_space<semaphore_mem>>) src(%dma_wait3A_31 : memref<79x128xi32, #tpu.memory_space<hbm>>) dst(%arg7 : memref<79x128xi32, #tpu.memory_space<vmem>>)
      tpu.yield
    }) : () -> ()
    "tpu.region"() ({
      %run_scoped3A = tpu.sem_alloc : memref<!tpu.dma_semaphore, #tpu.memory_space<semaphore_mem>>
      %dma_start3A = arith.constant 0 : i32
      %dma_start3A_18 = arith.constant 0 : i32
      %dma_start3A_19 = tpu.memref_slice %arg4[%add3A, %dma_start3A, %dma_start3A_18] : memref<32x79x128xi32, #tpu.memory_space<hbm>> -> memref<1x79x128xi32, #tpu.memory_space<hbm>>
      %dma_start3A_20 = tpu.memref_squeeze %dma_start3A_19 : memref<1x79x128xi32, #tpu.memory_space<hbm>> -> memref<79x128xi32, #tpu.memory_space<hbm>>
      %dma_start3A_21 = arith.constant 0 : i32
      %dma_start3A_22 = arith.constant 0 : i32
      %dma_start3A_23 = tpu.memref_slice %arg4[%add3A, %dma_start3A_21, %dma_start3A_22] : memref<32x79x128xi32, #tpu.memory_space<hbm>> -> memref<1x79x128xi32, #tpu.memory_space<hbm>>
      %dma_start3A_24 = tpu.memref_squeeze %dma_start3A_23 : memref<1x79x128xi32, #tpu.memory_space<hbm>> -> memref<79x128xi32, #tpu.memory_space<hbm>>
      tpu.enqueue_dma source(%dma_start3A_24 : memref<79x128xi32, #tpu.memory_space<hbm>>) target(%arg8 : memref<79x128xi32, #tpu.memory_space<vmem>>) target_semaphore(%run_scoped3A : memref<!tpu.dma_semaphore, #tpu.memory_space<semaphore_mem>>)
      %dma_wait3A = arith.constant 0 : i32
      %dma_wait3A_25 = arith.constant 0 : i32
      %dma_wait3A_26 = tpu.memref_slice %arg4[%add3A, %dma_wait3A, %dma_wait3A_25] : memref<32x79x128xi32, #tpu.memory_space<hbm>> -> memref<1x79x128xi32, #tpu.memory_space<hbm>>
      %dma_wait3A_27 = tpu.memref_squeeze %dma_wait3A_26 : memref<1x79x128xi32, #tpu.memory_space<hbm>> -> memref<79x128xi32, #tpu.memory_space<hbm>>
      %dma_wait3A_28 = arith.constant 0 : i32
      %dma_wait3A_29 = arith.constant 0 : i32
      %dma_wait3A_30 = tpu.memref_slice %arg4[%add3A, %dma_wait3A_28, %dma_wait3A_29] : memref<32x79x128xi32, #tpu.memory_space<hbm>> -> memref<1x79x128xi32, #tpu.memory_space<hbm>>
      %dma_wait3A_31 = tpu.memref_squeeze %dma_wait3A_30 : memref<1x79x128xi32, #tpu.memory_space<hbm>> -> memref<79x128xi32, #tpu.memory_space<hbm>>
      tpu.wait_dma2 semaphore(%run_scoped3A : memref<!tpu.dma_semaphore, #tpu.memory_space<semaphore_mem>>) src(%dma_wait3A_31 : memref<79x128xi32, #tpu.memory_space<hbm>>) dst(%arg8 : memref<79x128xi32, #tpu.memory_space<vmem>>)
      tpu.yield
    }) : () -> ()
    %mul3A_1 = arith.constant 632 : i32
    %mul3A_2 = arith.muli %arg1, %mul3A_1 : i32
    %mul3A_3 = arith.constant 632 : i32
    %mul3A_4 = arith.muli %arg1, %mul3A_3 : i32
    "tpu.region"() ({
      %run_scoped3A = tpu.sem_alloc : memref<!tpu.dma_semaphore, #tpu.memory_space<semaphore_mem>>
      %dma_start3A = arith.constant 0 : i32
      %dma_start3A_18 = tpu.memref_slice %arg10[%mul3A_4, %dma_start3A] : memref<10112x128xf32, #tpu.memory_space<vmem_shared>> -> memref<632x128xf32, #tpu.memory_space<vmem_shared>>
      %dma_start3A_19 = arith.constant 0 : i32
      %dma_start3A_20 = tpu.memref_slice %arg5[%mul3A_2, %dma_start3A_19] : memref<10112x128xf32, #tpu.memory_space<hbm>> -> memref<632x128xf32, #tpu.memory_space<hbm>>
      tpu.enqueue_dma source(%dma_start3A_20 : memref<632x128xf32, #tpu.memory_space<hbm>>) target(%dma_start3A_18 : memref<632x128xf32, #tpu.memory_space<vmem_shared>>) target_semaphore(%run_scoped3A : memref<!tpu.dma_semaphore, #tpu.memory_space<semaphore_mem>>)
      %dma_wait3A = arith.constant 0 : i32
      %dma_wait3A_21 = tpu.memref_slice %arg10[%mul3A_4, %dma_wait3A] : memref<10112x128xf32, #tpu.memory_space<vmem_shared>> -> memref<632x128xf32, #tpu.memory_space<vmem_shared>>
      %dma_wait3A_22 = arith.constant 0 : i32
      %dma_wait3A_23 = tpu.memref_slice %arg5[%mul3A_2, %dma_wait3A_22] : memref<10112x128xf32, #tpu.memory_space<hbm>> -> memref<632x128xf32, #tpu.memory_space<hbm>>
      tpu.wait_dma2 semaphore(%run_scoped3A : memref<!tpu.dma_semaphore, #tpu.memory_space<semaphore_mem>>) src(%dma_wait3A_23 : memref<632x128xf32, #tpu.memory_space<hbm>>) dst(%dma_wait3A_21 : memref<632x128xf32, #tpu.memory_space<vmem_shared>>)
      tpu.yield
    }) : () -> ()
    %barrier3A = arith.constant 0 : index
    tpu.barrier barrier_id(%barrier3A)
    %scan3A = arith.constant 0 : i32
    %scan3A_5 = arith.constant 0 : i32
    %scan3A_6 = arith.constant 79 : i32
    %scan3A_7 = arith.addi %scan3A_5, %scan3A_6 : i32
    %scan3A_8 = arith.constant 1 : i32
    scf.for %scan3A_18 = %scan3A_5 to %scan3A_7 step %scan3A_8  : i32 {
      %dma_start3A = arith.constant 0 : i32
      %dma_start3A_19 = tpu.memref_slice %arg7[%scan3A_18, %dma_start3A] : memref<79x128xi32, #tpu.memory_space<vmem>> -> memref<1x128xi32, #tpu.memory_space<vmem>>
      %dma_start3A_20 = tpu.memref_squeeze %dma_start3A_19 : memref<1x128xi32, #tpu.memory_space<vmem>> -> memref<128xi32, #tpu.memory_space<vmem>>
      %dma_start3A_21 = arith.constant 0 : i32
      %dma_start3A_22 = arith.constant 0 : i32
      %dma_start3A_23 = tpu.memref_slice %arg2[%dma_start3A_21, %dma_start3A_22] : memref<10112x128xf32, #tpu.memory_space<hbm>> -> memref<10112x128xf32, #tpu.memory_space<hbm>>
      tpu.enqueue_indirect_dma source(%dma_start3A_23 : memref<10112x128xf32, #tpu.memory_space<hbm>>) target(%arg9 : memref<128x128xf32, #tpu.memory_space<vmem>>) offsets(%dma_start3A_20 : memref<128xi32, #tpu.memory_space<vmem>>) semaphore(%arg11 : memref<!tpu.dma_semaphore, #tpu.memory_space<semaphore_mem>>)
      %dma_wait3A = arith.constant 0 : i32
      %dma_wait3A_24 = tpu.memref_slice %arg7[%scan3A_18, %dma_wait3A] : memref<79x128xi32, #tpu.memory_space<vmem>> -> memref<1x128xi32, #tpu.memory_space<vmem>>
      %dma_wait3A_25 = tpu.memref_squeeze %dma_wait3A_24 : memref<1x128xi32, #tpu.memory_space<vmem>> -> memref<128xi32, #tpu.memory_space<vmem>>
      %dma_wait3A_26 = arith.constant 0 : i32
      %dma_wait3A_27 = arith.constant 0 : i32
      %dma_wait3A_28 = tpu.memref_slice %arg2[%dma_wait3A_26, %dma_wait3A_27] : memref<10112x128xf32, #tpu.memory_space<hbm>> -> memref<10112x128xf32, #tpu.memory_space<hbm>>
      tpu.wait_indirect_dma semaphore(%arg11 : memref<!tpu.dma_semaphore, #tpu.memory_space<semaphore_mem>>) src(%dma_wait3A_28 : memref<10112x128xf32, #tpu.memory_space<hbm>>) dst(%arg9 : memref<128x128xf32, #tpu.memory_space<vmem>>)
      "tpu.region"() ({
        %run_scoped3A = tpu.sem_alloc : memref<!tpu.dma_semaphore, #tpu.memory_space<semaphore_mem>>
        %dma_start3A_29 = arith.constant 0 : i32
        %dma_start3A_30 = tpu.memref_slice %arg8[%scan3A_18, %dma_start3A_29] : memref<79x128xi32, #tpu.memory_space<vmem>> -> memref<1x128xi32, #tpu.memory_space<vmem>>
        %dma_start3A_31 = tpu.memref_squeeze %dma_start3A_30 : memref<1x128xi32, #tpu.memory_space<vmem>> -> memref<128xi32, #tpu.memory_space<vmem>>
        %dma_start3A_32 = arith.constant 0 : i32
        %dma_start3A_33 = arith.constant 0 : i32
        %dma_start3A_34 = tpu.memref_slice %arg10[%dma_start3A_32, %dma_start3A_33] : memref<10112x128xf32, #tpu.memory_space<vmem_shared>> -> memref<10112x128xf32, #tpu.memory_space<vmem_shared>>
        tpu.enqueue_indirect_dma source(%arg9 : memref<128x128xf32, #tpu.memory_space<vmem>>) target(%dma_start3A_34 : memref<10112x128xf32, #tpu.memory_space<vmem_shared>>) offsets(%dma_start3A_31 : memref<128xi32, #tpu.memory_space<vmem>>) semaphore(%run_scoped3A : memref<!tpu.dma_semaphore, #tpu.memory_space<semaphore_mem>>) {add = true}
        %dma_wait3A_35 = arith.constant 0 : i32
        %dma_wait3A_36 = tpu.memref_slice %arg8[%scan3A_18, %dma_wait3A_35] : memref<79x128xi32, #tpu.memory_space<vmem>> -> memref<1x128xi32, #tpu.memory_space<vmem>>
        %dma_wait3A_37 = tpu.memref_squeeze %dma_wait3A_36 : memref<1x128xi32, #tpu.memory_space<vmem>> -> memref<128xi32, #tpu.memory_space<vmem>>
        %dma_wait3A_38 = arith.constant 0 : i32
        %dma_wait3A_39 = arith.constant 0 : i32
        %dma_wait3A_40 = tpu.memref_slice %arg10[%dma_wait3A_38, %dma_wait3A_39] : memref<10112x128xf32, #tpu.memory_space<vmem_shared>> -> memref<10112x128xf32, #tpu.memory_space<vmem_shared>>
        tpu.wait_indirect_dma semaphore(%run_scoped3A : memref<!tpu.dma_semaphore, #tpu.memory_space<semaphore_mem>>) src(%arg9 : memref<128x128xf32, #tpu.memory_space<vmem>>) dst(%dma_wait3A_40 : memref<10112x128xf32, #tpu.memory_space<vmem_shared>>)
        tpu.yield
      }) : () -> ()
    }
    %scan3A_9 = arith.constant 79 : i32
    %barrier3A_10 = arith.constant 0 : index
    tpu.barrier barrier_id(%barrier3A_10)
    %mul3A_11 = arith.constant 632 : i32
    %mul3A_12 = arith.muli %arg1, %mul3A_11 : i32
    %mul3A_13 = arith.constant 10112 : i32
    %mul3A_14 = arith.muli %arg0, %mul3A_13 : i32
    %mul3A_15 = arith.constant 632 : i32
    %mul3A_16 = arith.muli %arg1, %mul3A_15 : i32
    %add3A_17 = arith.addi %mul3A_14, %mul3A_16 : i32
    "tpu.region"() ({
      %run_scoped3A = tpu.sem_alloc : memref<!tpu.dma_semaphore, #tpu.memory_space<semaphore_mem>>
      %dma_start3A = arith.constant 0 : i32
      %dma_start3A_18 = tpu.memref_slice %arg6[%add3A_17, %dma_start3A] : memref<20224x128xf32, #tpu.memory_space<hbm>> -> memref<632x128xf32, #tpu.memory_space<hbm>>
      %dma_start3A_19 = arith.constant 0 : i32
      %dma_start3A_20 = tpu.memref_slice %arg10[%mul3A_12, %dma_start3A_19] : memref<10112x128xf32, #tpu.memory_space<vmem_shared>> -> memref<632x128xf32, #tpu.memory_space<vmem_shared>>
      tpu.enqueue_dma source(%dma_start3A_20 : memref<632x128xf32, #tpu.memory_space<vmem_shared>>) target(%dma_start3A_18 : memref<632x128xf32, #tpu.memory_space<hbm>>) target_semaphore(%run_scoped3A : memref<!tpu.dma_semaphore, #tpu.memory_space<semaphore_mem>>)
      %dma_wait3A = arith.constant 0 : i32
      %dma_wait3A_21 = tpu.memref_slice %arg6[%add3A_17, %dma_wait3A] : memref<20224x128xf32, #tpu.memory_space<hbm>> -> memref<632x128xf32, #tpu.memory_space<hbm>>
      %dma_wait3A_22 = arith.constant 0 : i32
      %dma_wait3A_23 = tpu.memref_slice %arg10[%mul3A_12, %dma_wait3A_22] : memref<10112x128xf32, #tpu.memory_space<vmem_shared>> -> memref<632x128xf32, #tpu.memory_space<vmem_shared>>
      tpu.wait_dma2 semaphore(%run_scoped3A : memref<!tpu.dma_semaphore, #tpu.memory_space<semaphore_mem>>) src(%dma_wait3A_23 : memref<632x128xf32, #tpu.memory_space<vmem_shared>>) dst(%dma_wait3A_21 : memref<632x128xf32, #tpu.memory_space<hbm>>)
      tpu.yield
    }) : () -> ()
    return
  }
}

module attributes {stable_mosaic.version = 14 : i64} {
  func.func @_scalar_prep_body(%arg0: memref<10240xf32, #tpu.memory_space<vmem>>, %arg1: memref<10240xf32, #tpu.memory_space<vmem>>, %arg2: memref<10240xf32, #tpu.memory_space<vmem>>, %arg3: memref<10240xf32, #tpu.memory_space<vmem>>) attributes {dimension_semantics = [], scalar_prefetch = 0 : i64, scratch_operands = 0 : i64, tpu.core_type = #tpu.core_type<tc>} {
    %get3A = arith.constant 0 : index
    %get3A_0 = vector.load %arg0[%get3A] : memref<10240xf32, #tpu.memory_space<vmem>>, vector<10240xf32>
    %jit3A = arith.constant 9.99999996E-13 : f32
    %max3A = vector.broadcast %jit3A : f32 to vector<10240xf32>
    %max3A_1 = arith.maximumf %max3A, %get3A_0 : vector<10240xf32>
    %sqrt3A = math.sqrt %max3A_1 : vector<10240xf32>
    %get3A_2 = arith.constant 0 : index
    %get3A_3 = vector.load %arg1[%get3A_2] : memref<10240xf32, #tpu.memory_space<vmem>>, vector<10240xf32>
    %mul3A = arith.constant 5.000000e-01 : f32
    %mul3A_4 = vector.broadcast %mul3A : f32 to vector<10240xf32>
    %mul3A_5 = arith.mulf %mul3A_4, %get3A_3 : vector<10240xf32>
    %mul3A_6 = arith.mulf %mul3A_5, %sqrt3A : vector<10240xf32>
    %swap3A = arith.constant 0 : index
    %swap3A_7 = vector.load %arg2[%swap3A] : memref<10240xf32, #tpu.memory_space<vmem>>, vector<10240xf32>
    tpu.vector_store %arg2[%swap3A], %mul3A_6 {strides = array<i32>} : memref<10240xf32, #tpu.memory_space<vmem>>, vector<10240xf32>,
    %div3A = arith.constant 1.000000e+00 : f32
    %div3A_8 = vector.broadcast %div3A : f32 to vector<10240xf32>
    %div3A_9 = arith.divf %div3A_8, %sqrt3A : vector<10240xf32>
    %swap3A_10 = arith.constant 0 : index
    %swap3A_11 = vector.load %arg3[%swap3A_10] : memref<10240xf32, #tpu.memory_space<vmem>>, vector<10240xf32>
    tpu.vector_store %arg3[%swap3A_10], %div3A_9 {strides = array<i32>} : memref<10240xf32, #tpu.memory_space<vmem>>, vector<10240xf32>,
    return
  }
}

module attributes {stable_mosaic.version = 14 : i64} {
  func.func @_stage_a_body(%arg0: i32, %arg1: memref<632x128xf32, #tpu.memory_space<vmem>>, %arg2: memref<128x128xf32, #tpu.memory_space<vmem>>, %arg3: memref<1x128xf32, #tpu.memory_space<vmem>>, %arg4: memref<128x128xf32, #tpu.memory_space<vmem>>, %arg5: memref<128x128xf32, #tpu.memory_space<vmem>>, %arg6: memref<632x1xf32, #tpu.memory_space<vmem>>, %arg7: memref<632x1xf32, #tpu.memory_space<vmem>>, %arg8: memref<632x1xf32, #tpu.memory_space<vmem>>, %arg9: memref<632x128xf32, #tpu.memory_space<vmem>>, %arg10: memref<632x128xf32, #tpu.memory_space<vmem>>, %arg11: memref<632x128xf32, #tpu.memory_space<vmem>>, %arg12: memref<632x128xf32, #tpu.memory_space<vmem>>, %arg13: memref<632x128xf32, #tpu.memory_space<vmem>>, %arg14: memref<632x128xf32, #tpu.memory_space<vmem>>) attributes {dimension_semantics = [#tpu.dimension_semantics<arbitrary>], iteration_bounds = array<i64: 16>, scalar_prefetch = 0 : i64, scratch_operands = 0 : i64, tpu.core_type = #tpu.core_type<tc>, window_params = [{transform_indices = @transform_0, window_bounds = array<i64: 632, 128>}, {pipeline_mode = #tpu.pipeline_mode<synchronous>, transform_indices = @transform_1, window_bounds = array<i64: 128, 128>}, {pipeline_mode = #tpu.pipeline_mode<synchronous>, transform_indices = @transform_2, window_bounds = array<i64: 1, 128>}, {pipeline_mode = #tpu.pipeline_mode<synchronous>, transform_indices = @transform_3, window_bounds = array<i64: 128, 128>}, {pipeline_mode = #tpu.pipeline_mode<synchronous>, transform_indices = @transform_4, window_bounds = array<i64: 128, 128>}, {transform_indices = @transform_5, window_bounds = array<i64: 632, 1>}, {transform_indices = @transform_6, window_bounds = array<i64: 632, 1>}, {transform_indices = @transform_7, window_bounds = array<i64: 632, 1>}, {transform_indices = @transform_8, window_bounds = array<i64: 632, 128>}, {transform_indices = @transform_9, window_bounds = array<i64: 632, 128>}, {transform_indices = @transform_10, window_bounds = array<i64: 632, 128>}, {transform_indices = @transform_11, window_bounds = array<i64: 632, 128>}, {transform_indices = @transform_12, window_bounds = array<i64: 632, 128>}, {transform_indices = @transform_13, window_bounds = array<i64: 632, 128>}]} {
    %get3A = arith.constant 0 : index
    %get3A_0 = arith.constant 0 : index
    %get3A_1 = vector.load %arg1[%get3A, %get3A_0] : memref<632x128xf32, #tpu.memory_space<vmem>>, vector<632x128xf32>
    %get3A_2 = arith.constant 0 : index
    %get3A_3 = arith.constant 0 : index
    %get3A_4 = vector.load %arg2[%get3A_2, %get3A_3] : memref<128x128xf32, #tpu.memory_space<vmem>>, vector<128x128xf32>
    %dot_general3A = arith.constant dense<0.000000e+00> : vector<632x128xf32>
    %dot_general3A_5 = tpu.matmul %get3A_1, %get3A_4, %dot_general3A {dimension_numbers = #tpu.dot_dimension_numbers<[1], [0], [0], [1], [0, 0, 1, 1], [], []>, transpose_lhs_hint = false} : vector<632x128xf32>, vector<128x128xf32>, vector<632x128xf32> -> vector<632x128xf32>
    %get3A_6 = arith.constant 0 : index
    %get3A_7 = arith.constant 0 : index
    %get3A_8 = vector.load %arg3[%get3A_6, %get3A_7] : memref<1x128xf32, #tpu.memory_space<vmem>>, vector<1x128xf32>
    %add3A = vector.broadcast %get3A_8 : vector<1x128xf32> to vector<632x128xf32>
    %add3A_9 = arith.addf %dot_general3A_5, %add3A : vector<632x128xf32>
    %swap3A = arith.constant 0 : index
    %swap3A_10 = arith.constant 0 : index
    %swap3A_11 = vector.load %arg9[%swap3A, %swap3A_10] : memref<632x128xf32, #tpu.memory_space<vmem>>, vector<632x128xf32>
    tpu.vector_store %arg9[%swap3A, %swap3A_10], %add3A_9 {strides = array<i32>} : memref<632x128xf32, #tpu.memory_space<vmem>>, vector<632x128xf32>,
    %get3A_12 = arith.constant 0 : index
    %get3A_13 = arith.constant 0 : index
    %get3A_14 = vector.load %arg4[%get3A_12, %get3A_13] : memref<128x128xf32, #tpu.memory_space<vmem>>, vector<128x128xf32>
    %dot_general3A_15 = arith.constant dense<0.000000e+00> : vector<632x128xf32>
    %dot_general3A_16 = tpu.matmul %get3A_1, %get3A_14, %dot_general3A_15 {dimension_numbers = #tpu.dot_dimension_numbers<[1], [0], [0], [1], [0, 0, 1, 1], [], []>, transpose_lhs_hint = false} : vector<632x128xf32>, vector<128x128xf32>, vector<632x128xf32> -> vector<632x128xf32>
    %get3A_17 = arith.constant 0 : index
    %get3A_18 = arith.constant 0 : index
    %get3A_19 = vector.load %arg5[%get3A_17, %get3A_18] : memref<128x128xf32, #tpu.memory_space<vmem>>, vector<128x128xf32>
    %dot_general3A_20 = arith.constant dense<0.000000e+00> : vector<632x128xf32>
    %dot_general3A_21 = tpu.matmul %get3A_1, %get3A_19, %dot_general3A_20 {dimension_numbers = #tpu.dot_dimension_numbers<[1], [0], [0], [1], [0, 0, 1, 1], [], []>, transpose_lhs_hint = false} : vector<632x128xf32>, vector<128x128xf32>, vector<632x128xf32> -> vector<632x128xf32>
    %get3A_22 = arith.constant 0 : index
    %get3A_23 = arith.constant 0 : index
    %get3A_24 = vector.load %arg6[%get3A_22, %get3A_23] : memref<632x1xf32, #tpu.memory_space<vmem>>, vector<632x1xf32>
    %mul3A = vector.broadcast %get3A_24 : vector<632x1xf32> to vector<632x128xf32>
    %mul3A_25 = arith.mulf %mul3A, %dot_general3A_16 : vector<632x128xf32>
    %swap3A_26 = arith.constant 0 : index
    %swap3A_27 = arith.constant 0 : index
    %swap3A_28 = vector.load %arg10[%swap3A_26, %swap3A_27] : memref<632x128xf32, #tpu.memory_space<vmem>>, vector<632x128xf32>
    tpu.vector_store %arg10[%swap3A_26, %swap3A_27], %mul3A_25 {strides = array<i32>} : memref<632x128xf32, #tpu.memory_space<vmem>>, vector<632x128xf32>,
    %get3A_29 = arith.constant 0 : index
    %get3A_30 = arith.constant 0 : index
    %get3A_31 = vector.load %arg7[%get3A_29, %get3A_30] : memref<632x1xf32, #tpu.memory_space<vmem>>, vector<632x1xf32>
    %mul3A_32 = vector.broadcast %get3A_31 : vector<632x1xf32> to vector<632x128xf32>
    %mul3A_33 = arith.mulf %mul3A_32, %dot_general3A_16 : vector<632x128xf32>
    %swap3A_34 = arith.constant 0 : index
    %swap3A_35 = arith.constant 0 : index
    %swap3A_36 = vector.load %arg11[%swap3A_34, %swap3A_35] : memref<632x128xf32, #tpu.memory_space<vmem>>, vector<632x128xf32>
    tpu.vector_store %arg11[%swap3A_34, %swap3A_35], %mul3A_33 {strides = array<i32>} : memref<632x128xf32, #tpu.memory_space<vmem>>, vector<632x128xf32>,
    %get3A_37 = arith.constant 0 : index
    %get3A_38 = arith.constant 0 : index
    %get3A_39 = vector.load %arg8[%get3A_37, %get3A_38] : memref<632x1xf32, #tpu.memory_space<vmem>>, vector<632x1xf32>
    %mul3A_40 = vector.broadcast %get3A_39 : vector<632x1xf32> to vector<632x128xf32>
    %mul3A_41 = arith.mulf %mul3A_40, %dot_general3A_16 : vector<632x128xf32>
    %swap3A_42 = arith.constant 0 : index
    %swap3A_43 = arith.constant 0 : index
    %swap3A_44 = vector.load %arg12[%swap3A_42, %swap3A_43] : memref<632x128xf32, #tpu.memory_space<vmem>>, vector<632x128xf32>
    tpu.vector_store %arg12[%swap3A_42, %swap3A_43], %mul3A_41 {strides = array<i32>} : memref<632x128xf32, #tpu.memory_space<vmem>>, vector<632x128xf32>,
    %swap3A_45 = arith.constant 0 : index
    %swap3A_46 = arith.constant 0 : index
    %swap3A_47 = vector.load %arg13[%swap3A_45, %swap3A_46] : memref<632x128xf32, #tpu.memory_space<vmem>>, vector<632x128xf32>
    tpu.vector_store %arg13[%swap3A_45, %swap3A_46], %dot_general3A_21 {strides = array<i32>} : memref<632x128xf32, #tpu.memory_space<vmem>>, vector<632x128xf32>,
    %get3A_48 = arith.constant 0 : index
    %get3A_49 = arith.constant 0 : index
    %get3A_50 = vector.load %arg8[%get3A_48, %get3A_49] : memref<632x1xf32, #tpu.memory_space<vmem>>, vector<632x1xf32>
    %mul3A_51 = vector.broadcast %get3A_50 : vector<632x1xf32> to vector<632x128xf32>
    %mul3A_52 = arith.mulf %mul3A_51, %dot_general3A_21 : vector<632x128xf32>
    %swap3A_53 = arith.constant 0 : index
    %swap3A_54 = arith.constant 0 : index
    %swap3A_55 = vector.load %arg14[%swap3A_53, %swap3A_54] : memref<632x128xf32, #tpu.memory_space<vmem>>, vector<632x128xf32>
    tpu.vector_store %arg14[%swap3A_53, %swap3A_54], %mul3A_52 {strides = array<i32>} : memref<632x128xf32, #tpu.memory_space<vmem>>, vector<632x128xf32>,
    return
  }
  func.func @transform_0(%arg0: i32) -> (i32, i32) {
    %c0_i32 = arith.constant 0 : i32
    %c0_i32_0 = arith.constant 0 : i32
    return %arg0, %c0_i32 : i32, i32
  }
  func.func @transform_1(%arg0: i32) -> (i32, i32) {
    %c0_i32 = arith.constant 0 : i32
    %c0_i32_0 = arith.constant 0 : i32
    %c0_i32_1 = arith.constant 0 : i32
    return %c0_i32, %c0_i32_0 : i32, i32
  }
  func.func @transform_2(%arg0: i32) -> (i32, i32) {
    %c0_i32 = arith.constant 0 : i32
    %c0_i32_0 = arith.constant 0 : i32
    %c0_i32_1 = arith.constant 0 : i32
    return %c0_i32, %c0_i32_0 : i32, i32
  }
  func.func @transform_3(%arg0: i32) -> (i32, i32) {
    %c0_i32 = arith.constant 0 : i32
    %c0_i32_0 = arith.constant 0 : i32
    %c0_i32_1 = arith.constant 0 : i32
    return %c0_i32, %c0_i32_0 : i32, i32
  }
  func.func @transform_4(%arg0: i32) -> (i32, i32) {
    %c0_i32 = arith.constant 0 : i32
    %c0_i32_0 = arith.constant 0 : i32
    %c0_i32_1 = arith.constant 0 : i32
    return %c0_i32, %c0_i32_0 : i32, i32
  }
  func.func @transform_5(%arg0: i32) -> (i32, i32) {
    %c0_i32 = arith.constant 0 : i32
    %c0_i32_0 = arith.constant 0 : i32
    return %arg0, %c0_i32 : i32, i32
  }
  func.func @transform_6(%arg0: i32) -> (i32, i32) {
    %c0_i32 = arith.constant 0 : i32
    %c0_i32_0 = arith.constant 0 : i32
    return %arg0, %c0_i32 : i32, i32
  }
  func.func @transform_7(%arg0: i32) -> (i32, i32) {
    %c0_i32 = arith.constant 0 : i32
    %c0_i32_0 = arith.constant 0 : i32
    return %arg0, %c0_i32 : i32, i32
  }
  func.func @transform_8(%arg0: i32) -> (i32, i32) {
    %c0_i32 = arith.constant 0 : i32
    %c0_i32_0 = arith.constant 0 : i32
    return %arg0, %c0_i32 : i32, i32
  }
  func.func @transform_9(%arg0: i32) -> (i32, i32) {
    %c0_i32 = arith.constant 0 : i32
    %c0_i32_0 = arith.constant 0 : i32
    return %arg0, %c0_i32 : i32, i32
  }
  func.func @transform_10(%arg0: i32) -> (i32, i32) {
    %c0_i32 = arith.constant 0 : i32
    %c0_i32_0 = arith.constant 0 : i32
    return %arg0, %c0_i32 : i32, i32
  }
  func.func @transform_11(%arg0: i32) -> (i32, i32) {
    %c0_i32 = arith.constant 0 : i32
    %c0_i32_0 = arith.constant 0 : i32
    return %arg0, %c0_i32 : i32, i32
  }
  func.func @transform_12(%arg0: i32) -> (i32, i32) {
    %c0_i32 = arith.constant 0 : i32
    %c0_i32_0 = arith.constant 0 : i32
    return %arg0, %c0_i32 : i32, i32
  }
  func.func @transform_13(%arg0: i32) -> (i32, i32) {
    %c0_i32 = arith.constant 0 : i32
    %c0_i32_0 = arith.constant 0 : i32
    return %arg0, %c0_i32 : i32, i32
  }
}

module attributes {stable_mosaic.version = 14 : i64} {
  func.func @_stage_b_body(%arg0: i32, %arg1: memref<632x128xf32, #tpu.memory_space<vmem>>, %arg2: memref<632x128xf32, #tpu.memory_space<vmem>>, %arg3: memref<632x128xf32, #tpu.memory_space<vmem>>, %arg4: memref<632x128xf32, #tpu.memory_space<vmem>>, %arg5: memref<632x128xf32, #tpu.memory_space<vmem>>, %arg6: memref<632x128xf32, #tpu.memory_space<vmem>>, %arg7: memref<632x1xf32, #tpu.memory_space<vmem>>, %arg8: memref<632x128xf32, #tpu.memory_space<vmem>>, %arg9: memref<632x128xf32, #tpu.memory_space<vmem>>) attributes {dimension_semantics = [#tpu.dimension_semantics<arbitrary>], iteration_bounds = array<i64: 16>, scalar_prefetch = 0 : i64, scratch_operands = 0 : i64, tpu.core_type = #tpu.core_type<tc>, window_params = [{transform_indices = @transform_0, window_bounds = array<i64: 632, 128>}, {transform_indices = @transform_1, window_bounds = array<i64: 632, 128>}, {transform_indices = @transform_2, window_bounds = array<i64: 632, 128>}, {transform_indices = @transform_3, window_bounds = array<i64: 632, 128>}, {transform_indices = @transform_4, window_bounds = array<i64: 632, 128>}, {transform_indices = @transform_5, window_bounds = array<i64: 632, 128>}, {transform_indices = @transform_6, window_bounds = array<i64: 632, 1>}, {transform_indices = @transform_7, window_bounds = array<i64: 632, 128>}, {transform_indices = @transform_8, window_bounds = array<i64: 632, 128>}]} {
    %get3A = arith.constant 0 : index
    %get3A_0 = arith.constant 0 : index
    %get3A_1 = vector.load %arg7[%get3A, %get3A_0] : memref<632x1xf32, #tpu.memory_space<vmem>>, vector<632x1xf32>
    %mul3A = arith.mulf %get3A_1, %get3A_1 : vector<632x1xf32>
    %get3A_2 = arith.constant 0 : index
    %get3A_3 = arith.constant 0 : index
    %get3A_4 = vector.load %arg1[%get3A_2, %get3A_3] : memref<632x128xf32, #tpu.memory_space<vmem>>, vector<632x128xf32>
    %get3A_5 = arith.constant 0 : index
    %get3A_6 = arith.constant 0 : index
    %get3A_7 = vector.load %arg2[%get3A_5, %get3A_6] : memref<632x128xf32, #tpu.memory_space<vmem>>, vector<632x128xf32>
    %add3A = arith.addf %get3A_4, %get3A_7 : vector<632x128xf32>
    %get3A_8 = arith.constant 0 : index
    %get3A_9 = arith.constant 0 : index
    %get3A_10 = vector.load %arg3[%get3A_8, %get3A_9] : memref<632x128xf32, #tpu.memory_space<vmem>>, vector<632x128xf32>
    %add3A_11 = arith.addf %add3A, %get3A_10 : vector<632x128xf32>
    %mul3A_12 = vector.broadcast %mul3A : vector<632x1xf32> to vector<632x128xf32>
    %mul3A_13 = arith.mulf %mul3A_12, %add3A_11 : vector<632x128xf32>
    %swap3A = arith.constant 0 : index
    %swap3A_14 = arith.constant 0 : index
    %swap3A_15 = vector.load %arg8[%swap3A, %swap3A_14] : memref<632x128xf32, #tpu.memory_space<vmem>>, vector<632x128xf32>
    tpu.vector_store %arg8[%swap3A, %swap3A_14], %mul3A_13 {strides = array<i32>} : memref<632x128xf32, #tpu.memory_space<vmem>>, vector<632x128xf32>,
    %get3A_16 = arith.constant 0 : index
    %get3A_17 = arith.constant 0 : index
    %get3A_18 = vector.load %arg4[%get3A_16, %get3A_17] : memref<632x128xf32, #tpu.memory_space<vmem>>, vector<632x128xf32>
    %get3A_19 = arith.constant 0 : index
    %get3A_20 = arith.constant 0 : index
    %get3A_21 = vector.load %arg5[%get3A_19, %get3A_20] : memref<632x128xf32, #tpu.memory_space<vmem>>, vector<632x128xf32>
    %add3A_22 = arith.addf %get3A_18, %get3A_21 : vector<632x128xf32>
    %get3A_23 = arith.constant 0 : index
    %get3A_24 = arith.constant 0 : index
    %get3A_25 = vector.load %arg6[%get3A_23, %get3A_24] : memref<632x128xf32, #tpu.memory_space<vmem>>, vector<632x128xf32>
    %add3A_26 = arith.addf %add3A_22, %get3A_25 : vector<632x128xf32>
    %swap3A_27 = arith.constant 0 : index
    %swap3A_28 = arith.constant 0 : index
    %swap3A_29 = vector.load %arg9[%swap3A_27, %swap3A_28] : memref<632x128xf32, #tpu.memory_space<vmem>>, vector<632x128xf32>
    tpu.vector_store %arg9[%swap3A_27, %swap3A_28], %add3A_26 {strides = array<i32>} : memref<632x128xf32, #tpu.memory_space<vmem>>, vector<632x128xf32>,
    return
  }
  func.func @transform_0(%arg0: i32) -> (i32, i32) {
    %c0_i32 = arith.constant 0 : i32
    %c0_i32_0 = arith.constant 0 : i32
    return %arg0, %c0_i32 : i32, i32
  }
  func.func @transform_1(%arg0: i32) -> (i32, i32) {
    %add3A = arith.constant 16 : i32
    %add3A_0 = arith.addi %arg0, %add3A : i32
    %c0_i32 = arith.constant 0 : i32
    %c0_i32_1 = arith.constant 0 : i32
    return %add3A_0, %c0_i32 : i32, i32
  }
  func.func @transform_2(%arg0: i32) -> (i32, i32) {
    %c0_i32 = arith.constant 0 : i32
    %c0_i32_0 = arith.constant 0 : i32
    return %arg0, %c0_i32 : i32, i32
  }
  func.func @transform_3(%arg0: i32) -> (i32, i32) {
    %c0_i32 = arith.constant 0 : i32
    %c0_i32_0 = arith.constant 0 : i32
    return %arg0, %c0_i32 : i32, i32
  }
  func.func @transform_4(%arg0: i32) -> (i32, i32) {
    %add3A = arith.constant 16 : i32
    %add3A_0 = arith.addi %arg0, %add3A : i32
    %c0_i32 = arith.constant 0 : i32
    %c0_i32_1 = arith.constant 0 : i32
    return %add3A_0, %c0_i32 : i32, i32
  }
  func.func @transform_5(%arg0: i32) -> (i32, i32) {
    %c0_i32 = arith.constant 0 : i32
    %c0_i32_0 = arith.constant 0 : i32
    return %arg0, %c0_i32 : i32, i32
  }
  func.func @transform_6(%arg0: i32) -> (i32, i32) {
    %c0_i32 = arith.constant 0 : i32
    %c0_i32_0 = arith.constant 0 : i32
    return %arg0, %c0_i32 : i32, i32
  }
  func.func @transform_7(%arg0: i32) -> (i32, i32) {
    %c0_i32 = arith.constant 0 : i32
    %c0_i32_0 = arith.constant 0 : i32
    return %arg0, %c0_i32 : i32, i32
  }
  func.func @transform_8(%arg0: i32) -> (i32, i32) {
    %c0_i32 = arith.constant 0 : i32
    %c0_i32_0 = arith.constant 0 : i32
    return %arg0, %c0_i32 : i32, i32
  }
}

module attributes {stable_mosaic.version = 14 : i64} {
  func.func @_stage_c_body(%arg0: i32, %arg1: memref<632x128xf32, #tpu.memory_space<vmem>>, %arg2: memref<632x128xf32, #tpu.memory_space<vmem>>, %arg3: memref<632x128xf32, #tpu.memory_space<vmem>>, %arg4: memref<632x128xf32, #tpu.memory_space<vmem>>, %arg5: memref<632x128xf32, #tpu.memory_space<vmem>>, %arg6: memref<632x128xf32, #tpu.memory_space<vmem>>, %arg7: memref<632x128xf32, #tpu.memory_space<vmem>>, %arg8: memref<632x128xf32, #tpu.memory_space<vmem>>, %arg9: memref<632x128xf32, #tpu.memory_space<vmem>>, %arg10: memref<632x128xf32, #tpu.memory_space<vmem>>, %arg11: memref<632x128xf32, #tpu.memory_space<vmem>>, %arg12: memref<632x128xf32, #tpu.memory_space<vmem>>, %arg13: memref<632x1xf32, #tpu.memory_space<vmem>>, %arg14: memref<632x1xf32, #tpu.memory_space<vmem>>, %arg15: memref<632x1xf32, #tpu.memory_space<vmem>>, %arg16: memref<1x128xf32, #tpu.memory_space<vmem>>, %arg17: memref<1x128xf32, #tpu.memory_space<vmem>>, %arg18: memref<632x128xf32, #tpu.memory_space<vmem>>) attributes {dimension_semantics = [#tpu.dimension_semantics<arbitrary>], iteration_bounds = array<i64: 16>, scalar_prefetch = 0 : i64, scratch_operands = 0 : i64, tpu.core_type = #tpu.core_type<tc>, window_params = [{transform_indices = @transform_0, window_bounds = array<i64: 632, 128>}, {transform_indices = @transform_1, window_bounds = array<i64: 632, 128>}, {transform_indices = @transform_2, window_bounds = array<i64: 632, 128>}, {transform_indices = @transform_3, window_bounds = array<i64: 632, 128>}, {transform_indices = @transform_4, window_bounds = array<i64: 632, 128>}, {transform_indices = @transform_5, window_bounds = array<i64: 632, 128>}, {transform_indices = @transform_6, window_bounds = array<i64: 632, 128>}, {transform_indices = @transform_7, window_bounds = array<i64: 632, 128>}, {transform_indices = @transform_8, window_bounds = array<i64: 632, 128>}, {transform_indices = @transform_9, window_bounds = array<i64: 632, 128>}, {transform_indices = @transform_10, window_bounds = array<i64: 632, 128>}, {transform_indices = @transform_11, window_bounds = array<i64: 632, 128>}, {transform_indices = @transform_12, window_bounds = array<i64: 632, 1>}, {transform_indices = @transform_13, window_bounds = array<i64: 632, 1>}, {transform_indices = @transform_14, window_bounds = array<i64: 632, 1>}, {pipeline_mode = #tpu.pipeline_mode<synchronous>, transform_indices = @transform_15, window_bounds = array<i64: 1, 128>}, {pipeline_mode = #tpu.pipeline_mode<synchronous>, transform_indices = @transform_16, window_bounds = array<i64: 1, 128>}, {transform_indices = @transform_17, window_bounds = array<i64: 632, 128>}]} {
    %get3A = arith.constant 0 : index
    %get3A_0 = arith.constant 0 : index
    %get3A_1 = vector.load %arg14[%get3A, %get3A_0] : memref<632x1xf32, #tpu.memory_space<vmem>>, vector<632x1xf32>
    %get3A_2 = arith.constant 0 : index
    %get3A_3 = arith.constant 0 : index
    %get3A_4 = vector.load %arg2[%get3A_2, %get3A_3] : memref<632x128xf32, #tpu.memory_space<vmem>>, vector<632x128xf32>
    %get3A_5 = arith.constant 0 : index
    %get3A_6 = arith.constant 0 : index
    %get3A_7 = vector.load %arg3[%get3A_5, %get3A_6] : memref<632x128xf32, #tpu.memory_space<vmem>>, vector<632x128xf32>
    %add3A = arith.addf %get3A_4, %get3A_7 : vector<632x128xf32>
    %mul3A = vector.broadcast %get3A_1 : vector<632x1xf32> to vector<632x128xf32>
    %mul3A_8 = arith.mulf %mul3A, %add3A : vector<632x128xf32>
    %get3A_9 = arith.constant 0 : index
    %get3A_10 = arith.constant 0 : index
    %get3A_11 = vector.load %arg13[%get3A_9, %get3A_10] : memref<632x1xf32, #tpu.memory_space<vmem>>, vector<632x1xf32>
    %get3A_12 = arith.constant 0 : index
    %get3A_13 = arith.constant 0 : index
    %get3A_14 = vector.load %arg4[%get3A_12, %get3A_13] : memref<632x128xf32, #tpu.memory_space<vmem>>, vector<632x128xf32>
    %get3A_15 = arith.constant 0 : index
    %get3A_16 = arith.constant 0 : index
    %get3A_17 = vector.load %arg5[%get3A_15, %get3A_16] : memref<632x128xf32, #tpu.memory_space<vmem>>, vector<632x128xf32>
    %add3A_18 = arith.addf %get3A_14, %get3A_17 : vector<632x128xf32>
    %mul3A_19 = vector.broadcast %get3A_11 : vector<632x1xf32> to vector<632x128xf32>
    %mul3A_20 = arith.mulf %mul3A_19, %add3A_18 : vector<632x128xf32>
    %add3A_21 = arith.addf %mul3A_8, %mul3A_20 : vector<632x128xf32>
    %get3A_22 = arith.constant 0 : index
    %get3A_23 = arith.constant 0 : index
    %get3A_24 = vector.load %arg6[%get3A_22, %get3A_23] : memref<632x128xf32, #tpu.memory_space<vmem>>, vector<632x128xf32>
    %add3A_25 = arith.addf %add3A_21, %get3A_24 : vector<632x128xf32>
    %get3A_26 = arith.constant 0 : index
    %get3A_27 = arith.constant 0 : index
    %get3A_28 = vector.load %arg16[%get3A_26, %get3A_27] : memref<1x128xf32, #tpu.memory_space<vmem>>, vector<1x128xf32>
    %add3A_29 = vector.broadcast %get3A_28 : vector<1x128xf32> to vector<632x128xf32>
    %add3A_30 = arith.addf %add3A_25, %add3A_29 : vector<632x128xf32>
    %get3A_31 = arith.constant 0 : index
    %get3A_32 = arith.constant 0 : index
    %get3A_33 = vector.load %arg7[%get3A_31, %get3A_32] : memref<632x128xf32, #tpu.memory_space<vmem>>, vector<632x128xf32>
    %get3A_34 = arith.constant 0 : index
    %get3A_35 = arith.constant 0 : index
    %get3A_36 = vector.load %arg8[%get3A_34, %get3A_35] : memref<632x128xf32, #tpu.memory_space<vmem>>, vector<632x128xf32>
    %add3A_37 = arith.addf %get3A_33, %get3A_36 : vector<632x128xf32>
    %get3A_38 = arith.constant 0 : index
    %get3A_39 = arith.constant 0 : index
    %get3A_40 = vector.load %arg11[%get3A_38, %get3A_39] : memref<632x128xf32, #tpu.memory_space<vmem>>, vector<632x128xf32>
    %add3A_41 = arith.addf %add3A_37, %get3A_40 : vector<632x128xf32>
    %get3A_42 = arith.constant 0 : index
    %get3A_43 = arith.constant 0 : index
    %get3A_44 = vector.load %arg15[%get3A_42, %get3A_43] : memref<632x1xf32, #tpu.memory_space<vmem>>, vector<632x1xf32>
    %get3A_45 = arith.constant 0 : index
    %get3A_46 = arith.constant 0 : index
    %get3A_47 = vector.load %arg9[%get3A_45, %get3A_46] : memref<632x128xf32, #tpu.memory_space<vmem>>, vector<632x128xf32>
    %get3A_48 = arith.constant 0 : index
    %get3A_49 = arith.constant 0 : index
    %get3A_50 = vector.load %arg10[%get3A_48, %get3A_49] : memref<632x128xf32, #tpu.memory_space<vmem>>, vector<632x128xf32>
    %add3A_51 = arith.addf %get3A_47, %get3A_50 : vector<632x128xf32>
    %get3A_52 = arith.constant 0 : index
    %get3A_53 = arith.constant 0 : index
    %get3A_54 = vector.load %arg12[%get3A_52, %get3A_53] : memref<632x128xf32, #tpu.memory_space<vmem>>, vector<632x128xf32>
    %add3A_55 = arith.addf %add3A_51, %get3A_54 : vector<632x128xf32>
    %mul3A_56 = vector.broadcast %get3A_44 : vector<632x1xf32> to vector<632x128xf32>
    %mul3A_57 = arith.mulf %mul3A_56, %add3A_55 : vector<632x128xf32>
    %get3A_58 = arith.constant 0 : index
    %get3A_59 = arith.constant 0 : index
    %get3A_60 = vector.load %arg1[%get3A_58, %get3A_59] : memref<632x128xf32, #tpu.memory_space<vmem>>, vector<632x128xf32>
    %add3A_61 = arith.addf %get3A_60, %add3A_30 : vector<632x128xf32>
    %add3A_62 = arith.addf %add3A_41, %mul3A_57 : vector<632x128xf32>
    %mul3A_63 = arith.constant 5.000000e-01 : f32
    %mul3A_64 = vector.broadcast %mul3A_63 : f32 to vector<632x128xf32>
    %mul3A_65 = arith.mulf %mul3A_64, %add3A_62 : vector<632x128xf32>
    %add3A_66 = arith.addf %add3A_61, %mul3A_65 : vector<632x128xf32>
    %get3A_67 = arith.constant 0 : index
    %get3A_68 = arith.constant 0 : index
    %get3A_69 = vector.load %arg17[%get3A_67, %get3A_68] : memref<1x128xf32, #tpu.memory_space<vmem>>, vector<1x128xf32>
    %add3A_70 = vector.broadcast %get3A_69 : vector<1x128xf32> to vector<632x128xf32>
    %add3A_71 = arith.addf %add3A_66, %add3A_70 : vector<632x128xf32>
    %swap3A = arith.constant 0 : index
    %swap3A_72 = arith.constant 0 : index
    %swap3A_73 = vector.load %arg18[%swap3A, %swap3A_72] : memref<632x128xf32, #tpu.memory_space<vmem>>, vector<632x128xf32>
    tpu.vector_store %arg18[%swap3A, %swap3A_72], %add3A_71 {strides = array<i32>} : memref<632x128xf32, #tpu.memory_space<vmem>>, vector<632x128xf32>,
    return
  }
  func.func @transform_0(%arg0: i32) -> (i32, i32) {
    %c0_i32 = arith.constant 0 : i32
    %c0_i32_0 = arith.constant 0 : i32
    return %arg0, %c0_i32 : i32, i32
  }
  func.func @transform_1(%arg0: i32) -> (i32, i32) {
    %c0_i32 = arith.constant 0 : i32
    %c0_i32_0 = arith.constant 0 : i32
    return %arg0, %c0_i32 : i32, i32
  }
  func.func @transform_2(%arg0: i32) -> (i32, i32) {
    %add3A = arith.constant 16 : i32
    %add3A_0 = arith.addi %arg0, %add3A : i32
    %c0_i32 = arith.constant 0 : i32
    %c0_i32_1 = arith.constant 0 : i32
    return %add3A_0, %c0_i32 : i32, i32
  }
  func.func @transform_3(%arg0: i32) -> (i32, i32) {
    %c0_i32 = arith.constant 0 : i32
    %c0_i32_0 = arith.constant 0 : i32
    return %arg0, %c0_i32 : i32, i32
  }
  func.func @transform_4(%arg0: i32) -> (i32, i32) {
    %add3A = arith.constant 16 : i32
    %add3A_0 = arith.addi %arg0, %add3A : i32
    %c0_i32 = arith.constant 0 : i32
    %c0_i32_1 = arith.constant 0 : i32
    return %add3A_0, %c0_i32 : i32, i32
  }
  func.func @transform_5(%arg0: i32) -> (i32, i32) {
    %c0_i32 = arith.constant 0 : i32
    %c0_i32_0 = arith.constant 0 : i32
    return %arg0, %c0_i32 : i32, i32
  }
  func.func @transform_6(%arg0: i32) -> (i32, i32) {
    %c0_i32 = arith.constant 0 : i32
    %c0_i32_0 = arith.constant 0 : i32
    return %arg0, %c0_i32 : i32, i32
  }
  func.func @transform_7(%arg0: i32) -> (i32, i32) {
    %add3A = arith.constant 16 : i32
    %add3A_0 = arith.addi %arg0, %add3A : i32
    %c0_i32 = arith.constant 0 : i32
    %c0_i32_1 = arith.constant 0 : i32
    return %add3A_0, %c0_i32 : i32, i32
  }
  func.func @transform_8(%arg0: i32) -> (i32, i32) {
    %c0_i32 = arith.constant 0 : i32
    %c0_i32_0 = arith.constant 0 : i32
    return %arg0, %c0_i32 : i32, i32
  }
  func.func @transform_9(%arg0: i32) -> (i32, i32) {
    %add3A = arith.constant 16 : i32
    %add3A_0 = arith.addi %arg0, %add3A : i32
    %c0_i32 = arith.constant 0 : i32
    %c0_i32_1 = arith.constant 0 : i32
    return %add3A_0, %c0_i32 : i32, i32
  }
  func.func @transform_10(%arg0: i32) -> (i32, i32) {
    %c0_i32 = arith.constant 0 : i32
    %c0_i32_0 = arith.constant 0 : i32
    return %arg0, %c0_i32 : i32, i32
  }
  func.func @transform_11(%arg0: i32) -> (i32, i32) {
    %c0_i32 = arith.constant 0 : i32
    %c0_i32_0 = arith.constant 0 : i32
    return %arg0, %c0_i32 : i32, i32
  }
  func.func @transform_12(%arg0: i32) -> (i32, i32) {
    %c0_i32 = arith.constant 0 : i32
    %c0_i32_0 = arith.constant 0 : i32
    return %arg0, %c0_i32 : i32, i32
  }
  func.func @transform_13(%arg0: i32) -> (i32, i32) {
    %c0_i32 = arith.constant 0 : i32
    %c0_i32_0 = arith.constant 0 : i32
    return %arg0, %c0_i32 : i32, i32
  }
  func.func @transform_14(%arg0: i32) -> (i32, i32) {
    %c0_i32 = arith.constant 0 : i32
    %c0_i32_0 = arith.constant 0 : i32
    return %arg0, %c0_i32 : i32, i32
  }
  func.func @transform_15(%arg0: i32) -> (i32, i32) {
    %c0_i32 = arith.constant 0 : i32
    %c0_i32_0 = arith.constant 0 : i32
    %c0_i32_1 = arith.constant 0 : i32
    return %c0_i32, %c0_i32_0 : i32, i32
  }
  func.func @transform_16(%arg0: i32) -> (i32, i32) {
    %c0_i32 = arith.constant 0 : i32
    %c0_i32_0 = arith.constant 0 : i32
    %c0_i32_1 = arith.constant 0 : i32
    return %c0_i32, %c0_i32_0 : i32, i32
  }
  func.func @transform_17(%arg0: i32) -> (i32, i32) {
    %c0_i32 = arith.constant 0 : i32
    %c0_i32_0 = arith.constant 0 : i32
    return %arg0, %c0_i32 : i32, i32
  }
}

</mosaic_0001>

<sc_bundles>
// kernel: kernel.22.cloned.1.call-start
scs
__scs_entry_jumppad:
0x0: {  	(pc) =	sbr.rel $0x88, $3  }
0x1: {  	(tag) =	ssettag $0x0;
	lr =	simm.s32 $0x1  }
0x2: {  	[smem:$0x3F98] =	sst lr;
	_ =	strace $0xD0000000  }
0x3: {  	_ = 	snop  }
0x4: {  	_ = 	snop  }
0x5: {  	_ = 	snop  }
0x6: {  	_ = 	snop  }
0x7: {  	_ = 	snop  }
__scs_overlays_trampoline_lowered:
0x8: {  	[smem:$0x3FA7] =	sst s0  }
0x9: {  	[smem:$0x3FA8] =	sst s1  }
0xa: {  	[smem:$0x3FA9] =	sst s2  }
0xb: {  	[smem:$0x3FAA] =	sst s3  }
0xc: {  	[smem:$0x3FAB] =	sst s4  }
0xd: {  	[smem:$0x3FAC] =	sst s5  }
0xe: {  	[smem:$0x3FAD] =	sst s6  }
0xf: {  	[smem:$0x3FAE] =	sst s7  }
0x10: {  	[smem:$0x3FAF] =	sst s8  }
0x11: {  	[smem:$0x3FB0] =	sst s9;
	s0 =	simm.s32 @!p0 $0x0  }
0x12: {  	s1 =	sld [smem:$0x3F96];
	s0 =	simm.s32 @p0 $0x1  }
0x13: {  	[smem:$0x3FB1] =	sst s0;
	s0 =	simm.s32 @!p1 $0x0  }
0x14: {  	s2 =	sld [smem:$0x3F95];
	s0 =	simm.s32 @p1 $0x1  }
0x15: {  	[smem:$0x3FB2] =	sst s0;
	s0 =	simm.s32 @!p2 $0x0  }
0x16: {  	s3 =	sld [smem:$0x3FDB];
	s0 =	simm.s32 @p2 $0x1  }
0x17: {  	s4 =	simm.s32 $0x1BF5;
	[smem:$0x3FB4] =	sst s0  }
0x18: {  	s0 =	sld [smem:$0x3F97];
	_ =	swait.ge [sflag:s4], $0x0  }
0x19: {  	s7 =	sld [smem:$0x3F98]  }
0x1a: {  	s8 =	sadd.s32 $0xFFFFE003, lr  }
0x1b: {  	s9 =	sadd.s32 $0xFFFFFEF7, lr;
	s5 =	simm.s32 $0xFFFFFFFF;
	p2 =	slt.u32 s8, $0xFFFFF086  }
0x1c: {  	p1 =	slt.u32 s9, $0xF7A;
	s5 =	simm.s32 @!p2 $0x0  }
0x1d: {  	s5 =	simm.s32 @p1 $0x1;
	p0 =	seq.s32 s7, s2  }
0x1e: {  	s7 =	smul.u32 @!p0 $0xF7A, s2;
	p2 =	seq.s32 @!p0 s5, $0x0  }
0x1f: {  	s9 =	smul.u32 $0xF7A, s1;
	s8 =	simm.s32 @!p0 $0x1BF5;
	p2 =	por !p2, p0  }
0x20: {  	[sflag:s8] =	ssyncset.s32 @!p0 $0xFFFFF086;
	s6 =	sadd.s32 @!p0 s3, s7;
	s7 =	simm.s32 @!p0 $0x108  }
0x21: {  	s3 =	sadd.s32 s3, s9;
	s6 =	sadd.s32 @!p0 $0x88, s6;
	s7 =	simm.s32 @p2 $0x1082  }
0x22: {  	[simem:s7], [sflag:s8] =	dma.local @!p0 [hbm:s6], $0xF7A  }
0x23: {  	s9 =	sor.u32 $0xD0000000, s2;
	s6 =	simm.s32 $0x108;
	_ =	swait.ge @!p0 [sflag:s8], $0x0  }
0x24: {  	s3 =	sadd.s32 $0x88, s3;
	s6 =	simm.s32 @!p1 $0x1082;
	[sflag:s4] =	ssyncset.s32 $0xFFFFF086  }
0x25: {  	[simem:s6], [sflag:s4] =	dma.local [hbm:s3], $0xF7A  }
0x26: {  	[smem:$0x3F98] =	sst s1;
	(tag) =	ssettag s2;
	_ =	strace s9  }
0x27: {  	s1 =	sld [smem:$0x3FA8]  }
0x28: {  	s2 =	sld [smem:$0x3FA9]  }
0x29: {  	s4 =	sld [smem:$0x3FAB]  }
0x2a: {  	p0 =	seq.s32 s5, $0x0;
	s5 =	sld [smem:$0x3FAC]  }
0x2b: {  	s6 =	sld [smem:$0x3FAD]  }
0x2c: {  	s7 =	sld [smem:$0x3FAE]  }
0x2d: {  	s3 =	simm.s32 $0x108;
	s8 =	sld [smem:$0x3FAF]  }
0x2e: {  	s3 =	simm.s32 @!p0 $0x1082;
	s9 =	sld [smem:$0x3FB0]  }
0x2f: {  	lr =	sadd.s32 s0, s3;
	s0 =	sld [smem:$0x3FA7]  }
0x30: {  	s3 =	sld [smem:$0x3FAA]  }
0x31: {  	[smem:$0x3FB3] =	sst s10  }
0x32: {  	s10 =	sld [smem:$0x3FB1];
	_ =	sdelay $0x3  }
0x33: {  	p0 =	seq.s32 s10, $0x1;
	s10 =	sld [smem:$0x3FB3];
	_ =	sdelay $0x3  }
0x34: {  	[smem:$0x3FB3] =	sst s10  }
0x35: {  	s10 =	sld [smem:$0x3FB2];
	_ =	sdelay $0x3  }
0x36: {  	p1 =	seq.s32 s10, $0x1;
	s10 =	sld [smem:$0x3FB3];
	_ =	sdelay $0x3  }
0x37: {  	[smem:$0x3FB3] =	sst s10  }
0x38: {  	s10 =	sld [smem:$0x3FB4]  }
0x39: {  	_ = 	snop;
	(pc) =	sbr.ind lr, $3  }
0x3a: {  	_ = 	snop  }
0x3b: {  	_ = 	snop  }
0x3c: {  	p2 =	seq.s32 s10, $0x1;
	s10 =	sld [smem:$0x3FB3]  }
0x3d: {  	_ =	shalt  }
0x3e: {  	_ =	shalt  }
0x3f: {  	_ =	shalt  }
0x40: {  	_ =	shalt  }
0x41: {  	_ =	shalt  }
0x42: {  	_ =	shalt  }
0x43: {  	_ =	shalt  }
0x44: {  	_ =	shalt  }
0x45: {  	_ =	shalt  }
0x46: {  	_ =	shalt  }
0x47: {  	_ =	shalt  }
0x48: {  	_ =	shalt  }
0x49: {  	_ =	shalt  }
0x4a: {  	_ =	shalt  }
0x4b: {  	_ =	shalt  }
0x4c: {  	_ =	shalt  }
0x4d: {  	_ =	shalt  }
0x4e: {  	_ =	shalt  }
0x4f: {  	_ =	shalt  }
0x50: {  	_ =	shalt  }
0x51: {  	_ =	shalt  }
0x52: {  	_ =	shalt  }
0x53: {  	_ =	shalt  }
0x54: {  	_ =	shalt  }
0x55: {  	_ =	shalt  }
0x56: {  	_ =	shalt  }
0x57: {  	_ =	shalt  }
0x58: {  	_ =	shalt  }
0x59: {  	_ =	shalt  }
0x5a: {  	_ =	shalt  }
0x5b: {  	_ =	shalt  }
0x5c: {  	_ =	shalt  }
0x5d: {  	_ =	shalt  }
0x5e: {  	_ =	shalt  }
0x5f: {  	_ =	shalt  }
0x60: {  	_ =	shalt  }
0x61: {  	_ =	shalt  }
0x62: {  	_ =	shalt  }
0x63: {  	_ =	shalt  }
0x64: {  	_ =	shalt  }
0x65: {  	_ =	shalt  }
0x66: {  	_ =	shalt  }
0x67: {  	_ =	shalt  }
0x68: {  	_ =	shalt  }
0x69: {  	_ =	shalt  }
0x6a: {  	_ =	shalt  }
0x6b: {  	_ =	shalt  }
0x6c: {  	_ =	shalt  }
0x6d: {  	_ =	shalt  }
0x6e: {  	_ =	shalt  }
0x6f: {  	_ =	shalt  }
0x70: {  	_ =	shalt  }
0x71: {  	_ =	shalt  }
0x72: {  	_ =	shalt  }
0x73: {  	_ =	shalt  }
0x74: {  	_ =	shalt  }
0x75: {  	_ =	shalt  }
0x76: {  	_ =	shalt  }
0x77: {  	_ =	shalt  }
0x78: {  	_ =	shalt  }
0x79: {  	_ =	shalt  }
0x7a: {  	_ =	shalt  }
0x7b: {  	_ =	shalt  }
0x7c: {  	_ =	shalt  }
0x7d: {  	_ =	shalt  }
0x7e: {  	_ =	shalt  }
0x7f: {  	_ =	shalt  }
0x80: {  	_ =	shalt  }
0x81: {  	_ =	shalt  }
0x82: {  	_ =	shalt  }
0x83: {  	_ =	shalt  }
0x84: {  	_ =	shalt  }
0x85: {  	_ =	shalt  }
0x86: {  	_ =	shalt  }
0x87: {  	_ =	shalt  }
.Lfunc_end0:
.L_simem_size_0:
called_computation_lowered:
.L_overlay_start_0:
0x88: {  	s2 =	sld [smem:$0x3FD9]  }
0x89: {  	s3 =	sld [smem:$0x3FFE];
	_ =	sdelay $0x1  }
0x8a: {  	s1 =	srdreg.scid  }
0x8b: {  	s0 =	sand.u32 $0x1, s1  }
0x8c: {  	s17 =	sshll.u32 s0, $0xA;
	s2 =	sadd.s32 s3, s2  }
0x8d: {  	s2 =	sadd.s32 s2, s17  }
0x8e: {  	[smem:$0x3FBF] =	sst s2  }
0x8f: {  	_ = 	snop  }
0x90: {  	s2 =	sld [smem:$0x3FD0];
	(tm) =	ssettm $0x1  }
0x91: {  	s18 =	sld [smem:$0x3FFB];
	_ =	sdelay $0x3  }
0x92: {  	_ =	strace s18  }
0x93: {  	s3 =	sld [smem:$0x3FFC];
	_ =	sdelay $0x3  }
0x94: {  	_ =	strace s3  }
0x95: {  	s3 =	sld [smem:$0x3FFD];
	_ =	sdelay $0x3  }
0x96: {  	_ =	strace s3  }
0x97: {  	_ =	strace $0x8FFFFFFF  }
0x98: {  	s19 =	sld [smem:$0x3FDB];
	_ =	sdelay $0x1  }
0x99: {  	s4 =	simm.s32 $_scs_section_size  }
0x9a: {  	s5 =	simm.s32 $_size__tile_overlayer_lowered;
	s6 =	simm.s32 $_tile_overlayer_lowered  }
0x9b: {  	s22 =	simm.s32 $0x1BFF;
	s21 =	sshll.u32 s6, $0x1;
	s3 =	sadd.s32 s4, s19  }
0x9c: {  	s7 =	simm.s32 $0x0;
	s20 =	sshll.u32 s5, $0x1;
	s5 =	sadd.s32 s21, s3  }
0x9d: {  	[timem:s7], [sflag:s22] =	dma.local [hbm:s5], s20  }
0x9e: {  	_ =	swait.ge [sflag:s22], s20  }
0x9f: {  	s4 =	ssub.s32 $0x0, s20;
	[sflag:s22] =	ssyncset.done $0x0  }
0xa0: {  	[sflag:s22] =	ssyncadd.s32 s4;
	_ =	sdelay $0x1  }
0xa1: {  	s23 =	simm.s32 $0x1B8B  }
0xa2: {  	_ =	swait.ge [sflag:s23], $0x1  }
0xa3: {  	[sflag:s23] =	ssyncset.done $0x0  }
0xa4: {  	s25 =	simm.s32 $0x1B8E;
	s24 =	sld [smem:$0x3FFE];
	[sflag:s23] =	ssyncadd.s32 $0xFFFFFFFF  }
0xa5: {  	s26 =	simm.s32 $execute0_lowered;
	[smem:$0x3FD2] =	sst s25  }
0xa6: {  	s5 =	sshll.u32 s26, $0x1;
	_ =	strace $0x80000046;
	[dreg:$0x1] =	wrdreg $0xFFFFFFFF  }
0xa7: {  	s28 =	simm.s32 $_size_execute0_lowered;
	s3 =	sadd.s32 s3, s5;
	[dreg:$0x0] =	wrdreg $0x0  }
0xa8: {  	s5 =	sshll.u32 s28, $0x1;
	[dreg:$0x2] =	wrdreg s3  }
0xa9: {  	[dreg:$0x3] =	wrdreg s5  }
0xaa: {  	[dreg:$0x4] =	wrdreg $0xC0  }
0xab: {  	_ =	task [dreg:s7], $0x5FFFF  }
0xac: {  	[dreg:$0x1] =	wrdreg $0xFFFFFFFF  }
0xad: {  	[dreg:$0x0] =	wrdreg $0x60  }
0xae: {  	[dreg:$0x2] =	wrdreg s2  }
0xaf: {  	[dreg:$0x3] =	wrdreg s24  }
0xb0: {  	[dreg:$0x4] =	wrdreg $0xD7000  }
0xb1: {  	[dreg:$0x5] =	wrdreg $0xD9800  }
0xb2: {  	[dreg:$0x6] =	wrdreg $0x9  }
0xb3: {  	_ =	task.clear_ibuf [dreg:s7], $0x7FFFF;
	_ =	strace $0x90000046  }
0xb4: {  	s29 =	simm.s32 $0x9;
	_ =	strace $0x80000048  }
0xb5: {  	_ =	swait.ge [sflag:s29], $0x1  }
0xb6: {  	[sflag:s29] =	ssyncadd.s32 $0xFFFFFFFF  }
0xb7: {  	_ =	strace $0x90000048  }
0xb8: {  	_ =	sfence  }
0xb9: {  	s30 =	sld [smem:$0x0];
	_ =	sdelay $0x2  }
0xba: {  	s31 =	sshll.u32 s1, $0xD;
	s1 =	sshrl.u32 s1, $0x2  }
0xbb: {  	s3 =	sand.u32 $0x4000, s31;
	s1 =	sadd.s32 s1, s30  }
0xbc: {  	s0 =	sor.u32 s3, s0;
	s1 =	sshll.u32 s1, $0x11  }
0xbd: {  	s0 =	sor.u32 s1, s0  }
0xbe: {  	s0 =	sadd.s32 $0x8F2B, s0  }
0xbf: {  	[sflag:s0] =	ssyncadd.remote.s32 $0x1  }
0xc0: {  	_ =	sfence.sel $0xFFFF  }
0xc1: {  	[dreg:$0x0] =	wrdreg $0xFFFFFFFF;
	(pc) =	sbr.abs _section_cstart, $3  }
0xc2: {  	[dreg:$0x1] =	wrdreg $0xFFFFFFFF  }
0xc3: {  	_ =	task.clear_ibuf [dreg:s7], $0x2FFFF;
	_ =	strace $0x9FFFFFFF  }
0xc4: {  	(tm) =	ssettm $0x7FFFFFFF  }
0xc5: {  	_ =	shalt  }
tec
execute0_lowered:
.L_overlay_start_1:
0x0: {  	(tag) =	ssettag $0x1  }
0x1: {  	s1 =	srdreg.scid  }
0x2: {  	s1 =	sand.u32 $0x1, s1  }
0x3: {  	s5 =	rddreg [dreg:$0x0];
	p0 =	seq.s32 s1, $0x1  }
.Ltmp0:
0x4: {  	s6 =	rddreg [dreg:$0x1];
	(pc) =	sbr.rel @p0 .LBB2_12-.Ltmp0, $4  }
0x5: {  	s2 =	rddreg [dreg:$0x2]  }
0x6: {  	s3 =	rddreg [dreg:$0x3];
	s4 =	simm.s32 $0x0  }
0x7: {  	[smem:$0x7FF] =	sst s4  }
0x8: {  	s0 =	rddreg [dreg:$0x4];
	_ =	strace $0x80000047;
	s1 =	stileid.u32  }
0x9: {  	s8 =	smul.u32 $0xA00, s1;
	_ =	sdelay $0x1  }
0xa: {  	s7 =	simm.s32 $0x3;
	s5 =	sadd.s32 s5, s8  }
0xb: {  	[tilespmem:s4], [sflag:$0x3] =	stream.linear.gather [hbm4b:s5+s4], $0x4F00, $0x38;
	[tilespmem:$0xDC00] =	vst v63  }
0xc: {  	_ =	swait.ge [sflag:s7], $0x4F00  }
0xd: {  	s19 =	sadd.s32 $0xBE00, s6;
	[sflag:s7] =	ssyncset.done $0x0  }
0xe: {  	s20 =	simm.s32 $0x5000;
	s5 =	sadd.s32 s19, s8;
	[sflag:s7] =	ssyncadd.s32 $0xFFFFB100  }
0xf: {  	[tilespmem:s20], [sflag:$0x3] =	stream.linear.gather [hbm4b:s5+s4], $0x4F00, $0x38;
	[tilespmem:$0xDC00] =	vst v63  }
0x10: {  	_ =	swait.ge [sflag:s7], $0x4F00  }
0x11: {  	[sflag:s7] =	ssyncset.done $0x0  }
0x12: {  	s21 =	sadd.s32 $0x15E00, s6;
	s22 =	simm.s32 $0xD600;
	[sflag:s7] =	ssyncadd.s32 $0xFFFFB100  }
0x13: {  	[tilespmem:s22], [sflag:$0x3] =	stream.linear.gather [hbm4b:s21+s4], $0x80, $0x38;
	[tilespmem:$0xDC00] =	vst v63  }
0x14: {  	_ =	swait.ge [sflag:s7], $0x80  }
0x15: {  	[sflag:s7] =	ssyncset.done $0x0  }
0x16: {  	s23 =	sadd.s32 $0x16000, s6;
	s24 =	simm.s32 $0xD680;
	[sflag:s7] =	ssyncadd.s32 $0xFFFFFF80  }
0x17: {  	[tilespmem:s24], [sflag:$0x3] =	stream.linear.gather [hbm4b:s23+s4], $0x80, $0x38;
	[tilespmem:$0xDC00] =	vst v63  }
0x18: {  	_ =	swait.ge [sflag:s7], $0x80  }
0x19: {  	[sflag:s7] =	ssyncset.done $0x0  }
0x1a: {  	v0 =	vimm.f32 $1.000000000e+00;
	[sflag:s7] =	ssyncadd.s32 $0xFFFFFF80  }
0x1b: {  	[tilespmem:$0xC900] =	vst v0  }
0x1c: {  	[tilespmem:$0xC910] =	vst v0  }
0x1d: {  	[tilespmem:$0xC920] =	vst v0  }
0x1e: {  	[tilespmem:$0xC930] =	vst v0  }
0x1f: {  	[tilespmem:$0xC940] =	vst v0  }
0x20: {  	[tilespmem:$0xC950] =	vst v0  }
0x21: {  	[tilespmem:$0xC960] =	vst v0  }
0x22: {  	v63 =	vimm.f32 $0.0e+00;
	[tilespmem:$0xC970] =	vst v0  }
0x23: {  	[tilespmem:$0xC980] =	vst v63  }
0x24: {  	[tilespmem:$0xC990] =	vst v63  }
0x25: {  	[tilespmem:$0xC9A0] =	vst v63  }
0x26: {  	[tilespmem:$0xC9B0] =	vst v63  }
0x27: {  	[tilespmem:$0xC9C0] =	vst v63  }
0x28: {  	[tilespmem:$0xC9D0] =	vst v63  }
0x29: {  	[tilespmem:$0xC9E0] =	vst v63  }
0x2a: {  	[tilespmem:$0xC9F0] =	vst v63  }
0x2b: {  	[tilespmem:$0xCA00] =	vst v63  }
0x2c: {  	[tilespmem:$0xCA10] =	vst v63  }
0x2d: {  	[tilespmem:$0xCA20] =	vst v63  }
0x2e: {  	[tilespmem:$0xCA30] =	vst v63  }
0x2f: {  	[tilespmem:$0xCA40] =	vst v63  }
0x30: {  	[tilespmem:$0xCA50] =	vst v63  }
0x31: {  	[tilespmem:$0xCA60] =	vst v63  }
0x32: {  	[tilespmem:$0xCA70] =	vst v63  }
0x33: {  	[tilespmem:$0xCA80] =	vst v63  }
0x34: {  	[tilespmem:$0xCA90] =	vst v63  }
0x35: {  	[tilespmem:$0xCAA0] =	vst v63  }
0x36: {  	[tilespmem:$0xCAB0] =	vst v63  }
0x37: {  	[tilespmem:$0xCAC0] =	vst v63  }
0x38: {  	[tilespmem:$0xCAD0] =	vst v63  }
0x39: {  	[tilespmem:$0xCAE0] =	vst v63  }
0x3a: {  	[tilespmem:$0xCAF0] =	vst v63  }
0x3b: {  	[tilespmem:$0xCB00] =	vst v63  }
0x3c: {  	[tilespmem:$0xCB10] =	vst v63  }
0x3d: {  	[tilespmem:$0xCB20] =	vst v63  }
0x3e: {  	[tilespmem:$0xCB30] =	vst v63  }
0x3f: {  	[tilespmem:$0xCB40] =	vst v63  }
0x40: {  	[tilespmem:$0xCB50] =	vst v63  }
0x41: {  	[tilespmem:$0xCB60] =	vst v63  }
0x42: {  	[tilespmem:$0xCB70] =	vst v63  }
0x43: {  	[tilespmem:$0xCB80] =	vst v63  }
0x44: {  	[tilespmem:$0xCB90] =	vst v63  }
0x45: {  	[tilespmem:$0xCBA0] =	vst v63  }
0x46: {  	[tilespmem:$0xCBB0] =	vst v63  }
0x47: {  	[tilespmem:$0xCBC0] =	vst v63  }
0x48: {  	s4 =	smul.u32 $0x280, s1;
	[tilespmem:$0xCBD0] =	vst v63  }
0x49: {  	[tilespmem:$0xCBE0] =	vst v63  }
0x4a: {  	s25 =	simm.s32 $0xC980;
	s5 =	sadd.s32 s4, s2;
	[tilespmem:$0xCBF0] =	vst v63  }
0x4b: {  	[spmem:s5] =	stream.linear.scatter [tilespmem:s25], [sflag:$0x3], $0x280, $0x38;
	[tilespmem:$0xDC00] =	vst v63  }
0x4c: {  	_ =	swait.ge [sflag:s7], $0x280  }
0x4d: {  	[sflag:s7] =	ssyncset.done $0x0  }
0x4e: {  	s9 =	simm.s32 $0x80;
	s10 =	simm.s32 $0xC900;
	[sflag:s7] =	ssyncadd.s32 $0xFFFFFD80  }
0x4f: {  	s26 =	simm.s32 $0x0;
	s29 =	sshrl.u32 s4, $0x3;
	[bflag:$0x0] =	sbarrier.arrive $0xFFFF  }
0x50: {  	[spmem:s2] =	stream.indirect.scatter.add.f32 [tilespmem:s10], [sflag:$0x1], $0x1, s26, s9, $0xb8;
	[tilespmem:$0xDC00] =	vst v63  }
0x51: {  	s11 =	simm.s32 $0x1;
	s28 =	simm.s32 $0x80;
	s30 =	sadd.s32 s29, s6  }
0x52: {  	[spmem:s2] =	stream.indirect.scatter.add.f32 [tilespmem:s10], [sflag:$0x2], $0x1, s28, s9, $0xb8;
	[tilespmem:$0xDC00] =	vst v63  }
0x53: {  	s0 =	sadd.s32 $0x16800, s30;
	_ =	swait.ge [sflag:s11], $0x80  }
0x54: {  	s31 =	sadd.s32 $0x16200, s30;
	[dreg:$0x6] =	wrdreg s0;
	[sflag:s11] =	ssyncset.done $0x0  }
0x55: {  	s12 =	simm.s32 $0x2;
	[dreg:$0x5] =	wrdreg s31;
	[sflag:s11] =	ssyncadd.s32 $0xFFFFFF80  }
0x56: {  	s13 =	simm.s32 $0x400;
	_ =	swait.ge [sflag:s12], $0x80  }
0x57: {  	s14 =	simm.s32 $0x800;
	s8 =	sadd.s32 s4, s3;
	[sflag:s12] =	ssyncset.done $0x0  }
.LBB2_2:
0x58: {  	s15 =	sshra.s32 s13, $0x2  }
0x59: {  	[sflag:s12] =	ssyncadd.s32 $0xFFFFFF80;
	s13 =	smov.u32 s14;
	s16 =	sadd.s32 $0x400, s14  }
0x5a: {  	[spmem:s2] =	stream.indirect.scatter.add.f32 [tilespmem:s10], [sflag:$0x1], $0x1, s15, s9, $0xb8;
	[tilespmem:$0xDC00] =	vst v63  }
0x5b: {  	p0 =	sne.s32 s14, $0x13800;
	s14 =	sadd.s32 $0x80, s15  }
0x5c: {  	[spmem:s2] =	stream.indirect.scatter.add.f32 [tilespmem:s10], [sflag:$0x2], $0x1, s14, s9, $0xb8;
	[tilespmem:$0xDC00] =	vst v63  }
.Ltmp1:
0x5d: {  	_ =	swait.ge [sflag:s11], $0x80;
	(pc) =	sbr.rel @p0 .LBB2_2-.Ltmp1, $4  }
0x5e: {  	[sflag:s11] =	ssyncset.done $0x0  }
0x5f: {  	[sflag:s11] =	ssyncadd.s32 $0xFFFFFF80  }
0x60: {  	_ =	swait.ge [sflag:s12], $0x80  }
0x61: {  	s14 =	smov.u32 s16;
	[sflag:s12] =	ssyncset.done $0x0  }
0x62: {  	s13 =	sshra.s32 s13, $0x2;
	[sflag:s12] =	ssyncadd.s32 $0xFFFFFF80  }
0x63: {  	[spmem:s2] =	stream.indirect.scatter.add.f32 [tilespmem:s10], [sflag:$0x1], $0x1, s13, s9, $0xb8;
	[tilespmem:$0xDC00] =	vst v63  }
0x64: {  	s13 =	sadd.s32 $0x80, s13  }
0x65: {  	[spmem:s2] =	stream.indirect.scatter.add.f32 [tilespmem:s10], [sflag:$0x2], $0x1, s13, s9, $0xb8;
	[tilespmem:$0xDC00] =	vst v63  }
0x66: {  	_ =	swait.ge [sflag:s11], $0x80  }
0x67: {  	[sflag:s11] =	ssyncset.done $0x0  }
0x68: {  	[sflag:s11] =	ssyncadd.s32 $0xFFFFFF80  }
0x69: {  	_ =	swait.ge [sflag:s12], $0x80  }
0x6a: {  	[sflag:s12] =	ssyncset.done $0x0  }
0x6b: {  	[sflag:s12] =	ssyncadd.s32 $0xFFFFFF80  }
0x6c: {  	s30 =	simm.s32 $0xCC00;
	s31 =	simm.s32 $0x3;
	[bflag:$0x0] =	sbarrier.arrive $0xFFFF  }
0x6d: {  	[tilespmem:s30], [sflag:$0x3] =	stream.linear.gather [spmem:s5], $0x280, $0x38;
	[tilespmem:$0xDC00] =	vst v63  }
0x6e: {  	_ =	swait.ge [sflag:s31], $0x280  }
0x6f: {  	[sflag:s31] =	ssyncset.done $0x0  }
0x70: {  	s9 =	simm.s32 $0x0;
	[sflag:s31] =	ssyncadd.s32 $0xFFFFFD80  }
0x71: {  	v0 =	vld [tilespmem:s9+$0xCC00];
	_ =	sdelay $0x4  }
0x72: {  	v0 =	vadd.f32 $1.000000000e+00, v0  }
0x73: {  	s10 =	simm.s32 $0x10  }
0x74: {  	(erf) = vrcp.f32 v0;
	v0 =	vld [tilespmem:s10+$0xCC00];
	_ =	sdelay $0x4  }
0x75: {  	s11 =	simm.s32 $0x20;
	v1 =	vadd.f32 $1.000000000e+00, v0  }
0x76: {  	v0 =	vld [tilespmem:s11+$0xCC00]  }
0x77: {  	(erf) = vrcp.f32 v1;
	_ =	sdelay $0x2  }
0x78: {  	s12 =	simm.s32 $0xC0;
	v1 =	vpop (erf)  }
.LBB2_4:
0x79: {  	s13 =	sshra.s32 s12, $0x2;
	p0 =	sne.s32 s12, $0x9C0;
	s12 =	sadd.s32 $0x40, s12;
	v2 =	vadd.f32 $1.000000000e+00, v0;
	[tilespmem:s9+$0xCE80] =	vst v1;
	v1 =	vmul.f32 $9.999999740e-05, v1  }
.Ltmp2:
0x7a: {  	v0 =	vld [tilespmem:s13+$0xCC00];
	(pc) =	sbr.rel @p0 .LBB2_4-.Ltmp2, $3  }
0x7b: {  	(erf) = vrcp.f32 v2;
	[tilespmem:s9+$0xD380] =	vst v1;
	s9 =	smov.u32 s10;
	s10 =	smov.u32 s11;
	s11 =	smov.u32 s13  }
0x7c: {  	_ =	sdelay $0x1  }
0x7d: {  	v1 =	vpop (erf)  }
0x7e: {  	v0 =	vadd.f32 $1.000000000e+00, v0;
	_ =	sdelay $0x1  }
0x7f: {  	(erf) = vrcp.f32 v0;
	_ =	sdelay $0x5  }
0x80: {  	v59 =	vmul.f32 $9.999999740e-05, v1  }
0x81: {  	[tilespmem:s9+$0xCE80] =	vst v1;
	v60 =	vpop (erf)  }
0x82: {  	[tilespmem:s9+$0xD380] =	vst v59;
	v61 =	vmul.f32 $9.999999740e-05, v60  }
0x83: {  	[tilespmem:s10+$0xCE80] =	vst v60;
	v62 =	vpop (erf)  }
0x84: {  	[tilespmem:s10+$0xD380] =	vst v61;
	v63 =	vmul.f32 $9.999999740e-05, v62  }
0x85: {  	[tilespmem:s11+$0xCE80] =	vst v62  }
0x86: {  	s9 =	simm.s32 $0xD380;
	s10 =	simm.s32 $0x3;
	[tilespmem:s11+$0xD380] =	vst v63  }
0x87: {  	[spmem:s8] =	stream.linear.scatter [tilespmem:s9], [sflag:$0x3], $0x280, $0x38;
	[tilespmem:$0xDC00] =	vst v63  }
0x88: {  	_ =	swait.ge [sflag:s10], $0x280  }
0x89: {  	[sflag:s10] =	ssyncset.done $0x0  }
0x8a: {  	s11 =	simm.s32 $0xC980;
	[sflag:s10] =	ssyncadd.s32 $0xFFFFFD80  }
0x8b: {  	[spmem:s5] =	stream.linear.scatter [tilespmem:s11], [sflag:$0x3], $0x280, $0x38;
	[tilespmem:$0xDC00] =	vst v63  }
0x8c: {  	_ =	swait.ge [sflag:s10], $0x280  }
0x8d: {  	s12 =	simm.s32 $0xA000;
	[sflag:s10] =	ssyncset.done $0x0  }
0x8e: {  	s13 =	simm.s32 $0x0;
	s14 =	simm.s32 $0x80;
	[sflag:s10] =	ssyncadd.s32 $0xFFFFFD80  }
0x8f: {  	s15 =	simm.s32 $0xC800;
	s16 =	simm.s32 $0x1;
	[bflag:$0x0] =	sbarrier.arrive $0xFFFF  }
0x90: {  	[tilespmem:s12], [sflag:$0x3] =	stream.linear.gather [spmem:s3], $0x2800, $0x38;
	[tilespmem:$0xDC00] =	vst v63  }
0x91: {  	s17 =	simm.s32 $0xC880;
	s18 =	simm.s32 $0x2;
	_ =	swait.ge [sflag:s10], $0x2800  }
0x92: {  	s19 =	simm.s32 $0x9E00;
	s20 =	simm.s32 $0x4E80;
	[sflag:s10] =	ssyncset.done $0x0  }
0x93: {  	s21 =	simm.s32 $0x9E80;
	s22 =	simm.s32 $0x0;
	[sflag:s10] =	ssyncadd.s32 $0xFFFFD800  }
.LBB2_6:
0x94: {  	[tilespmem:s15], [sflag:$0x1] =	stream.indirect.gather [spmem:s3], $0x1, s13, s14, $0xb8;
	[tilespmem:$0xDC00] =	vst v63  }
0x95: {  	_ =	swait.ge [sflag:s16], $0x80  }
0x96: {  	[sflag:s16] =	ssyncset.done $0x0  }
0x97: {  	s23 =	simm.s32 $0x5000;
	[sflag:s16] =	ssyncadd.s32 $0xFFFFFF80  }
0x98: {  	[spmem:s2] =	stream.indirect.scatter.add.f32 [tilespmem:s15], [sflag:$0x1], $0x1, s23, s14, $0xb8;
	[tilespmem:$0xDC00] =	vst v63  }
0x99: {  	s29 =	simm.s32 $0x80  }
0x9a: {  	[tilespmem:s17], [sflag:$0x2] =	stream.indirect.gather [spmem:s3], $0x1, s29, s14, $0xb8;
	[tilespmem:$0xDC00] =	vst v63  }
0x9b: {  	_ =	swait.ge [sflag:s18], $0x80  }
0x9c: {  	[sflag:s18] =	ssyncset.done $0x0  }
0x9d: {  	s30 =	simm.s32 $0x5080;
	[sflag:s18] =	ssyncadd.s32 $0xFFFFFF80  }
0x9e: {  	[spmem:s2] =	stream.indirect.scatter.add.f32 [tilespmem:s17], [sflag:$0x2], $0x1, s30, s14, $0xb8;
	[tilespmem:$0xDC00] =	vst v63  }
0x9f: {  	_ =	swait.ge [sflag:s16], $0x80  }
0xa0: {  	[sflag:s16] =	ssyncset.done $0x0  }
0xa1: {  	s31 =	simm.s32 $0x100;
	[sflag:s16] =	ssyncadd.s32 $0xFFFFFF80  }
0xa2: {  	[tilespmem:s15], [sflag:$0x1] =	stream.indirect.gather [spmem:s3], $0x1, s31, s14, $0xb8;
	[tilespmem:$0xDC00] =	vst v63  }
0xa3: {  	_ =	swait.ge [sflag:s16], $0x80  }
0xa4: {  	[sflag:s16] =	ssyncset.done $0x0  }
0xa5: {  	[sflag:s16] =	ssyncadd.s32 $0xFFFFFF80  }
0xa6: {  	_ =	swait.ge [sflag:s18], $0x80  }
0xa7: {  	s24 =	simm.s32 $0x800;
	s23 =	simm.s32 $0x100;
	[sflag:s18] =	ssyncset.done $0x0  }
.LBB2_7:
0xa8: {  	s25 =	sadd.s32 $0x5000, s23  }
0xa9: {  	[sflag:s18] =	ssyncadd.s32 $0xFFFFFF80;
	s26 =	smov.u32 s24;
	s28 =	sadd.s32 $0x400, s24  }
0xaa: {  	[spmem:s2] =	stream.indirect.scatter.add.f32 [tilespmem:s15], [sflag:$0x1], $0x1, s25, s14, $0xb8;
	[tilespmem:$0xDC00] =	vst v63  }
0xab: {  	p0 =	sne.s32 s24, $0x13400;
	s24 =	sadd.s32 $0x80, s23  }
0xac: {  	[tilespmem:s17], [sflag:$0x2] =	stream.indirect.gather [spmem:s3], $0x1, s24, s14, $0xb8;
	[tilespmem:$0xDC00] =	vst v63  }
0xad: {  	_ =	swait.ge [sflag:s18], $0x80  }
0xae: {  	[sflag:s18] =	ssyncset.done $0x0  }
0xaf: {  	s24 =	sadd.s32 $0x5080, s23;
	[sflag:s18] =	ssyncadd.s32 $0xFFFFFF80  }
0xb0: {  	[spmem:s2] =	stream.indirect.scatter.add.f32 [tilespmem:s17], [sflag:$0x2], $0x1, s24, s14, $0xb8;
	[tilespmem:$0xDC00] =	vst v63  }
0xb1: {  	_ =	swait.ge [sflag:s16], $0x80  }
0xb2: {  	[sflag:s16] =	ssyncset.done $0x0  }
0xb3: {  	s23 =	sadd.s32 $0x100, s23;
	[sflag:s16] =	ssyncadd.s32 $0xFFFFFF80  }
0xb4: {  	[tilespmem:s15], [sflag:$0x1] =	stream.indirect.gather [spmem:s3], $0x1, s23, s14, $0xb8;
	[tilespmem:$0xDC00] =	vst v63  }
.Ltmp3:
0xb5: {  	_ =	swait.ge [sflag:s16], $0x80;
	(pc) =	sbr.rel @p0 .LBB2_7-.Ltmp3, $4  }
0xb6: {  	[sflag:s16] =	ssyncset.done $0x0  }
0xb7: {  	[sflag:s16] =	ssyncadd.s32 $0xFFFFFF80  }
0xb8: {  	_ =	swait.ge [sflag:s18], $0x80  }
0xb9: {  	s24 =	smov.u32 s28;
	s23 =	sshra.s32 s26, $0x2;
	[sflag:s18] =	ssyncset.done $0x0  }
0xba: {  	s24 =	sadd.s32 $0x5000, s23;
	[sflag:s18] =	ssyncadd.s32 $0xFFFFFF80  }
0xbb: {  	[spmem:s2] =	stream.indirect.scatter.add.f32 [tilespmem:s15], [sflag:$0x1], $0x1, s24, s14, $0xb8;
	[tilespmem:$0xDC00] =	vst v63  }
0xbc: {  	s7 =	sadd.s32 $0x80, s23  }
0xbd: {  	[tilespmem:s17], [sflag:$0x2] =	stream.indirect.gather [spmem:s3], $0x1, s7, s14, $0xb8;
	[tilespmem:$0xDC00] =	vst v63  }
0xbe: {  	_ =	swait.ge [sflag:s18], $0x80  }
0xbf: {  	[sflag:s18] =	ssyncset.done $0x0  }
0xc0: {  	s25 =	sadd.s32 $0x5080, s23;
	[sflag:s18] =	ssyncadd.s32 $0xFFFFFF80  }
0xc1: {  	[spmem:s2] =	stream.indirect.scatter.add.f32 [tilespmem:s17], [sflag:$0x2], $0x1, s25, s14, $0xb8;
	[tilespmem:$0xDC00] =	vst v63  }
0xc2: {  	_ =	swait.ge [sflag:s16], $0x80  }
0xc3: {  	[sflag:s16] =	ssyncset.done $0x0  }
0xc4: {  	s26 =	sadd.s32 $0x100, s23;
	[sflag:s16] =	ssyncadd.s32 $0xFFFFFF80  }
0xc5: {  	[tilespmem:s15], [sflag:$0x1] =	stream.indirect.gather [spmem:s3], $0x1, s26, s14, $0xb8;
	[tilespmem:$0xDC00] =	vst v63  }
0xc6: {  	_ =	swait.ge [sflag:s16], $0x80  }
0xc7: {  	[sflag:s16] =	ssyncset.done $0x0  }
0xc8: {  	[sflag:s16] =	ssyncadd.s32 $0xFFFFFF80  }
0xc9: {  	_ =	swait.ge [sflag:s18], $0x80  }
0xca: {  	[sflag:s18] =	ssyncset.done $0x0  }
0xcb: {  	[sflag:s18] =	ssyncadd.s32 $0xFFFFFF80  }
0xcc: {  	[spmem:s2] =	stream.indirect.scatter.add.f32 [tilespmem:s15], [sflag:$0x1], $0x1, s19, s14, $0xb8;
	[tilespmem:$0xDC00] =	vst v63  }
0xcd: {  	_ = 	snop  }
0xce: {  	[tilespmem:s17], [sflag:$0x2] =	stream.indirect.gather [spmem:s3], $0x1, s20, s14, $0xb8;
	[tilespmem:$0xDC00] =	vst v63  }
0xcf: {  	_ =	swait.ge [sflag:s18], $0x80  }
0xd0: {  	[sflag:s18] =	ssyncset.done $0x0  }
0xd1: {  	[sflag:s18] =	ssyncadd.s32 $0xFFFFFF80  }
0xd2: {  	[spmem:s2] =	stream.indirect.scatter.add.f32 [tilespmem:s17], [sflag:$0x2], $0x1, s21, s14, $0xb8;
	[tilespmem:$0xDC00] =	vst v63  }
0xd3: {  	_ =	swait.ge [sflag:s16], $0x80  }
0xd4: {  	[sflag:s16] =	ssyncset.done $0x0  }
0xd5: {  	[sflag:s16] =	ssyncadd.s32 $0xFFFFFF80  }
0xd6: {  	_ =	swait.ge [sflag:s18], $0x80  }
0xd7: {  	[sflag:s18] =	ssyncset.done $0x0  }
0xd8: {  	[sflag:s18] =	ssyncadd.s32 $0xFFFFFF80  }
0xd9: {  	s0 =	simm.s32 $0xCC00;
	[bflag:$0x0] =	sbarrier.arrive $0xFFFF  }
0xda: {  	[tilespmem:s0], [sflag:$0x3] =	stream.linear.gather [spmem:s5], $0x280, $0x38;
	[tilespmem:$0xDC00] =	vst v63  }
0xdb: {  	_ =	swait.ge [sflag:s10], $0x280  }
0xdc: {  	s6 =	simm.s32 $0x0;
	s25 =	sadd.s32 $0x0, s4;
	[sflag:s10] =	ssyncset.done $0x0  }
0xdd: {  	s24 =	sand.u32 $0x70, s6;
	s25 =	sand.u32 $0x7F80, s25;
	[sflag:s10] =	ssyncadd.s32 $0xFFFFFD80  }
0xde: {  	s7 =	sor.u32 s24, s25;
	v2 =	vld [tilespmem:s0+$0x0]  }
0xdf: {  	v3 =	vld [tilespmem:s7+$0xA000];
	_ =	sdelay $0x1  }
0xe0: {  	v0 =	vld [tilespmem:$0xD600];
	_ =	sdelay $0x1  }
0xe1: {  	v1 =	vld [tilespmem:$0xD680]  }
0xe2: {  	v2 =	vadd.f32 v3, v2;
	_ =	sdelay $0x1  }
0xe3: {  	v2 =	vmul.f32 v2, v0;
	_ =	sdelay $0x1  }
0xe4: {  	v2 =	vadd.f32 v2, v1  }
0xe5: {  	s24 =	simm.s32 $0xD100  }
0xe6: {  	s25 =	simm.s32 $0xCE80;
	[tilespmem:s24+$0x0] =	vst v2  }
0xe7: {  	v3 =	vld [tilespmem:s25+$0x0];
	_ =	sdelay $0x2  }
0xe8: {  	s28 =	simm.s32 $0xD380;
	s30 =	simm.s32 $0x20;
	s23 =	simm.s32 $0xD390  }
0xe9: {  	s31 =	sadd.s32 $0x10, s4;
	s29 =	simm.s32 $0xCC10;
	s26 =	simm.s32 $0x10  }
0xea: {  	s24 =	simm.s32 $0xCE90;
	s25 =	sand.u32 $0x70, s26;
	s26 =	simm.s32 $0xD110;
	v2 =	vmul.f32 v2, v3  }
.LBB2_9:
0xeb: {  	s0 =	sand.u32 $0x70, s30;
	s31 =	sand.u32 $0x7F80, s31  }
0xec: {  	[tilespmem:s28+$0x0] =	vst v2;
	s6 =	smov.u32 s30;
	s7 =	sadd.s32 $0x10, s30;
	s28 =	smov.u32 s23  }
0xed: {  	p0 =	sne.s32 s30, $0x270;
	v2 =	vld [tilespmem:s29+$0x0];
	s30 =	sor.u32 s25, s31;
	s25 =	smov.u32 s0  }
0xee: {  	v3 =	vld [tilespmem:s30+$0xA000];
	_ =	sdelay $0x4  }
0xef: {  	v2 =	vadd.f32 v3, v2;
	_ =	sdelay $0x1  }
0xf0: {  	v2 =	vmul.f32 v2, v0;
	_ =	sdelay $0x1  }
0xf1: {  	v2 =	vadd.f32 v2, v1;
	_ =	sdelay $0x1  }
0xf2: {  	[tilespmem:s26+$0x0] =	vst v2  }
0xf3: {  	v3 =	vld [tilespmem:s24+$0x0];
	_ =	sdelay $0x1  }
.Ltmp4:
0xf4: {  	(pc) =	sbr.rel @p0 .LBB2_9-.Ltmp4, $3  }
0xf5: {  	_ =	sdelay $0x1  }
0xf6: {  	s23 =	sadd.s32 $0x10, s23;
	s31 =	sadd.s32 s6, s4;
	s24 =	sadd.s32 $0x10, s24;
	v2 =	vmul.f32 v2, v3  }
0xf7: {  	s29 =	sadd.s32 $0x10, s29;
	s30 =	smov.u32 s7;
	s26 =	sadd.s32 $0x10, s26  }
0xf8: {  	s0 =	sand.u32 $0x7F80, s31;
	[tilespmem:s28+$0x0] =	vst v2  }
0xf9: {  	v2 =	vld [tilespmem:s29+$0x0];
	s0 =	sor.u32 s25, s0  }
0xfa: {  	v3 =	vld [tilespmem:s0+$0xA000];
	_ =	sdelay $0x4  }
0xfb: {  	v2 =	vadd.f32 v3, v2;
	_ =	sdelay $0x1  }
0xfc: {  	v0 =	vmul.f32 v2, v0;
	_ =	sdelay $0x1  }
0xfd: {  	v0 =	vadd.f32 v0, v1;
	_ =	sdelay $0x1  }
0xfe: {  	[tilespmem:s26+$0x0] =	vst v0  }
0xff: {  	v63 =	vld [tilespmem:s24+$0x0];
	_ =	sdelay $0x4  }
0x100: {  	v0 =	vmul.f32 v0, v63;
	_ =	sdelay $0x1  }
0x101: {  	[tilespmem:s23+$0x0] =	vst v0  }
0x102: {  	[spmem:s8] =	stream.linear.scatter [tilespmem:s9], [sflag:$0x3], $0x280, $0x38;
	[tilespmem:$0xDC00] =	vst v63  }
0x103: {  	_ =	swait.ge [sflag:s10], $0x280  }
0x104: {  	[sflag:s10] =	ssyncset.done $0x0  }
0x105: {  	[sflag:s10] =	ssyncadd.s32 $0xFFFFFD80  }
0x106: {  	[spmem:s5] =	stream.linear.scatter [tilespmem:s11], [sflag:$0x3], $0x280, $0x38;
	[tilespmem:$0xDC00] =	vst v63  }
0x107: {  	_ =	swait.ge [sflag:s10], $0x280  }
0x108: {  	s22 =	sadd.s32 $0x1, s22;
	[sflag:s10] =	ssyncset.done $0x0  }
0x109: {  	p0 =	sne.s32 s22, $0x14;
	[sflag:s10] =	ssyncadd.s32 $0xFFFFFD80  }
.Ltmp5:
0x10a: {  	[bflag:$0x0] =	sbarrier.arrive $0xFFFF;
	(pc) =	sbr.rel @p0 .LBB2_6-.Ltmp5, $4  }
0x10b: {  	[tilespmem:s12], [sflag:$0x3] =	stream.linear.gather [spmem:s3], $0x2800, $0x38;
	[tilespmem:$0xDC00] =	vst v63  }
0x10c: {  	_ =	swait.ge [sflag:s10], $0x2800  }
0x10d: {  	[sflag:s10] =	ssyncset.done $0x0  }
0x10e: {  	[sflag:s10] =	ssyncadd.s32 $0xFFFFD800  }
0x10f: {  	s0 =	simm.s32 $0x0  }
0x110: {  	s2 =	simm.s32 $0xD100;
	s3 =	rddreg [dreg:$0x6];
	s30 =	simm.s32 $0x3  }
0x111: {  	[hbm4b:s3+s0] =	stream.linear.scatter [tilespmem:s2], [sflag:$0x3], $0x280, $0x38;
	[tilespmem:$0xDC00] =	vst v63  }
0x112: {  	_ =	swait.ge [sflag:s30], $0x280  }
0x113: {  	[sflag:s30] =	ssyncset.done $0x0  }
0x114: {  	s31 =	simm.s32 $0xCE80;
	s4 =	rddreg [dreg:$0x5];
	[sflag:s30] =	ssyncadd.s32 $0xFFFFFD80  }
0x115: {  	[hbm4b:s4+s0] =	stream.linear.scatter [tilespmem:s31], [sflag:$0x3], $0x280, $0x38;
	[tilespmem:$0xDC00] =	vst v63  }
0x116: {  	_ =	swait.ge [sflag:s30], $0x280  }
0x117: {  	[sflag:s30] =	ssyncset.done $0x0  }
0x118: {  	[sflag:s30] =	ssyncadd.s32 $0xFFFFFD80  }
0x119: {  	s0 =	rddreg [dreg:$0x4]  }
.LBB2_12:
0x11a: {  	_ =	sfence.sel $0x180000  }
0x11b: {  	[bflag:$0x0] =	sbarrier.arrive $0xFFFF  }
0x11c: {  	p0 =	sne.s32 s1, $0x0;
	_ =	strace $0x90000047  }
0x11d: {  	s0 =	sadd.s32 @!p0 $0x100000, s0;
	[bflag:$0x2] =	sbarrier.arrive $0xFFFF  }
0x11e: {  	[sflag:s0] =	ssyncadd.tile.s32 @!p0 $0x1;
	_ =	shalt  }
.Lfunc_end2:
_tile_overlayer_lowered:
.L_overlay_start_2:
0x11f: {  	(tag) =	ssettag $0x2  }
0x120: {  	s0 =	rddreg [dreg:$0x0];
	s2 =	stileid.u32  }
0x121: {  	s1 =	rddreg [dreg:$0x1];
	p0 =	sne.s32 s2, $0x0  }
0x122: {  	s3 =	rddreg [dreg:$0x2];
	[bflag:$0x3] =	sbarrier.arrive $0xFFFF;
	s2 =	simm.s32 @!p0 $0x1C03  }
0x123: {  	[timem:s3], [sflag:s2] =	dma.local @!p0 [hbm:s0], s1  }
0x124: {  	s0 =	simm.s32 @!p0 $0x3  }
0x125: {  	_ =	swait.ge @!p0 [sflag:s0], s1  }
0x126: {  	s1 =	ssub.s32 @!p0 $0x0, s1;
	[sflag:s0] =	ssyncset.done @!p0 $0x0  }
0x127: {  	[sflag:s0] =	ssyncadd.s32 @!p0 s1  }
0x128: {  	[bflag:$0x3] =	sbarrier.arrive $0xFFFF  }
0x129: {  	_ =	shalt  }

// kernel: kernel.25.cloned.1.call-start
scs
__scs_entry_jumppad:
0x0: {  	(pc) =	sbr.rel $0x88, $3  }
0x1: {  	(tag) =	ssettag $0x0;
	lr =	simm.s32 $0x1  }
0x2: {  	[smem:$0x3F98] =	sst lr;
	_ =	strace $0xD0000000  }
0x3: {  	_ = 	snop  }
0x4: {  	_ = 	snop  }
0x5: {  	_ = 	snop  }
0x6: {  	_ = 	snop  }
0x7: {  	_ = 	snop  }
__scs_overlays_trampoline_lowered:
0x8: {  	[smem:$0x3FA7] =	sst s0  }
0x9: {  	[smem:$0x3FA8] =	sst s1  }
0xa: {  	[smem:$0x3FA9] =	sst s2  }
0xb: {  	[smem:$0x3FAA] =	sst s3  }
0xc: {  	[smem:$0x3FAB] =	sst s4  }
0xd: {  	[smem:$0x3FAC] =	sst s5  }
0xe: {  	[smem:$0x3FAD] =	sst s6  }
0xf: {  	[smem:$0x3FAE] =	sst s7  }
0x10: {  	[smem:$0x3FAF] =	sst s8  }
0x11: {  	[smem:$0x3FB0] =	sst s9;
	s0 =	simm.s32 @!p0 $0x0  }
0x12: {  	s1 =	sld [smem:$0x3F96];
	s0 =	simm.s32 @p0 $0x1  }
0x13: {  	[smem:$0x3FB1] =	sst s0;
	s0 =	simm.s32 @!p1 $0x0  }
0x14: {  	s2 =	sld [smem:$0x3F95];
	s0 =	simm.s32 @p1 $0x1  }
0x15: {  	[smem:$0x3FB2] =	sst s0;
	s0 =	simm.s32 @!p2 $0x0  }
0x16: {  	s3 =	sld [smem:$0x3FDB];
	s0 =	simm.s32 @p2 $0x1  }
0x17: {  	s4 =	simm.s32 $0x1BF5;
	[smem:$0x3FB4] =	sst s0  }
0x18: {  	s0 =	sld [smem:$0x3F97];
	_ =	swait.ge [sflag:s4], $0x0  }
0x19: {  	s7 =	sld [smem:$0x3F98]  }
0x1a: {  	s8 =	sadd.s32 $0xFFFFE003, lr  }
0x1b: {  	s9 =	sadd.s32 $0xFFFFFEF7, lr;
	s5 =	simm.s32 $0xFFFFFFFF;
	p2 =	slt.u32 s8, $0xFFFFF086  }
0x1c: {  	p1 =	slt.u32 s9, $0xF7A;
	s5 =	simm.s32 @!p2 $0x0  }
0x1d: {  	s5 =	simm.s32 @p1 $0x1;
	p0 =	seq.s32 s7, s2  }
0x1e: {  	s7 =	smul.u32 @!p0 $0xF7A, s2;
	p2 =	seq.s32 @!p0 s5, $0x0  }
0x1f: {  	s9 =	smul.u32 $0xF7A, s1;
	s8 =	simm.s32 @!p0 $0x1BF5;
	p2 =	por !p2, p0  }
0x20: {  	[sflag:s8] =	ssyncset.s32 @!p0 $0xFFFFF086;
	s6 =	sadd.s32 @!p0 s3, s7;
	s7 =	simm.s32 @!p0 $0x108  }
0x21: {  	s3 =	sadd.s32 s3, s9;
	s6 =	sadd.s32 @!p0 $0x88, s6;
	s7 =	simm.s32 @p2 $0x1082  }
0x22: {  	[simem:s7], [sflag:s8] =	dma.local @!p0 [hbm:s6], $0xF7A  }
0x23: {  	s9 =	sor.u32 $0xD0000000, s2;
	s6 =	simm.s32 $0x108;
	_ =	swait.ge @!p0 [sflag:s8], $0x0  }
0x24: {  	s3 =	sadd.s32 $0x88, s3;
	s6 =	simm.s32 @!p1 $0x1082;
	[sflag:s4] =	ssyncset.s32 $0xFFFFF086  }
0x25: {  	[simem:s6], [sflag:s4] =	dma.local [hbm:s3], $0xF7A  }
0x26: {  	[smem:$0x3F98] =	sst s1;
	(tag) =	ssettag s2;
	_ =	strace s9  }
0x27: {  	s1 =	sld [smem:$0x3FA8]  }
0x28: {  	s2 =	sld [smem:$0x3FA9]  }
0x29: {  	s4 =	sld [smem:$0x3FAB]  }
0x2a: {  	p0 =	seq.s32 s5, $0x0;
	s5 =	sld [smem:$0x3FAC]  }
0x2b: {  	s6 =	sld [smem:$0x3FAD]  }
0x2c: {  	s7 =	sld [smem:$0x3FAE]  }
0x2d: {  	s3 =	simm.s32 $0x108;
	s8 =	sld [smem:$0x3FAF]  }
0x2e: {  	s3 =	simm.s32 @!p0 $0x1082;
	s9 =	sld [smem:$0x3FB0]  }
0x2f: {  	lr =	sadd.s32 s0, s3;
	s0 =	sld [smem:$0x3FA7]  }
0x30: {  	s3 =	sld [smem:$0x3FAA]  }
0x31: {  	[smem:$0x3FB3] =	sst s10  }
0x32: {  	s10 =	sld [smem:$0x3FB1];
	_ =	sdelay $0x3  }
0x33: {  	p0 =	seq.s32 s10, $0x1;
	s10 =	sld [smem:$0x3FB3];
	_ =	sdelay $0x3  }
0x34: {  	[smem:$0x3FB3] =	sst s10  }
0x35: {  	s10 =	sld [smem:$0x3FB2];
	_ =	sdelay $0x3  }
0x36: {  	p1 =	seq.s32 s10, $0x1;
	s10 =	sld [smem:$0x3FB3];
	_ =	sdelay $0x3  }
0x37: {  	[smem:$0x3FB3] =	sst s10  }
0x38: {  	s10 =	sld [smem:$0x3FB4]  }
0x39: {  	_ = 	snop;
	(pc) =	sbr.ind lr, $3  }
0x3a: {  	_ = 	snop  }
0x3b: {  	_ = 	snop  }
0x3c: {  	p2 =	seq.s32 s10, $0x1;
	s10 =	sld [smem:$0x3FB3]  }
0x3d: {  	_ =	shalt  }
0x3e: {  	_ =	shalt  }
0x3f: {  	_ =	shalt  }
0x40: {  	_ =	shalt  }
0x41: {  	_ =	shalt  }
0x42: {  	_ =	shalt  }
0x43: {  	_ =	shalt  }
0x44: {  	_ =	shalt  }
0x45: {  	_ =	shalt  }
0x46: {  	_ =	shalt  }
0x47: {  	_ =	shalt  }
0x48: {  	_ =	shalt  }
0x49: {  	_ =	shalt  }
0x4a: {  	_ =	shalt  }
0x4b: {  	_ =	shalt  }
0x4c: {  	_ =	shalt  }
0x4d: {  	_ =	shalt  }
0x4e: {  	_ =	shalt  }
0x4f: {  	_ =	shalt  }
0x50: {  	_ =	shalt  }
0x51: {  	_ =	shalt  }
0x52: {  	_ =	shalt  }
0x53: {  	_ =	shalt  }
0x54: {  	_ =	shalt  }
0x55: {  	_ =	shalt  }
0x56: {  	_ =	shalt  }
0x57: {  	_ =	shalt  }
0x58: {  	_ =	shalt  }
0x59: {  	_ =	shalt  }
0x5a: {  	_ =	shalt  }
0x5b: {  	_ =	shalt  }
0x5c: {  	_ =	shalt  }
0x5d: {  	_ =	shalt  }
0x5e: {  	_ =	shalt  }
0x5f: {  	_ =	shalt  }
0x60: {  	_ =	shalt  }
0x61: {  	_ =	shalt  }
0x62: {  	_ =	shalt  }
0x63: {  	_ =	shalt  }
0x64: {  	_ =	shalt  }
0x65: {  	_ =	shalt  }
0x66: {  	_ =	shalt  }
0x67: {  	_ =	shalt  }
0x68: {  	_ =	shalt  }
0x69: {  	_ =	shalt  }
0x6a: {  	_ =	shalt  }
0x6b: {  	_ =	shalt  }
0x6c: {  	_ =	shalt  }
0x6d: {  	_ =	shalt  }
0x6e: {  	_ =	shalt  }
0x6f: {  	_ =	shalt  }
0x70: {  	_ =	shalt  }
0x71: {  	_ =	shalt  }
0x72: {  	_ =	shalt  }
0x73: {  	_ =	shalt  }
0x74: {  	_ =	shalt  }
0x75: {  	_ =	shalt  }
0x76: {  	_ =	shalt  }
0x77: {  	_ =	shalt  }
0x78: {  	_ =	shalt  }
0x79: {  	_ =	shalt  }
0x7a: {  	_ =	shalt  }
0x7b: {  	_ =	shalt  }
0x7c: {  	_ =	shalt  }
0x7d: {  	_ =	shalt  }
0x7e: {  	_ =	shalt  }
0x7f: {  	_ =	shalt  }
0x80: {  	_ =	shalt  }
0x81: {  	_ =	shalt  }
0x82: {  	_ =	shalt  }
0x83: {  	_ =	shalt  }
0x84: {  	_ =	shalt  }
0x85: {  	_ =	shalt  }
0x86: {  	_ =	shalt  }
0x87: {  	_ =	shalt  }
.Lfunc_end0:
.L_simem_size_0:
called_computation.1_lowered:
.L_overlay_start_0:
0x88: {  	s2 =	sld [smem:$0x3FD9]  }
0x89: {  	s3 =	sld [smem:$0x3FFE];
	_ =	sdelay $0x1  }
0x8a: {  	s1 =	srdreg.scid  }
0x8b: {  	s0 =	sand.u32 $0x1, s1  }
0x8c: {  	s17 =	sshll.u32 s0, $0xA;
	s2 =	sadd.s32 s3, s2  }
0x8d: {  	s2 =	sadd.s32 s2, s17  }
0x8e: {  	[smem:$0x3FBF] =	sst s2  }
0x8f: {  	_ = 	snop  }
0x90: {  	(tm) =	ssettm $0x1  }
0x91: {  	s18 =	sld [smem:$0x3FFB];
	_ =	sdelay $0x3  }
0x92: {  	_ =	strace s18  }
0x93: {  	s2 =	sld [smem:$0x3FFC];
	_ =	sdelay $0x3  }
0x94: {  	_ =	strace s2  }
0x95: {  	s2 =	sld [smem:$0x3FFD];
	_ =	sdelay $0x3  }
0x96: {  	_ =	strace s2  }
0x97: {  	_ =	strace $0x8FFFFFFF  }
0x98: {  	s19 =	sld [smem:$0x3FDB];
	_ =	sdelay $0x1  }
0x99: {  	s20 =	simm.s32 $_scs_section_size  }
0x9a: {  	s4 =	simm.s32 $_size__tile_overlayer_lowered;
	s5 =	simm.s32 $_tile_overlayer_lowered  }
0x9b: {  	s6 =	simm.s32 $0x1BFF;
	s21 =	sshll.u32 s5, $0x1;
	s3 =	sadd.s32 s20, s19  }
0x9c: {  	s22 =	simm.s32 $0x0;
	s4 =	sshll.u32 s4, $0x1;
	s5 =	sadd.s32 s21, s3  }
0x9d: {  	[timem:s22], [sflag:s6] =	dma.local [hbm:s5], s4  }
0x9e: {  	_ =	swait.ge [sflag:s6], s4  }
0x9f: {  	s4 =	ssub.s32 $0x0, s4;
	[sflag:s6] =	ssyncset.done $0x0  }
0xa0: {  	[sflag:s6] =	ssyncadd.s32 s4;
	_ =	sdelay $0x1  }
0xa1: {  	s23 =	simm.s32 $0x1B8B  }
0xa2: {  	_ =	swait.ge [sflag:s23], $0x1  }
0xa3: {  	[sflag:s23] =	ssyncset.done $0x0  }
0xa4: {  	[sflag:s23] =	ssyncadd.s32 $0xFFFFFFFF  }
0xa5: {  	s4 =	sld [smem:$0x0]  }
0xa6: {  	s5 =	sand.u32 $0xFFFFFFFE, s1  }
0xa7: {  	p0 =	sne.s32 s1, s5  }
0xa8: {  	s5 =	sshll.u32 @p0 s5, $0xE  }
0xa9: {  	s5 =	sadd.s32 @p0 $0x11B8D, s5;
	s6 =	sshll.u32 @p0 s4, $0x11  }
0xaa: {  	s5 =	sor.u32 @p0 s6, s5  }
0xab: {  	[sflag:s5] =	ssyncadd.remote.s32 @p0 $0x1;
	_ =	sdelay $0x1  }
0xac: {  	s5 =	simm.s32 @p0 $0x1B8D  }
0xad: {  	_ =	swait.eq @p0 [sflag:s5], $0x1  }
0xae: {  	[sflag:s5] =	ssyncadd.s32 @p0 $0xFFFFFFFF  }
0xaf: {  	s6 =	sshll.u32 @!p0 s1, $0xE  }
0xb0: {  	s6 =	sor.u32 @!p0 $0x4000, s6;
	s5 =	simm.s32 @!p0 $0x1B8D  }
0xb1: {  	s4 =	sshll.u32 @!p0 s4, $0x11;
	s6 =	sadd.s32 @!p0 $0x11B8D, s6;
	_ =	swait.eq @!p0 [sflag:s5], $0x1  }
0xb2: {  	s4 =	sor.u32 @!p0 s4, s6;
	[sflag:s5] =	ssyncadd.s32 @!p0 $0xFFFFFFFF  }
0xb3: {  	s25 =	simm.s32 $0x1B8E;
	s24 =	sld [smem:$0x3FFE];
	[sflag:s4] =	ssyncadd.remote.s32 @!p0 $0x1  }
0xb4: {  	s26 =	simm.s32 $execute0_lowered;
	[smem:$0x3FD2] =	sst s25  }
0xb5: {  	s5 =	sshll.u32 s26, $0x1;
	_ =	strace $0x80000052;
	[dreg:$0x1] =	wrdreg $0xFFFFFFFF  }
0xb6: {  	s28 =	simm.s32 $_size_execute0_lowered;
	s3 =	sadd.s32 s3, s5;
	[dreg:$0x0] =	wrdreg $0x0  }
0xb7: {  	s5 =	sshll.u32 s28, $0x1;
	[dreg:$0x2] =	wrdreg s3  }
0xb8: {  	[dreg:$0x3] =	wrdreg s5  }
0xb9: {  	[dreg:$0x4] =	wrdreg $0xC0  }
0xba: {  	_ =	task [dreg:s22], $0x5FFFF  }
0xbb: {  	[dreg:$0x1] =	wrdreg $0xFFFFFFFF  }
0xbc: {  	[dreg:$0x0] =	wrdreg $0x60  }
0xbd: {  	[dreg:$0x2] =	wrdreg s24  }
0xbe: {  	[dreg:$0x3] =	wrdreg $0x90000  }
0xbf: {  	[dreg:$0x4] =	wrdreg $0x9  }
0xc0: {  	_ =	task.clear_ibuf [dreg:s22], $0x5FFFF;
	_ =	strace $0x90000052  }
0xc1: {  	s29 =	simm.s32 $0x9;
	_ =	strace $0x80000054  }
0xc2: {  	_ =	swait.ge [sflag:s29], $0x1  }
0xc3: {  	[sflag:s29] =	ssyncadd.s32 $0xFFFFFFFF  }
0xc4: {  	_ =	strace $0x90000054  }
0xc5: {  	_ =	sfence  }
0xc6: {  	s30 =	sld [smem:$0x0];
	_ =	sdelay $0x2  }
0xc7: {  	s31 =	sshll.u32 s1, $0xD;
	s1 =	sshrl.u32 s1, $0x2  }
0xc8: {  	s4 =	sand.u32 $0x4000, s31;
	s1 =	sadd.s32 s1, s30  }
0xc9: {  	s0 =	sor.u32 s4, s0;
	s1 =	sshll.u32 s1, $0x11  }
0xca: {  	s0 =	sor.u32 s1, s0  }
0xcb: {  	s0 =	sadd.s32 $0x8F2B, s0  }
0xcc: {  	[sflag:s0] =	ssyncadd.remote.s32 $0x1  }
0xcd: {  	_ =	sfence.sel $0xFFFF  }
0xce: {  	[dreg:$0x0] =	wrdreg $0xFFFFFFFF;
	(pc) =	sbr.abs _section_cstart, $3  }
0xcf: {  	[dreg:$0x1] =	wrdreg $0xFFFFFFFF  }
0xd0: {  	_ =	task.clear_ibuf [dreg:s22], $0x2FFFF;
	_ =	strace $0x9FFFFFFF  }
0xd1: {  	(tm) =	ssettm $0x7FFFFFFF  }
tec
execute0_lowered:
.L_overlay_start_1:
0x0: {  	(tag) =	ssettag $0x1  }
0x1: {  	s6 =	rddreg [dreg:$0x0]  }
0x2: {  	s0 =	srdreg.scid;
	s2 =	rddreg [dreg:$0x1]  }
0x3: {  	s3 =	simm.s32 $0x0;
	s14 =	simm.s32 $0x80;
	s15 =	simm.s32 $0x5000  }
0x4: {  	s16 =	simm.s32 $0x1;
	s5 =	sand.u32 $0x1, s0;
	s0 =	stileid.u32  }
0x5: {  	s17 =	simm.s32 $0x0;
	[smem:$0x7FF] =	sst s3;
	s8 =	smul.u32 $0x2780, s0  }
0x6: {  	s1 =	sshll.u32 s5, $0x4;
	s9 =	smul.u32 $0x27800, s5;
	s5 =	ssub.s32 $0x2, s5  }
0x7: {  	s10 =	smul.u32 $0x4F000, s0;
	s12 =	sshll.u32 s0, $0x6;
	s4 =	sor.u32 s0, s1  }
0x8: {  	s1 =	rddreg [dreg:$0x2];
	_ =	strace $0x80000053;
	s31 =	sshrl.u32 s5, $0x1  }
0x9: {  	s12 =	sor.u32 $0x1C02, s12;
	s7 =	smul.u32 $0x500, s4;
	s4 =	sadd.s32 $0x2AE00, s6  }
0xa: {  	s11 =	sadd.s32 s8, s6;
	s8 =	sadd.s32 s8, s9;
	s10 =	sshrl.u32 s10, $0x2  }
0xb: {  	s9 =	ssub.s32 s5, s31;
	s8 =	sadd.s32 s8, s6;
	s13 =	sadd.s32 s10, s2  }
0xc: {  	s9 =	smax.u32 s9, $0x1;
	s10 =	simm.s32 $0x2;
	s7 =	sadd.s32 s7, s6  }
0xd: {  	s8 =	sadd.s32 $0x2A2E00, s8;
	s13 =	sshrl.u32 s13, $0x3;
	s5 =	sadd.s32 $0x16E00, s7  }
0xe: {  	s6 =	sadd.s32 $0x20E00, s7;
	s7 =	sadd.s32 $0x18E600, s11;
	s11 =	simm.s32 $0x2800  }
.LBB2_1:
0xf: {  	[tilespmem:s3], [sflag:$0x2] =	stream.linear.gather [hbm4b:s5+s3], $0x2780, $0x38;
	[tilespmem:$0x1CC00] =	vst v63  }
0x10: {  	_ =	swait.ge [sflag:s10], $0x2780  }
0x11: {  	[sflag:s10] =	ssyncset.done $0x0  }
0x12: {  	[sflag:s10] =	ssyncadd.s32 $0xFFFFD880  }
0x13: {  	[tilespmem:s11], [sflag:$0x2] =	stream.linear.gather [hbm4b:s6+s3], $0x2780, $0x38;
	[tilespmem:$0x1CC00] =	vst v63  }
0x14: {  	_ =	swait.ge [sflag:s10], $0x2780  }
0x15: {  	[sflag:s10] =	ssyncset.done $0x0  }
0x16: {  	[sflag:s10] =	ssyncadd.s32 $0xFFFFD880  }
0x17: {  	[spmem:s13], [sflag:s12] =	dma.local [hbm:s7], $0x2780  }
0x18: {  	_ =	swait.ge [sflag:s10], $0x2780  }
0x19: {  	[sflag:s10] =	ssyncset.done $0x0  }
0x1a: {  	[sflag:s10] =	ssyncadd.s32 $0xFFFFD880  }
0x1b: {  	s18 =	simm.s32 $0x0;
	[bflag:$0x0] =	sbarrier.arrive $0xFFFF  }
0x1c: {  	[tilespmem:s15], [sflag:$0x1] =	stream.indirect.gather [hbm4b:s4+s14], $0x80, s18, s14, $0xb8;
	[tilespmem:$0x1CC00] =	vst v63  }
0x1d: {  	_ =	swait.ge [sflag:s16], $0x4000  }
0x1e: {  	[sflag:s16] =	ssyncset.done $0x0  }
0x1f: {  	s31 =	simm.s32 $0x2800;
	[sflag:s16] =	ssyncadd.s32 $0xFFFFC000  }
0x20: {  	[spmem:s2] =	stream.indirect.scatter.add.f32 [tilespmem:s15], [sflag:$0x2], $0x80, s31, s14, $0xb8;
	[tilespmem:$0x1CC00] =	vst v63  }
0x21: {  	_ =	swait.ge [sflag:s10], $0x4000  }
0x22: {  	s19 =	simm.s32 $0x400;
	s18 =	simm.s32 $0x200;
	[sflag:s10] =	ssyncset.done $0x0  }
.LBB2_2:
0x23: {  	s20 =	sshra.s32 s18, $0x2  }
0x24: {  	[sflag:s10] =	ssyncadd.s32 $0xFFFFC000;
	s18 =	smov.u32 s19;
	s21 =	sadd.s32 $0x200, s19  }
0x25: {  	[tilespmem:s15], [sflag:$0x1] =	stream.indirect.gather [hbm4b:s4+s14], $0x80, s20, s14, $0xb8;
	[tilespmem:$0x1CC00] =	vst v63  }
0x26: {  	p0 =	sne.s32 s19, $0x9C00;
	_ =	swait.ge [sflag:s16], $0x4000  }
.Ltmp0:
0x27: {  	[sflag:s16] =	ssyncset.done $0x0;
	(pc) =	sbr.rel @p0 .LBB2_2-.Ltmp0, $4  }
0x28: {  	s19 =	sadd.s32 $0x2800, s20;
	[sflag:s16] =	ssyncadd.s32 $0xFFFFC000  }
0x29: {  	[spmem:s2] =	stream.indirect.scatter.add.f32 [tilespmem:s15], [sflag:$0x2], $0x80, s19, s14, $0xb8;
	[tilespmem:$0x1CC00] =	vst v63  }
0x2a: {  	_ =	swait.ge [sflag:s10], $0x4000  }
0x2b: {  	s19 =	smov.u32 s21;
	[sflag:s10] =	ssyncset.done $0x0  }
0x2c: {  	s18 =	sshra.s32 s18, $0x2;
	[sflag:s10] =	ssyncadd.s32 $0xFFFFC000  }
0x2d: {  	[tilespmem:s15], [sflag:$0x1] =	stream.indirect.gather [hbm4b:s4+s14], $0x80, s18, s14, $0xb8;
	[tilespmem:$0x1CC00] =	vst v63  }
0x2e: {  	_ =	swait.ge [sflag:s16], $0x4000  }
0x2f: {  	[sflag:s16] =	ssyncset.done $0x0  }
0x30: {  	s18 =	sadd.s32 $0x2800, s18;
	[sflag:s16] =	ssyncadd.s32 $0xFFFFC000  }
0x31: {  	[spmem:s2] =	stream.indirect.scatter.add.f32 [tilespmem:s15], [sflag:$0x2], $0x80, s18, s14, $0xb8;
	[tilespmem:$0x1CC00] =	vst v63  }
0x32: {  	_ =	swait.ge [sflag:s10], $0x4000  }
0x33: {  	s17 =	sadd.s32 $0x1, s17;
	[sflag:s10] =	ssyncset.done $0x0  }
0x34: {  	p0 =	sne.s32 s17, s9;
	[sflag:s10] =	ssyncadd.s32 $0xFFFFC000  }
.Ltmp1:
0x35: {  	[bflag:$0x0] =	sbarrier.arrive $0xFFFF;
	(pc) =	sbr.rel @p0 .LBB2_1-.Ltmp1, $4  }
0x36: {  	[hbm:s8], [sflag:s12] =	dma.local [spmem:s13], $0x2780  }
0x37: {  	_ =	swait.ge [sflag:s10], $0x2780  }
0x38: {  	[sflag:s10] =	ssyncset.done $0x0  }
0x39: {  	[sflag:s10] =	ssyncadd.s32 $0xFFFFD880  }
0x3a: {  	_ =	sfence.sel $0x180000  }
0x3b: {  	[bflag:$0x0] =	sbarrier.arrive $0xFFFF  }
0x3c: {  	p0 =	sne.s32 s0, $0x0;
	_ =	strace $0x90000053  }
0x3d: {  	s0 =	sadd.s32 @!p0 $0x100000, s1;
	[bflag:$0x2] =	sbarrier.arrive $0xFFFF  }
0x3e: {  	[sflag:s0] =	ssyncadd.tile.s32 @!p0 $0x1;
	_ =	shalt  }
.Lfunc_end2:
_tile_overlayer_lowered:
.L_overlay_start_2:
0x3f: {  	(tag) =	ssettag $0x2  }
0x40: {  	s0 =	rddreg [dreg:$0x0];
	s2 =	stileid.u32  }
0x41: {  	s1 =	rddreg [dreg:$0x1];
	p0 =	sne.s32 s2, $0x0  }
0x42: {  	s3 =	rddreg [dreg:$0x2];
	[bflag:$0x3] =	sbarrier.arrive $0xFFFF;
	s2 =	simm.s32 @!p0 $0x1C02  }
0x43: {  	[timem:s3], [sflag:s2] =	dma.local @!p0 [hbm:s0], s1  }
0x44: {  	s0 =	simm.s32 @!p0 $0x2  }
0x45: {  	_ =	swait.ge @!p0 [sflag:s0], s1  }
0x46: {  	s1 =	ssub.s32 @!p0 $0x0, s1;
	[sflag:s0] =	ssyncset.done @!p0 $0x0  }
0x47: {  	[sflag:s0] =	ssyncadd.s32 @!p0 s1  }
0x48: {  	[bflag:$0x3] =	sbarrier.arrive $0xFFFF  }
0x49: {  	_ =	shalt  }

// kernel: kernel.28.cloned.1.call-start
scs
__scs_entry_jumppad:
0x0: {  	(pc) =	sbr.rel $0x88, $3  }
0x1: {  	(tag) =	ssettag $0x0;
	lr =	simm.s32 $0x1  }
0x2: {  	[smem:$0x3F98] =	sst lr;
	_ =	strace $0xD0000000  }
0x3: {  	_ = 	snop  }
0x4: {  	_ = 	snop  }
0x5: {  	_ = 	snop  }
0x6: {  	_ = 	snop  }
0x7: {  	_ = 	snop  }
__scs_overlays_trampoline_lowered:
0x8: {  	[smem:$0x3FA7] =	sst s0  }
0x9: {  	[smem:$0x3FA8] =	sst s1  }
0xa: {  	[smem:$0x3FA9] =	sst s2  }
0xb: {  	[smem:$0x3FAA] =	sst s3  }
0xc: {  	[smem:$0x3FAB] =	sst s4  }
0xd: {  	[smem:$0x3FAC] =	sst s5  }
0xe: {  	[smem:$0x3FAD] =	sst s6  }
0xf: {  	[smem:$0x3FAE] =	sst s7  }
0x10: {  	[smem:$0x3FAF] =	sst s8  }
0x11: {  	[smem:$0x3FB0] =	sst s9;
	s0 =	simm.s32 @!p0 $0x0  }
0x12: {  	s1 =	sld [smem:$0x3F96];
	s0 =	simm.s32 @p0 $0x1  }
0x13: {  	[smem:$0x3FB1] =	sst s0;
	s0 =	simm.s32 @!p1 $0x0  }
0x14: {  	s2 =	sld [smem:$0x3F95];
	s0 =	simm.s32 @p1 $0x1  }
0x15: {  	[smem:$0x3FB2] =	sst s0;
	s0 =	simm.s32 @!p2 $0x0  }
0x16: {  	s3 =	sld [smem:$0x3FDB];
	s0 =	simm.s32 @p2 $0x1  }
0x17: {  	s4 =	simm.s32 $0x1BF5;
	[smem:$0x3FB4] =	sst s0  }
0x18: {  	s0 =	sld [smem:$0x3F97];
	_ =	swait.ge [sflag:s4], $0x0  }
0x19: {  	s7 =	sld [smem:$0x3F98]  }
0x1a: {  	s8 =	sadd.s32 $0xFFFFE003, lr  }
0x1b: {  	s9 =	sadd.s32 $0xFFFFFEF7, lr;
	s5 =	simm.s32 $0xFFFFFFFF;
	p2 =	slt.u32 s8, $0xFFFFF086  }
0x1c: {  	p1 =	slt.u32 s9, $0xF7A;
	s5 =	simm.s32 @!p2 $0x0  }
0x1d: {  	s5 =	simm.s32 @p1 $0x1;
	p0 =	seq.s32 s7, s2  }
0x1e: {  	s7 =	smul.u32 @!p0 $0xF7A, s2;
	p2 =	seq.s32 @!p0 s5, $0x0  }
0x1f: {  	s9 =	smul.u32 $0xF7A, s1;
	s8 =	simm.s32 @!p0 $0x1BF5;
	p2 =	por !p2, p0  }
0x20: {  	[sflag:s8] =	ssyncset.s32 @!p0 $0xFFFFF086;
	s6 =	sadd.s32 @!p0 s3, s7;
	s7 =	simm.s32 @!p0 $0x108  }
0x21: {  	s3 =	sadd.s32 s3, s9;
	s6 =	sadd.s32 @!p0 $0x88, s6;
	s7 =	simm.s32 @p2 $0x1082  }
0x22: {  	[simem:s7], [sflag:s8] =	dma.local @!p0 [hbm:s6], $0xF7A  }
0x23: {  	s9 =	sor.u32 $0xD0000000, s2;
	s6 =	simm.s32 $0x108;
	_ =	swait.ge @!p0 [sflag:s8], $0x0  }
0x24: {  	s3 =	sadd.s32 $0x88, s3;
	s6 =	simm.s32 @!p1 $0x1082;
	[sflag:s4] =	ssyncset.s32 $0xFFFFF086  }
0x25: {  	[simem:s6], [sflag:s4] =	dma.local [hbm:s3], $0xF7A  }
0x26: {  	[smem:$0x3F98] =	sst s1;
	(tag) =	ssettag s2;
	_ =	strace s9  }
0x27: {  	s1 =	sld [smem:$0x3FA8]  }
0x28: {  	s2 =	sld [smem:$0x3FA9]  }
0x29: {  	s4 =	sld [smem:$0x3FAB]  }
0x2a: {  	p0 =	seq.s32 s5, $0x0;
	s5 =	sld [smem:$0x3FAC]  }
0x2b: {  	s6 =	sld [smem:$0x3FAD]  }
0x2c: {  	s7 =	sld [smem:$0x3FAE]  }
0x2d: {  	s3 =	simm.s32 $0x108;
	s8 =	sld [smem:$0x3FAF]  }
0x2e: {  	s3 =	simm.s32 @!p0 $0x1082;
	s9 =	sld [smem:$0x3FB0]  }
0x2f: {  	lr =	sadd.s32 s0, s3;
	s0 =	sld [smem:$0x3FA7]  }
0x30: {  	s3 =	sld [smem:$0x3FAA]  }
0x31: {  	[smem:$0x3FB3] =	sst s10  }
0x32: {  	s10 =	sld [smem:$0x3FB1];
	_ =	sdelay $0x3  }
0x33: {  	p0 =	seq.s32 s10, $0x1;
	s10 =	sld [smem:$0x3FB3];
	_ =	sdelay $0x3  }
0x34: {  	[smem:$0x3FB3] =	sst s10  }
0x35: {  	s10 =	sld [smem:$0x3FB2];
	_ =	sdelay $0x3  }
0x36: {  	p1 =	seq.s32 s10, $0x1;
	s10 =	sld [smem:$0x3FB3];
	_ =	sdelay $0x3  }
0x37: {  	[smem:$0x3FB3] =	sst s10  }
0x38: {  	s10 =	sld [smem:$0x3FB4]  }
0x39: {  	_ = 	snop;
	(pc) =	sbr.ind lr, $3  }
0x3a: {  	_ = 	snop  }
0x3b: {  	_ = 	snop  }
0x3c: {  	p2 =	seq.s32 s10, $0x1;
	s10 =	sld [smem:$0x3FB3]  }
0x3d: {  	_ =	shalt  }
0x3e: {  	_ =	shalt  }
0x3f: {  	_ =	shalt  }
0x40: {  	_ =	shalt  }
0x41: {  	_ =	shalt  }
0x42: {  	_ =	shalt  }
0x43: {  	_ =	shalt  }
0x44: {  	_ =	shalt  }
0x45: {  	_ =	shalt  }
0x46: {  	_ =	shalt  }
0x47: {  	_ =	shalt  }
0x48: {  	_ =	shalt  }
0x49: {  	_ =	shalt  }
0x4a: {  	_ =	shalt  }
0x4b: {  	_ =	shalt  }
0x4c: {  	_ =	shalt  }
0x4d: {  	_ =	shalt  }
0x4e: {  	_ =	shalt  }
0x4f: {  	_ =	shalt  }
0x50: {  	_ =	shalt  }
0x51: {  	_ =	shalt  }
0x52: {  	_ =	shalt  }
0x53: {  	_ =	shalt  }
0x54: {  	_ =	shalt  }
0x55: {  	_ =	shalt  }
0x56: {  	_ =	shalt  }
0x57: {  	_ =	shalt  }
0x58: {  	_ =	shalt  }
0x59: {  	_ =	shalt  }
0x5a: {  	_ =	shalt  }
0x5b: {  	_ =	shalt  }
0x5c: {  	_ =	shalt  }
0x5d: {  	_ =	shalt  }
0x5e: {  	_ =	shalt  }
0x5f: {  	_ =	shalt  }
0x60: {  	_ =	shalt  }
0x61: {  	_ =	shalt  }
0x62: {  	_ =	shalt  }
0x63: {  	_ =	shalt  }
0x64: {  	_ =	shalt  }
0x65: {  	_ =	shalt  }
0x66: {  	_ =	shalt  }
0x67: {  	_ =	shalt  }
0x68: {  	_ =	shalt  }
0x69: {  	_ =	shalt  }
0x6a: {  	_ =	shalt  }
0x6b: {  	_ =	shalt  }
0x6c: {  	_ =	shalt  }
0x6d: {  	_ =	shalt  }
0x6e: {  	_ =	shalt  }
0x6f: {  	_ =	shalt  }
0x70: {  	_ =	shalt  }
0x71: {  	_ =	shalt  }
0x72: {  	_ =	shalt  }
0x73: {  	_ =	shalt  }
0x74: {  	_ =	shalt  }
0x75: {  	_ =	shalt  }
0x76: {  	_ =	shalt  }
0x77: {  	_ =	shalt  }
0x78: {  	_ =	shalt  }
0x79: {  	_ =	shalt  }
0x7a: {  	_ =	shalt  }
0x7b: {  	_ =	shalt  }
0x7c: {  	_ =	shalt  }
0x7d: {  	_ =	shalt  }
0x7e: {  	_ =	shalt  }
0x7f: {  	_ =	shalt  }
0x80: {  	_ =	shalt  }
0x81: {  	_ =	shalt  }
0x82: {  	_ =	shalt  }
0x83: {  	_ =	shalt  }
0x84: {  	_ =	shalt  }
0x85: {  	_ =	shalt  }
0x86: {  	_ =	shalt  }
0x87: {  	_ =	shalt  }
.Lfunc_end0:
.L_simem_size_0:
called_computation.2_lowered:
.L_overlay_start_0:
0x88: {  	s2 =	sld [smem:$0x3FD9]  }
0x89: {  	s3 =	sld [smem:$0x3FFE];
	_ =	sdelay $0x1  }
0x8a: {  	s1 =	srdreg.scid  }
0x8b: {  	s0 =	sand.u32 $0x1, s1  }
0x8c: {  	s17 =	sshll.u32 s0, $0xA;
	s2 =	sadd.s32 s3, s2  }
0x8d: {  	s2 =	sadd.s32 s2, s17  }
0x8e: {  	[smem:$0x3FBF] =	sst s2  }
0x8f: {  	_ = 	snop  }
0x90: {  	s18 =	sld [smem:$0x3FD0];
	(tm) =	ssettm $0x1  }
0x91: {  	s19 =	sld [smem:$0x3FFB];
	_ =	sdelay $0x3  }
0x92: {  	_ =	strace s19  }
0x93: {  	s2 =	sld [smem:$0x3FFC];
	_ =	sdelay $0x3  }
0x94: {  	_ =	strace s2  }
0x95: {  	s2 =	sld [smem:$0x3FFD];
	_ =	sdelay $0x3  }
0x96: {  	_ =	strace s2  }
0x97: {  	_ =	strace $0x8FFFFFFF  }
0x98: {  	s20 =	sld [smem:$0x3FDB];
	_ =	sdelay $0x1  }
0x99: {  	s4 =	simm.s32 $_scs_section_size  }
0x9a: {  	s5 =	simm.s32 $_size__tile_overlayer_lowered;
	s6 =	simm.s32 $_tile_overlayer_lowered  }
0x9b: {  	s7 =	simm.s32 $0x1BFF;
	s21 =	sshll.u32 s6, $0x1;
	s4 =	sadd.s32 s4, s20  }
0x9c: {  	s22 =	simm.s32 $0x0;
	s5 =	sshll.u32 s5, $0x1;
	s6 =	sadd.s32 s21, s4  }
0x9d: {  	[timem:s22], [sflag:s7] =	dma.local [hbm:s6], s5  }
0x9e: {  	_ =	swait.ge [sflag:s7], s5  }
0x9f: {  	s5 =	ssub.s32 $0x0, s5;
	[sflag:s7] =	ssyncset.done $0x0  }
0xa0: {  	[sflag:s7] =	ssyncadd.s32 s5;
	_ =	sdelay $0x1  }
0xa1: {  	s23 =	simm.s32 $0x1B8B  }
0xa2: {  	_ =	swait.ge [sflag:s23], $0x1  }
0xa3: {  	[sflag:s23] =	ssyncset.done $0x0  }
0xa4: {  	[sflag:s23] =	ssyncadd.s32 $0xFFFFFFFF  }
0xa5: {  	s5 =	sld [smem:$0x0]  }
0xa6: {  	s6 =	sand.u32 $0xFFFFFFFE, s1  }
0xa7: {  	p0 =	sne.s32 s1, s6  }
0xa8: {  	s6 =	sshll.u32 @p0 s6, $0xE  }
0xa9: {  	s6 =	sadd.s32 @p0 $0x11B8D, s6;
	s7 =	sshll.u32 @p0 s5, $0x11  }
0xaa: {  	s6 =	sor.u32 @p0 s7, s6  }
0xab: {  	[sflag:s6] =	ssyncadd.remote.s32 @p0 $0x1;
	_ =	sdelay $0x1  }
0xac: {  	s6 =	simm.s32 @p0 $0x1B8D  }
0xad: {  	_ =	swait.eq @p0 [sflag:s6], $0x1  }
0xae: {  	[sflag:s6] =	ssyncadd.s32 @p0 $0xFFFFFFFF  }
0xaf: {  	s7 =	sshll.u32 @!p0 s1, $0xE  }
0xb0: {  	s7 =	sor.u32 @!p0 $0x4000, s7;
	s6 =	simm.s32 @!p0 $0x1B8D  }
0xb1: {  	s5 =	sshll.u32 @!p0 s5, $0x11;
	s7 =	sadd.s32 @!p0 $0x11B8D, s7;
	_ =	swait.eq @!p0 [sflag:s6], $0x1  }
0xb2: {  	s5 =	sor.u32 @!p0 s5, s7;
	[sflag:s6] =	ssyncadd.s32 @!p0 $0xFFFFFFFF  }
0xb3: {  	s25 =	simm.s32 $0x1B8E;
	s24 =	sld [smem:$0x3FFE];
	[sflag:s5] =	ssyncadd.remote.s32 @!p0 $0x1  }
0xb4: {  	s26 =	simm.s32 $execute0_lowered;
	[smem:$0x3FD2] =	sst s25  }
0xb5: {  	s6 =	sshll.u32 s26, $0x1;
	_ =	strace $0x8000004F;
	[dreg:$0x1] =	wrdreg $0xFFFFFFFF  }
0xb6: {  	s28 =	simm.s32 $_size_execute0_lowered;
	s4 =	sadd.s32 s4, s6;
	[dreg:$0x0] =	wrdreg $0x0  }
0xb7: {  	s6 =	sshll.u32 s28, $0x1;
	[dreg:$0x2] =	wrdreg s4  }
0xb8: {  	[dreg:$0x3] =	wrdreg s6  }
0xb9: {  	[dreg:$0x4] =	wrdreg $0xC0  }
0xba: {  	_ =	task [dreg:s22], $0x5FFFF  }
0xbb: {  	[dreg:$0x1] =	wrdreg $0xFFFFFFFF  }
0xbc: {  	[dreg:$0x0] =	wrdreg $0x60  }
0xbd: {  	[dreg:$0x2] =	wrdreg s24  }
0xbe: {  	[dreg:$0x3] =	wrdreg s18  }
0xbf: {  	[dreg:$0x4] =	wrdreg $0x90000  }
0xc0: {  	[dreg:$0x5] =	wrdreg $0xA  }
0xc1: {  	_ =	task.clear_ibuf [dreg:s22], $0x6FFFF;
	_ =	strace $0x9000004F  }
0xc2: {  	s29 =	simm.s32 $0xA;
	_ =	strace $0x80000051  }
0xc3: {  	_ =	swait.ge [sflag:s29], $0x1  }
0xc4: {  	[sflag:s29] =	ssyncadd.s32 $0xFFFFFFFF  }
0xc5: {  	_ =	strace $0x90000051  }
0xc6: {  	_ =	sfence  }
0xc7: {  	s30 =	sld [smem:$0x0];
	_ =	sdelay $0x2  }
0xc8: {  	s31 =	sshll.u32 s1, $0xD;
	s1 =	sshrl.u32 s1, $0x2  }
0xc9: {  	s4 =	sand.u32 $0x4000, s31;
	s1 =	sadd.s32 s1, s30  }
0xca: {  	s0 =	sor.u32 s4, s0;
	s1 =	sshll.u32 s1, $0x11  }
0xcb: {  	s0 =	sor.u32 s1, s0  }
0xcc: {  	s0 =	sadd.s32 $0x8F2B, s0  }
0xcd: {  	[sflag:s0] =	ssyncadd.remote.s32 $0x1  }
0xce: {  	_ =	sfence.sel $0xFFFF  }
0xcf: {  	[dreg:$0x0] =	wrdreg $0xFFFFFFFF;
	(pc) =	sbr.abs _section_cstart, $3  }
0xd0: {  	[dreg:$0x1] =	wrdreg $0xFFFFFFFF  }
0xd1: {  	_ =	task.clear_ibuf [dreg:s22], $0x2FFFF;
	_ =	strace $0x9FFFFFFF  }
0xd2: {  	(tm) =	ssettm $0x7FFFFFFF  }
0xd3: {  	_ =	shalt  }
tec
execute0_lowered:
.L_overlay_start_1:
0x0: {  	(tag) =	ssettag $0x1  }
0x1: {  	s5 =	rddreg [dreg:$0x0]  }
0x2: {  	s6 =	rddreg [dreg:$0x1]  }
0x3: {  	s0 =	srdreg.scid;
	s2 =	rddreg [dreg:$0x2]  }
0x4: {  	s1 =	stileid.u32;
	s3 =	simm.s32 $0x0;
	s15 =	simm.s32 $0x5000  }
0x5: {  	s16 =	simm.s32 $0x1;
	s7 =	sand.u32 $0x1, s0;
	s0 =	rddreg [dreg:$0x3]  }
0x6: {  	s17 =	simm.s32 $0x0;
	[smem:$0x7FF] =	sst s3;
	s9 =	smul.u32 $0x2780, s1  }
0x7: {  	s12 =	smul.u32 $0x4F000, s1;
	s31 =	sshll.u32 s1, $0x6;
	s4 =	sshll.u32 s7, $0x4  }
0x8: {  	_ =	strace $0x80000050;
	s10 =	smul.u32 $0x27800, s7;
	s7 =	ssub.s32 $0x2, s7  }
0x9: {  	s4 =	sor.u32 s1, s4;
	s13 =	sadd.s32 s9, s5;
	s29 =	sshrl.u32 s7, $0x1  }
0xa: {  	s30 =	sshrl.u32 s12, $0x2;
	s12 =	sor.u32 $0x1C02, s31;
	s8 =	smul.u32 $0x500, s4  }
0xb: {  	s4 =	sadd.s32 $0x117E00, s5;
	s9 =	sadd.s32 s9, s10;
	s10 =	ssub.s32 s7, s29  }
0xc: {  	s14 =	sadd.s32 s30, s2;
	s7 =	sadd.s32 $0x18E600, s13;
	s9 =	sadd.s32 s9, s5  }
0xd: {  	s13 =	sshrl.u32 s14, $0x3;
	s14 =	simm.s32 $0x80;
	s11 =	sadd.s32 s8, s5  }
0xe: {  	s5 =	sadd.s32 s6, s8;
	s8 =	sadd.s32 $0x253E00, s9;
	s9 =	smax.u32 s10, $0x1  }
0xf: {  	s10 =	simm.s32 $0x2;
	s6 =	sadd.s32 $0xBE00, s11;
	s11 =	simm.s32 $0x2800  }
.LBB2_1:
0x10: {  	[tilespmem:s3], [sflag:$0x2] =	stream.linear.gather [hbm4b:s5+s3], $0x2780, $0x38;
	[tilespmem:$0x1CC00] =	vst v63  }
0x11: {  	_ =	swait.ge [sflag:s10], $0x2780  }
0x12: {  	[sflag:s10] =	ssyncset.done $0x0  }
0x13: {  	[sflag:s10] =	ssyncadd.s32 $0xFFFFD880  }
0x14: {  	[tilespmem:s11], [sflag:$0x2] =	stream.linear.gather [hbm4b:s6+s3], $0x2780, $0x38;
	[tilespmem:$0x1CC00] =	vst v63  }
0x15: {  	_ =	swait.ge [sflag:s10], $0x2780  }
0x16: {  	[sflag:s10] =	ssyncset.done $0x0  }
0x17: {  	[sflag:s10] =	ssyncadd.s32 $0xFFFFD880  }
0x18: {  	[spmem:s13], [sflag:s12] =	dma.local [hbm:s7], $0x2780  }
0x19: {  	_ =	swait.ge [sflag:s10], $0x2780  }
0x1a: {  	[sflag:s10] =	ssyncset.done $0x0  }
0x1b: {  	[sflag:s10] =	ssyncadd.s32 $0xFFFFD880  }
0x1c: {  	s18 =	simm.s32 $0x0;
	[bflag:$0x0] =	sbarrier.arrive $0xFFFF  }
0x1d: {  	[tilespmem:s15], [sflag:$0x1] =	stream.indirect.gather [hbm4b:s4+s14], $0x80, s18, s14, $0xb8;
	[tilespmem:$0x1CC00] =	vst v63  }
0x1e: {  	_ =	swait.ge [sflag:s16], $0x4000  }
0x1f: {  	[sflag:s16] =	ssyncset.done $0x0  }
0x20: {  	s31 =	simm.s32 $0x2800;
	[sflag:s16] =	ssyncadd.s32 $0xFFFFC000  }
0x21: {  	[spmem:s2] =	stream.indirect.scatter.add.f32 [tilespmem:s15], [sflag:$0x2], $0x80, s31, s14, $0xb8;
	[tilespmem:$0x1CC00] =	vst v63  }
0x22: {  	_ =	swait.ge [sflag:s10], $0x4000  }
0x23: {  	s19 =	simm.s32 $0x400;
	s18 =	simm.s32 $0x200;
	[sflag:s10] =	ssyncset.done $0x0  }
.LBB2_2:
0x24: {  	s20 =	sshra.s32 s18, $0x2  }
0x25: {  	[sflag:s10] =	ssyncadd.s32 $0xFFFFC000;
	s18 =	smov.u32 s19;
	s21 =	sadd.s32 $0x200, s19  }
0x26: {  	[tilespmem:s15], [sflag:$0x1] =	stream.indirect.gather [hbm4b:s4+s14], $0x80, s20, s14, $0xb8;
	[tilespmem:$0x1CC00] =	vst v63  }
0x27: {  	p0 =	sne.s32 s19, $0x9C00;
	_ =	swait.ge [sflag:s16], $0x4000  }
.Ltmp0:
0x28: {  	[sflag:s16] =	ssyncset.done $0x0;
	(pc) =	sbr.rel @p0 .LBB2_2-.Ltmp0, $4  }
0x29: {  	s19 =	sadd.s32 $0x2800, s20;
	[sflag:s16] =	ssyncadd.s32 $0xFFFFC000  }
0x2a: {  	[spmem:s2] =	stream.indirect.scatter.add.f32 [tilespmem:s15], [sflag:$0x2], $0x80, s19, s14, $0xb8;
	[tilespmem:$0x1CC00] =	vst v63  }
0x2b: {  	_ =	swait.ge [sflag:s10], $0x4000  }
0x2c: {  	s19 =	smov.u32 s21;
	[sflag:s10] =	ssyncset.done $0x0  }
0x2d: {  	s18 =	sshra.s32 s18, $0x2;
	[sflag:s10] =	ssyncadd.s32 $0xFFFFC000  }
0x2e: {  	[tilespmem:s15], [sflag:$0x1] =	stream.indirect.gather [hbm4b:s4+s14], $0x80, s18, s14, $0xb8;
	[tilespmem:$0x1CC00] =	vst v63  }
0x2f: {  	_ =	swait.ge [sflag:s16], $0x4000  }
0x30: {  	[sflag:s16] =	ssyncset.done $0x0  }
0x31: {  	s18 =	sadd.s32 $0x2800, s18;
	[sflag:s16] =	ssyncadd.s32 $0xFFFFC000  }
0x32: {  	[spmem:s2] =	stream.indirect.scatter.add.f32 [tilespmem:s15], [sflag:$0x2], $0x80, s18, s14, $0xb8;
	[tilespmem:$0x1CC00] =	vst v63  }
0x33: {  	_ =	swait.ge [sflag:s10], $0x4000  }
0x34: {  	s17 =	sadd.s32 $0x1, s17;
	[sflag:s10] =	ssyncset.done $0x0  }
0x35: {  	p0 =	sne.s32 s17, s9;
	[sflag:s10] =	ssyncadd.s32 $0xFFFFC000  }
.Ltmp1:
0x36: {  	[bflag:$0x0] =	sbarrier.arrive $0xFFFF;
	(pc) =	sbr.rel @p0 .LBB2_1-.Ltmp1, $4  }
0x37: {  	[hbm:s8], [sflag:s12] =	dma.local [spmem:s13], $0x2780  }
0x38: {  	_ =	swait.ge [sflag:s10], $0x2780  }
0x39: {  	[sflag:s10] =	ssyncset.done $0x0  }
0x3a: {  	[sflag:s10] =	ssyncadd.s32 $0xFFFFD880  }
0x3b: {  	_ =	sfence.sel $0x180000  }
0x3c: {  	[bflag:$0x0] =	sbarrier.arrive $0xFFFF  }
0x3d: {  	p0 =	sne.s32 s1, $0x0;
	_ =	strace $0x90000050  }
0x3e: {  	s0 =	sadd.s32 @!p0 $0x100000, s0;
	[bflag:$0x2] =	sbarrier.arrive $0xFFFF  }
0x3f: {  	[sflag:s0] =	ssyncadd.tile.s32 @!p0 $0x1;
	_ =	shalt  }
.Lfunc_end2:
_tile_overlayer_lowered:
.L_overlay_start_2:
0x40: {  	(tag) =	ssettag $0x2  }
0x41: {  	s0 =	rddreg [dreg:$0x0];
	s2 =	stileid.u32  }
0x42: {  	s1 =	rddreg [dreg:$0x1];
	p0 =	sne.s32 s2, $0x0  }
0x43: {  	s3 =	rddreg [dreg:$0x2];
	[bflag:$0x3] =	sbarrier.arrive $0xFFFF;
	s2 =	simm.s32 @!p0 $0x1C02  }
0x44: {  	[timem:s3], [sflag:s2] =	dma.local @!p0 [hbm:s0], s1  }
0x45: {  	s0 =	simm.s32 @!p0 $0x2  }
0x46: {  	_ =	swait.ge @!p0 [sflag:s0], s1  }
0x47: {  	s1 =	ssub.s32 @!p0 $0x0, s1;
	[sflag:s0] =	ssyncset.done @!p0 $0x0  }
0x48: {  	[sflag:s0] =	ssyncadd.s32 @!p0 s1  }
0x49: {  	[bflag:$0x3] =	sbarrier.arrive $0xFFFF  }
0x4a: {  	_ =	shalt  }

// kernel: kernel.31.cloned.1.call-start
scs
__scs_entry_jumppad:
0x0: {  	(pc) =	sbr.rel $0x88, $3  }
0x1: {  	(tag) =	ssettag $0x0;
	lr =	simm.s32 $0x1  }
0x2: {  	[smem:$0x3F98] =	sst lr;
	_ =	strace $0xD0000000  }
0x3: {  	_ = 	snop  }
0x4: {  	_ = 	snop  }
0x5: {  	_ = 	snop  }
0x6: {  	_ = 	snop  }
0x7: {  	_ = 	snop  }
__scs_overlays_trampoline_lowered:
0x8: {  	[smem:$0x3FA7] =	sst s0  }
0x9: {  	[smem:$0x3FA8] =	sst s1  }
0xa: {  	[smem:$0x3FA9] =	sst s2  }
0xb: {  	[smem:$0x3FAA] =	sst s3  }
0xc: {  	[smem:$0x3FAB] =	sst s4  }
0xd: {  	[smem:$0x3FAC] =	sst s5  }
0xe: {  	[smem:$0x3FAD] =	sst s6  }
0xf: {  	[smem:$0x3FAE] =	sst s7  }
0x10: {  	[smem:$0x3FAF] =	sst s8  }
0x11: {  	[smem:$0x3FB0] =	sst s9;
	s0 =	simm.s32 @!p0 $0x0  }
0x12: {  	s1 =	sld [smem:$0x3F96];
	s0 =	simm.s32 @p0 $0x1  }
0x13: {  	[smem:$0x3FB1] =	sst s0;
	s0 =	simm.s32 @!p1 $0x0  }
0x14: {  	s2 =	sld [smem:$0x3F95];
	s0 =	simm.s32 @p1 $0x1  }
0x15: {  	[smem:$0x3FB2] =	sst s0;
	s0 =	simm.s32 @!p2 $0x0  }
0x16: {  	s3 =	sld [smem:$0x3FDB];
	s0 =	simm.s32 @p2 $0x1  }
0x17: {  	s4 =	simm.s32 $0x1BF5;
	[smem:$0x3FB4] =	sst s0  }
0x18: {  	s0 =	sld [smem:$0x3F97];
	_ =	swait.ge [sflag:s4], $0x0  }
0x19: {  	s7 =	sld [smem:$0x3F98]  }
0x1a: {  	s8 =	sadd.s32 $0xFFFFE003, lr  }
0x1b: {  	s9 =	sadd.s32 $0xFFFFFEF7, lr;
	s5 =	simm.s32 $0xFFFFFFFF;
	p2 =	slt.u32 s8, $0xFFFFF086  }
0x1c: {  	p1 =	slt.u32 s9, $0xF7A;
	s5 =	simm.s32 @!p2 $0x0  }
0x1d: {  	s5 =	simm.s32 @p1 $0x1;
	p0 =	seq.s32 s7, s2  }
0x1e: {  	s7 =	smul.u32 @!p0 $0xF7A, s2;
	p2 =	seq.s32 @!p0 s5, $0x0  }
0x1f: {  	s9 =	smul.u32 $0xF7A, s1;
	s8 =	simm.s32 @!p0 $0x1BF5;
	p2 =	por !p2, p0  }
0x20: {  	[sflag:s8] =	ssyncset.s32 @!p0 $0xFFFFF086;
	s6 =	sadd.s32 @!p0 s3, s7;
	s7 =	simm.s32 @!p0 $0x108  }
0x21: {  	s3 =	sadd.s32 s3, s9;
	s6 =	sadd.s32 @!p0 $0x88, s6;
	s7 =	simm.s32 @p2 $0x1082  }
0x22: {  	[simem:s7], [sflag:s8] =	dma.local @!p0 [hbm:s6], $0xF7A  }
0x23: {  	s9 =	sor.u32 $0xD0000000, s2;
	s6 =	simm.s32 $0x108;
	_ =	swait.ge @!p0 [sflag:s8], $0x0  }
0x24: {  	s3 =	sadd.s32 $0x88, s3;
	s6 =	simm.s32 @!p1 $0x1082;
	[sflag:s4] =	ssyncset.s32 $0xFFFFF086  }
0x25: {  	[simem:s6], [sflag:s4] =	dma.local [hbm:s3], $0xF7A  }
0x26: {  	[smem:$0x3F98] =	sst s1;
	(tag) =	ssettag s2;
	_ =	strace s9  }
0x27: {  	s1 =	sld [smem:$0x3FA8]  }
0x28: {  	s2 =	sld [smem:$0x3FA9]  }
0x29: {  	s4 =	sld [smem:$0x3FAB]  }
0x2a: {  	p0 =	seq.s32 s5, $0x0;
	s5 =	sld [smem:$0x3FAC]  }
0x2b: {  	s6 =	sld [smem:$0x3FAD]  }
0x2c: {  	s7 =	sld [smem:$0x3FAE]  }
0x2d: {  	s3 =	simm.s32 $0x108;
	s8 =	sld [smem:$0x3FAF]  }
0x2e: {  	s3 =	simm.s32 @!p0 $0x1082;
	s9 =	sld [smem:$0x3FB0]  }
0x2f: {  	lr =	sadd.s32 s0, s3;
	s0 =	sld [smem:$0x3FA7]  }
0x30: {  	s3 =	sld [smem:$0x3FAA]  }
0x31: {  	[smem:$0x3FB3] =	sst s10  }
0x32: {  	s10 =	sld [smem:$0x3FB1];
	_ =	sdelay $0x3  }
0x33: {  	p0 =	seq.s32 s10, $0x1;
	s10 =	sld [smem:$0x3FB3];
	_ =	sdelay $0x3  }
0x34: {  	[smem:$0x3FB3] =	sst s10  }
0x35: {  	s10 =	sld [smem:$0x3FB2];
	_ =	sdelay $0x3  }
0x36: {  	p1 =	seq.s32 s10, $0x1;
	s10 =	sld [smem:$0x3FB3];
	_ =	sdelay $0x3  }
0x37: {  	[smem:$0x3FB3] =	sst s10  }
0x38: {  	s10 =	sld [smem:$0x3FB4]  }
0x39: {  	_ = 	snop;
	(pc) =	sbr.ind lr, $3  }
0x3a: {  	_ = 	snop  }
0x3b: {  	_ = 	snop  }
0x3c: {  	p2 =	seq.s32 s10, $0x1;
	s10 =	sld [smem:$0x3FB3]  }
0x3d: {  	_ =	shalt  }
0x3e: {  	_ =	shalt  }
0x3f: {  	_ =	shalt  }
0x40: {  	_ =	shalt  }
0x41: {  	_ =	shalt  }
0x42: {  	_ =	shalt  }
0x43: {  	_ =	shalt  }
0x44: {  	_ =	shalt  }
0x45: {  	_ =	shalt  }
0x46: {  	_ =	shalt  }
0x47: {  	_ =	shalt  }
0x48: {  	_ =	shalt  }
0x49: {  	_ =	shalt  }
0x4a: {  	_ =	shalt  }
0x4b: {  	_ =	shalt  }
0x4c: {  	_ =	shalt  }
0x4d: {  	_ =	shalt  }
0x4e: {  	_ =	shalt  }
0x4f: {  	_ =	shalt  }
0x50: {  	_ =	shalt  }
0x51: {  	_ =	shalt  }
0x52: {  	_ =	shalt  }
0x53: {  	_ =	shalt  }
0x54: {  	_ =	shalt  }
0x55: {  	_ =	shalt  }
0x56: {  	_ =	shalt  }
0x57: {  	_ =	shalt  }
0x58: {  	_ =	shalt  }
0x59: {  	_ =	shalt  }
0x5a: {  	_ =	shalt  }
0x5b: {  	_ =	shalt  }
0x5c: {  	_ =	shalt  }
0x5d: {  	_ =	shalt  }
0x5e: {  	_ =	shalt  }
0x5f: {  	_ =	shalt  }
0x60: {  	_ =	shalt  }
0x61: {  	_ =	shalt  }
0x62: {  	_ =	shalt  }
0x63: {  	_ =	shalt  }
0x64: {  	_ =	shalt  }
0x65: {  	_ =	shalt  }
0x66: {  	_ =	shalt  }
0x67: {  	_ =	shalt  }
0x68: {  	_ =	shalt  }
0x69: {  	_ =	shalt  }
0x6a: {  	_ =	shalt  }
0x6b: {  	_ =	shalt  }
0x6c: {  	_ =	shalt  }
0x6d: {  	_ =	shalt  }
0x6e: {  	_ =	shalt  }
0x6f: {  	_ =	shalt  }
0x70: {  	_ =	shalt  }
0x71: {  	_ =	shalt  }
0x72: {  	_ =	shalt  }
0x73: {  	_ =	shalt  }
0x74: {  	_ =	shalt  }
0x75: {  	_ =	shalt  }
0x76: {  	_ =	shalt  }
0x77: {  	_ =	shalt  }
0x78: {  	_ =	shalt  }
0x79: {  	_ =	shalt  }
0x7a: {  	_ =	shalt  }
0x7b: {  	_ =	shalt  }
0x7c: {  	_ =	shalt  }
0x7d: {  	_ =	shalt  }
0x7e: {  	_ =	shalt  }
0x7f: {  	_ =	shalt  }
0x80: {  	_ =	shalt  }
0x81: {  	_ =	shalt  }
0x82: {  	_ =	shalt  }
0x83: {  	_ =	shalt  }
0x84: {  	_ =	shalt  }
0x85: {  	_ =	shalt  }
0x86: {  	_ =	shalt  }
0x87: {  	_ =	shalt  }
.Lfunc_end0:
.L_simem_size_0:
called_computation.3_lowered:
.L_overlay_start_0:
0x88: {  	s2 =	sld [smem:$0x3FD9]  }
0x89: {  	s3 =	sld [smem:$0x3FFE];
	_ =	sdelay $0x1  }
0x8a: {  	s1 =	srdreg.scid  }
0x8b: {  	s0 =	sand.u32 $0x1, s1  }
0x8c: {  	s17 =	sshll.u32 s0, $0xA;
	s2 =	sadd.s32 s3, s2  }
0x8d: {  	s2 =	sadd.s32 s2, s17  }
0x8e: {  	[smem:$0x3FBF] =	sst s2  }
0x8f: {  	_ = 	snop  }
0x90: {  	s18 =	sld [smem:$0x3FD0];
	(tm) =	ssettm $0x1  }
0x91: {  	s19 =	sld [smem:$0x3FFB];
	_ =	sdelay $0x3  }
0x92: {  	_ =	strace s19  }
0x93: {  	s2 =	sld [smem:$0x3FFC];
	_ =	sdelay $0x3  }
0x94: {  	_ =	strace s2  }
0x95: {  	s2 =	sld [smem:$0x3FFD];
	_ =	sdelay $0x3  }
0x96: {  	_ =	strace s2  }
0x97: {  	_ =	strace $0x8FFFFFFF  }
0x98: {  	s20 =	sld [smem:$0x3FDB];
	_ =	sdelay $0x1  }
0x99: {  	s4 =	simm.s32 $_scs_section_size  }
0x9a: {  	s5 =	simm.s32 $_size__tile_overlayer_lowered;
	s6 =	simm.s32 $_tile_overlayer_lowered  }
0x9b: {  	s7 =	simm.s32 $0x1BFF;
	s21 =	sshll.u32 s6, $0x1;
	s4 =	sadd.s32 s4, s20  }
0x9c: {  	s22 =	simm.s32 $0x0;
	s5 =	sshll.u32 s5, $0x1;
	s6 =	sadd.s32 s21, s4  }
0x9d: {  	[timem:s22], [sflag:s7] =	dma.local [hbm:s6], s5  }
0x9e: {  	_ =	swait.ge [sflag:s7], s5  }
0x9f: {  	s5 =	ssub.s32 $0x0, s5;
	[sflag:s7] =	ssyncset.done $0x0  }
0xa0: {  	[sflag:s7] =	ssyncadd.s32 s5;
	_ =	sdelay $0x1  }
0xa1: {  	s23 =	simm.s32 $0x1B8B  }
0xa2: {  	_ =	swait.ge [sflag:s23], $0x1  }
0xa3: {  	[sflag:s23] =	ssyncset.done $0x0  }
0xa4: {  	[sflag:s23] =	ssyncadd.s32 $0xFFFFFFFF  }
0xa5: {  	s5 =	sld [smem:$0x0]  }
0xa6: {  	s6 =	sand.u32 $0xFFFFFFFE, s1  }
0xa7: {  	p0 =	sne.s32 s1, s6  }
0xa8: {  	s6 =	sshll.u32 @p0 s6, $0xE  }
0xa9: {  	s6 =	sadd.s32 @p0 $0x11B8D, s6;
	s7 =	sshll.u32 @p0 s5, $0x11  }
0xaa: {  	s6 =	sor.u32 @p0 s7, s6  }
0xab: {  	[sflag:s6] =	ssyncadd.remote.s32 @p0 $0x1;
	_ =	sdelay $0x1  }
0xac: {  	s6 =	simm.s32 @p0 $0x1B8D  }
0xad: {  	_ =	swait.eq @p0 [sflag:s6], $0x1  }
0xae: {  	[sflag:s6] =	ssyncadd.s32 @p0 $0xFFFFFFFF  }
0xaf: {  	s7 =	sshll.u32 @!p0 s1, $0xE  }
0xb0: {  	s7 =	sor.u32 @!p0 $0x4000, s7;
	s6 =	simm.s32 @!p0 $0x1B8D  }
0xb1: {  	s5 =	sshll.u32 @!p0 s5, $0x11;
	s7 =	sadd.s32 @!p0 $0x11B8D, s7;
	_ =	swait.eq @!p0 [sflag:s6], $0x1  }
0xb2: {  	s5 =	sor.u32 @!p0 s5, s7;
	[sflag:s6] =	ssyncadd.s32 @!p0 $0xFFFFFFFF  }
0xb3: {  	s25 =	simm.s32 $0x1B8E;
	s24 =	sld [smem:$0x3FFE];
	[sflag:s5] =	ssyncadd.remote.s32 @!p0 $0x1  }
0xb4: {  	s26 =	simm.s32 $execute0_lowered;
	[smem:$0x3FD2] =	sst s25  }
0xb5: {  	s6 =	sshll.u32 s26, $0x1;
	_ =	strace $0x8000004C;
	[dreg:$0x1] =	wrdreg $0xFFFFFFFF  }
0xb6: {  	s28 =	simm.s32 $_size_execute0_lowered;
	s4 =	sadd.s32 s4, s6;
	[dreg:$0x0] =	wrdreg $0x0  }
0xb7: {  	s6 =	sshll.u32 s28, $0x1;
	[dreg:$0x2] =	wrdreg s4  }
0xb8: {  	[dreg:$0x3] =	wrdreg s6  }
0xb9: {  	[dreg:$0x4] =	wrdreg $0xC0  }
0xba: {  	_ =	task [dreg:s22], $0x5FFFF  }
0xbb: {  	[dreg:$0x1] =	wrdreg $0xFFFFFFFF  }
0xbc: {  	[dreg:$0x0] =	wrdreg $0x60  }
0xbd: {  	[dreg:$0x2] =	wrdreg s24  }
0xbe: {  	[dreg:$0x3] =	wrdreg s18  }
0xbf: {  	[dreg:$0x4] =	wrdreg $0x90000  }
0xc0: {  	[dreg:$0x5] =	wrdreg $0xB  }
0xc1: {  	_ =	task.clear_ibuf [dreg:s22], $0x6FFFF;
	_ =	strace $0x9000004C  }
0xc2: {  	s29 =	simm.s32 $0xB;
	_ =	strace $0x8000004E  }
0xc3: {  	_ =	swait.ge [sflag:s29], $0x1  }
0xc4: {  	[sflag:s29] =	ssyncadd.s32 $0xFFFFFFFF  }
0xc5: {  	_ =	strace $0x9000004E  }
0xc6: {  	_ =	sfence  }
0xc7: {  	s30 =	sld [smem:$0x0];
	_ =	sdelay $0x2  }
0xc8: {  	s31 =	sshll.u32 s1, $0xD;
	s1 =	sshrl.u32 s1, $0x2  }
0xc9: {  	s4 =	sand.u32 $0x4000, s31;
	s1 =	sadd.s32 s1, s30  }
0xca: {  	s0 =	sor.u32 s4, s0;
	s1 =	sshll.u32 s1, $0x11  }
0xcb: {  	s0 =	sor.u32 s1, s0  }
0xcc: {  	s0 =	sadd.s32 $0x8F2B, s0  }
0xcd: {  	[sflag:s0] =	ssyncadd.remote.s32 $0x1  }
0xce: {  	_ =	sfence.sel $0xFFFF  }
0xcf: {  	[dreg:$0x0] =	wrdreg $0xFFFFFFFF;
	(pc) =	sbr.abs _section_cstart, $3  }
0xd0: {  	[dreg:$0x1] =	wrdreg $0xFFFFFFFF  }
0xd1: {  	_ =	task.clear_ibuf [dreg:s22], $0x2FFFF;
	_ =	strace $0x9FFFFFFF  }
0xd2: {  	(tm) =	ssettm $0x7FFFFFFF  }
0xd3: {  	_ =	shalt  }
tec
execute0_lowered:
.L_overlay_start_1:
0x0: {  	(tag) =	ssettag $0x1  }
0x1: {  	s5 =	rddreg [dreg:$0x0]  }
0x2: {  	s7 =	rddreg [dreg:$0x1]  }
0x3: {  	s0 =	srdreg.scid;
	s2 =	rddreg [dreg:$0x2]  }
0x4: {  	s3 =	simm.s32 $0x0;
	s6 =	sand.u32 $0x1, s0;
	s0 =	stileid.u32  }
0x5: {  	s15 =	simm.s32 $0x5000;
	s16 =	simm.s32 $0x1;
	s9 =	smul.u32 $0x2780, s0  }
0x6: {  	s17 =	simm.s32 $0x0;
	[smem:$0x7FF] =	sst s3;
	s10 =	smul.u32 $0x27800, s6  }
0x7: {  	s1 =	sshll.u32 s6, $0x4;
	s6 =	ssub.s32 $0x2, s6;
	s12 =	smul.u32 $0x4F000, s0  }
0x8: {  	s31 =	sshll.u32 s0, $0x6;
	s4 =	sor.u32 s0, s1;
	s1 =	rddreg [dreg:$0x3]  }
0x9: {  	_ =	strace $0x8000004D;
	s30 =	sshrl.u32 s6, $0x1;
	s8 =	smul.u32 $0x500, s4  }
0xa: {  	s4 =	sadd.s32 $0xC8E00, s5;
	s13 =	sadd.s32 s9, s5;
	s9 =	sadd.s32 s9, s10  }
0xb: {  	s10 =	ssub.s32 s6, s30;
	s12 =	sshrl.u32 s12, $0x2;
	s9 =	sadd.s32 s9, s5  }
0xc: {  	s14 =	sadd.s32 s12, s2;
	s12 =	sor.u32 $0x1C02, s31;
	s11 =	sadd.s32 s8, s5  }
0xd: {  	s5 =	sadd.s32 s7, s8;
	s7 =	sadd.s32 $0x18E600, s13;
	s8 =	sadd.s32 $0x204E00, s9  }
0xe: {  	s9 =	smax.u32 s10, $0x1;
	s10 =	simm.s32 $0x2;
	s13 =	sshrl.u32 s14, $0x3  }
0xf: {  	s14 =	simm.s32 $0x80;
	s6 =	sadd.s32 $0xBE00, s11;
	s11 =	simm.s32 $0x2800  }
.LBB2_1:
0x10: {  	[tilespmem:s3], [sflag:$0x2] =	stream.linear.gather [hbm4b:s5+s3], $0x2780, $0x38;
	[tilespmem:$0x1CC00] =	vst v63  }
0x11: {  	_ =	swait.ge [sflag:s10], $0x2780  }
0x12: {  	[sflag:s10] =	ssyncset.done $0x0  }
0x13: {  	[sflag:s10] =	ssyncadd.s32 $0xFFFFD880  }
0x14: {  	[tilespmem:s11], [sflag:$0x2] =	stream.linear.gather [hbm4b:s6+s3], $0x2780, $0x38;
	[tilespmem:$0x1CC00] =	vst v63  }
0x15: {  	_ =	swait.ge [sflag:s10], $0x2780  }
0x16: {  	[sflag:s10] =	ssyncset.done $0x0  }
0x17: {  	[sflag:s10] =	ssyncadd.s32 $0xFFFFD880  }
0x18: {  	[spmem:s13], [sflag:s12] =	dma.local [hbm:s7], $0x2780  }
0x19: {  	_ =	swait.ge [sflag:s10], $0x2780  }
0x1a: {  	[sflag:s10] =	ssyncset.done $0x0  }
0x1b: {  	[sflag:s10] =	ssyncadd.s32 $0xFFFFD880  }
0x1c: {  	s18 =	simm.s32 $0x0;
	[bflag:$0x0] =	sbarrier.arrive $0xFFFF  }
0x1d: {  	[tilespmem:s15], [sflag:$0x1] =	stream.indirect.gather [hbm4b:s4+s14], $0x80, s18, s14, $0xb8;
	[tilespmem:$0x1CC00] =	vst v63  }
0x1e: {  	_ =	swait.ge [sflag:s16], $0x4000  }
0x1f: {  	[sflag:s16] =	ssyncset.done $0x0  }
0x20: {  	s31 =	simm.s32 $0x2800;
	[sflag:s16] =	ssyncadd.s32 $0xFFFFC000  }
0x21: {  	[spmem:s2] =	stream.indirect.scatter.add.f32 [tilespmem:s15], [sflag:$0x2], $0x80, s31, s14, $0xb8;
	[tilespmem:$0x1CC00] =	vst v63  }
0x22: {  	_ =	swait.ge [sflag:s10], $0x4000  }
0x23: {  	s19 =	simm.s32 $0x400;
	s18 =	simm.s32 $0x200;
	[sflag:s10] =	ssyncset.done $0x0  }
.LBB2_2:
0x24: {  	s20 =	sshra.s32 s18, $0x2  }
0x25: {  	[sflag:s10] =	ssyncadd.s32 $0xFFFFC000;
	s18 =	smov.u32 s19;
	s21 =	sadd.s32 $0x200, s19  }
0x26: {  	[tilespmem:s15], [sflag:$0x1] =	stream.indirect.gather [hbm4b:s4+s14], $0x80, s20, s14, $0xb8;
	[tilespmem:$0x1CC00] =	vst v63  }
0x27: {  	p0 =	sne.s32 s19, $0x9C00;
	_ =	swait.ge [sflag:s16], $0x4000  }
.Ltmp0:
0x28: {  	[sflag:s16] =	ssyncset.done $0x0;
	(pc) =	sbr.rel @p0 .LBB2_2-.Ltmp0, $4  }
0x29: {  	s19 =	sadd.s32 $0x2800, s20;
	[sflag:s16] =	ssyncadd.s32 $0xFFFFC000  }
0x2a: {  	[spmem:s2] =	stream.indirect.scatter.add.f32 [tilespmem:s15], [sflag:$0x2], $0x80, s19, s14, $0xb8;
	[tilespmem:$0x1CC00] =	vst v63  }
0x2b: {  	_ =	swait.ge [sflag:s10], $0x4000  }
0x2c: {  	s19 =	smov.u32 s21;
	[sflag:s10] =	ssyncset.done $0x0  }
0x2d: {  	s18 =	sshra.s32 s18, $0x2;
	[sflag:s10] =	ssyncadd.s32 $0xFFFFC000  }
0x2e: {  	[tilespmem:s15], [sflag:$0x1] =	stream.indirect.gather [hbm4b:s4+s14], $0x80, s18, s14, $0xb8;
	[tilespmem:$0x1CC00] =	vst v63  }
0x2f: {  	_ =	swait.ge [sflag:s16], $0x4000  }
0x30: {  	[sflag:s16] =	ssyncset.done $0x0  }
0x31: {  	s18 =	sadd.s32 $0x2800, s18;
	[sflag:s16] =	ssyncadd.s32 $0xFFFFC000  }
0x32: {  	[spmem:s2] =	stream.indirect.scatter.add.f32 [tilespmem:s15], [sflag:$0x2], $0x80, s18, s14, $0xb8;
	[tilespmem:$0x1CC00] =	vst v63  }
0x33: {  	_ =	swait.ge [sflag:s10], $0x4000  }
0x34: {  	s17 =	sadd.s32 $0x1, s17;
	[sflag:s10] =	ssyncset.done $0x0  }
0x35: {  	p0 =	sne.s32 s17, s9;
	[sflag:s10] =	ssyncadd.s32 $0xFFFFC000  }
.Ltmp1:
0x36: {  	[bflag:$0x0] =	sbarrier.arrive $0xFFFF;
	(pc) =	sbr.rel @p0 .LBB2_1-.Ltmp1, $4  }
0x37: {  	[hbm:s8], [sflag:s12] =	dma.local [spmem:s13], $0x2780  }
0x38: {  	_ =	swait.ge [sflag:s10], $0x2780  }
0x39: {  	[sflag:s10] =	ssyncset.done $0x0  }
0x3a: {  	[sflag:s10] =	ssyncadd.s32 $0xFFFFD880  }
0x3b: {  	_ =	sfence.sel $0x180000  }
0x3c: {  	[bflag:$0x0] =	sbarrier.arrive $0xFFFF  }
0x3d: {  	p0 =	sne.s32 s0, $0x0;
	_ =	strace $0x9000004D  }
0x3e: {  	s0 =	sadd.s32 @!p0 $0x100000, s1;
	[bflag:$0x2] =	sbarrier.arrive $0xFFFF  }
0x3f: {  	[sflag:s0] =	ssyncadd.tile.s32 @!p0 $0x1;
	_ =	shalt  }
.Lfunc_end2:
_tile_overlayer_lowered:
.L_overlay_start_2:
0x40: {  	(tag) =	ssettag $0x2  }
0x41: {  	s0 =	rddreg [dreg:$0x0];
	s2 =	stileid.u32  }
0x42: {  	s1 =	rddreg [dreg:$0x1];
	p0 =	sne.s32 s2, $0x0  }
0x43: {  	s3 =	rddreg [dreg:$0x2];
	[bflag:$0x3] =	sbarrier.arrive $0xFFFF;
	s2 =	simm.s32 @!p0 $0x1C02  }
0x44: {  	[timem:s3], [sflag:s2] =	dma.local @!p0 [hbm:s0], s1  }
0x45: {  	s0 =	simm.s32 @!p0 $0x2  }
0x46: {  	_ =	swait.ge @!p0 [sflag:s0], s1  }
0x47: {  	s1 =	ssub.s32 @!p0 $0x0, s1;
	[sflag:s0] =	ssyncset.done @!p0 $0x0  }
0x48: {  	[sflag:s0] =	ssyncadd.s32 @!p0 s1  }
0x49: {  	[bflag:$0x3] =	sbarrier.arrive $0xFFFF  }
0x4a: {  	_ =	shalt  }

// kernel: kernel.34.cloned.1.call-start
scs
__scs_entry_jumppad:
0x0: {  	(pc) =	sbr.rel $0x88, $3  }
0x1: {  	(tag) =	ssettag $0x0;
	lr =	simm.s32 $0x1  }
0x2: {  	[smem:$0x3F98] =	sst lr;
	_ =	strace $0xD0000000  }
0x3: {  	_ = 	snop  }
0x4: {  	_ = 	snop  }
0x5: {  	_ = 	snop  }
0x6: {  	_ = 	snop  }
0x7: {  	_ = 	snop  }
__scs_overlays_trampoline_lowered:
0x8: {  	[smem:$0x3FA7] =	sst s0  }
0x9: {  	[smem:$0x3FA8] =	sst s1  }
0xa: {  	[smem:$0x3FA9] =	sst s2  }
0xb: {  	[smem:$0x3FAA] =	sst s3  }
0xc: {  	[smem:$0x3FAB] =	sst s4  }
0xd: {  	[smem:$0x3FAC] =	sst s5  }
0xe: {  	[smem:$0x3FAD] =	sst s6  }
0xf: {  	[smem:$0x3FAE] =	sst s7  }
0x10: {  	[smem:$0x3FAF] =	sst s8  }
0x11: {  	[smem:$0x3FB0] =	sst s9;
	s0 =	simm.s32 @!p0 $0x0  }
0x12: {  	s1 =	sld [smem:$0x3F96];
	s0 =	simm.s32 @p0 $0x1  }
0x13: {  	[smem:$0x3FB1] =	sst s0;
	s0 =	simm.s32 @!p1 $0x0  }
0x14: {  	s2 =	sld [smem:$0x3F95];
	s0 =	simm.s32 @p1 $0x1  }
0x15: {  	[smem:$0x3FB2] =	sst s0;
	s0 =	simm.s32 @!p2 $0x0  }
0x16: {  	s3 =	sld [smem:$0x3FDB];
	s0 =	simm.s32 @p2 $0x1  }
0x17: {  	s4 =	simm.s32 $0x1BF5;
	[smem:$0x3FB4] =	sst s0  }
0x18: {  	s0 =	sld [smem:$0x3F97];
	_ =	swait.ge [sflag:s4], $0x0  }
0x19: {  	s7 =	sld [smem:$0x3F98]  }
0x1a: {  	s8 =	sadd.s32 $0xFFFFE003, lr  }
0x1b: {  	s9 =	sadd.s32 $0xFFFFFEF7, lr;
	s5 =	simm.s32 $0xFFFFFFFF;
	p2 =	slt.u32 s8, $0xFFFFF086  }
0x1c: {  	p1 =	slt.u32 s9, $0xF7A;
	s5 =	simm.s32 @!p2 $0x0  }
0x1d: {  	s5 =	simm.s32 @p1 $0x1;
	p0 =	seq.s32 s7, s2  }
0x1e: {  	s7 =	smul.u32 @!p0 $0xF7A, s2;
	p2 =	seq.s32 @!p0 s5, $0x0  }
0x1f: {  	s9 =	smul.u32 $0xF7A, s1;
	s8 =	simm.s32 @!p0 $0x1BF5;
	p2 =	por !p2, p0  }
0x20: {  	[sflag:s8] =	ssyncset.s32 @!p0 $0xFFFFF086;
	s6 =	sadd.s32 @!p0 s3, s7;
	s7 =	simm.s32 @!p0 $0x108  }
0x21: {  	s3 =	sadd.s32 s3, s9;
	s6 =	sadd.s32 @!p0 $0x88, s6;
	s7 =	simm.s32 @p2 $0x1082  }
0x22: {  	[simem:s7], [sflag:s8] =	dma.local @!p0 [hbm:s6], $0xF7A  }
0x23: {  	s9 =	sor.u32 $0xD0000000, s2;
	s6 =	simm.s32 $0x108;
	_ =	swait.ge @!p0 [sflag:s8], $0x0  }
0x24: {  	s3 =	sadd.s32 $0x88, s3;
	s6 =	simm.s32 @!p1 $0x1082;
	[sflag:s4] =	ssyncset.s32 $0xFFFFF086  }
0x25: {  	[simem:s6], [sflag:s4] =	dma.local [hbm:s3], $0xF7A  }
0x26: {  	[smem:$0x3F98] =	sst s1;
	(tag) =	ssettag s2;
	_ =	strace s9  }
0x27: {  	s1 =	sld [smem:$0x3FA8]  }
0x28: {  	s2 =	sld [smem:$0x3FA9]  }
0x29: {  	s4 =	sld [smem:$0x3FAB]  }
0x2a: {  	p0 =	seq.s32 s5, $0x0;
	s5 =	sld [smem:$0x3FAC]  }
0x2b: {  	s6 =	sld [smem:$0x3FAD]  }
0x2c: {  	s7 =	sld [smem:$0x3FAE]  }
0x2d: {  	s3 =	simm.s32 $0x108;
	s8 =	sld [smem:$0x3FAF]  }
0x2e: {  	s3 =	simm.s32 @!p0 $0x1082;
	s9 =	sld [smem:$0x3FB0]  }
0x2f: {  	lr =	sadd.s32 s0, s3;
	s0 =	sld [smem:$0x3FA7]  }
0x30: {  	s3 =	sld [smem:$0x3FAA]  }
0x31: {  	[smem:$0x3FB3] =	sst s10  }
0x32: {  	s10 =	sld [smem:$0x3FB1];
	_ =	sdelay $0x3  }
0x33: {  	p0 =	seq.s32 s10, $0x1;
	s10 =	sld [smem:$0x3FB3];
	_ =	sdelay $0x3  }
0x34: {  	[smem:$0x3FB3] =	sst s10  }
0x35: {  	s10 =	sld [smem:$0x3FB2];
	_ =	sdelay $0x3  }
0x36: {  	p1 =	seq.s32 s10, $0x1;
	s10 =	sld [smem:$0x3FB3];
	_ =	sdelay $0x3  }
0x37: {  	[smem:$0x3FB3] =	sst s10  }
0x38: {  	s10 =	sld [smem:$0x3FB4]  }
0x39: {  	_ = 	snop;
	(pc) =	sbr.ind lr, $3  }
0x3a: {  	_ = 	snop  }
0x3b: {  	_ = 	snop  }
0x3c: {  	p2 =	seq.s32 s10, $0x1;
	s10 =	sld [smem:$0x3FB3]  }
0x3d: {  	_ =	shalt  }
0x3e: {  	_ =	shalt  }
0x3f: {  	_ =	shalt  }
0x40: {  	_ =	shalt  }
0x41: {  	_ =	shalt  }
0x42: {  	_ =	shalt  }
0x43: {  	_ =	shalt  }
0x44: {  	_ =	shalt  }
0x45: {  	_ =	shalt  }
0x46: {  	_ =	shalt  }
0x47: {  	_ =	shalt  }
0x48: {  	_ =	shalt  }
0x49: {  	_ =	shalt  }
0x4a: {  	_ =	shalt  }
0x4b: {  	_ =	shalt  }
0x4c: {  	_ =	shalt  }
0x4d: {  	_ =	shalt  }
0x4e: {  	_ =	shalt  }
0x4f: {  	_ =	shalt  }
0x50: {  	_ =	shalt  }
0x51: {  	_ =	shalt  }
0x52: {  	_ =	shalt  }
0x53: {  	_ =	shalt  }
0x54: {  	_ =	shalt  }
0x55: {  	_ =	shalt  }
0x56: {  	_ =	shalt  }
0x57: {  	_ =	shalt  }
0x58: {  	_ =	shalt  }
0x59: {  	_ =	shalt  }
0x5a: {  	_ =	shalt  }
0x5b: {  	_ =	shalt  }
0x5c: {  	_ =	shalt  }
0x5d: {  	_ =	shalt  }
0x5e: {  	_ =	shalt  }
0x5f: {  	_ =	shalt  }
0x60: {  	_ =	shalt  }
0x61: {  	_ =	shalt  }
0x62: {  	_ =	shalt  }
0x63: {  	_ =	shalt  }
0x64: {  	_ =	shalt  }
0x65: {  	_ =	shalt  }
0x66: {  	_ =	shalt  }
0x67: {  	_ =	shalt  }
0x68: {  	_ =	shalt  }
0x69: {  	_ =	shalt  }
0x6a: {  	_ =	shalt  }
0x6b: {  	_ =	shalt  }
0x6c: {  	_ =	shalt  }
0x6d: {  	_ =	shalt  }
0x6e: {  	_ =	shalt  }
0x6f: {  	_ =	shalt  }
0x70: {  	_ =	shalt  }
0x71: {  	_ =	shalt  }
0x72: {  	_ =	shalt  }
0x73: {  	_ =	shalt  }
0x74: {  	_ =	shalt  }
0x75: {  	_ =	shalt  }
0x76: {  	_ =	shalt  }
0x77: {  	_ =	shalt  }
0x78: {  	_ =	shalt  }
0x79: {  	_ =	shalt  }
0x7a: {  	_ =	shalt  }
0x7b: {  	_ =	shalt  }
0x7c: {  	_ =	shalt  }
0x7d: {  	_ =	shalt  }
0x7e: {  	_ =	shalt  }
0x7f: {  	_ =	shalt  }
0x80: {  	_ =	shalt  }
0x81: {  	_ =	shalt  }
0x82: {  	_ =	shalt  }
0x83: {  	_ =	shalt  }
0x84: {  	_ =	shalt  }
0x85: {  	_ =	shalt  }
0x86: {  	_ =	shalt  }
0x87: {  	_ =	shalt  }
.Lfunc_end0:
.L_simem_size_0:
called_computation.4_lowered:
.L_overlay_start_0:
0x88: {  	s2 =	sld [smem:$0x3FD9]  }
0x89: {  	s3 =	sld [smem:$0x3FFE];
	_ =	sdelay $0x1  }
0x8a: {  	s1 =	srdreg.scid  }
0x8b: {  	s0 =	sand.u32 $0x1, s1  }
0x8c: {  	s16 =	sshll.u32 s0, $0xA;
	s2 =	sadd.s32 s3, s2  }
0x8d: {  	s2 =	sadd.s32 s2, s16  }
0x8e: {  	[smem:$0x3FBF] =	sst s2  }
0x8f: {  	_ = 	snop  }
0x90: {  	(tm) =	ssettm $0x1  }
0x91: {  	s17 =	sld [smem:$0x3FFB];
	_ =	sdelay $0x3  }
0x92: {  	_ =	strace s17  }
0x93: {  	s2 =	sld [smem:$0x3FFC];
	_ =	sdelay $0x3  }
0x94: {  	_ =	strace s2  }
0x95: {  	s2 =	sld [smem:$0x3FFD];
	_ =	sdelay $0x3  }
0x96: {  	_ =	strace s2  }
0x97: {  	_ =	strace $0x8FFFFFFF  }
0x98: {  	s18 =	sld [smem:$0x3FDB];
	_ =	sdelay $0x1  }
0x99: {  	s19 =	simm.s32 $_scs_section_size  }
0x9a: {  	s4 =	simm.s32 $_size__tile_overlayer_lowered;
	s5 =	simm.s32 $_tile_overlayer_lowered  }
0x9b: {  	s22 =	simm.s32 $0x1BFF;
	s21 =	sshll.u32 s5, $0x1;
	s2 =	sadd.s32 s19, s18  }
0x9c: {  	s6 =	simm.s32 $0x0;
	s20 =	sshll.u32 s4, $0x1;
	s4 =	sadd.s32 s21, s2  }
0x9d: {  	[timem:s6], [sflag:s22] =	dma.local [hbm:s4], s20  }
0x9e: {  	_ =	swait.ge [sflag:s22], s20  }
0x9f: {  	s3 =	ssub.s32 $0x0, s20;
	[sflag:s22] =	ssyncset.done $0x0  }
0xa0: {  	[sflag:s22] =	ssyncadd.s32 s3;
	_ =	sdelay $0x1  }
0xa1: {  	s23 =	simm.s32 $0x1B8B  }
0xa2: {  	_ =	swait.ge [sflag:s23], $0x1  }
0xa3: {  	[sflag:s23] =	ssyncset.done $0x0  }
0xa4: {  	s25 =	simm.s32 $0x1B8E;
	s24 =	sld [smem:$0x3FFE];
	[sflag:s23] =	ssyncadd.s32 $0xFFFFFFFF  }
0xa5: {  	s26 =	simm.s32 $execute0_lowered;
	[smem:$0x3FD2] =	sst s25  }
0xa6: {  	s4 =	sshll.u32 s26, $0x1;
	_ =	strace $0x80000049;
	[dreg:$0x1] =	wrdreg $0xFFFFFFFF  }
0xa7: {  	s28 =	simm.s32 $_size_execute0_lowered;
	s2 =	sadd.s32 s2, s4;
	[dreg:$0x0] =	wrdreg $0x0  }
0xa8: {  	s4 =	sshll.u32 s28, $0x1;
	[dreg:$0x2] =	wrdreg s2  }
0xa9: {  	[dreg:$0x3] =	wrdreg s4  }
0xaa: {  	[dreg:$0x4] =	wrdreg $0xC0  }
0xab: {  	_ =	task [dreg:s6], $0x5FFFF  }
0xac: {  	[dreg:$0x1] =	wrdreg $0xFFFFFFFF  }
0xad: {  	[dreg:$0x0] =	wrdreg $0x60  }
0xae: {  	[dreg:$0x2] =	wrdreg s24  }
0xaf: {  	[dreg:$0x3] =	wrdreg $0x90000  }
0xb0: {  	[dreg:$0x4] =	wrdreg $0xC  }
0xb1: {  	_ =	task.clear_ibuf [dreg:s6], $0x5FFFF;
	_ =	strace $0x90000049  }
0xb2: {  	s29 =	simm.s32 $0xC;
	_ =	strace $0x8000004B  }
0xb3: {  	_ =	swait.ge [sflag:s29], $0x1  }
0xb4: {  	[sflag:s29] =	ssyncadd.s32 $0xFFFFFFFF  }
0xb5: {  	_ =	strace $0x9000004B  }
0xb6: {  	_ =	sfence  }
0xb7: {  	s30 =	sld [smem:$0x0];
	_ =	sdelay $0x2  }
0xb8: {  	s31 =	sshll.u32 s1, $0xD;
	s1 =	sshrl.u32 s1, $0x2  }
0xb9: {  	s3 =	sand.u32 $0x4000, s31;
	s1 =	sadd.s32 s1, s30  }
0xba: {  	s0 =	sor.u32 s3, s0;
	s1 =	sshll.u32 s1, $0x11  }
0xbb: {  	s0 =	sor.u32 s1, s0  }
0xbc: {  	s0 =	sadd.s32 $0x8F2B, s0  }
0xbd: {  	[sflag:s0] =	ssyncadd.remote.s32 $0x1  }
0xbe: {  	_ =	sfence.sel $0xFFFF  }
0xbf: {  	[dreg:$0x0] =	wrdreg $0xFFFFFFFF;
	(pc) =	sbr.abs _section_cstart, $3  }
0xc0: {  	[dreg:$0x1] =	wrdreg $0xFFFFFFFF  }
0xc1: {  	_ =	task.clear_ibuf [dreg:s6], $0x2FFFF;
	_ =	strace $0x9FFFFFFF  }
0xc2: {  	(tm) =	ssettm $0x7FFFFFFF  }
0xc3: {  	_ =	shalt  }
tec
execute0_lowered:
.L_overlay_start_1:
0x0: {  	(tag) =	ssettag $0x1  }
0x1: {  	s6 =	rddreg [dreg:$0x0]  }
0x2: {  	s0 =	srdreg.scid;
	s2 =	rddreg [dreg:$0x1]  }
0x3: {  	s3 =	simm.s32 $0x0;
	s14 =	simm.s32 $0x80;
	s15 =	simm.s32 $0x5000  }
0x4: {  	s16 =	simm.s32 $0x1;
	s5 =	sand.u32 $0x1, s0;
	s0 =	stileid.u32  }
0x5: {  	s17 =	simm.s32 $0x0;
	[smem:$0x7FF] =	sst s3;
	s8 =	smul.u32 $0x2780, s0  }
0x6: {  	s1 =	sshll.u32 s5, $0x4;
	s9 =	smul.u32 $0x27800, s5;
	s5 =	ssub.s32 $0x2, s5  }
0x7: {  	s10 =	smul.u32 $0x4F000, s0;
	s12 =	sshll.u32 s0, $0x6;
	s4 =	sor.u32 s0, s1  }
0x8: {  	s1 =	rddreg [dreg:$0x2];
	_ =	strace $0x8000004A;
	s31 =	sshrl.u32 s5, $0x1  }
0x9: {  	s12 =	sor.u32 $0x1C02, s12;
	s7 =	smul.u32 $0x500, s4;
	s4 =	sadd.s32 $0xF0600, s6  }
0xa: {  	s11 =	sadd.s32 s8, s6;
	s8 =	sadd.s32 s8, s9;
	s10 =	sshrl.u32 s10, $0x2  }
0xb: {  	s9 =	ssub.s32 s5, s31;
	s8 =	sadd.s32 s8, s6;
	s13 =	sadd.s32 s10, s2  }
0xc: {  	s9 =	smax.u32 s9, $0x1;
	s10 =	simm.s32 $0x2;
	s7 =	sadd.s32 s7, s6  }
0xd: {  	s8 =	sadd.s32 $0x1B5E00, s8;
	s13 =	sshrl.u32 s13, $0x3;
	s5 =	sadd.s32 $0x16E00, s7  }
0xe: {  	s6 =	sadd.s32 $0x20E00, s7;
	s7 =	sadd.s32 $0x18E600, s11;
	s11 =	simm.s32 $0x2800  }
.LBB2_1:
0xf: {  	[tilespmem:s3], [sflag:$0x2] =	stream.linear.gather [hbm4b:s5+s3], $0x2780, $0x38;
	[tilespmem:$0x1CC00] =	vst v63  }
0x10: {  	_ =	swait.ge [sflag:s10], $0x2780  }
0x11: {  	[sflag:s10] =	ssyncset.done $0x0  }
0x12: {  	[sflag:s10] =	ssyncadd.s32 $0xFFFFD880  }
0x13: {  	[tilespmem:s11], [sflag:$0x2] =	stream.linear.gather [hbm4b:s6+s3], $0x2780, $0x38;
	[tilespmem:$0x1CC00] =	vst v63  }
0x14: {  	_ =	swait.ge [sflag:s10], $0x2780  }
0x15: {  	[sflag:s10] =	ssyncset.done $0x0  }
0x16: {  	[sflag:s10] =	ssyncadd.s32 $0xFFFFD880  }
0x17: {  	[spmem:s13], [sflag:s12] =	dma.local [hbm:s7], $0x2780  }
0x18: {  	_ =	swait.ge [sflag:s10], $0x2780  }
0x19: {  	[sflag:s10] =	ssyncset.done $0x0  }
0x1a: {  	[sflag:s10] =	ssyncadd.s32 $0xFFFFD880  }
0x1b: {  	s18 =	simm.s32 $0x0;
	[bflag:$0x0] =	sbarrier.arrive $0xFFFF  }
0x1c: {  	[tilespmem:s15], [sflag:$0x1] =	stream.indirect.gather [hbm4b:s4+s14], $0x80, s18, s14, $0xb8;
	[tilespmem:$0x1CC00] =	vst v63  }
0x1d: {  	_ =	swait.ge [sflag:s16], $0x4000  }
0x1e: {  	[sflag:s16] =	ssyncset.done $0x0  }
0x1f: {  	s31 =	simm.s32 $0x2800;
	[sflag:s16] =	ssyncadd.s32 $0xFFFFC000  }
0x20: {  	[spmem:s2] =	stream.indirect.scatter.add.f32 [tilespmem:s15], [sflag:$0x2], $0x80, s31, s14, $0xb8;
	[tilespmem:$0x1CC00] =	vst v63  }
0x21: {  	_ =	swait.ge [sflag:s10], $0x4000  }
0x22: {  	s19 =	simm.s32 $0x400;
	s18 =	simm.s32 $0x200;
	[sflag:s10] =	ssyncset.done $0x0  }
.LBB2_2:
0x23: {  	s20 =	sshra.s32 s18, $0x2  }
0x24: {  	[sflag:s10] =	ssyncadd.s32 $0xFFFFC000;
	s18 =	smov.u32 s19;
	s21 =	sadd.s32 $0x200, s19  }
0x25: {  	[tilespmem:s15], [sflag:$0x1] =	stream.indirect.gather [hbm4b:s4+s14], $0x80, s20, s14, $0xb8;
	[tilespmem:$0x1CC00] =	vst v63  }
0x26: {  	p0 =	sne.s32 s19, $0x9C00;
	_ =	swait.ge [sflag:s16], $0x4000  }
.Ltmp0:
0x27: {  	[sflag:s16] =	ssyncset.done $0x0;
	(pc) =	sbr.rel @p0 .LBB2_2-.Ltmp0, $4  }
0x28: {  	s19 =	sadd.s32 $0x2800, s20;
	[sflag:s16] =	ssyncadd.s32 $0xFFFFC000  }
0x29: {  	[spmem:s2] =	stream.indirect.scatter.add.f32 [tilespmem:s15], [sflag:$0x2], $0x80, s19, s14, $0xb8;
	[tilespmem:$0x1CC00] =	vst v63  }
0x2a: {  	_ =	swait.ge [sflag:s10], $0x4000  }
0x2b: {  	s19 =	smov.u32 s21;
	[sflag:s10] =	ssyncset.done $0x0  }
0x2c: {  	s18 =	sshra.s32 s18, $0x2;
	[sflag:s10] =	ssyncadd.s32 $0xFFFFC000  }
0x2d: {  	[tilespmem:s15], [sflag:$0x1] =	stream.indirect.gather [hbm4b:s4+s14], $0x80, s18, s14, $0xb8;
	[tilespmem:$0x1CC00] =	vst v63  }
0x2e: {  	_ =	swait.ge [sflag:s16], $0x4000  }
0x2f: {  	[sflag:s16] =	ssyncset.done $0x0  }
0x30: {  	s18 =	sadd.s32 $0x2800, s18;
	[sflag:s16] =	ssyncadd.s32 $0xFFFFC000  }
0x31: {  	[spmem:s2] =	stream.indirect.scatter.add.f32 [tilespmem:s15], [sflag:$0x2], $0x80, s18, s14, $0xb8;
	[tilespmem:$0x1CC00] =	vst v63  }
0x32: {  	_ =	swait.ge [sflag:s10], $0x4000  }
0x33: {  	s17 =	sadd.s32 $0x1, s17;
	[sflag:s10] =	ssyncset.done $0x0  }
0x34: {  	p0 =	sne.s32 s17, s9;
	[sflag:s10] =	ssyncadd.s32 $0xFFFFC000  }
.Ltmp1:
0x35: {  	[bflag:$0x0] =	sbarrier.arrive $0xFFFF;
	(pc) =	sbr.rel @p0 .LBB2_1-.Ltmp1, $4  }
0x36: {  	[hbm:s8], [sflag:s12] =	dma.local [spmem:s13], $0x2780  }
0x37: {  	_ =	swait.ge [sflag:s10], $0x2780  }
0x38: {  	[sflag:s10] =	ssyncset.done $0x0  }
0x39: {  	[sflag:s10] =	ssyncadd.s32 $0xFFFFD880  }
0x3a: {  	_ =	sfence.sel $0x180000  }
0x3b: {  	[bflag:$0x0] =	sbarrier.arrive $0xFFFF  }
0x3c: {  	p0 =	sne.s32 s0, $0x0;
	_ =	strace $0x9000004A  }
0x3d: {  	s0 =	sadd.s32 @!p0 $0x100000, s1;
	[bflag:$0x2] =	sbarrier.arrive $0xFFFF  }
0x3e: {  	[sflag:s0] =	ssyncadd.tile.s32 @!p0 $0x1;
	_ =	shalt  }
.Lfunc_end2:
_tile_overlayer_lowered:
.L_overlay_start_2:
0x3f: {  	(tag) =	ssettag $0x2  }
0x40: {  	s0 =	rddreg [dreg:$0x0];
	s2 =	stileid.u32  }
0x41: {  	s1 =	rddreg [dreg:$0x1];
	p0 =	sne.s32 s2, $0x0  }
0x42: {  	s3 =	rddreg [dreg:$0x2];
	[bflag:$0x3] =	sbarrier.arrive $0xFFFF;
	s2 =	simm.s32 @!p0 $0x1C02  }
0x43: {  	[timem:s3], [sflag:s2] =	dma.local @!p0 [hbm:s0], s1  }
0x44: {  	s0 =	simm.s32 @!p0 $0x2  }
0x45: {  	_ =	swait.ge @!p0 [sflag:s0], s1  }
0x46: {  	s1 =	ssub.s32 @!p0 $0x0, s1;
	[sflag:s0] =	ssyncset.done @!p0 $0x0  }
0x47: {  	[sflag:s0] =	ssyncadd.s32 @!p0 s1  }
0x48: {  	[bflag:$0x3] =	sbarrier.arrive $0xFFFF  }
0x49: {  	_ =	shalt  }

// kernel: kernel.37.cloned.1.call-start
scs
__scs_entry_jumppad:
0x0: {  	(pc) =	sbr.rel $0x88, $3  }
0x1: {  	(tag) =	ssettag $0x0;
	lr =	simm.s32 $0x1  }
0x2: {  	[smem:$0x3F98] =	sst lr;
	_ =	strace $0xD0000000  }
0x3: {  	_ = 	snop  }
0x4: {  	_ = 	snop  }
0x5: {  	_ = 	snop  }
0x6: {  	_ = 	snop  }
0x7: {  	_ = 	snop  }
__scs_overlays_trampoline_lowered:
0x8: {  	[smem:$0x3FA7] =	sst s0  }
0x9: {  	[smem:$0x3FA8] =	sst s1  }
0xa: {  	[smem:$0x3FA9] =	sst s2  }
0xb: {  	[smem:$0x3FAA] =	sst s3  }
0xc: {  	[smem:$0x3FAB] =	sst s4  }
0xd: {  	[smem:$0x3FAC] =	sst s5  }
0xe: {  	[smem:$0x3FAD] =	sst s6  }
0xf: {  	[smem:$0x3FAE] =	sst s7  }
0x10: {  	[smem:$0x3FAF] =	sst s8  }
0x11: {  	[smem:$0x3FB0] =	sst s9;
	s0 =	simm.s32 @!p0 $0x0  }
0x12: {  	s1 =	sld [smem:$0x3F96];
	s0 =	simm.s32 @p0 $0x1  }
0x13: {  	[smem:$0x3FB1] =	sst s0;
	s0 =	simm.s32 @!p1 $0x0  }
0x14: {  	s2 =	sld [smem:$0x3F95];
	s0 =	simm.s32 @p1 $0x1  }
0x15: {  	[smem:$0x3FB2] =	sst s0;
	s0 =	simm.s32 @!p2 $0x0  }
0x16: {  	s3 =	sld [smem:$0x3FDB];
	s0 =	simm.s32 @p2 $0x1  }
0x17: {  	s4 =	simm.s32 $0x1BF5;
	[smem:$0x3FB4] =	sst s0  }
0x18: {  	s0 =	sld [smem:$0x3F97];
	_ =	swait.ge [sflag:s4], $0x0  }
0x19: {  	s7 =	sld [smem:$0x3F98]  }
0x1a: {  	s8 =	sadd.s32 $0xFFFFE003, lr  }
0x1b: {  	s9 =	sadd.s32 $0xFFFFFEF7, lr;
	s5 =	simm.s32 $0xFFFFFFFF;
	p2 =	slt.u32 s8, $0xFFFFF086  }
0x1c: {  	p1 =	slt.u32 s9, $0xF7A;
	s5 =	simm.s32 @!p2 $0x0  }
0x1d: {  	s5 =	simm.s32 @p1 $0x1;
	p0 =	seq.s32 s7, s2  }
0x1e: {  	s7 =	smul.u32 @!p0 $0xF7A, s2;
	p2 =	seq.s32 @!p0 s5, $0x0  }
0x1f: {  	s9 =	smul.u32 $0xF7A, s1;
	s8 =	simm.s32 @!p0 $0x1BF5;
	p2 =	por !p2, p0  }
0x20: {  	[sflag:s8] =	ssyncset.s32 @!p0 $0xFFFFF086;
	s6 =	sadd.s32 @!p0 s3, s7;
	s7 =	simm.s32 @!p0 $0x108  }
0x21: {  	s3 =	sadd.s32 s3, s9;
	s6 =	sadd.s32 @!p0 $0x88, s6;
	s7 =	simm.s32 @p2 $0x1082  }
0x22: {  	[simem:s7], [sflag:s8] =	dma.local @!p0 [hbm:s6], $0xF7A  }
0x23: {  	s9 =	sor.u32 $0xD0000000, s2;
	s6 =	simm.s32 $0x108;
	_ =	swait.ge @!p0 [sflag:s8], $0x0  }
0x24: {  	s3 =	sadd.s32 $0x88, s3;
	s6 =	simm.s32 @!p1 $0x1082;
	[sflag:s4] =	ssyncset.s32 $0xFFFFF086  }
0x25: {  	[simem:s6], [sflag:s4] =	dma.local [hbm:s3], $0xF7A  }
0x26: {  	[smem:$0x3F98] =	sst s1;
	(tag) =	ssettag s2;
	_ =	strace s9  }
0x27: {  	s1 =	sld [smem:$0x3FA8]  }
0x28: {  	s2 =	sld [smem:$0x3FA9]  }
0x29: {  	s4 =	sld [smem:$0x3FAB]  }
0x2a: {  	p0 =	seq.s32 s5, $0x0;
	s5 =	sld [smem:$0x3FAC]  }
0x2b: {  	s6 =	sld [smem:$0x3FAD]  }
0x2c: {  	s7 =	sld [smem:$0x3FAE]  }
0x2d: {  	s3 =	simm.s32 $0x108;
	s8 =	sld [smem:$0x3FAF]  }
0x2e: {  	s3 =	simm.s32 @!p0 $0x1082;
	s9 =	sld [smem:$0x3FB0]  }
0x2f: {  	lr =	sadd.s32 s0, s3;
	s0 =	sld [smem:$0x3FA7]  }
0x30: {  	s3 =	sld [smem:$0x3FAA]  }
0x31: {  	[smem:$0x3FB3] =	sst s10  }
0x32: {  	s10 =	sld [smem:$0x3FB1];
	_ =	sdelay $0x3  }
0x33: {  	p0 =	seq.s32 s10, $0x1;
	s10 =	sld [smem:$0x3FB3];
	_ =	sdelay $0x3  }
0x34: {  	[smem:$0x3FB3] =	sst s10  }
0x35: {  	s10 =	sld [smem:$0x3FB2];
	_ =	sdelay $0x3  }
0x36: {  	p1 =	seq.s32 s10, $0x1;
	s10 =	sld [smem:$0x3FB3];
	_ =	sdelay $0x3  }
0x37: {  	[smem:$0x3FB3] =	sst s10  }
0x38: {  	s10 =	sld [smem:$0x3FB4]  }
0x39: {  	_ = 	snop;
	(pc) =	sbr.ind lr, $3  }
0x3a: {  	_ = 	snop  }
0x3b: {  	_ = 	snop  }
0x3c: {  	p2 =	seq.s32 s10, $0x1;
	s10 =	sld [smem:$0x3FB3]  }
0x3d: {  	_ =	shalt  }
0x3e: {  	_ =	shalt  }
0x3f: {  	_ =	shalt  }
0x40: {  	_ =	shalt  }
0x41: {  	_ =	shalt  }
0x42: {  	_ =	shalt  }
0x43: {  	_ =	shalt  }
0x44: {  	_ =	shalt  }
0x45: {  	_ =	shalt  }
0x46: {  	_ =	shalt  }
0x47: {  	_ =	shalt  }
0x48: {  	_ =	shalt  }
0x49: {  	_ =	shalt  }
0x4a: {  	_ =	shalt  }
0x4b: {  	_ =	shalt  }
0x4c: {  	_ =	shalt  }
0x4d: {  	_ =	shalt  }
0x4e: {  	_ =	shalt  }
0x4f: {  	_ =	shalt  }
0x50: {  	_ =	shalt  }
0x51: {  	_ =	shalt  }
0x52: {  	_ =	shalt  }
0x53: {  	_ =	shalt  }
0x54: {  	_ =	shalt  }
0x55: {  	_ =	shalt  }
0x56: {  	_ =	shalt  }
0x57: {  	_ =	shalt  }
0x58: {  	_ =	shalt  }
0x59: {  	_ =	shalt  }
0x5a: {  	_ =	shalt  }
0x5b: {  	_ =	shalt  }
0x5c: {  	_ =	shalt  }
0x5d: {  	_ =	shalt  }
0x5e: {  	_ =	shalt  }
0x5f: {  	_ =	shalt  }
0x60: {  	_ =	shalt  }
0x61: {  	_ =	shalt  }
0x62: {  	_ =	shalt  }
0x63: {  	_ =	shalt  }
0x64: {  	_ =	shalt  }
0x65: {  	_ =	shalt  }
0x66: {  	_ =	shalt  }
0x67: {  	_ =	shalt  }
0x68: {  	_ =	shalt  }
0x69: {  	_ =	shalt  }
0x6a: {  	_ =	shalt  }
0x6b: {  	_ =	shalt  }
0x6c: {  	_ =	shalt  }
0x6d: {  	_ =	shalt  }
0x6e: {  	_ =	shalt  }
0x6f: {  	_ =	shalt  }
0x70: {  	_ =	shalt  }
0x71: {  	_ =	shalt  }
0x72: {  	_ =	shalt  }
0x73: {  	_ =	shalt  }
0x74: {  	_ =	shalt  }
0x75: {  	_ =	shalt  }
0x76: {  	_ =	shalt  }
0x77: {  	_ =	shalt  }
0x78: {  	_ =	shalt  }
0x79: {  	_ =	shalt  }
0x7a: {  	_ =	shalt  }
0x7b: {  	_ =	shalt  }
0x7c: {  	_ =	shalt  }
0x7d: {  	_ =	shalt  }
0x7e: {  	_ =	shalt  }
0x7f: {  	_ =	shalt  }
0x80: {  	_ =	shalt  }
0x81: {  	_ =	shalt  }
0x82: {  	_ =	shalt  }
0x83: {  	_ =	shalt  }
0x84: {  	_ =	shalt  }
0x85: {  	_ =	shalt  }
0x86: {  	_ =	shalt  }
0x87: {  	_ =	shalt  }
.Lfunc_end0:
.L_simem_size_0:
called_computation.5_lowered:
.L_overlay_start_0:
0x88: {  	s2 =	sld [smem:$0x3FD9]  }
0x89: {  	s3 =	sld [smem:$0x3FFE];
	_ =	sdelay $0x1  }
0x8a: {  	s1 =	srdreg.scid  }
0x8b: {  	s0 =	sand.u32 $0x1, s1  }
0x8c: {  	s17 =	sshll.u32 s0, $0xA;
	s2 =	sadd.s32 s3, s2  }
0x8d: {  	s2 =	sadd.s32 s2, s17  }
0x8e: {  	[smem:$0x3FBF] =	sst s2  }
0x8f: {  	_ = 	snop  }
0x90: {  	(tm) =	ssettm $0x1  }
0x91: {  	s18 =	sld [smem:$0x3FFB];
	_ =	sdelay $0x3  }
0x92: {  	_ =	strace s18  }
0x93: {  	s2 =	sld [smem:$0x3FFC];
	_ =	sdelay $0x3  }
0x94: {  	_ =	strace s2  }
0x95: {  	s2 =	sld [smem:$0x3FFD];
	_ =	sdelay $0x3  }
0x96: {  	_ =	strace s2  }
0x97: {  	_ =	strace $0x8FFFFFFF  }
0x98: {  	s19 =	sld [smem:$0x3FDB];
	_ =	sdelay $0x1  }
0x99: {  	s20 =	simm.s32 $_scs_section_size  }
0x9a: {  	s4 =	simm.s32 $_size__tile_overlayer_lowered;
	s5 =	simm.s32 $_tile_overlayer_lowered  }
0x9b: {  	s6 =	simm.s32 $0x1BFF;
	s21 =	sshll.u32 s5, $0x1;
	s3 =	sadd.s32 s20, s19  }
0x9c: {  	s22 =	simm.s32 $0x0;
	s4 =	sshll.u32 s4, $0x1;
	s5 =	sadd.s32 s21, s3  }
0x9d: {  	[timem:s22], [sflag:s6] =	dma.local [hbm:s5], s4  }
0x9e: {  	_ =	swait.ge [sflag:s6], s4  }
0x9f: {  	s4 =	ssub.s32 $0x0, s4;
	[sflag:s6] =	ssyncset.done $0x0  }
0xa0: {  	[sflag:s6] =	ssyncadd.s32 s4;
	_ =	sdelay $0x1  }
0xa1: {  	s23 =	simm.s32 $0x1B8B  }
0xa2: {  	_ =	swait.ge [sflag:s23], $0x1  }
0xa3: {  	[sflag:s23] =	ssyncset.done $0x0  }
0xa4: {  	[sflag:s23] =	ssyncadd.s32 $0xFFFFFFFF  }
0xa5: {  	s4 =	sld [smem:$0x0]  }
0xa6: {  	s5 =	sand.u32 $0xFFFFFFFE, s1  }
0xa7: {  	p0 =	sne.s32 s1, s5  }
0xa8: {  	s5 =	sshll.u32 @p0 s5, $0xE  }
0xa9: {  	s5 =	sadd.s32 @p0 $0x11B8D, s5;
	s6 =	sshll.u32 @p0 s4, $0x11  }
0xaa: {  	s5 =	sor.u32 @p0 s6, s5  }
0xab: {  	[sflag:s5] =	ssyncadd.remote.s32 @p0 $0x1;
	_ =	sdelay $0x1  }
0xac: {  	s5 =	simm.s32 @p0 $0x1B8D  }
0xad: {  	_ =	swait.eq @p0 [sflag:s5], $0x1  }
0xae: {  	[sflag:s5] =	ssyncadd.s32 @p0 $0xFFFFFFFF  }
0xaf: {  	s6 =	sshll.u32 @!p0 s1, $0xE  }
0xb0: {  	s6 =	sor.u32 @!p0 $0x4000, s6;
	s5 =	simm.s32 @!p0 $0x1B8D  }
0xb1: {  	s4 =	sshll.u32 @!p0 s4, $0x11;
	s6 =	sadd.s32 @!p0 $0x11B8D, s6;
	_ =	swait.eq @!p0 [sflag:s5], $0x1  }
0xb2: {  	s4 =	sor.u32 @!p0 s4, s6;
	[sflag:s5] =	ssyncadd.s32 @!p0 $0xFFFFFFFF  }
0xb3: {  	s25 =	simm.s32 $0x1B8E;
	s24 =	sld [smem:$0x3FFE];
	[sflag:s4] =	ssyncadd.remote.s32 @!p0 $0x1  }
0xb4: {  	s26 =	simm.s32 $execute0_lowered;
	[smem:$0x3FD2] =	sst s25  }
0xb5: {  	s5 =	sshll.u32 s26, $0x1;
	_ =	strace $0x80000058;
	[dreg:$0x1] =	wrdreg $0xFFFFFFFF  }
0xb6: {  	s28 =	simm.s32 $_size_execute0_lowered;
	s3 =	sadd.s32 s3, s5;
	[dreg:$0x0] =	wrdreg $0x0  }
0xb7: {  	s5 =	sshll.u32 s28, $0x1;
	[dreg:$0x2] =	wrdreg s3  }
0xb8: {  	[dreg:$0x3] =	wrdreg s5  }
0xb9: {  	[dreg:$0x4] =	wrdreg $0xC0  }
0xba: {  	_ =	task [dreg:s22], $0x5FFFF  }
0xbb: {  	[dreg:$0x1] =	wrdreg $0xFFFFFFFF  }
0xbc: {  	[dreg:$0x0] =	wrdreg $0x60  }
0xbd: {  	[dreg:$0x2] =	wrdreg s24  }
0xbe: {  	[dreg:$0x3] =	wrdreg $0x90000  }
0xbf: {  	[dreg:$0x4] =	wrdreg $0xB  }
0xc0: {  	_ =	task.clear_ibuf [dreg:s22], $0x5FFFF;
	_ =	strace $0x90000058  }
0xc1: {  	s29 =	simm.s32 $0xB;
	_ =	strace $0x8000005A  }
0xc2: {  	_ =	swait.ge [sflag:s29], $0x1  }
0xc3: {  	[sflag:s29] =	ssyncadd.s32 $0xFFFFFFFF  }
0xc4: {  	_ =	strace $0x9000005A  }
0xc5: {  	_ =	sfence  }
0xc6: {  	s30 =	sld [smem:$0x0];
	_ =	sdelay $0x2  }
0xc7: {  	s31 =	sshll.u32 s1, $0xD;
	s1 =	sshrl.u32 s1, $0x2  }
0xc8: {  	s4 =	sand.u32 $0x4000, s31;
	s1 =	sadd.s32 s1, s30  }
0xc9: {  	s0 =	sor.u32 s4, s0;
	s1 =	sshll.u32 s1, $0x11  }
0xca: {  	s0 =	sor.u32 s1, s0  }
0xcb: {  	s0 =	sadd.s32 $0x8F2B, s0  }
0xcc: {  	[sflag:s0] =	ssyncadd.remote.s32 $0x1  }
0xcd: {  	_ =	sfence.sel $0xFFFF  }
0xce: {  	[dreg:$0x0] =	wrdreg $0xFFFFFFFF;
	(pc) =	sbr.abs _section_cstart, $3  }
0xcf: {  	[dreg:$0x1] =	wrdreg $0xFFFFFFFF  }
0xd0: {  	_ =	task.clear_ibuf [dreg:s22], $0x2FFFF;
	_ =	strace $0x9FFFFFFF  }
0xd1: {  	(tm) =	ssettm $0x7FFFFFFF  }
tec
execute0_lowered:
.L_overlay_start_1:
0x0: {  	(tag) =	ssettag $0x1  }
0x1: {  	s6 =	rddreg [dreg:$0x0]  }
0x2: {  	s0 =	srdreg.scid;
	s2 =	rddreg [dreg:$0x1]  }
0x3: {  	s3 =	simm.s32 $0x0;
	s14 =	simm.s32 $0x80;
	s15 =	simm.s32 $0x5000  }
0x4: {  	s16 =	simm.s32 $0x1;
	s5 =	sand.u32 $0x1, s0;
	s0 =	stileid.u32  }
0x5: {  	s17 =	simm.s32 $0x0;
	[smem:$0x7FF] =	sst s3;
	s8 =	smul.u32 $0x2780, s0  }
0x6: {  	s1 =	sshll.u32 s5, $0x4;
	s9 =	smul.u32 $0x27800, s5;
	s5 =	ssub.s32 $0x2, s5  }
0x7: {  	s10 =	smul.u32 $0x4F000, s0;
	s12 =	sshll.u32 s0, $0x6;
	s4 =	sor.u32 s0, s1  }
0x8: {  	s1 =	rddreg [dreg:$0x2];
	_ =	strace $0x80000059;
	s31 =	sshrl.u32 s5, $0x1  }
0x9: {  	s12 =	sor.u32 $0x1C02, s12;
	s7 =	smul.u32 $0x500, s4;
	s4 =	sadd.s32 $0xF0600, s6  }
0xa: {  	s11 =	sadd.s32 s8, s6;
	s8 =	sadd.s32 s8, s9;
	s10 =	sshrl.u32 s10, $0x2  }
0xb: {  	s9 =	ssub.s32 s5, s31;
	s8 =	sadd.s32 s8, s6;
	s13 =	sadd.s32 s10, s2  }
0xc: {  	s9 =	smax.u32 s9, $0x1;
	s10 =	simm.s32 $0x2;
	s7 =	sadd.s32 s7, s6  }
0xd: {  	s8 =	sadd.s32 $0x204E00, s8;
	s13 =	sshrl.u32 s13, $0x3;
	s5 =	sadd.s32 $0x16E00, s7  }
0xe: {  	s6 =	sadd.s32 $0x20E00, s7;
	s7 =	sadd.s32 $0x18E600, s11;
	s11 =	simm.s32 $0x2800  }
.LBB2_1:
0xf: {  	[tilespmem:s3], [sflag:$0x2] =	stream.linear.gather [hbm4b:s5+s3], $0x2780, $0x38;
	[tilespmem:$0x1CC00] =	vst v63  }
0x10: {  	_ =	swait.ge [sflag:s10], $0x2780  }
0x11: {  	[sflag:s10] =	ssyncset.done $0x0  }
0x12: {  	[sflag:s10] =	ssyncadd.s32 $0xFFFFD880  }
0x13: {  	[tilespmem:s11], [sflag:$0x2] =	stream.linear.gather [hbm4b:s6+s3], $0x2780, $0x38;
	[tilespmem:$0x1CC00] =	vst v63  }
0x14: {  	_ =	swait.ge [sflag:s10], $0x2780  }
0x15: {  	[sflag:s10] =	ssyncset.done $0x0  }
0x16: {  	[sflag:s10] =	ssyncadd.s32 $0xFFFFD880  }
0x17: {  	[spmem:s13], [sflag:s12] =	dma.local [hbm:s7], $0x2780  }
0x18: {  	_ =	swait.ge [sflag:s10], $0x2780  }
0x19: {  	[sflag:s10] =	ssyncset.done $0x0  }
0x1a: {  	[sflag:s10] =	ssyncadd.s32 $0xFFFFD880  }
0x1b: {  	s18 =	simm.s32 $0x0;
	[bflag:$0x0] =	sbarrier.arrive $0xFFFF  }
0x1c: {  	[tilespmem:s15], [sflag:$0x1] =	stream.indirect.gather [hbm4b:s4+s14], $0x80, s18, s14, $0xb8;
	[tilespmem:$0x1CC00] =	vst v63  }
0x1d: {  	_ =	swait.ge [sflag:s16], $0x4000  }
0x1e: {  	[sflag:s16] =	ssyncset.done $0x0  }
0x1f: {  	s31 =	simm.s32 $0x2800;
	[sflag:s16] =	ssyncadd.s32 $0xFFFFC000  }
0x20: {  	[spmem:s2] =	stream.indirect.scatter.add.f32 [tilespmem:s15], [sflag:$0x2], $0x80, s31, s14, $0xb8;
	[tilespmem:$0x1CC00] =	vst v63  }
0x21: {  	_ =	swait.ge [sflag:s10], $0x4000  }
0x22: {  	s19 =	simm.s32 $0x400;
	s18 =	simm.s32 $0x200;
	[sflag:s10] =	ssyncset.done $0x0  }
.LBB2_2:
0x23: {  	s20 =	sshra.s32 s18, $0x2  }
0x24: {  	[sflag:s10] =	ssyncadd.s32 $0xFFFFC000;
	s18 =	smov.u32 s19;
	s21 =	sadd.s32 $0x200, s19  }
0x25: {  	[tilespmem:s15], [sflag:$0x1] =	stream.indirect.gather [hbm4b:s4+s14], $0x80, s20, s14, $0xb8;
	[tilespmem:$0x1CC00] =	vst v63  }
0x26: {  	p0 =	sne.s32 s19, $0x9C00;
	_ =	swait.ge [sflag:s16], $0x4000  }
.Ltmp0:
0x27: {  	[sflag:s16] =	ssyncset.done $0x0;
	(pc) =	sbr.rel @p0 .LBB2_2-.Ltmp0, $4  }
0x28: {  	s19 =	sadd.s32 $0x2800, s20;
	[sflag:s16] =	ssyncadd.s32 $0xFFFFC000  }
0x29: {  	[spmem:s2] =	stream.indirect.scatter.add.f32 [tilespmem:s15], [sflag:$0x2], $0x80, s19, s14, $0xb8;
	[tilespmem:$0x1CC00] =	vst v63  }
0x2a: {  	_ =	swait.ge [sflag:s10], $0x4000  }
0x2b: {  	s19 =	smov.u32 s21;
	[sflag:s10] =	ssyncset.done $0x0  }
0x2c: {  	s18 =	sshra.s32 s18, $0x2;
	[sflag:s10] =	ssyncadd.s32 $0xFFFFC000  }
0x2d: {  	[tilespmem:s15], [sflag:$0x1] =	stream.indirect.gather [hbm4b:s4+s14], $0x80, s18, s14, $0xb8;
	[tilespmem:$0x1CC00] =	vst v63  }
0x2e: {  	_ =	swait.ge [sflag:s16], $0x4000  }
0x2f: {  	[sflag:s16] =	ssyncset.done $0x0  }
0x30: {  	s18 =	sadd.s32 $0x2800, s18;
	[sflag:s16] =	ssyncadd.s32 $0xFFFFC000  }
0x31: {  	[spmem:s2] =	stream.indirect.scatter.add.f32 [tilespmem:s15], [sflag:$0x2], $0x80, s18, s14, $0xb8;
	[tilespmem:$0x1CC00] =	vst v63  }
0x32: {  	_ =	swait.ge [sflag:s10], $0x4000  }
0x33: {  	s17 =	sadd.s32 $0x1, s17;
	[sflag:s10] =	ssyncset.done $0x0  }
0x34: {  	p0 =	sne.s32 s17, s9;
	[sflag:s10] =	ssyncadd.s32 $0xFFFFC000  }
.Ltmp1:
0x35: {  	[bflag:$0x0] =	sbarrier.arrive $0xFFFF;
	(pc) =	sbr.rel @p0 .LBB2_1-.Ltmp1, $4  }
0x36: {  	[hbm:s8], [sflag:s12] =	dma.local [spmem:s13], $0x2780  }
0x37: {  	_ =	swait.ge [sflag:s10], $0x2780  }
0x38: {  	[sflag:s10] =	ssyncset.done $0x0  }
0x39: {  	[sflag:s10] =	ssyncadd.s32 $0xFFFFD880  }
0x3a: {  	_ =	sfence.sel $0x180000  }
0x3b: {  	[bflag:$0x0] =	sbarrier.arrive $0xFFFF  }
0x3c: {  	p0 =	sne.s32 s0, $0x0;
	_ =	strace $0x90000059  }
0x3d: {  	s0 =	sadd.s32 @!p0 $0x100000, s1;
	[bflag:$0x2] =	sbarrier.arrive $0xFFFF  }
0x3e: {  	[sflag:s0] =	ssyncadd.tile.s32 @!p0 $0x1;
	_ =	shalt  }
.Lfunc_end2:
_tile_overlayer_lowered:
.L_overlay_start_2:
0x3f: {  	(tag) =	ssettag $0x2  }
0x40: {  	s0 =	rddreg [dreg:$0x0];
	s2 =	stileid.u32  }
0x41: {  	s1 =	rddreg [dreg:$0x1];
	p0 =	sne.s32 s2, $0x0  }
0x42: {  	s3 =	rddreg [dreg:$0x2];
	[bflag:$0x3] =	sbarrier.arrive $0xFFFF;
	s2 =	simm.s32 @!p0 $0x1C02  }
0x43: {  	[timem:s3], [sflag:s2] =	dma.local @!p0 [hbm:s0], s1  }
0x44: {  	s0 =	simm.s32 @!p0 $0x2  }
0x45: {  	_ =	swait.ge @!p0 [sflag:s0], s1  }
0x46: {  	s1 =	ssub.s32 @!p0 $0x0, s1;
	[sflag:s0] =	ssyncset.done @!p0 $0x0  }
0x47: {  	[sflag:s0] =	ssyncadd.s32 @!p0 s1  }
0x48: {  	[bflag:$0x3] =	sbarrier.arrive $0xFFFF  }
0x49: {  	_ =	shalt  }

// kernel: kernel.40.cloned.1.call-start
scs
__scs_entry_jumppad:
0x0: {  	(pc) =	sbr.rel $0x88, $3  }
0x1: {  	(tag) =	ssettag $0x0;
	lr =	simm.s32 $0x1  }
0x2: {  	[smem:$0x3F98] =	sst lr;
	_ =	strace $0xD0000000  }
0x3: {  	_ = 	snop  }
0x4: {  	_ = 	snop  }
0x5: {  	_ = 	snop  }
0x6: {  	_ = 	snop  }
0x7: {  	_ = 	snop  }
__scs_overlays_trampoline_lowered:
0x8: {  	[smem:$0x3FA7] =	sst s0  }
0x9: {  	[smem:$0x3FA8] =	sst s1  }
0xa: {  	[smem:$0x3FA9] =	sst s2  }
0xb: {  	[smem:$0x3FAA] =	sst s3  }
0xc: {  	[smem:$0x3FAB] =	sst s4  }
0xd: {  	[smem:$0x3FAC] =	sst s5  }
0xe: {  	[smem:$0x3FAD] =	sst s6  }
0xf: {  	[smem:$0x3FAE] =	sst s7  }
0x10: {  	[smem:$0x3FAF] =	sst s8  }
0x11: {  	[smem:$0x3FB0] =	sst s9;
	s0 =	simm.s32 @!p0 $0x0  }
0x12: {  	s1 =	sld [smem:$0x3F96];
	s0 =	simm.s32 @p0 $0x1  }
0x13: {  	[smem:$0x3FB1] =	sst s0;
	s0 =	simm.s32 @!p1 $0x0  }
0x14: {  	s2 =	sld [smem:$0x3F95];
	s0 =	simm.s32 @p1 $0x1  }
0x15: {  	[smem:$0x3FB2] =	sst s0;
	s0 =	simm.s32 @!p2 $0x0  }
0x16: {  	s3 =	sld [smem:$0x3FDB];
	s0 =	simm.s32 @p2 $0x1  }
0x17: {  	s4 =	simm.s32 $0x1BF5;
	[smem:$0x3FB4] =	sst s0  }
0x18: {  	s0 =	sld [smem:$0x3F97];
	_ =	swait.ge [sflag:s4], $0x0  }
0x19: {  	s7 =	sld [smem:$0x3F98]  }
0x1a: {  	s8 =	sadd.s32 $0xFFFFE003, lr  }
0x1b: {  	s9 =	sadd.s32 $0xFFFFFEF7, lr;
	s5 =	simm.s32 $0xFFFFFFFF;
	p2 =	slt.u32 s8, $0xFFFFF086  }
0x1c: {  	p1 =	slt.u32 s9, $0xF7A;
	s5 =	simm.s32 @!p2 $0x0  }
0x1d: {  	s5 =	simm.s32 @p1 $0x1;
	p0 =	seq.s32 s7, s2  }
0x1e: {  	s7 =	smul.u32 @!p0 $0xF7A, s2;
	p2 =	seq.s32 @!p0 s5, $0x0  }
0x1f: {  	s9 =	smul.u32 $0xF7A, s1;
	s8 =	simm.s32 @!p0 $0x1BF5;
	p2 =	por !p2, p0  }
0x20: {  	[sflag:s8] =	ssyncset.s32 @!p0 $0xFFFFF086;
	s6 =	sadd.s32 @!p0 s3, s7;
	s7 =	simm.s32 @!p0 $0x108  }
0x21: {  	s3 =	sadd.s32 s3, s9;
	s6 =	sadd.s32 @!p0 $0x88, s6;
	s7 =	simm.s32 @p2 $0x1082  }
0x22: {  	[simem:s7], [sflag:s8] =	dma.local @!p0 [hbm:s6], $0xF7A  }
0x23: {  	s9 =	sor.u32 $0xD0000000, s2;
	s6 =	simm.s32 $0x108;
	_ =	swait.ge @!p0 [sflag:s8], $0x0  }
0x24: {  	s3 =	sadd.s32 $0x88, s3;
	s6 =	simm.s32 @!p1 $0x1082;
	[sflag:s4] =	ssyncset.s32 $0xFFFFF086  }
0x25: {  	[simem:s6], [sflag:s4] =	dma.local [hbm:s3], $0xF7A  }
0x26: {  	[smem:$0x3F98] =	sst s1;
	(tag) =	ssettag s2;
	_ =	strace s9  }
0x27: {  	s1 =	sld [smem:$0x3FA8]  }
0x28: {  	s2 =	sld [smem:$0x3FA9]  }
0x29: {  	s4 =	sld [smem:$0x3FAB]  }
0x2a: {  	p0 =	seq.s32 s5, $0x0;
	s5 =	sld [smem:$0x3FAC]  }
0x2b: {  	s6 =	sld [smem:$0x3FAD]  }
0x2c: {  	s7 =	sld [smem:$0x3FAE]  }
0x2d: {  	s3 =	simm.s32 $0x108;
	s8 =	sld [smem:$0x3FAF]  }
0x2e: {  	s3 =	simm.s32 @!p0 $0x1082;
	s9 =	sld [smem:$0x3FB0]  }
0x2f: {  	lr =	sadd.s32 s0, s3;
	s0 =	sld [smem:$0x3FA7]  }
0x30: {  	s3 =	sld [smem:$0x3FAA]  }
0x31: {  	[smem:$0x3FB3] =	sst s10  }
0x32: {  	s10 =	sld [smem:$0x3FB1];
	_ =	sdelay $0x3  }
0x33: {  	p0 =	seq.s32 s10, $0x1;
	s10 =	sld [smem:$0x3FB3];
	_ =	sdelay $0x3  }
0x34: {  	[smem:$0x3FB3] =	sst s10  }
0x35: {  	s10 =	sld [smem:$0x3FB2];
	_ =	sdelay $0x3  }
0x36: {  	p1 =	seq.s32 s10, $0x1;
	s10 =	sld [smem:$0x3FB3];
	_ =	sdelay $0x3  }
0x37: {  	[smem:$0x3FB3] =	sst s10  }
0x38: {  	s10 =	sld [smem:$0x3FB4]  }
0x39: {  	_ = 	snop;
	(pc) =	sbr.ind lr, $3  }
0x3a: {  	_ = 	snop  }
0x3b: {  	_ = 	snop  }
0x3c: {  	p2 =	seq.s32 s10, $0x1;
	s10 =	sld [smem:$0x3FB3]  }
0x3d: {  	_ =	shalt  }
0x3e: {  	_ =	shalt  }
0x3f: {  	_ =	shalt  }
0x40: {  	_ =	shalt  }
0x41: {  	_ =	shalt  }
0x42: {  	_ =	shalt  }
0x43: {  	_ =	shalt  }
0x44: {  	_ =	shalt  }
0x45: {  	_ =	shalt  }
0x46: {  	_ =	shalt  }
0x47: {  	_ =	shalt  }
0x48: {  	_ =	shalt  }
0x49: {  	_ =	shalt  }
0x4a: {  	_ =	shalt  }
0x4b: {  	_ =	shalt  }
0x4c: {  	_ =	shalt  }
0x4d: {  	_ =	shalt  }
0x4e: {  	_ =	shalt  }
0x4f: {  	_ =	shalt  }
0x50: {  	_ =	shalt  }
0x51: {  	_ =	shalt  }
0x52: {  	_ =	shalt  }
0x53: {  	_ =	shalt  }
0x54: {  	_ =	shalt  }
0x55: {  	_ =	shalt  }
0x56: {  	_ =	shalt  }
0x57: {  	_ =	shalt  }
0x58: {  	_ =	shalt  }
0x59: {  	_ =	shalt  }
0x5a: {  	_ =	shalt  }
0x5b: {  	_ =	shalt  }
0x5c: {  	_ =	shalt  }
0x5d: {  	_ =	shalt  }
0x5e: {  	_ =	shalt  }
0x5f: {  	_ =	shalt  }
0x60: {  	_ =	shalt  }
0x61: {  	_ =	shalt  }
0x62: {  	_ =	shalt  }
0x63: {  	_ =	shalt  }
0x64: {  	_ =	shalt  }
0x65: {  	_ =	shalt  }
0x66: {  	_ =	shalt  }
0x67: {  	_ =	shalt  }
0x68: {  	_ =	shalt  }
0x69: {  	_ =	shalt  }
0x6a: {  	_ =	shalt  }
0x6b: {  	_ =	shalt  }
0x6c: {  	_ =	shalt  }
0x6d: {  	_ =	shalt  }
0x6e: {  	_ =	shalt  }
0x6f: {  	_ =	shalt  }
0x70: {  	_ =	shalt  }
0x71: {  	_ =	shalt  }
0x72: {  	_ =	shalt  }
0x73: {  	_ =	shalt  }
0x74: {  	_ =	shalt  }
0x75: {  	_ =	shalt  }
0x76: {  	_ =	shalt  }
0x77: {  	_ =	shalt  }
0x78: {  	_ =	shalt  }
0x79: {  	_ =	shalt  }
0x7a: {  	_ =	shalt  }
0x7b: {  	_ =	shalt  }
0x7c: {  	_ =	shalt  }
0x7d: {  	_ =	shalt  }
0x7e: {  	_ =	shalt  }
0x7f: {  	_ =	shalt  }
0x80: {  	_ =	shalt  }
0x81: {  	_ =	shalt  }
0x82: {  	_ =	shalt  }
0x83: {  	_ =	shalt  }
0x84: {  	_ =	shalt  }
0x85: {  	_ =	shalt  }
0x86: {  	_ =	shalt  }
0x87: {  	_ =	shalt  }
.Lfunc_end0:
.L_simem_size_0:
called_computation.6_lowered:
.L_overlay_start_0:
0x88: {  	s2 =	sld [smem:$0x3FD9]  }
0x89: {  	s3 =	sld [smem:$0x3FFE];
	_ =	sdelay $0x1  }
0x8a: {  	s1 =	srdreg.scid  }
0x8b: {  	s0 =	sand.u32 $0x1, s1  }
0x8c: {  	s17 =	sshll.u32 s0, $0xA;
	s2 =	sadd.s32 s3, s2  }
0x8d: {  	s2 =	sadd.s32 s2, s17  }
0x8e: {  	[smem:$0x3FBF] =	sst s2  }
0x8f: {  	_ = 	snop  }
0x90: {  	s18 =	sld [smem:$0x3FD0];
	(tm) =	ssettm $0x1  }
0x91: {  	s19 =	sld [smem:$0x3FFB];
	_ =	sdelay $0x3  }
0x92: {  	_ =	strace s19  }
0x93: {  	s2 =	sld [smem:$0x3FFC];
	_ =	sdelay $0x3  }
0x94: {  	_ =	strace s2  }
0x95: {  	s2 =	sld [smem:$0x3FFD];
	_ =	sdelay $0x3  }
0x96: {  	_ =	strace s2  }
0x97: {  	_ =	strace $0x8FFFFFFF  }
0x98: {  	s20 =	sld [smem:$0x3FDB];
	_ =	sdelay $0x1  }
0x99: {  	s4 =	simm.s32 $_scs_section_size  }
0x9a: {  	s5 =	simm.s32 $_size__tile_overlayer_lowered;
	s6 =	simm.s32 $_tile_overlayer_lowered  }
0x9b: {  	s7 =	simm.s32 $0x1BFF;
	s21 =	sshll.u32 s6, $0x1;
	s4 =	sadd.s32 s4, s20  }
0x9c: {  	s22 =	simm.s32 $0x0;
	s5 =	sshll.u32 s5, $0x1;
	s6 =	sadd.s32 s21, s4  }
0x9d: {  	[timem:s22], [sflag:s7] =	dma.local [hbm:s6], s5  }
0x9e: {  	_ =	swait.ge [sflag:s7], s5  }
0x9f: {  	s5 =	ssub.s32 $0x0, s5;
	[sflag:s7] =	ssyncset.done $0x0  }
0xa0: {  	[sflag:s7] =	ssyncadd.s32 s5;
	_ =	sdelay $0x1  }
0xa1: {  	s23 =	simm.s32 $0x1B8B  }
0xa2: {  	_ =	swait.ge [sflag:s23], $0x1  }
0xa3: {  	[sflag:s23] =	ssyncset.done $0x0  }
0xa4: {  	[sflag:s23] =	ssyncadd.s32 $0xFFFFFFFF  }
0xa5: {  	s5 =	sld [smem:$0x0]  }
0xa6: {  	s6 =	sand.u32 $0xFFFFFFFE, s1  }
0xa7: {  	p0 =	sne.s32 s1, s6  }
0xa8: {  	s6 =	sshll.u32 @p0 s6, $0xE  }
0xa9: {  	s6 =	sadd.s32 @p0 $0x11B8D, s6;
	s7 =	sshll.u32 @p0 s5, $0x11  }
0xaa: {  	s6 =	sor.u32 @p0 s7, s6  }
0xab: {  	[sflag:s6] =	ssyncadd.remote.s32 @p0 $0x1;
	_ =	sdelay $0x1  }
0xac: {  	s6 =	simm.s32 @p0 $0x1B8D  }
0xad: {  	_ =	swait.eq @p0 [sflag:s6], $0x1  }
0xae: {  	[sflag:s6] =	ssyncadd.s32 @p0 $0xFFFFFFFF  }
0xaf: {  	s7 =	sshll.u32 @!p0 s1, $0xE  }
0xb0: {  	s7 =	sor.u32 @!p0 $0x4000, s7;
	s6 =	simm.s32 @!p0 $0x1B8D  }
0xb1: {  	s5 =	sshll.u32 @!p0 s5, $0x11;
	s7 =	sadd.s32 @!p0 $0x11B8D, s7;
	_ =	swait.eq @!p0 [sflag:s6], $0x1  }
0xb2: {  	s5 =	sor.u32 @!p0 s5, s7;
	[sflag:s6] =	ssyncadd.s32 @!p0 $0xFFFFFFFF  }
0xb3: {  	s25 =	simm.s32 $0x1B8E;
	s24 =	sld [smem:$0x3FFE];
	[sflag:s5] =	ssyncadd.remote.s32 @!p0 $0x1  }
0xb4: {  	s26 =	simm.s32 $execute0_lowered;
	[smem:$0x3FD2] =	sst s25  }
0xb5: {  	s6 =	sshll.u32 s26, $0x1;
	_ =	strace $0x80000055;
	[dreg:$0x1] =	wrdreg $0xFFFFFFFF  }
0xb6: {  	s28 =	simm.s32 $_size_execute0_lowered;
	s4 =	sadd.s32 s4, s6;
	[dreg:$0x0] =	wrdreg $0x0  }
0xb7: {  	s6 =	sshll.u32 s28, $0x1;
	[dreg:$0x2] =	wrdreg s4  }
0xb8: {  	[dreg:$0x3] =	wrdreg s6  }
0xb9: {  	[dreg:$0x4] =	wrdreg $0xC0  }
0xba: {  	_ =	task [dreg:s22], $0x5FFFF  }
0xbb: {  	[dreg:$0x1] =	wrdreg $0xFFFFFFFF  }
0xbc: {  	[dreg:$0x0] =	wrdreg $0x60  }
0xbd: {  	[dreg:$0x2] =	wrdreg s24  }
0xbe: {  	[dreg:$0x3] =	wrdreg s18  }
0xbf: {  	[dreg:$0x4] =	wrdreg $0x90000  }
0xc0: {  	[dreg:$0x5] =	wrdreg $0xC  }
0xc1: {  	_ =	task.clear_ibuf [dreg:s22], $0x6FFFF;
	_ =	strace $0x90000055  }
0xc2: {  	s29 =	simm.s32 $0xC;
	_ =	strace $0x80000057  }
0xc3: {  	_ =	swait.ge [sflag:s29], $0x1  }
0xc4: {  	[sflag:s29] =	ssyncadd.s32 $0xFFFFFFFF  }
0xc5: {  	_ =	strace $0x90000057  }
0xc6: {  	_ =	sfence  }
0xc7: {  	s30 =	sld [smem:$0x0];
	_ =	sdelay $0x2  }
0xc8: {  	s31 =	sshll.u32 s1, $0xD;
	s1 =	sshrl.u32 s1, $0x2  }
0xc9: {  	s4 =	sand.u32 $0x4000, s31;
	s1 =	sadd.s32 s1, s30  }
0xca: {  	s0 =	sor.u32 s4, s0;
	s1 =	sshll.u32 s1, $0x11  }
0xcb: {  	s0 =	sor.u32 s1, s0  }
0xcc: {  	s0 =	sadd.s32 $0x8F2B, s0  }
0xcd: {  	[sflag:s0] =	ssyncadd.remote.s32 $0x1  }
0xce: {  	_ =	sfence.sel $0xFFFF  }
0xcf: {  	[dreg:$0x0] =	wrdreg $0xFFFFFFFF;
	(pc) =	sbr.abs _section_cstart, $3  }
0xd0: {  	[dreg:$0x1] =	wrdreg $0xFFFFFFFF  }
0xd1: {  	_ =	task.clear_ibuf [dreg:s22], $0x2FFFF;
	_ =	strace $0x9FFFFFFF  }
0xd2: {  	(tm) =	ssettm $0x7FFFFFFF  }
0xd3: {  	_ =	shalt  }
tec
execute0_lowered:
.L_overlay_start_1:
0x0: {  	(tag) =	ssettag $0x1  }
0x1: {  	s5 =	rddreg [dreg:$0x0]  }
0x2: {  	s7 =	rddreg [dreg:$0x1]  }
0x3: {  	s0 =	srdreg.scid;
	s2 =	rddreg [dreg:$0x2]  }
0x4: {  	s3 =	simm.s32 $0x0;
	s6 =	sand.u32 $0x1, s0;
	s0 =	stileid.u32  }
0x5: {  	s15 =	simm.s32 $0x5000;
	s16 =	simm.s32 $0x1;
	s9 =	smul.u32 $0x2780, s0  }
0x6: {  	s17 =	simm.s32 $0x0;
	[smem:$0x7FF] =	sst s3;
	s10 =	smul.u32 $0x27800, s6  }
0x7: {  	s1 =	sshll.u32 s6, $0x4;
	s6 =	ssub.s32 $0x2, s6;
	s12 =	smul.u32 $0x4F000, s0  }
0x8: {  	s31 =	sshll.u32 s0, $0x6;
	s4 =	sor.u32 s0, s1;
	s1 =	rddreg [dreg:$0x3]  }
0x9: {  	_ =	strace $0x80000056;
	s30 =	sshrl.u32 s6, $0x1;
	s8 =	smul.u32 $0x500, s4  }
0xa: {  	s4 =	sadd.s32 $0xC8E00, s5;
	s13 =	sadd.s32 s9, s5;
	s9 =	sadd.s32 s9, s10  }
0xb: {  	s10 =	ssub.s32 s6, s30;
	s12 =	sshrl.u32 s12, $0x2;
	s9 =	sadd.s32 s9, s5  }
0xc: {  	s14 =	sadd.s32 s12, s2;
	s12 =	sor.u32 $0x1C02, s31;
	s11 =	sadd.s32 s8, s5  }
0xd: {  	s5 =	sadd.s32 s7, s8;
	s7 =	sadd.s32 $0x18E600, s13;
	s8 =	sadd.s32 $0x1B5E00, s9  }
0xe: {  	s9 =	smax.u32 s10, $0x1;
	s10 =	simm.s32 $0x2;
	s13 =	sshrl.u32 s14, $0x3  }
0xf: {  	s14 =	simm.s32 $0x80;
	s6 =	sadd.s32 $0xBE00, s11;
	s11 =	simm.s32 $0x2800  }
.LBB2_1:
0x10: {  	[tilespmem:s3], [sflag:$0x2] =	stream.linear.gather [hbm4b:s5+s3], $0x2780, $0x38;
	[tilespmem:$0x1CC00] =	vst v63  }
0x11: {  	_ =	swait.ge [sflag:s10], $0x2780  }
0x12: {  	[sflag:s10] =	ssyncset.done $0x0  }
0x13: {  	[sflag:s10] =	ssyncadd.s32 $0xFFFFD880  }
0x14: {  	[tilespmem:s11], [sflag:$0x2] =	stream.linear.gather [hbm4b:s6+s3], $0x2780, $0x38;
	[tilespmem:$0x1CC00] =	vst v63  }
0x15: {  	_ =	swait.ge [sflag:s10], $0x2780  }
0x16: {  	[sflag:s10] =	ssyncset.done $0x0  }
0x17: {  	[sflag:s10] =	ssyncadd.s32 $0xFFFFD880  }
0x18: {  	[spmem:s13], [sflag:s12] =	dma.local [hbm:s7], $0x2780  }
0x19: {  	_ =	swait.ge [sflag:s10], $0x2780  }
0x1a: {  	[sflag:s10] =	ssyncset.done $0x0  }
0x1b: {  	[sflag:s10] =	ssyncadd.s32 $0xFFFFD880  }
0x1c: {  	s18 =	simm.s32 $0x0;
	[bflag:$0x0] =	sbarrier.arrive $0xFFFF  }
0x1d: {  	[tilespmem:s15], [sflag:$0x1] =	stream.indirect.gather [hbm4b:s4+s14], $0x80, s18, s14, $0xb8;
	[tilespmem:$0x1CC00] =	vst v63  }
0x1e: {  	_ =	swait.ge [sflag:s16], $0x4000  }
0x1f: {  	[sflag:s16] =	ssyncset.done $0x0  }
0x20: {  	s31 =	simm.s32 $0x2800;
	[sflag:s16] =	ssyncadd.s32 $0xFFFFC000  }
0x21: {  	[spmem:s2] =	stream.indirect.scatter.add.f32 [tilespmem:s15], [sflag:$0x2], $0x80, s31, s14, $0xb8;
	[tilespmem:$0x1CC00] =	vst v63  }
0x22: {  	_ =	swait.ge [sflag:s10], $0x4000  }
0x23: {  	s19 =	simm.s32 $0x400;
	s18 =	simm.s32 $0x200;
	[sflag:s10] =	ssyncset.done $0x0  }
.LBB2_2:
0x24: {  	s20 =	sshra.s32 s18, $0x2  }
0x25: {  	[sflag:s10] =	ssyncadd.s32 $0xFFFFC000;
	s18 =	smov.u32 s19;
	s21 =	sadd.s32 $0x200, s19  }
0x26: {  	[tilespmem:s15], [sflag:$0x1] =	stream.indirect.gather [hbm4b:s4+s14], $0x80, s20, s14, $0xb8;
	[tilespmem:$0x1CC00] =	vst v63  }
0x27: {  	p0 =	sne.s32 s19, $0x9C00;
	_ =	swait.ge [sflag:s16], $0x4000  }
.Ltmp0:
0x28: {  	[sflag:s16] =	ssyncset.done $0x0;
	(pc) =	sbr.rel @p0 .LBB2_2-.Ltmp0, $4  }
0x29: {  	s19 =	sadd.s32 $0x2800, s20;
	[sflag:s16] =	ssyncadd.s32 $0xFFFFC000  }
0x2a: {  	[spmem:s2] =	stream.indirect.scatter.add.f32 [tilespmem:s15], [sflag:$0x2], $0x80, s19, s14, $0xb8;
	[tilespmem:$0x1CC00] =	vst v63  }
0x2b: {  	_ =	swait.ge [sflag:s10], $0x4000  }
0x2c: {  	s19 =	smov.u32 s21;
	[sflag:s10] =	ssyncset.done $0x0  }
0x2d: {  	s18 =	sshra.s32 s18, $0x2;
	[sflag:s10] =	ssyncadd.s32 $0xFFFFC000  }
0x2e: {  	[tilespmem:s15], [sflag:$0x1] =	stream.indirect.gather [hbm4b:s4+s14], $0x80, s18, s14, $0xb8;
	[tilespmem:$0x1CC00] =	vst v63  }
0x2f: {  	_ =	swait.ge [sflag:s16], $0x4000  }
0x30: {  	[sflag:s16] =	ssyncset.done $0x0  }
0x31: {  	s18 =	sadd.s32 $0x2800, s18;
	[sflag:s16] =	ssyncadd.s32 $0xFFFFC000  }
0x32: {  	[spmem:s2] =	stream.indirect.scatter.add.f32 [tilespmem:s15], [sflag:$0x2], $0x80, s18, s14, $0xb8;
	[tilespmem:$0x1CC00] =	vst v63  }
0x33: {  	_ =	swait.ge [sflag:s10], $0x4000  }
0x34: {  	s17 =	sadd.s32 $0x1, s17;
	[sflag:s10] =	ssyncset.done $0x0  }
0x35: {  	p0 =	sne.s32 s17, s9;
	[sflag:s10] =	ssyncadd.s32 $0xFFFFC000  }
.Ltmp1:
0x36: {  	[bflag:$0x0] =	sbarrier.arrive $0xFFFF;
	(pc) =	sbr.rel @p0 .LBB2_1-.Ltmp1, $4  }
0x37: {  	[hbm:s8], [sflag:s12] =	dma.local [spmem:s13], $0x2780  }
0x38: {  	_ =	swait.ge [sflag:s10], $0x2780  }
0x39: {  	[sflag:s10] =	ssyncset.done $0x0  }
0x3a: {  	[sflag:s10] =	ssyncadd.s32 $0xFFFFD880  }
0x3b: {  	_ =	sfence.sel $0x180000  }
0x3c: {  	[bflag:$0x0] =	sbarrier.arrive $0xFFFF  }
0x3d: {  	p0 =	sne.s32 s0, $0x0;
	_ =	strace $0x90000056  }
0x3e: {  	s0 =	sadd.s32 @!p0 $0x100000, s1;
	[bflag:$0x2] =	sbarrier.arrive $0xFFFF  }
0x3f: {  	[sflag:s0] =	ssyncadd.tile.s32 @!p0 $0x1;
	_ =	shalt  }
.Lfunc_end2:
_tile_overlayer_lowered:
.L_overlay_start_2:
0x40: {  	(tag) =	ssettag $0x2  }
0x41: {  	s0 =	rddreg [dreg:$0x0];
	s2 =	stileid.u32  }
0x42: {  	s1 =	rddreg [dreg:$0x1];
	p0 =	sne.s32 s2, $0x0  }
0x43: {  	s3 =	rddreg [dreg:$0x2];
	[bflag:$0x3] =	sbarrier.arrive $0xFFFF;
	s2 =	simm.s32 @!p0 $0x1C02  }
0x44: {  	[timem:s3], [sflag:s2] =	dma.local @!p0 [hbm:s0], s1  }
0x45: {  	s0 =	simm.s32 @!p0 $0x2  }
0x46: {  	_ =	swait.ge @!p0 [sflag:s0], s1  }
0x47: {  	s1 =	ssub.s32 @!p0 $0x0, s1;
	[sflag:s0] =	ssyncset.done @!p0 $0x0  }
0x48: {  	[sflag:s0] =	ssyncadd.s32 @!p0 s1  }
0x49: {  	[bflag:$0x3] =	sbarrier.arrive $0xFFFF  }
0x4a: {  	_ =	shalt  }

// kernel: kernel.43.cloned.1.call-start
scs
__scs_entry_jumppad:
0x0: {  	(pc) =	sbr.rel $0x88, $3  }
0x1: {  	(tag) =	ssettag $0x0;
	lr =	simm.s32 $0x1  }
0x2: {  	[smem:$0x3F98] =	sst lr;
	_ =	strace $0xD0000000  }
0x3: {  	_ = 	snop  }
0x4: {  	_ = 	snop  }
0x5: {  	_ = 	snop  }
0x6: {  	_ = 	snop  }
0x7: {  	_ = 	snop  }
__scs_overlays_trampoline_lowered:
0x8: {  	[smem:$0x3FA7] =	sst s0  }
0x9: {  	[smem:$0x3FA8] =	sst s1  }
0xa: {  	[smem:$0x3FA9] =	sst s2  }
0xb: {  	[smem:$0x3FAA] =	sst s3  }
0xc: {  	[smem:$0x3FAB] =	sst s4  }
0xd: {  	[smem:$0x3FAC] =	sst s5  }
0xe: {  	[smem:$0x3FAD] =	sst s6  }
0xf: {  	[smem:$0x3FAE] =	sst s7  }
0x10: {  	[smem:$0x3FAF] =	sst s8  }
0x11: {  	[smem:$0x3FB0] =	sst s9;
	s0 =	simm.s32 @!p0 $0x0  }
0x12: {  	s1 =	sld [smem:$0x3F96];
	s0 =	simm.s32 @p0 $0x1  }
0x13: {  	[smem:$0x3FB1] =	sst s0;
	s0 =	simm.s32 @!p1 $0x0  }
0x14: {  	s2 =	sld [smem:$0x3F95];
	s0 =	simm.s32 @p1 $0x1  }
0x15: {  	[smem:$0x3FB2] =	sst s0;
	s0 =	simm.s32 @!p2 $0x0  }
0x16: {  	s3 =	sld [smem:$0x3FDB];
	s0 =	simm.s32 @p2 $0x1  }
0x17: {  	s4 =	simm.s32 $0x1BF5;
	[smem:$0x3FB4] =	sst s0  }
0x18: {  	s0 =	sld [smem:$0x3F97];
	_ =	swait.ge [sflag:s4], $0x0  }
0x19: {  	s7 =	sld [smem:$0x3F98]  }
0x1a: {  	s8 =	sadd.s32 $0xFFFFE003, lr  }
0x1b: {  	s9 =	sadd.s32 $0xFFFFFEF7, lr;
	s5 =	simm.s32 $0xFFFFFFFF;
	p2 =	slt.u32 s8, $0xFFFFF086  }
0x1c: {  	p1 =	slt.u32 s9, $0xF7A;
	s5 =	simm.s32 @!p2 $0x0  }
0x1d: {  	s5 =	simm.s32 @p1 $0x1;
	p0 =	seq.s32 s7, s2  }
0x1e: {  	s7 =	smul.u32 @!p0 $0xF7A, s2;
	p2 =	seq.s32 @!p0 s5, $0x0  }
0x1f: {  	s9 =	smul.u32 $0xF7A, s1;
	s8 =	simm.s32 @!p0 $0x1BF5;
	p2 =	por !p2, p0  }
0x20: {  	[sflag:s8] =	ssyncset.s32 @!p0 $0xFFFFF086;
	s6 =	sadd.s32 @!p0 s3, s7;
	s7 =	simm.s32 @!p0 $0x108  }
0x21: {  	s3 =	sadd.s32 s3, s9;
	s6 =	sadd.s32 @!p0 $0x88, s6;
	s7 =	simm.s32 @p2 $0x1082  }
0x22: {  	[simem:s7], [sflag:s8] =	dma.local @!p0 [hbm:s6], $0xF7A  }
0x23: {  	s9 =	sor.u32 $0xD0000000, s2;
	s6 =	simm.s32 $0x108;
	_ =	swait.ge @!p0 [sflag:s8], $0x0  }
0x24: {  	s3 =	sadd.s32 $0x88, s3;
	s6 =	simm.s32 @!p1 $0x1082;
	[sflag:s4] =	ssyncset.s32 $0xFFFFF086  }
0x25: {  	[simem:s6], [sflag:s4] =	dma.local [hbm:s3], $0xF7A  }
0x26: {  	[smem:$0x3F98] =	sst s1;
	(tag) =	ssettag s2;
	_ =	strace s9  }
0x27: {  	s1 =	sld [smem:$0x3FA8]  }
0x28: {  	s2 =	sld [smem:$0x3FA9]  }
0x29: {  	s4 =	sld [smem:$0x3FAB]  }
0x2a: {  	p0 =	seq.s32 s5, $0x0;
	s5 =	sld [smem:$0x3FAC]  }
0x2b: {  	s6 =	sld [smem:$0x3FAD]  }
0x2c: {  	s7 =	sld [smem:$0x3FAE]  }
0x2d: {  	s3 =	simm.s32 $0x108;
	s8 =	sld [smem:$0x3FAF]  }
0x2e: {  	s3 =	simm.s32 @!p0 $0x1082;
	s9 =	sld [smem:$0x3FB0]  }
0x2f: {  	lr =	sadd.s32 s0, s3;
	s0 =	sld [smem:$0x3FA7]  }
0x30: {  	s3 =	sld [smem:$0x3FAA]  }
0x31: {  	[smem:$0x3FB3] =	sst s10  }
0x32: {  	s10 =	sld [smem:$0x3FB1];
	_ =	sdelay $0x3  }
0x33: {  	p0 =	seq.s32 s10, $0x1;
	s10 =	sld [smem:$0x3FB3];
	_ =	sdelay $0x3  }
0x34: {  	[smem:$0x3FB3] =	sst s10  }
0x35: {  	s10 =	sld [smem:$0x3FB2];
	_ =	sdelay $0x3  }
0x36: {  	p1 =	seq.s32 s10, $0x1;
	s10 =	sld [smem:$0x3FB3];
	_ =	sdelay $0x3  }
0x37: {  	[smem:$0x3FB3] =	sst s10  }
0x38: {  	s10 =	sld [smem:$0x3FB4]  }
0x39: {  	_ = 	snop;
	(pc) =	sbr.ind lr, $3  }
0x3a: {  	_ = 	snop  }
0x3b: {  	_ = 	snop  }
0x3c: {  	p2 =	seq.s32 s10, $0x1;
	s10 =	sld [smem:$0x3FB3]  }
0x3d: {  	_ =	shalt  }
0x3e: {  	_ =	shalt  }
0x3f: {  	_ =	shalt  }
0x40: {  	_ =	shalt  }
0x41: {  	_ =	shalt  }
0x42: {  	_ =	shalt  }
0x43: {  	_ =	shalt  }
0x44: {  	_ =	shalt  }
0x45: {  	_ =	shalt  }
0x46: {  	_ =	shalt  }
0x47: {  	_ =	shalt  }
0x48: {  	_ =	shalt  }
0x49: {  	_ =	shalt  }
0x4a: {  	_ =	shalt  }
0x4b: {  	_ =	shalt  }
0x4c: {  	_ =	shalt  }
0x4d: {  	_ =	shalt  }
0x4e: {  	_ =	shalt  }
0x4f: {  	_ =	shalt  }
0x50: {  	_ =	shalt  }
0x51: {  	_ =	shalt  }
0x52: {  	_ =	shalt  }
0x53: {  	_ =	shalt  }
0x54: {  	_ =	shalt  }
0x55: {  	_ =	shalt  }
0x56: {  	_ =	shalt  }
0x57: {  	_ =	shalt  }
0x58: {  	_ =	shalt  }
0x59: {  	_ =	shalt  }
0x5a: {  	_ =	shalt  }
0x5b: {  	_ =	shalt  }
0x5c: {  	_ =	shalt  }
0x5d: {  	_ =	shalt  }
0x5e: {  	_ =	shalt  }
0x5f: {  	_ =	shalt  }
0x60: {  	_ =	shalt  }
0x61: {  	_ =	shalt  }
0x62: {  	_ =	shalt  }
0x63: {  	_ =	shalt  }
0x64: {  	_ =	shalt  }
0x65: {  	_ =	shalt  }
0x66: {  	_ =	shalt  }
0x67: {  	_ =	shalt  }
0x68: {  	_ =	shalt  }
0x69: {  	_ =	shalt  }
0x6a: {  	_ =	shalt  }
0x6b: {  	_ =	shalt  }
0x6c: {  	_ =	shalt  }
0x6d: {  	_ =	shalt  }
0x6e: {  	_ =	shalt  }
0x6f: {  	_ =	shalt  }
0x70: {  	_ =	shalt  }
0x71: {  	_ =	shalt  }
0x72: {  	_ =	shalt  }
0x73: {  	_ =	shalt  }
0x74: {  	_ =	shalt  }
0x75: {  	_ =	shalt  }
0x76: {  	_ =	shalt  }
0x77: {  	_ =	shalt  }
0x78: {  	_ =	shalt  }
0x79: {  	_ =	shalt  }
0x7a: {  	_ =	shalt  }
0x7b: {  	_ =	shalt  }
0x7c: {  	_ =	shalt  }
0x7d: {  	_ =	shalt  }
0x7e: {  	_ =	shalt  }
0x7f: {  	_ =	shalt  }
0x80: {  	_ =	shalt  }
0x81: {  	_ =	shalt  }
0x82: {  	_ =	shalt  }
0x83: {  	_ =	shalt  }
0x84: {  	_ =	shalt  }
0x85: {  	_ =	shalt  }
0x86: {  	_ =	shalt  }
0x87: {  	_ =	shalt  }
.Lfunc_end0:
.L_simem_size_0:
called_computation.7_lowered:
.L_overlay_start_0:
0x88: {  	s2 =	sld [smem:$0x3FD9]  }
0x89: {  	s3 =	sld [smem:$0x3FFE];
	_ =	sdelay $0x1  }
0x8a: {  	s1 =	srdreg.scid  }
0x8b: {  	s0 =	sand.u32 $0x1, s1  }
0x8c: {  	s17 =	sshll.u32 s0, $0xA;
	s2 =	sadd.s32 s3, s2  }
0x8d: {  	s2 =	sadd.s32 s2, s17  }
0x8e: {  	[smem:$0x3FBF] =	sst s2  }
0x8f: {  	_ = 	snop  }
0x90: {  	(tm) =	ssettm $0x1  }
0x91: {  	s18 =	sld [smem:$0x3FFB];
	_ =	sdelay $0x3  }
0x92: {  	_ =	strace s18  }
0x93: {  	s2 =	sld [smem:$0x3FFC];
	_ =	sdelay $0x3  }
0x94: {  	_ =	strace s2  }
0x95: {  	s2 =	sld [smem:$0x3FFD];
	_ =	sdelay $0x3  }
0x96: {  	_ =	strace s2  }
0x97: {  	_ =	strace $0x8FFFFFFF  }
0x98: {  	s19 =	sld [smem:$0x3FDB];
	_ =	sdelay $0x1  }
0x99: {  	s20 =	simm.s32 $_scs_section_size  }
0x9a: {  	s4 =	simm.s32 $_size__tile_overlayer_lowered;
	s5 =	simm.s32 $_tile_overlayer_lowered  }
0x9b: {  	s6 =	simm.s32 $0x1BFF;
	s21 =	sshll.u32 s5, $0x1;
	s3 =	sadd.s32 s20, s19  }
0x9c: {  	s22 =	simm.s32 $0x0;
	s4 =	sshll.u32 s4, $0x1;
	s5 =	sadd.s32 s21, s3  }
0x9d: {  	[timem:s22], [sflag:s6] =	dma.local [hbm:s5], s4  }
0x9e: {  	_ =	swait.ge [sflag:s6], s4  }
0x9f: {  	s4 =	ssub.s32 $0x0, s4;
	[sflag:s6] =	ssyncset.done $0x0  }
0xa0: {  	[sflag:s6] =	ssyncadd.s32 s4;
	_ =	sdelay $0x1  }
0xa1: {  	s23 =	simm.s32 $0x1B8B  }
0xa2: {  	_ =	swait.ge [sflag:s23], $0x1  }
0xa3: {  	[sflag:s23] =	ssyncset.done $0x0  }
0xa4: {  	[sflag:s23] =	ssyncadd.s32 $0xFFFFFFFF  }
0xa5: {  	s4 =	sld [smem:$0x0]  }
0xa6: {  	s5 =	sand.u32 $0xFFFFFFFE, s1  }
0xa7: {  	p0 =	sne.s32 s1, s5  }
0xa8: {  	s5 =	sshll.u32 @p0 s5, $0xE  }
0xa9: {  	s5 =	sadd.s32 @p0 $0x11B8D, s5;
	s6 =	sshll.u32 @p0 s4, $0x11  }
0xaa: {  	s5 =	sor.u32 @p0 s6, s5  }
0xab: {  	[sflag:s5] =	ssyncadd.remote.s32 @p0 $0x1;
	_ =	sdelay $0x1  }
0xac: {  	s5 =	simm.s32 @p0 $0x1B8D  }
0xad: {  	_ =	swait.eq @p0 [sflag:s5], $0x1  }
0xae: {  	[sflag:s5] =	ssyncadd.s32 @p0 $0xFFFFFFFF  }
0xaf: {  	s6 =	sshll.u32 @!p0 s1, $0xE  }
0xb0: {  	s6 =	sor.u32 @!p0 $0x4000, s6;
	s5 =	simm.s32 @!p0 $0x1B8D  }
0xb1: {  	s4 =	sshll.u32 @!p0 s4, $0x11;
	s6 =	sadd.s32 @!p0 $0x11B8D, s6;
	_ =	swait.eq @!p0 [sflag:s5], $0x1  }
0xb2: {  	s4 =	sor.u32 @!p0 s4, s6;
	[sflag:s5] =	ssyncadd.s32 @!p0 $0xFFFFFFFF  }
0xb3: {  	s25 =	simm.s32 $0x1B8E;
	s24 =	sld [smem:$0x3FFE];
	[sflag:s4] =	ssyncadd.remote.s32 @!p0 $0x1  }
0xb4: {  	s26 =	simm.s32 $execute0_lowered;
	[smem:$0x3FD2] =	sst s25  }
0xb5: {  	s5 =	sshll.u32 s26, $0x1;
	_ =	strace $0x80000064;
	[dreg:$0x1] =	wrdreg $0xFFFFFFFF  }
0xb6: {  	s28 =	simm.s32 $_size_execute0_lowered;
	s3 =	sadd.s32 s3, s5;
	[dreg:$0x0] =	wrdreg $0x0  }
0xb7: {  	s5 =	sshll.u32 s28, $0x1;
	[dreg:$0x2] =	wrdreg s3  }
0xb8: {  	[dreg:$0x3] =	wrdreg s5  }
0xb9: {  	[dreg:$0x4] =	wrdreg $0xC0  }
0xba: {  	_ =	task [dreg:s22], $0x5FFFF  }
0xbb: {  	[dreg:$0x1] =	wrdreg $0xFFFFFFFF  }
0xbc: {  	[dreg:$0x0] =	wrdreg $0x60  }
0xbd: {  	[dreg:$0x2] =	wrdreg s24  }
0xbe: {  	[dreg:$0x3] =	wrdreg $0x90000  }
0xbf: {  	[dreg:$0x4] =	wrdreg $0x9  }
0xc0: {  	_ =	task.clear_ibuf [dreg:s22], $0x5FFFF;
	_ =	strace $0x90000064  }
0xc1: {  	s29 =	simm.s32 $0x9;
	_ =	strace $0x80000066  }
0xc2: {  	_ =	swait.ge [sflag:s29], $0x1  }
0xc3: {  	[sflag:s29] =	ssyncadd.s32 $0xFFFFFFFF  }
0xc4: {  	_ =	strace $0x90000066  }
0xc5: {  	_ =	sfence  }
0xc6: {  	s30 =	sld [smem:$0x0];
	_ =	sdelay $0x2  }
0xc7: {  	s31 =	sshll.u32 s1, $0xD;
	s1 =	sshrl.u32 s1, $0x2  }
0xc8: {  	s4 =	sand.u32 $0x4000, s31;
	s1 =	sadd.s32 s1, s30  }
0xc9: {  	s0 =	sor.u32 s4, s0;
	s1 =	sshll.u32 s1, $0x11  }
0xca: {  	s0 =	sor.u32 s1, s0  }
0xcb: {  	s0 =	sadd.s32 $0x8F2B, s0  }
0xcc: {  	[sflag:s0] =	ssyncadd.remote.s32 $0x1  }
0xcd: {  	_ =	sfence.sel $0xFFFF  }
0xce: {  	[dreg:$0x0] =	wrdreg $0xFFFFFFFF;
	(pc) =	sbr.abs _section_cstart, $3  }
0xcf: {  	[dreg:$0x1] =	wrdreg $0xFFFFFFFF  }
0xd0: {  	_ =	task.clear_ibuf [dreg:s22], $0x2FFFF;
	_ =	strace $0x9FFFFFFF  }
0xd1: {  	(tm) =	ssettm $0x7FFFFFFF  }
tec
execute0_lowered:
.L_overlay_start_1:
0x0: {  	(tag) =	ssettag $0x1  }
0x1: {  	s6 =	rddreg [dreg:$0x0]  }
0x2: {  	s0 =	srdreg.scid;
	s2 =	rddreg [dreg:$0x1]  }
0x3: {  	s3 =	simm.s32 $0x0;
	s14 =	simm.s32 $0x80;
	s15 =	simm.s32 $0x5000  }
0x4: {  	s16 =	simm.s32 $0x1;
	s5 =	sand.u32 $0x1, s0;
	s0 =	stileid.u32  }
0x5: {  	s17 =	simm.s32 $0x0;
	[smem:$0x7FF] =	sst s3;
	s8 =	smul.u32 $0x2780, s0  }
0x6: {  	s1 =	sshll.u32 s5, $0x4;
	s9 =	smul.u32 $0x27800, s5;
	s5 =	ssub.s32 $0x2, s5  }
0x7: {  	s10 =	smul.u32 $0x4F000, s0;
	s12 =	sshll.u32 s0, $0x6;
	s4 =	sor.u32 s0, s1  }
0x8: {  	s1 =	rddreg [dreg:$0x2];
	_ =	strace $0x80000065;
	s31 =	sshrl.u32 s5, $0x1  }
0x9: {  	s12 =	sor.u32 $0x1C02, s12;
	s7 =	smul.u32 $0x500, s4;
	s4 =	sadd.s32 $0x2AE00, s6  }
0xa: {  	s11 =	sadd.s32 s8, s6;
	s8 =	sadd.s32 s8, s9;
	s10 =	sshrl.u32 s10, $0x2  }
0xb: {  	s9 =	ssub.s32 s5, s31;
	s8 =	sadd.s32 s8, s6;
	s13 =	sadd.s32 s10, s2  }
0xc: {  	s9 =	smax.u32 s9, $0x1;
	s10 =	simm.s32 $0x2;
	s7 =	sadd.s32 s7, s6  }
0xd: {  	s8 =	sadd.s32 $0x2A2E00, s8;
	s13 =	sshrl.u32 s13, $0x3;
	s5 =	sadd.s32 $0x16E00, s7  }
0xe: {  	s6 =	sadd.s32 $0x20E00, s7;
	s7 =	sadd.s32 $0x18E600, s11;
	s11 =	simm.s32 $0x2800  }
.LBB2_1:
0xf: {  	[tilespmem:s3], [sflag:$0x2] =	stream.linear.gather [hbm4b:s5+s3], $0x2780, $0x38;
	[tilespmem:$0x1CC00] =	vst v63  }
0x10: {  	_ =	swait.ge [sflag:s10], $0x2780  }
0x11: {  	[sflag:s10] =	ssyncset.done $0x0  }
0x12: {  	[sflag:s10] =	ssyncadd.s32 $0xFFFFD880  }
0x13: {  	[tilespmem:s11], [sflag:$0x2] =	stream.linear.gather [hbm4b:s6+s3], $0x2780, $0x38;
	[tilespmem:$0x1CC00] =	vst v63  }
0x14: {  	_ =	swait.ge [sflag:s10], $0x2780  }
0x15: {  	[sflag:s10] =	ssyncset.done $0x0  }
0x16: {  	[sflag:s10] =	ssyncadd.s32 $0xFFFFD880  }
0x17: {  	[spmem:s13], [sflag:s12] =	dma.local [hbm:s7], $0x2780  }
0x18: {  	_ =	swait.ge [sflag:s10], $0x2780  }
0x19: {  	[sflag:s10] =	ssyncset.done $0x0  }
0x1a: {  	[sflag:s10] =	ssyncadd.s32 $0xFFFFD880  }
0x1b: {  	s18 =	simm.s32 $0x0;
	[bflag:$0x0] =	sbarrier.arrive $0xFFFF  }
0x1c: {  	[tilespmem:s15], [sflag:$0x1] =	stream.indirect.gather [hbm4b:s4+s14], $0x80, s18, s14, $0xb8;
	[tilespmem:$0x1CC00] =	vst v63  }
0x1d: {  	_ =	swait.ge [sflag:s16], $0x4000  }
0x1e: {  	[sflag:s16] =	ssyncset.done $0x0  }
0x1f: {  	s31 =	simm.s32 $0x2800;
	[sflag:s16] =	ssyncadd.s32 $0xFFFFC000  }
0x20: {  	[spmem:s2] =	stream.indirect.scatter.add.f32 [tilespmem:s15], [sflag:$0x2], $0x80, s31, s14, $0xb8;
	[tilespmem:$0x1CC00] =	vst v63  }
0x21: {  	_ =	swait.ge [sflag:s10], $0x4000  }
0x22: {  	s19 =	simm.s32 $0x400;
	s18 =	simm.s32 $0x200;
	[sflag:s10] =	ssyncset.done $0x0  }
.LBB2_2:
0x23: {  	s20 =	sshra.s32 s18, $0x2  }
0x24: {  	[sflag:s10] =	ssyncadd.s32 $0xFFFFC000;
	s18 =	smov.u32 s19;
	s21 =	sadd.s32 $0x200, s19  }
0x25: {  	[tilespmem:s15], [sflag:$0x1] =	stream.indirect.gather [hbm4b:s4+s14], $0x80, s20, s14, $0xb8;
	[tilespmem:$0x1CC00] =	vst v63  }
0x26: {  	p0 =	sne.s32 s19, $0x9C00;
	_ =	swait.ge [sflag:s16], $0x4000  }
.Ltmp0:
0x27: {  	[sflag:s16] =	ssyncset.done $0x0;
	(pc) =	sbr.rel @p0 .LBB2_2-.Ltmp0, $4  }
0x28: {  	s19 =	sadd.s32 $0x2800, s20;
	[sflag:s16] =	ssyncadd.s32 $0xFFFFC000  }
0x29: {  	[spmem:s2] =	stream.indirect.scatter.add.f32 [tilespmem:s15], [sflag:$0x2], $0x80, s19, s14, $0xb8;
	[tilespmem:$0x1CC00] =	vst v63  }
0x2a: {  	_ =	swait.ge [sflag:s10], $0x4000  }
0x2b: {  	s19 =	smov.u32 s21;
	[sflag:s10] =	ssyncset.done $0x0  }
0x2c: {  	s18 =	sshra.s32 s18, $0x2;
	[sflag:s10] =	ssyncadd.s32 $0xFFFFC000  }
0x2d: {  	[tilespmem:s15], [sflag:$0x1] =	stream.indirect.gather [hbm4b:s4+s14], $0x80, s18, s14, $0xb8;
	[tilespmem:$0x1CC00] =	vst v63  }
0x2e: {  	_ =	swait.ge [sflag:s16], $0x4000  }
0x2f: {  	[sflag:s16] =	ssyncset.done $0x0  }
0x30: {  	s18 =	sadd.s32 $0x2800, s18;
	[sflag:s16] =	ssyncadd.s32 $0xFFFFC000  }
0x31: {  	[spmem:s2] =	stream.indirect.scatter.add.f32 [tilespmem:s15], [sflag:$0x2], $0x80, s18, s14, $0xb8;
	[tilespmem:$0x1CC00] =	vst v63  }
0x32: {  	_ =	swait.ge [sflag:s10], $0x4000  }
0x33: {  	s17 =	sadd.s32 $0x1, s17;
	[sflag:s10] =	ssyncset.done $0x0  }
0x34: {  	p0 =	sne.s32 s17, s9;
	[sflag:s10] =	ssyncadd.s32 $0xFFFFC000  }
.Ltmp1:
0x35: {  	[bflag:$0x0] =	sbarrier.arrive $0xFFFF;
	(pc) =	sbr.rel @p0 .LBB2_1-.Ltmp1, $4  }
0x36: {  	[hbm:s8], [sflag:s12] =	dma.local [spmem:s13], $0x2780  }
0x37: {  	_ =	swait.ge [sflag:s10], $0x2780  }
0x38: {  	[sflag:s10] =	ssyncset.done $0x0  }
0x39: {  	[sflag:s10] =	ssyncadd.s32 $0xFFFFD880  }
0x3a: {  	_ =	sfence.sel $0x180000  }
0x3b: {  	[bflag:$0x0] =	sbarrier.arrive $0xFFFF  }
0x3c: {  	p0 =	sne.s32 s0, $0x0;
	_ =	strace $0x90000065  }
0x3d: {  	s0 =	sadd.s32 @!p0 $0x100000, s1;
	[bflag:$0x2] =	sbarrier.arrive $0xFFFF  }
0x3e: {  	[sflag:s0] =	ssyncadd.tile.s32 @!p0 $0x1;
	_ =	shalt  }
.Lfunc_end2:
_tile_overlayer_lowered:
.L_overlay_start_2:
0x3f: {  	(tag) =	ssettag $0x2  }
0x40: {  	s0 =	rddreg [dreg:$0x0];
	s2 =	stileid.u32  }
0x41: {  	s1 =	rddreg [dreg:$0x1];
	p0 =	sne.s32 s2, $0x0  }
0x42: {  	s3 =	rddreg [dreg:$0x2];
	[bflag:$0x3] =	sbarrier.arrive $0xFFFF;
	s2 =	simm.s32 @!p0 $0x1C02  }
0x43: {  	[timem:s3], [sflag:s2] =	dma.local @!p0 [hbm:s0], s1  }
0x44: {  	s0 =	simm.s32 @!p0 $0x2  }
0x45: {  	_ =	swait.ge @!p0 [sflag:s0], s1  }
0x46: {  	s1 =	ssub.s32 @!p0 $0x0, s1;
	[sflag:s0] =	ssyncset.done @!p0 $0x0  }
0x47: {  	[sflag:s0] =	ssyncadd.s32 @!p0 s1  }
0x48: {  	[bflag:$0x3] =	sbarrier.arrive $0xFFFF  }
0x49: {  	_ =	shalt  }

// kernel: kernel.46.cloned.1.call-start
scs
__scs_entry_jumppad:
0x0: {  	(pc) =	sbr.rel $0x88, $3  }
0x1: {  	(tag) =	ssettag $0x0;
	lr =	simm.s32 $0x1  }
0x2: {  	[smem:$0x3F98] =	sst lr;
	_ =	strace $0xD0000000  }
0x3: {  	_ = 	snop  }
0x4: {  	_ = 	snop  }
0x5: {  	_ = 	snop  }
0x6: {  	_ = 	snop  }
0x7: {  	_ = 	snop  }
__scs_overlays_trampoline_lowered:
0x8: {  	[smem:$0x3FA7] =	sst s0  }
0x9: {  	[smem:$0x3FA8] =	sst s1  }
0xa: {  	[smem:$0x3FA9] =	sst s2  }
0xb: {  	[smem:$0x3FAA] =	sst s3  }
0xc: {  	[smem:$0x3FAB] =	sst s4  }
0xd: {  	[smem:$0x3FAC] =	sst s5  }
0xe: {  	[smem:$0x3FAD] =	sst s6  }
0xf: {  	[smem:$0x3FAE] =	sst s7  }
0x10: {  	[smem:$0x3FAF] =	sst s8  }
0x11: {  	[smem:$0x3FB0] =	sst s9;
	s0 =	simm.s32 @!p0 $0x0  }
0x12: {  	s1 =	sld [smem:$0x3F96];
	s0 =	simm.s32 @p0 $0x1  }
0x13: {  	[smem:$0x3FB1] =	sst s0;
	s0 =	simm.s32 @!p1 $0x0  }
0x14: {  	s2 =	sld [smem:$0x3F95];
	s0 =	simm.s32 @p1 $0x1  }
0x15: {  	[smem:$0x3FB2] =	sst s0;
	s0 =	simm.s32 @!p2 $0x0  }
0x16: {  	s3 =	sld [smem:$0x3FDB];
	s0 =	simm.s32 @p2 $0x1  }
0x17: {  	s4 =	simm.s32 $0x1BF5;
	[smem:$0x3FB4] =	sst s0  }
0x18: {  	s0 =	sld [smem:$0x3F97];
	_ =	swait.ge [sflag:s4], $0x0  }
0x19: {  	s7 =	sld [smem:$0x3F98]  }
0x1a: {  	s8 =	sadd.s32 $0xFFFFE003, lr  }
0x1b: {  	s9 =	sadd.s32 $0xFFFFFEF7, lr;
	s5 =	simm.s32 $0xFFFFFFFF;
	p2 =	slt.u32 s8, $0xFFFFF086  }
0x1c: {  	p1 =	slt.u32 s9, $0xF7A;
	s5 =	simm.s32 @!p2 $0x0  }
0x1d: {  	s5 =	simm.s32 @p1 $0x1;
	p0 =	seq.s32 s7, s2  }
0x1e: {  	s7 =	smul.u32 @!p0 $0xF7A, s2;
	p2 =	seq.s32 @!p0 s5, $0x0  }
0x1f: {  	s9 =	smul.u32 $0xF7A, s1;
	s8 =	simm.s32 @!p0 $0x1BF5;
	p2 =	por !p2, p0  }
0x20: {  	[sflag:s8] =	ssyncset.s32 @!p0 $0xFFFFF086;
	s6 =	sadd.s32 @!p0 s3, s7;
	s7 =	simm.s32 @!p0 $0x108  }
0x21: {  	s3 =	sadd.s32 s3, s9;
	s6 =	sadd.s32 @!p0 $0x88, s6;
	s7 =	simm.s32 @p2 $0x1082  }
0x22: {  	[simem:s7], [sflag:s8] =	dma.local @!p0 [hbm:s6], $0xF7A  }
0x23: {  	s9 =	sor.u32 $0xD0000000, s2;
	s6 =	simm.s32 $0x108;
	_ =	swait.ge @!p0 [sflag:s8], $0x0  }
0x24: {  	s3 =	sadd.s32 $0x88, s3;
	s6 =	simm.s32 @!p1 $0x1082;
	[sflag:s4] =	ssyncset.s32 $0xFFFFF086  }
0x25: {  	[simem:s6], [sflag:s4] =	dma.local [hbm:s3], $0xF7A  }
0x26: {  	[smem:$0x3F98] =	sst s1;
	(tag) =	ssettag s2;
	_ =	strace s9  }
0x27: {  	s1 =	sld [smem:$0x3FA8]  }
0x28: {  	s2 =	sld [smem:$0x3FA9]  }
0x29: {  	s4 =	sld [smem:$0x3FAB]  }
0x2a: {  	p0 =	seq.s32 s5, $0x0;
	s5 =	sld [smem:$0x3FAC]  }
0x2b: {  	s6 =	sld [smem:$0x3FAD]  }
0x2c: {  	s7 =	sld [smem:$0x3FAE]  }
0x2d: {  	s3 =	simm.s32 $0x108;
	s8 =	sld [smem:$0x3FAF]  }
0x2e: {  	s3 =	simm.s32 @!p0 $0x1082;
	s9 =	sld [smem:$0x3FB0]  }
0x2f: {  	lr =	sadd.s32 s0, s3;
	s0 =	sld [smem:$0x3FA7]  }
0x30: {  	s3 =	sld [smem:$0x3FAA]  }
0x31: {  	[smem:$0x3FB3] =	sst s10  }
0x32: {  	s10 =	sld [smem:$0x3FB1];
	_ =	sdelay $0x3  }
0x33: {  	p0 =	seq.s32 s10, $0x1;
	s10 =	sld [smem:$0x3FB3];
	_ =	sdelay $0x3  }
0x34: {  	[smem:$0x3FB3] =	sst s10  }
0x35: {  	s10 =	sld [smem:$0x3FB2];
	_ =	sdelay $0x3  }
0x36: {  	p1 =	seq.s32 s10, $0x1;
	s10 =	sld [smem:$0x3FB3];
	_ =	sdelay $0x3  }
0x37: {  	[smem:$0x3FB3] =	sst s10  }
0x38: {  	s10 =	sld [smem:$0x3FB4]  }
0x39: {  	_ = 	snop;
	(pc) =	sbr.ind lr, $3  }
0x3a: {  	_ = 	snop  }
0x3b: {  	_ = 	snop  }
0x3c: {  	p2 =	seq.s32 s10, $0x1;
	s10 =	sld [smem:$0x3FB3]  }
0x3d: {  	_ =	shalt  }
0x3e: {  	_ =	shalt  }
0x3f: {  	_ =	shalt  }
0x40: {  	_ =	shalt  }
0x41: {  	_ =	shalt  }
0x42: {  	_ =	shalt  }
0x43: {  	_ =	shalt  }
0x44: {  	_ =	shalt  }
0x45: {  	_ =	shalt  }
0x46: {  	_ =	shalt  }
0x47: {  	_ =	shalt  }
0x48: {  	_ =	shalt  }
0x49: {  	_ =	shalt  }
0x4a: {  	_ =	shalt  }
0x4b: {  	_ =	shalt  }
0x4c: {  	_ =	shalt  }
0x4d: {  	_ =	shalt  }
0x4e: {  	_ =	shalt  }
0x4f: {  	_ =	shalt  }
0x50: {  	_ =	shalt  }
0x51: {  	_ =	shalt  }
0x52: {  	_ =	shalt  }
0x53: {  	_ =	shalt  }
0x54: {  	_ =	shalt  }
0x55: {  	_ =	shalt  }
0x56: {  	_ =	shalt  }
0x57: {  	_ =	shalt  }
0x58: {  	_ =	shalt  }
0x59: {  	_ =	shalt  }
0x5a: {  	_ =	shalt  }
0x5b: {  	_ =	shalt  }
0x5c: {  	_ =	shalt  }
0x5d: {  	_ =	shalt  }
0x5e: {  	_ =	shalt  }
0x5f: {  	_ =	shalt  }
0x60: {  	_ =	shalt  }
0x61: {  	_ =	shalt  }
0x62: {  	_ =	shalt  }
0x63: {  	_ =	shalt  }
0x64: {  	_ =	shalt  }
0x65: {  	_ =	shalt  }
0x66: {  	_ =	shalt  }
0x67: {  	_ =	shalt  }
0x68: {  	_ =	shalt  }
0x69: {  	_ =	shalt  }
0x6a: {  	_ =	shalt  }
0x6b: {  	_ =	shalt  }
0x6c: {  	_ =	shalt  }
0x6d: {  	_ =	shalt  }
0x6e: {  	_ =	shalt  }
0x6f: {  	_ =	shalt  }
0x70: {  	_ =	shalt  }
0x71: {  	_ =	shalt  }
0x72: {  	_ =	shalt  }
0x73: {  	_ =	shalt  }
0x74: {  	_ =	shalt  }
0x75: {  	_ =	shalt  }
0x76: {  	_ =	shalt  }
0x77: {  	_ =	shalt  }
0x78: {  	_ =	shalt  }
0x79: {  	_ =	shalt  }
0x7a: {  	_ =	shalt  }
0x7b: {  	_ =	shalt  }
0x7c: {  	_ =	shalt  }
0x7d: {  	_ =	shalt  }
0x7e: {  	_ =	shalt  }
0x7f: {  	_ =	shalt  }
0x80: {  	_ =	shalt  }
0x81: {  	_ =	shalt  }
0x82: {  	_ =	shalt  }
0x83: {  	_ =	shalt  }
0x84: {  	_ =	shalt  }
0x85: {  	_ =	shalt  }
0x86: {  	_ =	shalt  }
0x87: {  	_ =	shalt  }
.Lfunc_end0:
.L_simem_size_0:
called_computation.8_lowered:
.L_overlay_start_0:
0x88: {  	s2 =	sld [smem:$0x3FD9]  }
0x89: {  	s3 =	sld [smem:$0x3FFE];
	_ =	sdelay $0x1  }
0x8a: {  	s1 =	srdreg.scid  }
0x8b: {  	s0 =	sand.u32 $0x1, s1  }
0x8c: {  	s17 =	sshll.u32 s0, $0xA;
	s2 =	sadd.s32 s3, s2  }
0x8d: {  	s2 =	sadd.s32 s2, s17  }
0x8e: {  	[smem:$0x3FBF] =	sst s2  }
0x8f: {  	_ = 	snop  }
0x90: {  	s18 =	sld [smem:$0x3FD0];
	(tm) =	ssettm $0x1  }
0x91: {  	s19 =	sld [smem:$0x3FFB];
	_ =	sdelay $0x3  }
0x92: {  	_ =	strace s19  }
0x93: {  	s2 =	sld [smem:$0x3FFC];
	_ =	sdelay $0x3  }
0x94: {  	_ =	strace s2  }
0x95: {  	s2 =	sld [smem:$0x3FFD];
	_ =	sdelay $0x3  }
0x96: {  	_ =	strace s2  }
0x97: {  	_ =	strace $0x8FFFFFFF  }
0x98: {  	s20 =	sld [smem:$0x3FDB];
	_ =	sdelay $0x1  }
0x99: {  	s4 =	simm.s32 $_scs_section_size  }
0x9a: {  	s5 =	simm.s32 $_size__tile_overlayer_lowered;
	s6 =	simm.s32 $_tile_overlayer_lowered  }
0x9b: {  	s7 =	simm.s32 $0x1BFF;
	s21 =	sshll.u32 s6, $0x1;
	s4 =	sadd.s32 s4, s20  }
0x9c: {  	s22 =	simm.s32 $0x0;
	s5 =	sshll.u32 s5, $0x1;
	s6 =	sadd.s32 s21, s4  }
0x9d: {  	[timem:s22], [sflag:s7] =	dma.local [hbm:s6], s5  }
0x9e: {  	_ =	swait.ge [sflag:s7], s5  }
0x9f: {  	s5 =	ssub.s32 $0x0, s5;
	[sflag:s7] =	ssyncset.done $0x0  }
0xa0: {  	[sflag:s7] =	ssyncadd.s32 s5;
	_ =	sdelay $0x1  }
0xa1: {  	s23 =	simm.s32 $0x1B8B  }
0xa2: {  	_ =	swait.ge [sflag:s23], $0x1  }
0xa3: {  	[sflag:s23] =	ssyncset.done $0x0  }
0xa4: {  	[sflag:s23] =	ssyncadd.s32 $0xFFFFFFFF  }
0xa5: {  	s5 =	sld [smem:$0x0]  }
0xa6: {  	s6 =	sand.u32 $0xFFFFFFFE, s1  }
0xa7: {  	p0 =	sne.s32 s1, s6  }
0xa8: {  	s6 =	sshll.u32 @p0 s6, $0xE  }
0xa9: {  	s6 =	sadd.s32 @p0 $0x11B8D, s6;
	s7 =	sshll.u32 @p0 s5, $0x11  }
0xaa: {  	s6 =	sor.u32 @p0 s7, s6  }
0xab: {  	[sflag:s6] =	ssyncadd.remote.s32 @p0 $0x1;
	_ =	sdelay $0x1  }
0xac: {  	s6 =	simm.s32 @p0 $0x1B8D  }
0xad: {  	_ =	swait.eq @p0 [sflag:s6], $0x1  }
0xae: {  	[sflag:s6] =	ssyncadd.s32 @p0 $0xFFFFFFFF  }
0xaf: {  	s7 =	sshll.u32 @!p0 s1, $0xE  }
0xb0: {  	s7 =	sor.u32 @!p0 $0x4000, s7;
	s6 =	simm.s32 @!p0 $0x1B8D  }
0xb1: {  	s5 =	sshll.u32 @!p0 s5, $0x11;
	s7 =	sadd.s32 @!p0 $0x11B8D, s7;
	_ =	swait.eq @!p0 [sflag:s6], $0x1  }
0xb2: {  	s5 =	sor.u32 @!p0 s5, s7;
	[sflag:s6] =	ssyncadd.s32 @!p0 $0xFFFFFFFF  }
0xb3: {  	s25 =	simm.s32 $0x1B8E;
	s24 =	sld [smem:$0x3FFE];
	[sflag:s5] =	ssyncadd.remote.s32 @!p0 $0x1  }
0xb4: {  	s26 =	simm.s32 $execute0_lowered;
	[smem:$0x3FD2] =	sst s25  }
0xb5: {  	s6 =	sshll.u32 s26, $0x1;
	_ =	strace $0x80000061;
	[dreg:$0x1] =	wrdreg $0xFFFFFFFF  }
0xb6: {  	s28 =	simm.s32 $_size_execute0_lowered;
	s4 =	sadd.s32 s4, s6;
	[dreg:$0x0] =	wrdreg $0x0  }
0xb7: {  	s6 =	sshll.u32 s28, $0x1;
	[dreg:$0x2] =	wrdreg s4  }
0xb8: {  	[dreg:$0x3] =	wrdreg s6  }
0xb9: {  	[dreg:$0x4] =	wrdreg $0xC0  }
0xba: {  	_ =	task [dreg:s22], $0x5FFFF  }
0xbb: {  	[dreg:$0x1] =	wrdreg $0xFFFFFFFF  }
0xbc: {  	[dreg:$0x0] =	wrdreg $0x60  }
0xbd: {  	[dreg:$0x2] =	wrdreg s24  }
0xbe: {  	[dreg:$0x3] =	wrdreg s18  }
0xbf: {  	[dreg:$0x4] =	wrdreg $0x90000  }
0xc0: {  	[dreg:$0x5] =	wrdreg $0xA  }
0xc1: {  	_ =	task.clear_ibuf [dreg:s22], $0x6FFFF;
	_ =	strace $0x90000061  }
0xc2: {  	s29 =	simm.s32 $0xA;
	_ =	strace $0x80000063  }
0xc3: {  	_ =	swait.ge [sflag:s29], $0x1  }
0xc4: {  	[sflag:s29] =	ssyncadd.s32 $0xFFFFFFFF  }
0xc5: {  	_ =	strace $0x90000063  }
0xc6: {  	_ =	sfence  }
0xc7: {  	s30 =	sld [smem:$0x0];
	_ =	sdelay $0x2  }
0xc8: {  	s31 =	sshll.u32 s1, $0xD;
	s1 =	sshrl.u32 s1, $0x2  }
0xc9: {  	s4 =	sand.u32 $0x4000, s31;
	s1 =	sadd.s32 s1, s30  }
0xca: {  	s0 =	sor.u32 s4, s0;
	s1 =	sshll.u32 s1, $0x11  }
0xcb: {  	s0 =	sor.u32 s1, s0  }
0xcc: {  	s0 =	sadd.s32 $0x8F2B, s0  }
0xcd: {  	[sflag:s0] =	ssyncadd.remote.s32 $0x1  }
0xce: {  	_ =	sfence.sel $0xFFFF  }
0xcf: {  	[dreg:$0x0] =	wrdreg $0xFFFFFFFF;
	(pc) =	sbr.abs _section_cstart, $3  }
0xd0: {  	[dreg:$0x1] =	wrdreg $0xFFFFFFFF  }
0xd1: {  	_ =	task.clear_ibuf [dreg:s22], $0x2FFFF;
	_ =	strace $0x9FFFFFFF  }
0xd2: {  	(tm) =	ssettm $0x7FFFFFFF  }
0xd3: {  	_ =	shalt  }
tec
execute0_lowered:
.L_overlay_start_1:
0x0: {  	(tag) =	ssettag $0x1  }
0x1: {  	s5 =	rddreg [dreg:$0x0]  }
0x2: {  	s6 =	rddreg [dreg:$0x1]  }
0x3: {  	s0 =	srdreg.scid;
	s2 =	rddreg [dreg:$0x2]  }
0x4: {  	s1 =	stileid.u32;
	s3 =	simm.s32 $0x0;
	s15 =	simm.s32 $0x5000  }
0x5: {  	s16 =	simm.s32 $0x1;
	s7 =	sand.u32 $0x1, s0;
	s0 =	rddreg [dreg:$0x3]  }
0x6: {  	s17 =	simm.s32 $0x0;
	[smem:$0x7FF] =	sst s3;
	s9 =	smul.u32 $0x2780, s1  }
0x7: {  	s12 =	smul.u32 $0x4F000, s1;
	s31 =	sshll.u32 s1, $0x6;
	s4 =	sshll.u32 s7, $0x4  }
0x8: {  	_ =	strace $0x80000062;
	s10 =	smul.u32 $0x27800, s7;
	s7 =	ssub.s32 $0x2, s7  }
0x9: {  	s4 =	sor.u32 s1, s4;
	s13 =	sadd.s32 s9, s5;
	s29 =	sshrl.u32 s7, $0x1  }
0xa: {  	s30 =	sshrl.u32 s12, $0x2;
	s12 =	sor.u32 $0x1C02, s31;
	s8 =	smul.u32 $0x500, s4  }
0xb: {  	s4 =	sadd.s32 $0x117E00, s5;
	s9 =	sadd.s32 s9, s10;
	s10 =	ssub.s32 s7, s29  }
0xc: {  	s14 =	sadd.s32 s30, s2;
	s7 =	sadd.s32 $0x18E600, s13;
	s9 =	sadd.s32 s9, s5  }
0xd: {  	s13 =	sshrl.u32 s14, $0x3;
	s14 =	simm.s32 $0x80;
	s11 =	sadd.s32 s8, s5  }
0xe: {  	s5 =	sadd.s32 s6, s8;
	s8 =	sadd.s32 $0x253E00, s9;
	s9 =	smax.u32 s10, $0x1  }
0xf: {  	s10 =	simm.s32 $0x2;
	s6 =	sadd.s32 $0xBE00, s11;
	s11 =	simm.s32 $0x2800  }
.LBB2_1:
0x10: {  	[tilespmem:s3], [sflag:$0x2] =	stream.linear.gather [hbm4b:s5+s3], $0x2780, $0x38;
	[tilespmem:$0x1CC00] =	vst v63  }
0x11: {  	_ =	swait.ge [sflag:s10], $0x2780  }
0x12: {  	[sflag:s10] =	ssyncset.done $0x0  }
0x13: {  	[sflag:s10] =	ssyncadd.s32 $0xFFFFD880  }
0x14: {  	[tilespmem:s11], [sflag:$0x2] =	stream.linear.gather [hbm4b:s6+s3], $0x2780, $0x38;
	[tilespmem:$0x1CC00] =	vst v63  }
0x15: {  	_ =	swait.ge [sflag:s10], $0x2780  }
0x16: {  	[sflag:s10] =	ssyncset.done $0x0  }
0x17: {  	[sflag:s10] =	ssyncadd.s32 $0xFFFFD880  }
0x18: {  	[spmem:s13], [sflag:s12] =	dma.local [hbm:s7], $0x2780  }
0x19: {  	_ =	swait.ge [sflag:s10], $0x2780  }
0x1a: {  	[sflag:s10] =	ssyncset.done $0x0  }
0x1b: {  	[sflag:s10] =	ssyncadd.s32 $0xFFFFD880  }
0x1c: {  	s18 =	simm.s32 $0x0;
	[bflag:$0x0] =	sbarrier.arrive $0xFFFF  }
0x1d: {  	[tilespmem:s15], [sflag:$0x1] =	stream.indirect.gather [hbm4b:s4+s14], $0x80, s18, s14, $0xb8;
	[tilespmem:$0x1CC00] =	vst v63  }
0x1e: {  	_ =	swait.ge [sflag:s16], $0x4000  }
0x1f: {  	[sflag:s16] =	ssyncset.done $0x0  }
0x20: {  	s31 =	simm.s32 $0x2800;
	[sflag:s16] =	ssyncadd.s32 $0xFFFFC000  }
0x21: {  	[spmem:s2] =	stream.indirect.scatter.add.f32 [tilespmem:s15], [sflag:$0x2], $0x80, s31, s14, $0xb8;
	[tilespmem:$0x1CC00] =	vst v63  }
0x22: {  	_ =	swait.ge [sflag:s10], $0x4000  }
0x23: {  	s19 =	simm.s32 $0x400;
	s18 =	simm.s32 $0x200;
	[sflag:s10] =	ssyncset.done $0x0  }
.LBB2_2:
0x24: {  	s20 =	sshra.s32 s18, $0x2  }
0x25: {  	[sflag:s10] =	ssyncadd.s32 $0xFFFFC000;
	s18 =	smov.u32 s19;
	s21 =	sadd.s32 $0x200, s19  }
0x26: {  	[tilespmem:s15], [sflag:$0x1] =	stream.indirect.gather [hbm4b:s4+s14], $0x80, s20, s14, $0xb8;
	[tilespmem:$0x1CC00] =	vst v63  }
0x27: {  	p0 =	sne.s32 s19, $0x9C00;
	_ =	swait.ge [sflag:s16], $0x4000  }
.Ltmp0:
0x28: {  	[sflag:s16] =	ssyncset.done $0x0;
	(pc) =	sbr.rel @p0 .LBB2_2-.Ltmp0, $4  }
0x29: {  	s19 =	sadd.s32 $0x2800, s20;
	[sflag:s16] =	ssyncadd.s32 $0xFFFFC000  }
0x2a: {  	[spmem:s2] =	stream.indirect.scatter.add.f32 [tilespmem:s15], [sflag:$0x2], $0x80, s19, s14, $0xb8;
	[tilespmem:$0x1CC00] =	vst v63  }
0x2b: {  	_ =	swait.ge [sflag:s10], $0x4000  }
0x2c: {  	s19 =	smov.u32 s21;
	[sflag:s10] =	ssyncset.done $0x0  }
0x2d: {  	s18 =	sshra.s32 s18, $0x2;
	[sflag:s10] =	ssyncadd.s32 $0xFFFFC000  }
0x2e: {  	[tilespmem:s15], [sflag:$0x1] =	stream.indirect.gather [hbm4b:s4+s14], $0x80, s18, s14, $0xb8;
	[tilespmem:$0x1CC00] =	vst v63  }
0x2f: {  	_ =	swait.ge [sflag:s16], $0x4000  }
0x30: {  	[sflag:s16] =	ssyncset.done $0x0  }
0x31: {  	s18 =	sadd.s32 $0x2800, s18;
	[sflag:s16] =	ssyncadd.s32 $0xFFFFC000  }
0x32: {  	[spmem:s2] =	stream.indirect.scatter.add.f32 [tilespmem:s15], [sflag:$0x2], $0x80, s18, s14, $0xb8;
	[tilespmem:$0x1CC00] =	vst v63  }
0x33: {  	_ =	swait.ge [sflag:s10], $0x4000  }
0x34: {  	s17 =	sadd.s32 $0x1, s17;
	[sflag:s10] =	ssyncset.done $0x0  }
0x35: {  	p0 =	sne.s32 s17, s9;
	[sflag:s10] =	ssyncadd.s32 $0xFFFFC000  }
.Ltmp1:
0x36: {  	[bflag:$0x0] =	sbarrier.arrive $0xFFFF;
	(pc) =	sbr.rel @p0 .LBB2_1-.Ltmp1, $4  }
0x37: {  	[hbm:s8], [sflag:s12] =	dma.local [spmem:s13], $0x2780  }
0x38: {  	_ =	swait.ge [sflag:s10], $0x2780  }
0x39: {  	[sflag:s10] =	ssyncset.done $0x0  }
0x3a: {  	[sflag:s10] =	ssyncadd.s32 $0xFFFFD880  }
0x3b: {  	_ =	sfence.sel $0x180000  }
0x3c: {  	[bflag:$0x0] =	sbarrier.arrive $0xFFFF  }
0x3d: {  	p0 =	sne.s32 s1, $0x0;
	_ =	strace $0x90000062  }
0x3e: {  	s0 =	sadd.s32 @!p0 $0x100000, s0;
	[bflag:$0x2] =	sbarrier.arrive $0xFFFF  }
0x3f: {  	[sflag:s0] =	ssyncadd.tile.s32 @!p0 $0x1;
	_ =	shalt  }
.Lfunc_end2:
_tile_overlayer_lowered:
.L_overlay_start_2:
0x40: {  	(tag) =	ssettag $0x2  }
0x41: {  	s0 =	rddreg [dreg:$0x0];
	s2 =	stileid.u32  }
0x42: {  	s1 =	rddreg [dreg:$0x1];
	p0 =	sne.s32 s2, $0x0  }
0x43: {  	s3 =	rddreg [dreg:$0x2];
	[bflag:$0x3] =	sbarrier.arrive $0xFFFF;
	s2 =	simm.s32 @!p0 $0x1C02  }
0x44: {  	[timem:s3], [sflag:s2] =	dma.local @!p0 [hbm:s0], s1  }
0x45: {  	s0 =	simm.s32 @!p0 $0x2  }
0x46: {  	_ =	swait.ge @!p0 [sflag:s0], s1  }
0x47: {  	s1 =	ssub.s32 @!p0 $0x0, s1;
	[sflag:s0] =	ssyncset.done @!p0 $0x0  }
0x48: {  	[sflag:s0] =	ssyncadd.s32 @!p0 s1  }
0x49: {  	[bflag:$0x3] =	sbarrier.arrive $0xFFFF  }
0x4a: {  	_ =	shalt  }

// kernel: kernel.49.cloned.1.call-start
scs
__scs_entry_jumppad:
0x0: {  	(pc) =	sbr.rel $0x88, $3  }
0x1: {  	(tag) =	ssettag $0x0;
	lr =	simm.s32 $0x1  }
0x2: {  	[smem:$0x3F98] =	sst lr;
	_ =	strace $0xD0000000  }
0x3: {  	_ = 	snop  }
0x4: {  	_ = 	snop  }
0x5: {  	_ = 	snop  }
0x6: {  	_ = 	snop  }
0x7: {  	_ = 	snop  }
__scs_overlays_trampoline_lowered:
0x8: {  	[smem:$0x3FA7] =	sst s0  }
0x9: {  	[smem:$0x3FA8] =	sst s1  }
0xa: {  	[smem:$0x3FA9] =	sst s2  }
0xb: {  	[smem:$0x3FAA] =	sst s3  }
0xc: {  	[smem:$0x3FAB] =	sst s4  }
0xd: {  	[smem:$0x3FAC] =	sst s5  }
0xe: {  	[smem:$0x3FAD] =	sst s6  }
0xf: {  	[smem:$0x3FAE] =	sst s7  }
0x10: {  	[smem:$0x3FAF] =	sst s8  }
0x11: {  	[smem:$0x3FB0] =	sst s9;
	s0 =	simm.s32 @!p0 $0x0  }
0x12: {  	s1 =	sld [smem:$0x3F96];
	s0 =	simm.s32 @p0 $0x1  }
0x13: {  	[smem:$0x3FB1] =	sst s0;
	s0 =	simm.s32 @!p1 $0x0  }
0x14: {  	s2 =	sld [smem:$0x3F95];
	s0 =	simm.s32 @p1 $0x1  }
0x15: {  	[smem:$0x3FB2] =	sst s0;
	s0 =	simm.s32 @!p2 $0x0  }
0x16: {  	s3 =	sld [smem:$0x3FDB];
	s0 =	simm.s32 @p2 $0x1  }
0x17: {  	s4 =	simm.s32 $0x1BF5;
	[smem:$0x3FB4] =	sst s0  }
0x18: {  	s0 =	sld [smem:$0x3F97];
	_ =	swait.ge [sflag:s4], $0x0  }
0x19: {  	s7 =	sld [smem:$0x3F98]  }
0x1a: {  	s8 =	sadd.s32 $0xFFFFE003, lr  }
0x1b: {  	s9 =	sadd.s32 $0xFFFFFEF7, lr;
	s5 =	simm.s32 $0xFFFFFFFF;
	p2 =	slt.u32 s8, $0xFFFFF086  }
0x1c: {  	p1 =	slt.u32 s9, $0xF7A;
	s5 =	simm.s32 @!p2 $0x0  }
0x1d: {  	s5 =	simm.s32 @p1 $0x1;
	p0 =	seq.s32 s7, s2  }
0x1e: {  	s7 =	smul.u32 @!p0 $0xF7A, s2;
	p2 =	seq.s32 @!p0 s5, $0x0  }
0x1f: {  	s9 =	smul.u32 $0xF7A, s1;
	s8 =	simm.s32 @!p0 $0x1BF5;
	p2 =	por !p2, p0  }
0x20: {  	[sflag:s8] =	ssyncset.s32 @!p0 $0xFFFFF086;
	s6 =	sadd.s32 @!p0 s3, s7;
	s7 =	simm.s32 @!p0 $0x108  }
0x21: {  	s3 =	sadd.s32 s3, s9;
	s6 =	sadd.s32 @!p0 $0x88, s6;
	s7 =	simm.s32 @p2 $0x1082  }
0x22: {  	[simem:s7], [sflag:s8] =	dma.local @!p0 [hbm:s6], $0xF7A  }
0x23: {  	s9 =	sor.u32 $0xD0000000, s2;
	s6 =	simm.s32 $0x108;
	_ =	swait.ge @!p0 [sflag:s8], $0x0  }
0x24: {  	s3 =	sadd.s32 $0x88, s3;
	s6 =	simm.s32 @!p1 $0x1082;
	[sflag:s4] =	ssyncset.s32 $0xFFFFF086  }
0x25: {  	[simem:s6], [sflag:s4] =	dma.local [hbm:s3], $0xF7A  }
0x26: {  	[smem:$0x3F98] =	sst s1;
	(tag) =	ssettag s2;
	_ =	strace s9  }
0x27: {  	s1 =	sld [smem:$0x3FA8]  }
0x28: {  	s2 =	sld [smem:$0x3FA9]  }
0x29: {  	s4 =	sld [smem:$0x3FAB]  }
0x2a: {  	p0 =	seq.s32 s5, $0x0;
	s5 =	sld [smem:$0x3FAC]  }
0x2b: {  	s6 =	sld [smem:$0x3FAD]  }
0x2c: {  	s7 =	sld [smem:$0x3FAE]  }
0x2d: {  	s3 =	simm.s32 $0x108;
	s8 =	sld [smem:$0x3FAF]  }
0x2e: {  	s3 =	simm.s32 @!p0 $0x1082;
	s9 =	sld [smem:$0x3FB0]  }
0x2f: {  	lr =	sadd.s32 s0, s3;
	s0 =	sld [smem:$0x3FA7]  }
0x30: {  	s3 =	sld [smem:$0x3FAA]  }
0x31: {  	[smem:$0x3FB3] =	sst s10  }
0x32: {  	s10 =	sld [smem:$0x3FB1];
	_ =	sdelay $0x3  }
0x33: {  	p0 =	seq.s32 s10, $0x1;
	s10 =	sld [smem:$0x3FB3];
	_ =	sdelay $0x3  }
0x34: {  	[smem:$0x3FB3] =	sst s10  }
0x35: {  	s10 =	sld [smem:$0x3FB2];
	_ =	sdelay $0x3  }
0x36: {  	p1 =	seq.s32 s10, $0x1;
	s10 =	sld [smem:$0x3FB3];
	_ =	sdelay $0x3  }
0x37: {  	[smem:$0x3FB3] =	sst s10  }
0x38: {  	s10 =	sld [smem:$0x3FB4]  }
0x39: {  	_ = 	snop;
	(pc) =	sbr.ind lr, $3  }
0x3a: {  	_ = 	snop  }
0x3b: {  	_ = 	snop  }
0x3c: {  	p2 =	seq.s32 s10, $0x1;
	s10 =	sld [smem:$0x3FB3]  }
0x3d: {  	_ =	shalt  }
0x3e: {  	_ =	shalt  }
0x3f: {  	_ =	shalt  }
0x40: {  	_ =	shalt  }
0x41: {  	_ =	shalt  }
0x42: {  	_ =	shalt  }
0x43: {  	_ =	shalt  }
0x44: {  	_ =	shalt  }
0x45: {  	_ =	shalt  }
0x46: {  	_ =	shalt  }
0x47: {  	_ =	shalt  }
0x48: {  	_ =	shalt  }
0x49: {  	_ =	shalt  }
0x4a: {  	_ =	shalt  }
0x4b: {  	_ =	shalt  }
0x4c: {  	_ =	shalt  }
0x4d: {  	_ =	shalt  }
0x4e: {  	_ =	shalt  }
0x4f: {  	_ =	shalt  }
0x50: {  	_ =	shalt  }
0x51: {  	_ =	shalt  }
0x52: {  	_ =	shalt  }
0x53: {  	_ =	shalt  }
0x54: {  	_ =	shalt  }
0x55: {  	_ =	shalt  }
0x56: {  	_ =	shalt  }
0x57: {  	_ =	shalt  }
0x58: {  	_ =	shalt  }
0x59: {  	_ =	shalt  }
0x5a: {  	_ =	shalt  }
0x5b: {  	_ =	shalt  }
0x5c: {  	_ =	shalt  }
0x5d: {  	_ =	shalt  }
0x5e: {  	_ =	shalt  }
0x5f: {  	_ =	shalt  }
0x60: {  	_ =	shalt  }
0x61: {  	_ =	shalt  }
0x62: {  	_ =	shalt  }
0x63: {  	_ =	shalt  }
0x64: {  	_ =	shalt  }
0x65: {  	_ =	shalt  }
0x66: {  	_ =	shalt  }
0x67: {  	_ =	shalt  }
0x68: {  	_ =	shalt  }
0x69: {  	_ =	shalt  }
0x6a: {  	_ =	shalt  }
0x6b: {  	_ =	shalt  }
0x6c: {  	_ =	shalt  }
0x6d: {  	_ =	shalt  }
0x6e: {  	_ =	shalt  }
0x6f: {  	_ =	shalt  }
0x70: {  	_ =	shalt  }
0x71: {  	_ =	shalt  }
0x72: {  	_ =	shalt  }
0x73: {  	_ =	shalt  }
0x74: {  	_ =	shalt  }
0x75: {  	_ =	shalt  }
0x76: {  	_ =	shalt  }
0x77: {  	_ =	shalt  }
0x78: {  	_ =	shalt  }
0x79: {  	_ =	shalt  }
0x7a: {  	_ =	shalt  }
0x7b: {  	_ =	shalt  }
0x7c: {  	_ =	shalt  }
0x7d: {  	_ =	shalt  }
0x7e: {  	_ =	shalt  }
0x7f: {  	_ =	shalt  }
0x80: {  	_ =	shalt  }
0x81: {  	_ =	shalt  }
0x82: {  	_ =	shalt  }
0x83: {  	_ =	shalt  }
0x84: {  	_ =	shalt  }
0x85: {  	_ =	shalt  }
0x86: {  	_ =	shalt  }
0x87: {  	_ =	shalt  }
.Lfunc_end0:
.L_simem_size_0:
called_computation.9_lowered:
.L_overlay_start_0:
0x88: {  	s2 =	sld [smem:$0x3FD9]  }
0x89: {  	s3 =	sld [smem:$0x3FFE];
	_ =	sdelay $0x1  }
0x8a: {  	s1 =	srdreg.scid  }
0x8b: {  	s0 =	sand.u32 $0x1, s1  }
0x8c: {  	s17 =	sshll.u32 s0, $0xA;
	s2 =	sadd.s32 s3, s2  }
0x8d: {  	s2 =	sadd.s32 s2, s17  }
0x8e: {  	[smem:$0x3FBF] =	sst s2  }
0x8f: {  	_ = 	snop  }
0x90: {  	s18 =	sld [smem:$0x3FD0];
	(tm) =	ssettm $0x1  }
0x91: {  	s19 =	sld [smem:$0x3FFB];
	_ =	sdelay $0x3  }
0x92: {  	_ =	strace s19  }
0x93: {  	s2 =	sld [smem:$0x3FFC];
	_ =	sdelay $0x3  }
0x94: {  	_ =	strace s2  }
0x95: {  	s2 =	sld [smem:$0x3FFD];
	_ =	sdelay $0x3  }
0x96: {  	_ =	strace s2  }
0x97: {  	_ =	strace $0x8FFFFFFF  }
0x98: {  	s20 =	sld [smem:$0x3FDB];
	_ =	sdelay $0x1  }
0x99: {  	s4 =	simm.s32 $_scs_section_size  }
0x9a: {  	s5 =	simm.s32 $_size__tile_overlayer_lowered;
	s6 =	simm.s32 $_tile_overlayer_lowered  }
0x9b: {  	s7 =	simm.s32 $0x1BFF;
	s21 =	sshll.u32 s6, $0x1;
	s4 =	sadd.s32 s4, s20  }
0x9c: {  	s22 =	simm.s32 $0x0;
	s5 =	sshll.u32 s5, $0x1;
	s6 =	sadd.s32 s21, s4  }
0x9d: {  	[timem:s22], [sflag:s7] =	dma.local [hbm:s6], s5  }
0x9e: {  	_ =	swait.ge [sflag:s7], s5  }
0x9f: {  	s5 =	ssub.s32 $0x0, s5;
	[sflag:s7] =	ssyncset.done $0x0  }
0xa0: {  	[sflag:s7] =	ssyncadd.s32 s5;
	_ =	sdelay $0x1  }
0xa1: {  	s23 =	simm.s32 $0x1B8B  }
0xa2: {  	_ =	swait.ge [sflag:s23], $0x1  }
0xa3: {  	[sflag:s23] =	ssyncset.done $0x0  }
0xa4: {  	[sflag:s23] =	ssyncadd.s32 $0xFFFFFFFF  }
0xa5: {  	s5 =	sld [smem:$0x0]  }
0xa6: {  	s6 =	sand.u32 $0xFFFFFFFE, s1  }
0xa7: {  	p0 =	sne.s32 s1, s6  }
0xa8: {  	s6 =	sshll.u32 @p0 s6, $0xE  }
0xa9: {  	s6 =	sadd.s32 @p0 $0x11B8D, s6;
	s7 =	sshll.u32 @p0 s5, $0x11  }
0xaa: {  	s6 =	sor.u32 @p0 s7, s6  }
0xab: {  	[sflag:s6] =	ssyncadd.remote.s32 @p0 $0x1;
	_ =	sdelay $0x1  }
0xac: {  	s6 =	simm.s32 @p0 $0x1B8D  }
0xad: {  	_ =	swait.eq @p0 [sflag:s6], $0x1  }
0xae: {  	[sflag:s6] =	ssyncadd.s32 @p0 $0xFFFFFFFF  }
0xaf: {  	s7 =	sshll.u32 @!p0 s1, $0xE  }
0xb0: {  	s7 =	sor.u32 @!p0 $0x4000, s7;
	s6 =	simm.s32 @!p0 $0x1B8D  }
0xb1: {  	s5 =	sshll.u32 @!p0 s5, $0x11;
	s7 =	sadd.s32 @!p0 $0x11B8D, s7;
	_ =	swait.eq @!p0 [sflag:s6], $0x1  }
0xb2: {  	s5 =	sor.u32 @!p0 s5, s7;
	[sflag:s6] =	ssyncadd.s32 @!p0 $0xFFFFFFFF  }
0xb3: {  	s25 =	simm.s32 $0x1B8E;
	s24 =	sld [smem:$0x3FFE];
	[sflag:s5] =	ssyncadd.remote.s32 @!p0 $0x1  }
0xb4: {  	s26 =	simm.s32 $execute0_lowered;
	[smem:$0x3FD2] =	sst s25  }
0xb5: {  	s6 =	sshll.u32 s26, $0x1;
	_ =	strace $0x8000005E;
	[dreg:$0x1] =	wrdreg $0xFFFFFFFF  }
0xb6: {  	s28 =	simm.s32 $_size_execute0_lowered;
	s4 =	sadd.s32 s4, s6;
	[dreg:$0x0] =	wrdreg $0x0  }
0xb7: {  	s6 =	sshll.u32 s28, $0x1;
	[dreg:$0x2] =	wrdreg s4  }
0xb8: {  	[dreg:$0x3] =	wrdreg s6  }
0xb9: {  	[dreg:$0x4] =	wrdreg $0xC0  }
0xba: {  	_ =	task [dreg:s22], $0x5FFFF  }
0xbb: {  	[dreg:$0x1] =	wrdreg $0xFFFFFFFF  }
0xbc: {  	[dreg:$0x0] =	wrdreg $0x60  }
0xbd: {  	[dreg:$0x2] =	wrdreg s24  }
0xbe: {  	[dreg:$0x3] =	wrdreg s18  }
0xbf: {  	[dreg:$0x4] =	wrdreg $0x90000  }
0xc0: {  	[dreg:$0x5] =	wrdreg $0xB  }
0xc1: {  	_ =	task.clear_ibuf [dreg:s22], $0x6FFFF;
	_ =	strace $0x9000005E  }
0xc2: {  	s29 =	simm.s32 $0xB;
	_ =	strace $0x80000060  }
0xc3: {  	_ =	swait.ge [sflag:s29], $0x1  }
0xc4: {  	[sflag:s29] =	ssyncadd.s32 $0xFFFFFFFF  }
0xc5: {  	_ =	strace $0x90000060  }
0xc6: {  	_ =	sfence  }
0xc7: {  	s30 =	sld [smem:$0x0];
	_ =	sdelay $0x2  }
0xc8: {  	s31 =	sshll.u32 s1, $0xD;
	s1 =	sshrl.u32 s1, $0x2  }
0xc9: {  	s4 =	sand.u32 $0x4000, s31;
	s1 =	sadd.s32 s1, s30  }
0xca: {  	s0 =	sor.u32 s4, s0;
	s1 =	sshll.u32 s1, $0x11  }
0xcb: {  	s0 =	sor.u32 s1, s0  }
0xcc: {  	s0 =	sadd.s32 $0x8F2B, s0  }
0xcd: {  	[sflag:s0] =	ssyncadd.remote.s32 $0x1  }
0xce: {  	_ =	sfence.sel $0xFFFF  }
0xcf: {  	[dreg:$0x0] =	wrdreg $0xFFFFFFFF;
	(pc) =	sbr.abs _section_cstart, $3  }
0xd0: {  	[dreg:$0x1] =	wrdreg $0xFFFFFFFF  }
0xd1: {  	_ =	task.clear_ibuf [dreg:s22], $0x2FFFF;
	_ =	strace $0x9FFFFFFF  }
0xd2: {  	(tm) =	ssettm $0x7FFFFFFF  }
0xd3: {  	_ =	shalt  }
tec
execute0_lowered:
.L_overlay_start_1:
0x0: {  	(tag) =	ssettag $0x1  }
0x1: {  	s5 =	rddreg [dreg:$0x0]  }
0x2: {  	s7 =	rddreg [dreg:$0x1]  }
0x3: {  	s0 =	srdreg.scid;
	s2 =	rddreg [dreg:$0x2]  }
0x4: {  	s3 =	simm.s32 $0x0;
	s6 =	sand.u32 $0x1, s0;
	s0 =	stileid.u32  }
0x5: {  	s15 =	simm.s32 $0x5000;
	s16 =	simm.s32 $0x1;
	s9 =	smul.u32 $0x2780, s0  }
0x6: {  	s17 =	simm.s32 $0x0;
	[smem:$0x7FF] =	sst s3;
	s10 =	smul.u32 $0x27800, s6  }
0x7: {  	s1 =	sshll.u32 s6, $0x4;
	s6 =	ssub.s32 $0x2, s6;
	s12 =	smul.u32 $0x4F000, s0  }
0x8: {  	s31 =	sshll.u32 s0, $0x6;
	s4 =	sor.u32 s0, s1;
	s1 =	rddreg [dreg:$0x3]  }
0x9: {  	_ =	strace $0x8000005F;
	s30 =	sshrl.u32 s6, $0x1;
	s8 =	smul.u32 $0x500, s4  }
0xa: {  	s4 =	sadd.s32 $0xC8E00, s5;
	s13 =	sadd.s32 s9, s5;
	s9 =	sadd.s32 s9, s10  }
0xb: {  	s10 =	ssub.s32 s6, s30;
	s12 =	sshrl.u32 s12, $0x2;
	s9 =	sadd.s32 s9, s5  }
0xc: {  	s14 =	sadd.s32 s12, s2;
	s12 =	sor.u32 $0x1C02, s31;
	s11 =	sadd.s32 s8, s5  }
0xd: {  	s5 =	sadd.s32 s7, s8;
	s7 =	sadd.s32 $0x18E600, s13;
	s8 =	sadd.s32 $0x204E00, s9  }
0xe: {  	s9 =	smax.u32 s10, $0x1;
	s10 =	simm.s32 $0x2;
	s13 =	sshrl.u32 s14, $0x3  }
0xf: {  	s14 =	simm.s32 $0x80;
	s6 =	sadd.s32 $0xBE00, s11;
	s11 =	simm.s32 $0x2800  }
.LBB2_1:
0x10: {  	[tilespmem:s3], [sflag:$0x2] =	stream.linear.gather [hbm4b:s5+s3], $0x2780, $0x38;
	[tilespmem:$0x1CC00] =	vst v63  }
0x11: {  	_ =	swait.ge [sflag:s10], $0x2780  }
0x12: {  	[sflag:s10] =	ssyncset.done $0x0  }
0x13: {  	[sflag:s10] =	ssyncadd.s32 $0xFFFFD880  }
0x14: {  	[tilespmem:s11], [sflag:$0x2] =	stream.linear.gather [hbm4b:s6+s3], $0x2780, $0x38;
	[tilespmem:$0x1CC00] =	vst v63  }
0x15: {  	_ =	swait.ge [sflag:s10], $0x2780  }
0x16: {  	[sflag:s10] =	ssyncset.done $0x0  }
0x17: {  	[sflag:s10] =	ssyncadd.s32 $0xFFFFD880  }
0x18: {  	[spmem:s13], [sflag:s12] =	dma.local [hbm:s7], $0x2780  }
0x19: {  	_ =	swait.ge [sflag:s10], $0x2780  }
0x1a: {  	[sflag:s10] =	ssyncset.done $0x0  }
0x1b: {  	[sflag:s10] =	ssyncadd.s32 $0xFFFFD880  }
0x1c: {  	s18 =	simm.s32 $0x0;
	[bflag:$0x0] =	sbarrier.arrive $0xFFFF  }
0x1d: {  	[tilespmem:s15], [sflag:$0x1] =	stream.indirect.gather [hbm4b:s4+s14], $0x80, s18, s14, $0xb8;
	[tilespmem:$0x1CC00] =	vst v63  }
0x1e: {  	_ =	swait.ge [sflag:s16], $0x4000  }
0x1f: {  	[sflag:s16] =	ssyncset.done $0x0  }
0x20: {  	s31 =	simm.s32 $0x2800;
	[sflag:s16] =	ssyncadd.s32 $0xFFFFC000  }
0x21: {  	[spmem:s2] =	stream.indirect.scatter.add.f32 [tilespmem:s15], [sflag:$0x2], $0x80, s31, s14, $0xb8;
	[tilespmem:$0x1CC00] =	vst v63  }
0x22: {  	_ =	swait.ge [sflag:s10], $0x4000  }
0x23: {  	s19 =	simm.s32 $0x400;
	s18 =	simm.s32 $0x200;
	[sflag:s10] =	ssyncset.done $0x0  }
.LBB2_2:
0x24: {  	s20 =	sshra.s32 s18, $0x2  }
0x25: {  	[sflag:s10] =	ssyncadd.s32 $0xFFFFC000;
	s18 =	smov.u32 s19;
	s21 =	sadd.s32 $0x200, s19  }
0x26: {  	[tilespmem:s15], [sflag:$0x1] =	stream.indirect.gather [hbm4b:s4+s14], $0x80, s20, s14, $0xb8;
	[tilespmem:$0x1CC00] =	vst v63  }
0x27: {  	p0 =	sne.s32 s19, $0x9C00;
	_ =	swait.ge [sflag:s16], $0x4000  }
.Ltmp0:
0x28: {  	[sflag:s16] =	ssyncset.done $0x0;
	(pc) =	sbr.rel @p0 .LBB2_2-.Ltmp0, $4  }
0x29: {  	s19 =	sadd.s32 $0x2800, s20;
	[sflag:s16] =	ssyncadd.s32 $0xFFFFC000  }
0x2a: {  	[spmem:s2] =	stream.indirect.scatter.add.f32 [tilespmem:s15], [sflag:$0x2], $0x80, s19, s14, $0xb8;
	[tilespmem:$0x1CC00] =	vst v63  }
0x2b: {  	_ =	swait.ge [sflag:s10], $0x4000  }
0x2c: {  	s19 =	smov.u32 s21;
	[sflag:s10] =	ssyncset.done $0x0  }
0x2d: {  	s18 =	sshra.s32 s18, $0x2;
	[sflag:s10] =	ssyncadd.s32 $0xFFFFC000  }
0x2e: {  	[tilespmem:s15], [sflag:$0x1] =	stream.indirect.gather [hbm4b:s4+s14], $0x80, s18, s14, $0xb8;
	[tilespmem:$0x1CC00] =	vst v63  }
0x2f: {  	_ =	swait.ge [sflag:s16], $0x4000  }
0x30: {  	[sflag:s16] =	ssyncset.done $0x0  }
0x31: {  	s18 =	sadd.s32 $0x2800, s18;
	[sflag:s16] =	ssyncadd.s32 $0xFFFFC000  }
0x32: {  	[spmem:s2] =	stream.indirect.scatter.add.f32 [tilespmem:s15], [sflag:$0x2], $0x80, s18, s14, $0xb8;
	[tilespmem:$0x1CC00] =	vst v63  }
0x33: {  	_ =	swait.ge [sflag:s10], $0x4000  }
0x34: {  	s17 =	sadd.s32 $0x1, s17;
	[sflag:s10] =	ssyncset.done $0x0  }
0x35: {  	p0 =	sne.s32 s17, s9;
	[sflag:s10] =	ssyncadd.s32 $0xFFFFC000  }
.Ltmp1:
0x36: {  	[bflag:$0x0] =	sbarrier.arrive $0xFFFF;
	(pc) =	sbr.rel @p0 .LBB2_1-.Ltmp1, $4  }
0x37: {  	[hbm:s8], [sflag:s12] =	dma.local [spmem:s13], $0x2780  }
0x38: {  	_ =	swait.ge [sflag:s10], $0x2780  }
0x39: {  	[sflag:s10] =	ssyncset.done $0x0  }
0x3a: {  	[sflag:s10] =	ssyncadd.s32 $0xFFFFD880  }
0x3b: {  	_ =	sfence.sel $0x180000  }
0x3c: {  	[bflag:$0x0] =	sbarrier.arrive $0xFFFF  }
0x3d: {  	p0 =	sne.s32 s0, $0x0;
	_ =	strace $0x9000005F  }
0x3e: {  	s0 =	sadd.s32 @!p0 $0x100000, s1;
	[bflag:$0x2] =	sbarrier.arrive $0xFFFF  }
0x3f: {  	[sflag:s0] =	ssyncadd.tile.s32 @!p0 $0x1;
	_ =	shalt  }
.Lfunc_end2:
_tile_overlayer_lowered:
.L_overlay_start_2:
0x40: {  	(tag) =	ssettag $0x2  }
0x41: {  	s0 =	rddreg [dreg:$0x0];
	s2 =	stileid.u32  }
0x42: {  	s1 =	rddreg [dreg:$0x1];
	p0 =	sne.s32 s2, $0x0  }
0x43: {  	s3 =	rddreg [dreg:$0x2];
	[bflag:$0x3] =	sbarrier.arrive $0xFFFF;
	s2 =	simm.s32 @!p0 $0x1C02  }
0x44: {  	[timem:s3], [sflag:s2] =	dma.local @!p0 [hbm:s0], s1  }
0x45: {  	s0 =	simm.s32 @!p0 $0x2  }
0x46: {  	_ =	swait.ge @!p0 [sflag:s0], s1  }
0x47: {  	s1 =	ssub.s32 @!p0 $0x0, s1;
	[sflag:s0] =	ssyncset.done @!p0 $0x0  }
0x48: {  	[sflag:s0] =	ssyncadd.s32 @!p0 s1  }
0x49: {  	[bflag:$0x3] =	sbarrier.arrive $0xFFFF  }
0x4a: {  	_ =	shalt  }

// kernel: kernel.52.cloned.1.call-start
scs
__scs_entry_jumppad:
0x0: {  	(pc) =	sbr.rel $0x88, $3  }
0x1: {  	(tag) =	ssettag $0x0;
	lr =	simm.s32 $0x1  }
0x2: {  	[smem:$0x3F98] =	sst lr;
	_ =	strace $0xD0000000  }
0x3: {  	_ = 	snop  }
0x4: {  	_ = 	snop  }
0x5: {  	_ = 	snop  }
0x6: {  	_ = 	snop  }
0x7: {  	_ = 	snop  }
__scs_overlays_trampoline_lowered:
0x8: {  	[smem:$0x3FA7] =	sst s0  }
0x9: {  	[smem:$0x3FA8] =	sst s1  }
0xa: {  	[smem:$0x3FA9] =	sst s2  }
0xb: {  	[smem:$0x3FAA] =	sst s3  }
0xc: {  	[smem:$0x3FAB] =	sst s4  }
0xd: {  	[smem:$0x3FAC] =	sst s5  }
0xe: {  	[smem:$0x3FAD] =	sst s6  }
0xf: {  	[smem:$0x3FAE] =	sst s7  }
0x10: {  	[smem:$0x3FAF] =	sst s8  }
0x11: {  	[smem:$0x3FB0] =	sst s9;
	s0 =	simm.s32 @!p0 $0x0  }
0x12: {  	s1 =	sld [smem:$0x3F96];
	s0 =	simm.s32 @p0 $0x1  }
0x13: {  	[smem:$0x3FB1] =	sst s0;
	s0 =	simm.s32 @!p1 $0x0  }
0x14: {  	s2 =	sld [smem:$0x3F95];
	s0 =	simm.s32 @p1 $0x1  }
0x15: {  	[smem:$0x3FB2] =	sst s0;
	s0 =	simm.s32 @!p2 $0x0  }
0x16: {  	s3 =	sld [smem:$0x3FDB];
	s0 =	simm.s32 @p2 $0x1  }
0x17: {  	s4 =	simm.s32 $0x1BF5;
	[smem:$0x3FB4] =	sst s0  }
0x18: {  	s0 =	sld [smem:$0x3F97];
	_ =	swait.ge [sflag:s4], $0x0  }
0x19: {  	s7 =	sld [smem:$0x3F98]  }
0x1a: {  	s8 =	sadd.s32 $0xFFFFE003, lr  }
0x1b: {  	s9 =	sadd.s32 $0xFFFFFEF7, lr;
	s5 =	simm.s32 $0xFFFFFFFF;
	p2 =	slt.u32 s8, $0xFFFFF086  }
0x1c: {  	p1 =	slt.u32 s9, $0xF7A;
	s5 =	simm.s32 @!p2 $0x0  }
0x1d: {  	s5 =	simm.s32 @p1 $0x1;
	p0 =	seq.s32 s7, s2  }
0x1e: {  	s7 =	smul.u32 @!p0 $0xF7A, s2;
	p2 =	seq.s32 @!p0 s5, $0x0  }
0x1f: {  	s9 =	smul.u32 $0xF7A, s1;
	s8 =	simm.s32 @!p0 $0x1BF5;
	p2 =	por !p2, p0  }
0x20: {  	[sflag:s8] =	ssyncset.s32 @!p0 $0xFFFFF086;
	s6 =	sadd.s32 @!p0 s3, s7;
	s7 =	simm.s32 @!p0 $0x108  }
0x21: {  	s3 =	sadd.s32 s3, s9;
	s6 =	sadd.s32 @!p0 $0x88, s6;
	s7 =	simm.s32 @p2 $0x1082  }
0x22: {  	[simem:s7], [sflag:s8] =	dma.local @!p0 [hbm:s6], $0xF7A  }
0x23: {  	s9 =	sor.u32 $0xD0000000, s2;
	s6 =	simm.s32 $0x108;
	_ =	swait.ge @!p0 [sflag:s8], $0x0  }
0x24: {  	s3 =	sadd.s32 $0x88, s3;
	s6 =	simm.s32 @!p1 $0x1082;
	[sflag:s4] =	ssyncset.s32 $0xFFFFF086  }
0x25: {  	[simem:s6], [sflag:s4] =	dma.local [hbm:s3], $0xF7A  }
0x26: {  	[smem:$0x3F98] =	sst s1;
	(tag) =	ssettag s2;
	_ =	strace s9  }
0x27: {  	s1 =	sld [smem:$0x3FA8]  }
0x28: {  	s2 =	sld [smem:$0x3FA9]  }
0x29: {  	s4 =	sld [smem:$0x3FAB]  }
0x2a: {  	p0 =	seq.s32 s5, $0x0;
	s5 =	sld [smem:$0x3FAC]  }
0x2b: {  	s6 =	sld [smem:$0x3FAD]  }
0x2c: {  	s7 =	sld [smem:$0x3FAE]  }
0x2d: {  	s3 =	simm.s32 $0x108;
	s8 =	sld [smem:$0x3FAF]  }
0x2e: {  	s3 =	simm.s32 @!p0 $0x1082;
	s9 =	sld [smem:$0x3FB0]  }
0x2f: {  	lr =	sadd.s32 s0, s3;
	s0 =	sld [smem:$0x3FA7]  }
0x30: {  	s3 =	sld [smem:$0x3FAA]  }
0x31: {  	[smem:$0x3FB3] =	sst s10  }
0x32: {  	s10 =	sld [smem:$0x3FB1];
	_ =	sdelay $0x3  }
0x33: {  	p0 =	seq.s32 s10, $0x1;
	s10 =	sld [smem:$0x3FB3];
	_ =	sdelay $0x3  }
0x34: {  	[smem:$0x3FB3] =	sst s10  }
0x35: {  	s10 =	sld [smem:$0x3FB2];
	_ =	sdelay $0x3  }
0x36: {  	p1 =	seq.s32 s10, $0x1;
	s10 =	sld [smem:$0x3FB3];
	_ =	sdelay $0x3  }
0x37: {  	[smem:$0x3FB3] =	sst s10  }
0x38: {  	s10 =	sld [smem:$0x3FB4]  }
0x39: {  	_ = 	snop;
	(pc) =	sbr.ind lr, $3  }
0x3a: {  	_ = 	snop  }
0x3b: {  	_ = 	snop  }
0x3c: {  	p2 =	seq.s32 s10, $0x1;
	s10 =	sld [smem:$0x3FB3]  }
0x3d: {  	_ =	shalt  }
0x3e: {  	_ =	shalt  }
0x3f: {  	_ =	shalt  }
0x40: {  	_ =	shalt  }
0x41: {  	_ =	shalt  }
0x42: {  	_ =	shalt  }
0x43: {  	_ =	shalt  }
0x44: {  	_ =	shalt  }
0x45: {  	_ =	shalt  }
0x46: {  	_ =	shalt  }
0x47: {  	_ =	shalt  }
0x48: {  	_ =	shalt  }
0x49: {  	_ =	shalt  }
0x4a: {  	_ =	shalt  }
0x4b: {  	_ =	shalt  }
0x4c: {  	_ =	shalt  }
0x4d: {  	_ =	shalt  }
0x4e: {  	_ =	shalt  }
0x4f: {  	_ =	shalt  }
0x50: {  	_ =	shalt  }
0x51: {  	_ =	shalt  }
0x52: {  	_ =	shalt  }
0x53: {  	_ =	shalt  }
0x54: {  	_ =	shalt  }
0x55: {  	_ =	shalt  }
0x56: {  	_ =	shalt  }
0x57: {  	_ =	shalt  }
0x58: {  	_ =	shalt  }
0x59: {  	_ =	shalt  }
0x5a: {  	_ =	shalt  }
0x5b: {  	_ =	shalt  }
0x5c: {  	_ =	shalt  }
0x5d: {  	_ =	shalt  }
0x5e: {  	_ =	shalt  }
0x5f: {  	_ =	shalt  }
0x60: {  	_ =	shalt  }
0x61: {  	_ =	shalt  }
0x62: {  	_ =	shalt  }
0x63: {  	_ =	shalt  }
0x64: {  	_ =	shalt  }
0x65: {  	_ =	shalt  }
0x66: {  	_ =	shalt  }
0x67: {  	_ =	shalt  }
0x68: {  	_ =	shalt  }
0x69: {  	_ =	shalt  }
0x6a: {  	_ =	shalt  }
0x6b: {  	_ =	shalt  }
0x6c: {  	_ =	shalt  }
0x6d: {  	_ =	shalt  }
0x6e: {  	_ =	shalt  }
0x6f: {  	_ =	shalt  }
0x70: {  	_ =	shalt  }
0x71: {  	_ =	shalt  }
0x72: {  	_ =	shalt  }
0x73: {  	_ =	shalt  }
0x74: {  	_ =	shalt  }
0x75: {  	_ =	shalt  }
0x76: {  	_ =	shalt  }
0x77: {  	_ =	shalt  }
0x78: {  	_ =	shalt  }
0x79: {  	_ =	shalt  }
0x7a: {  	_ =	shalt  }
0x7b: {  	_ =	shalt  }
0x7c: {  	_ =	shalt  }
0x7d: {  	_ =	shalt  }
0x7e: {  	_ =	shalt  }
0x7f: {  	_ =	shalt  }
0x80: {  	_ =	shalt  }
0x81: {  	_ =	shalt  }
0x82: {  	_ =	shalt  }
0x83: {  	_ =	shalt  }
0x84: {  	_ =	shalt  }
0x85: {  	_ =	shalt  }
0x86: {  	_ =	shalt  }
0x87: {  	_ =	shalt  }
.Lfunc_end0:
.L_simem_size_0:
called_computation.10_lowered:
.L_overlay_start_0:
0x88: {  	s2 =	sld [smem:$0x3FD9]  }
0x89: {  	s3 =	sld [smem:$0x3FFE];
	_ =	sdelay $0x1  }
0x8a: {  	s1 =	srdreg.scid  }
0x8b: {  	s0 =	sand.u32 $0x1, s1  }
0x8c: {  	s16 =	sshll.u32 s0, $0xA;
	s2 =	sadd.s32 s3, s2  }
0x8d: {  	s2 =	sadd.s32 s2, s16  }
0x8e: {  	[smem:$0x3FBF] =	sst s2  }
0x8f: {  	_ = 	snop  }
0x90: {  	(tm) =	ssettm $0x1  }
0x91: {  	s17 =	sld [smem:$0x3FFB];
	_ =	sdelay $0x3  }
0x92: {  	_ =	strace s17  }
0x93: {  	s2 =	sld [smem:$0x3FFC];
	_ =	sdelay $0x3  }
0x94: {  	_ =	strace s2  }
0x95: {  	s2 =	sld [smem:$0x3FFD];
	_ =	sdelay $0x3  }
0x96: {  	_ =	strace s2  }
0x97: {  	_ =	strace $0x8FFFFFFF  }
0x98: {  	s18 =	sld [smem:$0x3FDB];
	_ =	sdelay $0x1  }
0x99: {  	s19 =	simm.s32 $_scs_section_size  }
0x9a: {  	s4 =	simm.s32 $_size__tile_overlayer_lowered;
	s5 =	simm.s32 $_tile_overlayer_lowered  }
0x9b: {  	s22 =	simm.s32 $0x1BFF;
	s21 =	sshll.u32 s5, $0x1;
	s2 =	sadd.s32 s19, s18  }
0x9c: {  	s6 =	simm.s32 $0x0;
	s20 =	sshll.u32 s4, $0x1;
	s4 =	sadd.s32 s21, s2  }
0x9d: {  	[timem:s6], [sflag:s22] =	dma.local [hbm:s4], s20  }
0x9e: {  	_ =	swait.ge [sflag:s22], s20  }
0x9f: {  	s3 =	ssub.s32 $0x0, s20;
	[sflag:s22] =	ssyncset.done $0x0  }
0xa0: {  	[sflag:s22] =	ssyncadd.s32 s3;
	_ =	sdelay $0x1  }
0xa1: {  	s23 =	simm.s32 $0x1B8B  }
0xa2: {  	_ =	swait.ge [sflag:s23], $0x1  }
0xa3: {  	[sflag:s23] =	ssyncset.done $0x0  }
0xa4: {  	s25 =	simm.s32 $0x1B8E;
	s24 =	sld [smem:$0x3FFE];
	[sflag:s23] =	ssyncadd.s32 $0xFFFFFFFF  }
0xa5: {  	s26 =	simm.s32 $execute0_lowered;
	[smem:$0x3FD2] =	sst s25  }
0xa6: {  	s4 =	sshll.u32 s26, $0x1;
	_ =	strace $0x8000005B;
	[dreg:$0x1] =	wrdreg $0xFFFFFFFF  }
0xa7: {  	s28 =	simm.s32 $_size_execute0_lowered;
	s2 =	sadd.s32 s2, s4;
	[dreg:$0x0] =	wrdreg $0x0  }
0xa8: {  	s4 =	sshll.u32 s28, $0x1;
	[dreg:$0x2] =	wrdreg s2  }
0xa9: {  	[dreg:$0x3] =	wrdreg s4  }
0xaa: {  	[dreg:$0x4] =	wrdreg $0xC0  }
0xab: {  	_ =	task [dreg:s6], $0x5FFFF  }
0xac: {  	[dreg:$0x1] =	wrdreg $0xFFFFFFFF  }
0xad: {  	[dreg:$0x0] =	wrdreg $0x60  }
0xae: {  	[dreg:$0x2] =	wrdreg s24  }
0xaf: {  	[dreg:$0x3] =	wrdreg $0x90000  }
0xb0: {  	[dreg:$0x4] =	wrdreg $0xC  }
0xb1: {  	_ =	task.clear_ibuf [dreg:s6], $0x5FFFF;
	_ =	strace $0x9000005B  }
0xb2: {  	s29 =	simm.s32 $0xC;
	_ =	strace $0x8000005D  }
0xb3: {  	_ =	swait.ge [sflag:s29], $0x1  }
0xb4: {  	[sflag:s29] =	ssyncadd.s32 $0xFFFFFFFF  }
0xb5: {  	_ =	strace $0x9000005D  }
0xb6: {  	_ =	sfence  }
0xb7: {  	s30 =	sld [smem:$0x0];
	_ =	sdelay $0x2  }
0xb8: {  	s31 =	sshll.u32 s1, $0xD;
	s1 =	sshrl.u32 s1, $0x2  }
0xb9: {  	s3 =	sand.u32 $0x4000, s31;
	s1 =	sadd.s32 s1, s30  }
0xba: {  	s0 =	sor.u32 s3, s0;
	s1 =	sshll.u32 s1, $0x11  }
0xbb: {  	s0 =	sor.u32 s1, s0  }
0xbc: {  	s0 =	sadd.s32 $0x8F2B, s0  }
0xbd: {  	[sflag:s0] =	ssyncadd.remote.s32 $0x1  }
0xbe: {  	_ =	sfence.sel $0xFFFF  }
0xbf: {  	[dreg:$0x0] =	wrdreg $0xFFFFFFFF;
	(pc) =	sbr.abs _section_cstart, $3  }
0xc0: {  	[dreg:$0x1] =	wrdreg $0xFFFFFFFF  }
0xc1: {  	_ =	task.clear_ibuf [dreg:s6], $0x2FFFF;
	_ =	strace $0x9FFFFFFF  }
0xc2: {  	(tm) =	ssettm $0x7FFFFFFF  }
0xc3: {  	_ =	shalt  }
tec
execute0_lowered:
.L_overlay_start_1:
0x0: {  	(tag) =	ssettag $0x1  }
0x1: {  	s6 =	rddreg [dreg:$0x0]  }
0x2: {  	s0 =	srdreg.scid;
	s2 =	rddreg [dreg:$0x1]  }
0x3: {  	s3 =	simm.s32 $0x0;
	s14 =	simm.s32 $0x80;
	s15 =	simm.s32 $0x5000  }
0x4: {  	s16 =	simm.s32 $0x1;
	s5 =	sand.u32 $0x1, s0;
	s0 =	stileid.u32  }
0x5: {  	s17 =	simm.s32 $0x0;
	[smem:$0x7FF] =	sst s3;
	s8 =	smul.u32 $0x2780, s0  }
0x6: {  	s1 =	sshll.u32 s5, $0x4;
	s9 =	smul.u32 $0x27800, s5;
	s5 =	ssub.s32 $0x2, s5  }
0x7: {  	s10 =	smul.u32 $0x4F000, s0;
	s12 =	sshll.u32 s0, $0x6;
	s4 =	sor.u32 s0, s1  }
0x8: {  	s1 =	rddreg [dreg:$0x2];
	_ =	strace $0x8000005C;
	s31 =	sshrl.u32 s5, $0x1  }
0x9: {  	s12 =	sor.u32 $0x1C02, s12;
	s7 =	smul.u32 $0x500, s4;
	s4 =	sadd.s32 $0xF0600, s6  }
0xa: {  	s11 =	sadd.s32 s8, s6;
	s8 =	sadd.s32 s8, s9;
	s10 =	sshrl.u32 s10, $0x2  }
0xb: {  	s9 =	ssub.s32 s5, s31;
	s8 =	sadd.s32 s8, s6;
	s13 =	sadd.s32 s10, s2  }
0xc: {  	s9 =	smax.u32 s9, $0x1;
	s10 =	simm.s32 $0x2;
	s7 =	sadd.s32 s7, s6  }
0xd: {  	s8 =	sadd.s32 $0x1B5E00, s8;
	s13 =	sshrl.u32 s13, $0x3;
	s5 =	sadd.s32 $0x16E00, s7  }
0xe: {  	s6 =	sadd.s32 $0x20E00, s7;
	s7 =	sadd.s32 $0x18E600, s11;
	s11 =	simm.s32 $0x2800  }
.LBB2_1:
0xf: {  	[tilespmem:s3], [sflag:$0x2] =	stream.linear.gather [hbm4b:s5+s3], $0x2780, $0x38;
	[tilespmem:$0x1CC00] =	vst v63  }
0x10: {  	_ =	swait.ge [sflag:s10], $0x2780  }
0x11: {  	[sflag:s10] =	ssyncset.done $0x0  }
0x12: {  	[sflag:s10] =	ssyncadd.s32 $0xFFFFD880  }
0x13: {  	[tilespmem:s11], [sflag:$0x2] =	stream.linear.gather [hbm4b:s6+s3], $0x2780, $0x38;
	[tilespmem:$0x1CC00] =	vst v63  }
0x14: {  	_ =	swait.ge [sflag:s10], $0x2780  }
0x15: {  	[sflag:s10] =	ssyncset.done $0x0  }
0x16: {  	[sflag:s10] =	ssyncadd.s32 $0xFFFFD880  }
0x17: {  	[spmem:s13], [sflag:s12] =	dma.local [hbm:s7], $0x2780  }
0x18: {  	_ =	swait.ge [sflag:s10], $0x2780  }
0x19: {  	[sflag:s10] =	ssyncset.done $0x0  }
0x1a: {  	[sflag:s10] =	ssyncadd.s32 $0xFFFFD880  }
0x1b: {  	s18 =	simm.s32 $0x0;
	[bflag:$0x0] =	sbarrier.arrive $0xFFFF  }
0x1c: {  	[tilespmem:s15], [sflag:$0x1] =	stream.indirect.gather [hbm4b:s4+s14], $0x80, s18, s14, $0xb8;
	[tilespmem:$0x1CC00] =	vst v63  }
0x1d: {  	_ =	swait.ge [sflag:s16], $0x4000  }
0x1e: {  	[sflag:s16] =	ssyncset.done $0x0  }
0x1f: {  	s31 =	simm.s32 $0x2800;
	[sflag:s16] =	ssyncadd.s32 $0xFFFFC000  }
0x20: {  	[spmem:s2] =	stream.indirect.scatter.add.f32 [tilespmem:s15], [sflag:$0x2], $0x80, s31, s14, $0xb8;
	[tilespmem:$0x1CC00] =	vst v63  }
0x21: {  	_ =	swait.ge [sflag:s10], $0x4000  }
0x22: {  	s19 =	simm.s32 $0x400;
	s18 =	simm.s32 $0x200;
	[sflag:s10] =	ssyncset.done $0x0  }
.LBB2_2:
0x23: {  	s20 =	sshra.s32 s18, $0x2  }
0x24: {  	[sflag:s10] =	ssyncadd.s32 $0xFFFFC000;
	s18 =	smov.u32 s19;
	s21 =	sadd.s32 $0x200, s19  }
0x25: {  	[tilespmem:s15], [sflag:$0x1] =	stream.indirect.gather [hbm4b:s4+s14], $0x80, s20, s14, $0xb8;
	[tilespmem:$0x1CC00] =	vst v63  }
0x26: {  	p0 =	sne.s32 s19, $0x9C00;
	_ =	swait.ge [sflag:s16], $0x4000  }
.Ltmp0:
0x27: {  	[sflag:s16] =	ssyncset.done $0x0;
	(pc) =	sbr.rel @p0 .LBB2_2-.Ltmp0, $4  }
0x28: {  	s19 =	sadd.s32 $0x2800, s20;
	[sflag:s16] =	ssyncadd.s32 $0xFFFFC000  }
0x29: {  	[spmem:s2] =	stream.indirect.scatter.add.f32 [tilespmem:s15], [sflag:$0x2], $0x80, s19, s14, $0xb8;
	[tilespmem:$0x1CC00] =	vst v63  }
0x2a: {  	_ =	swait.ge [sflag:s10], $0x4000  }
0x2b: {  	s19 =	smov.u32 s21;
	[sflag:s10] =	ssyncset.done $0x0  }
0x2c: {  	s18 =	sshra.s32 s18, $0x2;
	[sflag:s10] =	ssyncadd.s32 $0xFFFFC000  }
0x2d: {  	[tilespmem:s15], [sflag:$0x1] =	stream.indirect.gather [hbm4b:s4+s14], $0x80, s18, s14, $0xb8;
	[tilespmem:$0x1CC00] =	vst v63  }
0x2e: {  	_ =	swait.ge [sflag:s16], $0x4000  }
0x2f: {  	[sflag:s16] =	ssyncset.done $0x0  }
0x30: {  	s18 =	sadd.s32 $0x2800, s18;
	[sflag:s16] =	ssyncadd.s32 $0xFFFFC000  }
0x31: {  	[spmem:s2] =	stream.indirect.scatter.add.f32 [tilespmem:s15], [sflag:$0x2], $0x80, s18, s14, $0xb8;
	[tilespmem:$0x1CC00] =	vst v63  }
0x32: {  	_ =	swait.ge [sflag:s10], $0x4000  }
0x33: {  	s17 =	sadd.s32 $0x1, s17;
	[sflag:s10] =	ssyncset.done $0x0  }
0x34: {  	p0 =	sne.s32 s17, s9;
	[sflag:s10] =	ssyncadd.s32 $0xFFFFC000  }
.Ltmp1:
0x35: {  	[bflag:$0x0] =	sbarrier.arrive $0xFFFF;
	(pc) =	sbr.rel @p0 .LBB2_1-.Ltmp1, $4  }
0x36: {  	[hbm:s8], [sflag:s12] =	dma.local [spmem:s13], $0x2780  }
0x37: {  	_ =	swait.ge [sflag:s10], $0x2780  }
0x38: {  	[sflag:s10] =	ssyncset.done $0x0  }
0x39: {  	[sflag:s10] =	ssyncadd.s32 $0xFFFFD880  }
0x3a: {  	_ =	sfence.sel $0x180000  }
0x3b: {  	[bflag:$0x0] =	sbarrier.arrive $0xFFFF  }
0x3c: {  	p0 =	sne.s32 s0, $0x0;
	_ =	strace $0x9000005C  }
0x3d: {  	s0 =	sadd.s32 @!p0 $0x100000, s1;
	[bflag:$0x2] =	sbarrier.arrive $0xFFFF  }
0x3e: {  	[sflag:s0] =	ssyncadd.tile.s32 @!p0 $0x1;
	_ =	shalt  }
.Lfunc_end2:
_tile_overlayer_lowered:
.L_overlay_start_2:
0x3f: {  	(tag) =	ssettag $0x2  }
0x40: {  	s0 =	rddreg [dreg:$0x0];
	s2 =	stileid.u32  }
0x41: {  	s1 =	rddreg [dreg:$0x1];
	p0 =	sne.s32 s2, $0x0  }
0x42: {  	s3 =	rddreg [dreg:$0x2];
	[bflag:$0x3] =	sbarrier.arrive $0xFFFF;
	s2 =	simm.s32 @!p0 $0x1C02  }
0x43: {  	[timem:s3], [sflag:s2] =	dma.local @!p0 [hbm:s0], s1  }
0x44: {  	s0 =	simm.s32 @!p0 $0x2  }
0x45: {  	_ =	swait.ge @!p0 [sflag:s0], s1  }
0x46: {  	s1 =	ssub.s32 @!p0 $0x0, s1;
	[sflag:s0] =	ssyncset.done @!p0 $0x0  }
0x47: {  	[sflag:s0] =	ssyncadd.s32 @!p0 s1  }
0x48: {  	[bflag:$0x3] =	sbarrier.arrive $0xFFFF  }
0x49: {  	_ =	shalt  }

// kernel: kernel.55.cloned.1.call-start
scs
__scs_entry_jumppad:
0x0: {  	(pc) =	sbr.rel $0x88, $3  }
0x1: {  	(tag) =	ssettag $0x0;
	lr =	simm.s32 $0x1  }
0x2: {  	[smem:$0x3F98] =	sst lr;
	_ =	strace $0xD0000000  }
0x3: {  	_ = 	snop  }
0x4: {  	_ = 	snop  }
0x5: {  	_ = 	snop  }
0x6: {  	_ = 	snop  }
0x7: {  	_ = 	snop  }
__scs_overlays_trampoline_lowered:
0x8: {  	[smem:$0x3FA7] =	sst s0  }
0x9: {  	[smem:$0x3FA8] =	sst s1  }
0xa: {  	[smem:$0x3FA9] =	sst s2  }
0xb: {  	[smem:$0x3FAA] =	sst s3  }
0xc: {  	[smem:$0x3FAB] =	sst s4  }
0xd: {  	[smem:$0x3FAC] =	sst s5  }
0xe: {  	[smem:$0x3FAD] =	sst s6  }
0xf: {  	[smem:$0x3FAE] =	sst s7  }
0x10: {  	[smem:$0x3FAF] =	sst s8  }
0x11: {  	[smem:$0x3FB0] =	sst s9;
	s0 =	simm.s32 @!p0 $0x0  }
0x12: {  	s1 =	sld [smem:$0x3F96];
	s0 =	simm.s32 @p0 $0x1  }
0x13: {  	[smem:$0x3FB1] =	sst s0;
	s0 =	simm.s32 @!p1 $0x0  }
0x14: {  	s2 =	sld [smem:$0x3F95];
	s0 =	simm.s32 @p1 $0x1  }
0x15: {  	[smem:$0x3FB2] =	sst s0;
	s0 =	simm.s32 @!p2 $0x0  }
0x16: {  	s3 =	sld [smem:$0x3FDB];
	s0 =	simm.s32 @p2 $0x1  }
0x17: {  	s4 =	simm.s32 $0x1BF5;
	[smem:$0x3FB4] =	sst s0  }
0x18: {  	s0 =	sld [smem:$0x3F97];
	_ =	swait.ge [sflag:s4], $0x0  }
0x19: {  	s7 =	sld [smem:$0x3F98]  }
0x1a: {  	s8 =	sadd.s32 $0xFFFFE003, lr  }
0x1b: {  	s9 =	sadd.s32 $0xFFFFFEF7, lr;
	s5 =	simm.s32 $0xFFFFFFFF;
	p2 =	slt.u32 s8, $0xFFFFF086  }
0x1c: {  	p1 =	slt.u32 s9, $0xF7A;
	s5 =	simm.s32 @!p2 $0x0  }
0x1d: {  	s5 =	simm.s32 @p1 $0x1;
	p0 =	seq.s32 s7, s2  }
0x1e: {  	s7 =	smul.u32 @!p0 $0xF7A, s2;
	p2 =	seq.s32 @!p0 s5, $0x0  }
0x1f: {  	s9 =	smul.u32 $0xF7A, s1;
	s8 =	simm.s32 @!p0 $0x1BF5;
	p2 =	por !p2, p0  }
0x20: {  	[sflag:s8] =	ssyncset.s32 @!p0 $0xFFFFF086;
	s6 =	sadd.s32 @!p0 s3, s7;
	s7 =	simm.s32 @!p0 $0x108  }
0x21: {  	s3 =	sadd.s32 s3, s9;
	s6 =	sadd.s32 @!p0 $0x88, s6;
	s7 =	simm.s32 @p2 $0x1082  }
0x22: {  	[simem:s7], [sflag:s8] =	dma.local @!p0 [hbm:s6], $0xF7A  }
0x23: {  	s9 =	sor.u32 $0xD0000000, s2;
	s6 =	simm.s32 $0x108;
	_ =	swait.ge @!p0 [sflag:s8], $0x0  }
0x24: {  	s3 =	sadd.s32 $0x88, s3;
	s6 =	simm.s32 @!p1 $0x1082;
	[sflag:s4] =	ssyncset.s32 $0xFFFFF086  }
0x25: {  	[simem:s6], [sflag:s4] =	dma.local [hbm:s3], $0xF7A  }
0x26: {  	[smem:$0x3F98] =	sst s1;
	(tag) =	ssettag s2;
	_ =	strace s9  }
0x27: {  	s1 =	sld [smem:$0x3FA8]  }
0x28: {  	s2 =	sld [smem:$0x3FA9]  }
0x29: {  	s4 =	sld [smem:$0x3FAB]  }
0x2a: {  	p0 =	seq.s32 s5, $0x0;
	s5 =	sld [smem:$0x3FAC]  }
0x2b: {  	s6 =	sld [smem:$0x3FAD]  }
0x2c: {  	s7 =	sld [smem:$0x3FAE]  }
0x2d: {  	s3 =	simm.s32 $0x108;
	s8 =	sld [smem:$0x3FAF]  }
0x2e: {  	s3 =	simm.s32 @!p0 $0x1082;
	s9 =	sld [smem:$0x3FB0]  }
0x2f: {  	lr =	sadd.s32 s0, s3;
	s0 =	sld [smem:$0x3FA7]  }
0x30: {  	s3 =	sld [smem:$0x3FAA]  }
0x31: {  	[smem:$0x3FB3] =	sst s10  }
0x32: {  	s10 =	sld [smem:$0x3FB1];
	_ =	sdelay $0x3  }
0x33: {  	p0 =	seq.s32 s10, $0x1;
	s10 =	sld [smem:$0x3FB3];
	_ =	sdelay $0x3  }
0x34: {  	[smem:$0x3FB3] =	sst s10  }
0x35: {  	s10 =	sld [smem:$0x3FB2];
	_ =	sdelay $0x3  }
0x36: {  	p1 =	seq.s32 s10, $0x1;
	s10 =	sld [smem:$0x3FB3];
	_ =	sdelay $0x3  }
0x37: {  	[smem:$0x3FB3] =	sst s10  }
0x38: {  	s10 =	sld [smem:$0x3FB4]  }
0x39: {  	_ = 	snop;
	(pc) =	sbr.ind lr, $3  }
0x3a: {  	_ = 	snop  }
0x3b: {  	_ = 	snop  }
0x3c: {  	p2 =	seq.s32 s10, $0x1;
	s10 =	sld [smem:$0x3FB3]  }
0x3d: {  	_ =	shalt  }
0x3e: {  	_ =	shalt  }
0x3f: {  	_ =	shalt  }
0x40: {  	_ =	shalt  }
0x41: {  	_ =	shalt  }
0x42: {  	_ =	shalt  }
0x43: {  	_ =	shalt  }
0x44: {  	_ =	shalt  }
0x45: {  	_ =	shalt  }
0x46: {  	_ =	shalt  }
0x47: {  	_ =	shalt  }
0x48: {  	_ =	shalt  }
0x49: {  	_ =	shalt  }
0x4a: {  	_ =	shalt  }
0x4b: {  	_ =	shalt  }
0x4c: {  	_ =	shalt  }
0x4d: {  	_ =	shalt  }
0x4e: {  	_ =	shalt  }
0x4f: {  	_ =	shalt  }
0x50: {  	_ =	shalt  }
0x51: {  	_ =	shalt  }
0x52: {  	_ =	shalt  }
0x53: {  	_ =	shalt  }
0x54: {  	_ =	shalt  }
0x55: {  	_ =	shalt  }
0x56: {  	_ =	shalt  }
0x57: {  	_ =	shalt  }
0x58: {  	_ =	shalt  }
0x59: {  	_ =	shalt  }
0x5a: {  	_ =	shalt  }
0x5b: {  	_ =	shalt  }
0x5c: {  	_ =	shalt  }
0x5d: {  	_ =	shalt  }
0x5e: {  	_ =	shalt  }
0x5f: {  	_ =	shalt  }
0x60: {  	_ =	shalt  }
0x61: {  	_ =	shalt  }
0x62: {  	_ =	shalt  }
0x63: {  	_ =	shalt  }
0x64: {  	_ =	shalt  }
0x65: {  	_ =	shalt  }
0x66: {  	_ =	shalt  }
0x67: {  	_ =	shalt  }
0x68: {  	_ =	shalt  }
0x69: {  	_ =	shalt  }
0x6a: {  	_ =	shalt  }
0x6b: {  	_ =	shalt  }
0x6c: {  	_ =	shalt  }
0x6d: {  	_ =	shalt  }
0x6e: {  	_ =	shalt  }
0x6f: {  	_ =	shalt  }
0x70: {  	_ =	shalt  }
0x71: {  	_ =	shalt  }
0x72: {  	_ =	shalt  }
0x73: {  	_ =	shalt  }
0x74: {  	_ =	shalt  }
0x75: {  	_ =	shalt  }
0x76: {  	_ =	shalt  }
0x77: {  	_ =	shalt  }
0x78: {  	_ =	shalt  }
0x79: {  	_ =	shalt  }
0x7a: {  	_ =	shalt  }
0x7b: {  	_ =	shalt  }
0x7c: {  	_ =	shalt  }
0x7d: {  	_ =	shalt  }
0x7e: {  	_ =	shalt  }
0x7f: {  	_ =	shalt  }
0x80: {  	_ =	shalt  }
0x81: {  	_ =	shalt  }
0x82: {  	_ =	shalt  }
0x83: {  	_ =	shalt  }
0x84: {  	_ =	shalt  }
0x85: {  	_ =	shalt  }
0x86: {  	_ =	shalt  }
0x87: {  	_ =	shalt  }
.Lfunc_end0:
.L_simem_size_0:
called_computation.11_lowered:
.L_overlay_start_0:
0x88: {  	s2 =	sld [smem:$0x3FD9]  }
0x89: {  	s3 =	sld [smem:$0x3FFE];
	_ =	sdelay $0x1  }
0x8a: {  	s1 =	srdreg.scid  }
0x8b: {  	s0 =	sand.u32 $0x1, s1  }
0x8c: {  	s17 =	sshll.u32 s0, $0xA;
	s2 =	sadd.s32 s3, s2  }
0x8d: {  	s2 =	sadd.s32 s2, s17  }
0x8e: {  	[smem:$0x3FBF] =	sst s2  }
0x8f: {  	_ = 	snop  }
0x90: {  	(tm) =	ssettm $0x1  }
0x91: {  	s18 =	sld [smem:$0x3FFB];
	_ =	sdelay $0x3  }
0x92: {  	_ =	strace s18  }
0x93: {  	s2 =	sld [smem:$0x3FFC];
	_ =	sdelay $0x3  }
0x94: {  	_ =	strace s2  }
0x95: {  	s2 =	sld [smem:$0x3FFD];
	_ =	sdelay $0x3  }
0x96: {  	_ =	strace s2  }
0x97: {  	_ =	strace $0x8FFFFFFF  }
0x98: {  	s19 =	sld [smem:$0x3FDB];
	_ =	sdelay $0x1  }
0x99: {  	s20 =	simm.s32 $_scs_section_size  }
0x9a: {  	s4 =	simm.s32 $_size__tile_overlayer_lowered;
	s5 =	simm.s32 $_tile_overlayer_lowered  }
0x9b: {  	s6 =	simm.s32 $0x1BFF;
	s21 =	sshll.u32 s5, $0x1;
	s3 =	sadd.s32 s20, s19  }
0x9c: {  	s22 =	simm.s32 $0x0;
	s4 =	sshll.u32 s4, $0x1;
	s5 =	sadd.s32 s21, s3  }
0x9d: {  	[timem:s22], [sflag:s6] =	dma.local [hbm:s5], s4  }
0x9e: {  	_ =	swait.ge [sflag:s6], s4  }
0x9f: {  	s4 =	ssub.s32 $0x0, s4;
	[sflag:s6] =	ssyncset.done $0x0  }
0xa0: {  	[sflag:s6] =	ssyncadd.s32 s4;
	_ =	sdelay $0x1  }
0xa1: {  	s23 =	simm.s32 $0x1B8B  }
0xa2: {  	_ =	swait.ge [sflag:s23], $0x1  }
0xa3: {  	[sflag:s23] =	ssyncset.done $0x0  }
0xa4: {  	[sflag:s23] =	ssyncadd.s32 $0xFFFFFFFF  }
0xa5: {  	s4 =	sld [smem:$0x0]  }
0xa6: {  	s5 =	sand.u32 $0xFFFFFFFE, s1  }
0xa7: {  	p0 =	sne.s32 s1, s5  }
0xa8: {  	s5 =	sshll.u32 @p0 s5, $0xE  }
0xa9: {  	s5 =	sadd.s32 @p0 $0x11B8D, s5;
	s6 =	sshll.u32 @p0 s4, $0x11  }
0xaa: {  	s5 =	sor.u32 @p0 s6, s5  }
0xab: {  	[sflag:s5] =	ssyncadd.remote.s32 @p0 $0x1;
	_ =	sdelay $0x1  }
0xac: {  	s5 =	simm.s32 @p0 $0x1B8D  }
0xad: {  	_ =	swait.eq @p0 [sflag:s5], $0x1  }
0xae: {  	[sflag:s5] =	ssyncadd.s32 @p0 $0xFFFFFFFF  }
0xaf: {  	s6 =	sshll.u32 @!p0 s1, $0xE  }
0xb0: {  	s6 =	sor.u32 @!p0 $0x4000, s6;
	s5 =	simm.s32 @!p0 $0x1B8D  }
0xb1: {  	s4 =	sshll.u32 @!p0 s4, $0x11;
	s6 =	sadd.s32 @!p0 $0x11B8D, s6;
	_ =	swait.eq @!p0 [sflag:s5], $0x1  }
0xb2: {  	s4 =	sor.u32 @!p0 s4, s6;
	[sflag:s5] =	ssyncadd.s32 @!p0 $0xFFFFFFFF  }
0xb3: {  	s25 =	simm.s32 $0x1B8E;
	s24 =	sld [smem:$0x3FFE];
	[sflag:s4] =	ssyncadd.remote.s32 @!p0 $0x1  }
0xb4: {  	s26 =	simm.s32 $execute0_lowered;
	[smem:$0x3FD2] =	sst s25  }
0xb5: {  	s5 =	sshll.u32 s26, $0x1;
	_ =	strace $0x8000006A;
	[dreg:$0x1] =	wrdreg $0xFFFFFFFF  }
0xb6: {  	s28 =	simm.s32 $_size_execute0_lowered;
	s3 =	sadd.s32 s3, s5;
	[dreg:$0x0] =	wrdreg $0x0  }
0xb7: {  	s5 =	sshll.u32 s28, $0x1;
	[dreg:$0x2] =	wrdreg s3  }
0xb8: {  	[dreg:$0x3] =	wrdreg s5  }
0xb9: {  	[dreg:$0x4] =	wrdreg $0xC0  }
0xba: {  	_ =	task [dreg:s22], $0x5FFFF  }
0xbb: {  	[dreg:$0x1] =	wrdreg $0xFFFFFFFF  }
0xbc: {  	[dreg:$0x0] =	wrdreg $0x60  }
0xbd: {  	[dreg:$0x2] =	wrdreg s24  }
0xbe: {  	[dreg:$0x3] =	wrdreg $0x90000  }
0xbf: {  	[dreg:$0x4] =	wrdreg $0xB  }
0xc0: {  	_ =	task.clear_ibuf [dreg:s22], $0x5FFFF;
	_ =	strace $0x9000006A  }
0xc1: {  	s29 =	simm.s32 $0xB;
	_ =	strace $0x8000006C  }
0xc2: {  	_ =	swait.ge [sflag:s29], $0x1  }
0xc3: {  	[sflag:s29] =	ssyncadd.s32 $0xFFFFFFFF  }
0xc4: {  	_ =	strace $0x9000006C  }
0xc5: {  	_ =	sfence  }
0xc6: {  	s30 =	sld [smem:$0x0];
	_ =	sdelay $0x2  }
0xc7: {  	s31 =	sshll.u32 s1, $0xD;
	s1 =	sshrl.u32 s1, $0x2  }
0xc8: {  	s4 =	sand.u32 $0x4000, s31;
	s1 =	sadd.s32 s1, s30  }
0xc9: {  	s0 =	sor.u32 s4, s0;
	s1 =	sshll.u32 s1, $0x11  }
0xca: {  	s0 =	sor.u32 s1, s0  }
0xcb: {  	s0 =	sadd.s32 $0x8F2B, s0  }
0xcc: {  	[sflag:s0] =	ssyncadd.remote.s32 $0x1  }
0xcd: {  	_ =	sfence.sel $0xFFFF  }
0xce: {  	[dreg:$0x0] =	wrdreg $0xFFFFFFFF;
	(pc) =	sbr.abs _section_cstart, $3  }
0xcf: {  	[dreg:$0x1] =	wrdreg $0xFFFFFFFF  }
0xd0: {  	_ =	task.clear_ibuf [dreg:s22], $0x2FFFF;
	_ =	strace $0x9FFFFFFF  }
0xd1: {  	(tm) =	ssettm $0x7FFFFFFF  }
tec
execute0_lowered:
.L_overlay_start_1:
0x0: {  	(tag) =	ssettag $0x1  }
0x1: {  	s6 =	rddreg [dreg:$0x0]  }
0x2: {  	s0 =	srdreg.scid;
	s2 =	rddreg [dreg:$0x1]  }
0x3: {  	s3 =	simm.s32 $0x0;
	s14 =	simm.s32 $0x80;
	s15 =	simm.s32 $0x5000  }
0x4: {  	s16 =	simm.s32 $0x1;
	s5 =	sand.u32 $0x1, s0;
	s0 =	stileid.u32  }
0x5: {  	s17 =	simm.s32 $0x0;
	[smem:$0x7FF] =	sst s3;
	s8 =	smul.u32 $0x2780, s0  }
0x6: {  	s1 =	sshll.u32 s5, $0x4;
	s9 =	smul.u32 $0x27800, s5;
	s5 =	ssub.s32 $0x2, s5  }
0x7: {  	s10 =	smul.u32 $0x4F000, s0;
	s12 =	sshll.u32 s0, $0x6;
	s4 =	sor.u32 s0, s1  }
0x8: {  	s1 =	rddreg [dreg:$0x2];
	_ =	strace $0x8000006B;
	s31 =	sshrl.u32 s5, $0x1  }
0x9: {  	s12 =	sor.u32 $0x1C02, s12;
	s7 =	smul.u32 $0x500, s4;
	s4 =	sadd.s32 $0xF0600, s6  }
0xa: {  	s11 =	sadd.s32 s8, s6;
	s8 =	sadd.s32 s8, s9;
	s10 =	sshrl.u32 s10, $0x2  }
0xb: {  	s9 =	ssub.s32 s5, s31;
	s8 =	sadd.s32 s8, s6;
	s13 =	sadd.s32 s10, s2  }
0xc: {  	s9 =	smax.u32 s9, $0x1;
	s10 =	simm.s32 $0x2;
	s7 =	sadd.s32 s7, s6  }
0xd: {  	s8 =	sadd.s32 $0x204E00, s8;
	s13 =	sshrl.u32 s13, $0x3;
	s5 =	sadd.s32 $0x16E00, s7  }
0xe: {  	s6 =	sadd.s32 $0x20E00, s7;
	s7 =	sadd.s32 $0x18E600, s11;
	s11 =	simm.s32 $0x2800  }
.LBB2_1:
0xf: {  	[tilespmem:s3], [sflag:$0x2] =	stream.linear.gather [hbm4b:s5+s3], $0x2780, $0x38;
	[tilespmem:$0x1CC00] =	vst v63  }
0x10: {  	_ =	swait.ge [sflag:s10], $0x2780  }
0x11: {  	[sflag:s10] =	ssyncset.done $0x0  }
0x12: {  	[sflag:s10] =	ssyncadd.s32 $0xFFFFD880  }
0x13: {  	[tilespmem:s11], [sflag:$0x2] =	stream.linear.gather [hbm4b:s6+s3], $0x2780, $0x38;
	[tilespmem:$0x1CC00] =	vst v63  }
0x14: {  	_ =	swait.ge [sflag:s10], $0x2780  }
0x15: {  	[sflag:s10] =	ssyncset.done $0x0  }
0x16: {  	[sflag:s10] =	ssyncadd.s32 $0xFFFFD880  }
0x17: {  	[spmem:s13], [sflag:s12] =	dma.local [hbm:s7], $0x2780  }
0x18: {  	_ =	swait.ge [sflag:s10], $0x2780  }
0x19: {  	[sflag:s10] =	ssyncset.done $0x0  }
0x1a: {  	[sflag:s10] =	ssyncadd.s32 $0xFFFFD880  }
0x1b: {  	s18 =	simm.s32 $0x0;
	[bflag:$0x0] =	sbarrier.arrive $0xFFFF  }
0x1c: {  	[tilespmem:s15], [sflag:$0x1] =	stream.indirect.gather [hbm4b:s4+s14], $0x80, s18, s14, $0xb8;
	[tilespmem:$0x1CC00] =	vst v63  }
0x1d: {  	_ =	swait.ge [sflag:s16], $0x4000  }
0x1e: {  	[sflag:s16] =	ssyncset.done $0x0  }
0x1f: {  	s31 =	simm.s32 $0x2800;
	[sflag:s16] =	ssyncadd.s32 $0xFFFFC000  }
0x20: {  	[spmem:s2] =	stream.indirect.scatter.add.f32 [tilespmem:s15], [sflag:$0x2], $0x80, s31, s14, $0xb8;
	[tilespmem:$0x1CC00] =	vst v63  }
0x21: {  	_ =	swait.ge [sflag:s10], $0x4000  }
0x22: {  	s19 =	simm.s32 $0x400;
	s18 =	simm.s32 $0x200;
	[sflag:s10] =	ssyncset.done $0x0  }
.LBB2_2:
0x23: {  	s20 =	sshra.s32 s18, $0x2  }
0x24: {  	[sflag:s10] =	ssyncadd.s32 $0xFFFFC000;
	s18 =	smov.u32 s19;
	s21 =	sadd.s32 $0x200, s19  }
0x25: {  	[tilespmem:s15], [sflag:$0x1] =	stream.indirect.gather [hbm4b:s4+s14], $0x80, s20, s14, $0xb8;
	[tilespmem:$0x1CC00] =	vst v63  }
0x26: {  	p0 =	sne.s32 s19, $0x9C00;
	_ =	swait.ge [sflag:s16], $0x4000  }
.Ltmp0:
0x27: {  	[sflag:s16] =	ssyncset.done $0x0;
	(pc) =	sbr.rel @p0 .LBB2_2-.Ltmp0, $4  }
0x28: {  	s19 =	sadd.s32 $0x2800, s20;
	[sflag:s16] =	ssyncadd.s32 $0xFFFFC000  }
0x29: {  	[spmem:s2] =	stream.indirect.scatter.add.f32 [tilespmem:s15], [sflag:$0x2], $0x80, s19, s14, $0xb8;
	[tilespmem:$0x1CC00] =	vst v63  }
0x2a: {  	_ =	swait.ge [sflag:s10], $0x4000  }
0x2b: {  	s19 =	smov.u32 s21;
	[sflag:s10] =	ssyncset.done $0x0  }
0x2c: {  	s18 =	sshra.s32 s18, $0x2;
	[sflag:s10] =	ssyncadd.s32 $0xFFFFC000  }
0x2d: {  	[tilespmem:s15], [sflag:$0x1] =	stream.indirect.gather [hbm4b:s4+s14], $0x80, s18, s14, $0xb8;
	[tilespmem:$0x1CC00] =	vst v63  }
0x2e: {  	_ =	swait.ge [sflag:s16], $0x4000  }
0x2f: {  	[sflag:s16] =	ssyncset.done $0x0  }
0x30: {  	s18 =	sadd.s32 $0x2800, s18;
	[sflag:s16] =	ssyncadd.s32 $0xFFFFC000  }
0x31: {  	[spmem:s2] =	stream.indirect.scatter.add.f32 [tilespmem:s15], [sflag:$0x2], $0x80, s18, s14, $0xb8;
	[tilespmem:$0x1CC00] =	vst v63  }
0x32: {  	_ =	swait.ge [sflag:s10], $0x4000  }
0x33: {  	s17 =	sadd.s32 $0x1, s17;
	[sflag:s10] =	ssyncset.done $0x0  }
0x34: {  	p0 =	sne.s32 s17, s9;
	[sflag:s10] =	ssyncadd.s32 $0xFFFFC000  }
.Ltmp1:
0x35: {  	[bflag:$0x0] =	sbarrier.arrive $0xFFFF;
	(pc) =	sbr.rel @p0 .LBB2_1-.Ltmp1, $4  }
0x36: {  	[hbm:s8], [sflag:s12] =	dma.local [spmem:s13], $0x2780  }
0x37: {  	_ =	swait.ge [sflag:s10], $0x2780  }
0x38: {  	[sflag:s10] =	ssyncset.done $0x0  }
0x39: {  	[sflag:s10] =	ssyncadd.s32 $0xFFFFD880  }
0x3a: {  	_ =	sfence.sel $0x180000  }
0x3b: {  	[bflag:$0x0] =	sbarrier.arrive $0xFFFF  }
0x3c: {  	p0 =	sne.s32 s0, $0x0;
	_ =	strace $0x9000006B  }
0x3d: {  	s0 =	sadd.s32 @!p0 $0x100000, s1;
	[bflag:$0x2] =	sbarrier.arrive $0xFFFF  }
0x3e: {  	[sflag:s0] =	ssyncadd.tile.s32 @!p0 $0x1;
	_ =	shalt  }
.Lfunc_end2:
_tile_overlayer_lowered:
.L_overlay_start_2:
0x3f: {  	(tag) =	ssettag $0x2  }
0x40: {  	s0 =	rddreg [dreg:$0x0];
	s2 =	stileid.u32  }
0x41: {  	s1 =	rddreg [dreg:$0x1];
	p0 =	sne.s32 s2, $0x0  }
0x42: {  	s3 =	rddreg [dreg:$0x2];
	[bflag:$0x3] =	sbarrier.arrive $0xFFFF;
	s2 =	simm.s32 @!p0 $0x1C02  }
0x43: {  	[timem:s3], [sflag:s2] =	dma.local @!p0 [hbm:s0], s1  }
0x44: {  	s0 =	simm.s32 @!p0 $0x2  }
0x45: {  	_ =	swait.ge @!p0 [sflag:s0], s1  }
0x46: {  	s1 =	ssub.s32 @!p0 $0x0, s1;
	[sflag:s0] =	ssyncset.done @!p0 $0x0  }
0x47: {  	[sflag:s0] =	ssyncadd.s32 @!p0 s1  }
0x48: {  	[bflag:$0x3] =	sbarrier.arrive $0xFFFF  }
0x49: {  	_ =	shalt  }

// kernel: kernel.58.cloned.1.call-start
scs
__scs_entry_jumppad:
0x0: {  	(pc) =	sbr.rel $0x88, $3  }
0x1: {  	(tag) =	ssettag $0x0;
	lr =	simm.s32 $0x1  }
0x2: {  	[smem:$0x3F98] =	sst lr;
	_ =	strace $0xD0000000  }
0x3: {  	_ = 	snop  }
0x4: {  	_ = 	snop  }
0x5: {  	_ = 	snop  }
0x6: {  	_ = 	snop  }
0x7: {  	_ = 	snop  }
__scs_overlays_trampoline_lowered:
0x8: {  	[smem:$0x3FA7] =	sst s0  }
0x9: {  	[smem:$0x3FA8] =	sst s1  }
0xa: {  	[smem:$0x3FA9] =	sst s2  }
0xb: {  	[smem:$0x3FAA] =	sst s3  }
0xc: {  	[smem:$0x3FAB] =	sst s4  }
0xd: {  	[smem:$0x3FAC] =	sst s5  }
0xe: {  	[smem:$0x3FAD] =	sst s6  }
0xf: {  	[smem:$0x3FAE] =	sst s7  }
0x10: {  	[smem:$0x3FAF] =	sst s8  }
0x11: {  	[smem:$0x3FB0] =	sst s9;
	s0 =	simm.s32 @!p0 $0x0  }
0x12: {  	s1 =	sld [smem:$0x3F96];
	s0 =	simm.s32 @p0 $0x1  }
0x13: {  	[smem:$0x3FB1] =	sst s0;
	s0 =	simm.s32 @!p1 $0x0  }
0x14: {  	s2 =	sld [smem:$0x3F95];
	s0 =	simm.s32 @p1 $0x1  }
0x15: {  	[smem:$0x3FB2] =	sst s0;
	s0 =	simm.s32 @!p2 $0x0  }
0x16: {  	s3 =	sld [smem:$0x3FDB];
	s0 =	simm.s32 @p2 $0x1  }
0x17: {  	s4 =	simm.s32 $0x1BF5;
	[smem:$0x3FB4] =	sst s0  }
0x18: {  	s0 =	sld [smem:$0x3F97];
	_ =	swait.ge [sflag:s4], $0x0  }
0x19: {  	s7 =	sld [smem:$0x3F98]  }
0x1a: {  	s8 =	sadd.s32 $0xFFFFE003, lr  }
0x1b: {  	s9 =	sadd.s32 $0xFFFFFEF7, lr;
	s5 =	simm.s32 $0xFFFFFFFF;
	p2 =	slt.u32 s8, $0xFFFFF086  }
0x1c: {  	p1 =	slt.u32 s9, $0xF7A;
	s5 =	simm.s32 @!p2 $0x0  }
0x1d: {  	s5 =	simm.s32 @p1 $0x1;
	p0 =	seq.s32 s7, s2  }
0x1e: {  	s7 =	smul.u32 @!p0 $0xF7A, s2;
	p2 =	seq.s32 @!p0 s5, $0x0  }
0x1f: {  	s9 =	smul.u32 $0xF7A, s1;
	s8 =	simm.s32 @!p0 $0x1BF5;
	p2 =	por !p2, p0  }
0x20: {  	[sflag:s8] =	ssyncset.s32 @!p0 $0xFFFFF086;
	s6 =	sadd.s32 @!p0 s3, s7;
	s7 =	simm.s32 @!p0 $0x108  }
0x21: {  	s3 =	sadd.s32 s3, s9;
	s6 =	sadd.s32 @!p0 $0x88, s6;
	s7 =	simm.s32 @p2 $0x1082  }
0x22: {  	[simem:s7], [sflag:s8] =	dma.local @!p0 [hbm:s6], $0xF7A  }
0x23: {  	s9 =	sor.u32 $0xD0000000, s2;
	s6 =	simm.s32 $0x108;
	_ =	swait.ge @!p0 [sflag:s8], $0x0  }
0x24: {  	s3 =	sadd.s32 $0x88, s3;
	s6 =	simm.s32 @!p1 $0x1082;
	[sflag:s4] =	ssyncset.s32 $0xFFFFF086  }
0x25: {  	[simem:s6], [sflag:s4] =	dma.local [hbm:s3], $0xF7A  }
0x26: {  	[smem:$0x3F98] =	sst s1;
	(tag) =	ssettag s2;
	_ =	strace s9  }
0x27: {  	s1 =	sld [smem:$0x3FA8]  }
0x28: {  	s2 =	sld [smem:$0x3FA9]  }
0x29: {  	s4 =	sld [smem:$0x3FAB]  }
0x2a: {  	p0 =	seq.s32 s5, $0x0;
	s5 =	sld [smem:$0x3FAC]  }
0x2b: {  	s6 =	sld [smem:$0x3FAD]  }
0x2c: {  	s7 =	sld [smem:$0x3FAE]  }
0x2d: {  	s3 =	simm.s32 $0x108;
	s8 =	sld [smem:$0x3FAF]  }
0x2e: {  	s3 =	simm.s32 @!p0 $0x1082;
	s9 =	sld [smem:$0x3FB0]  }
0x2f: {  	lr =	sadd.s32 s0, s3;
	s0 =	sld [smem:$0x3FA7]  }
0x30: {  	s3 =	sld [smem:$0x3FAA]  }
0x31: {  	[smem:$0x3FB3] =	sst s10  }
0x32: {  	s10 =	sld [smem:$0x3FB1];
	_ =	sdelay $0x3  }
0x33: {  	p0 =	seq.s32 s10, $0x1;
	s10 =	sld [smem:$0x3FB3];
	_ =	sdelay $0x3  }
0x34: {  	[smem:$0x3FB3] =	sst s10  }
0x35: {  	s10 =	sld [smem:$0x3FB2];
	_ =	sdelay $0x3  }
0x36: {  	p1 =	seq.s32 s10, $0x1;
	s10 =	sld [smem:$0x3FB3];
	_ =	sdelay $0x3  }
0x37: {  	[smem:$0x3FB3] =	sst s10  }
0x38: {  	s10 =	sld [smem:$0x3FB4]  }
0x39: {  	_ = 	snop;
	(pc) =	sbr.ind lr, $3  }
0x3a: {  	_ = 	snop  }
0x3b: {  	_ = 	snop  }
0x3c: {  	p2 =	seq.s32 s10, $0x1;
	s10 =	sld [smem:$0x3FB3]  }
0x3d: {  	_ =	shalt  }
0x3e: {  	_ =	shalt  }
0x3f: {  	_ =	shalt  }
0x40: {  	_ =	shalt  }
0x41: {  	_ =	shalt  }
0x42: {  	_ =	shalt  }
0x43: {  	_ =	shalt  }
0x44: {  	_ =	shalt  }
0x45: {  	_ =	shalt  }
0x46: {  	_ =	shalt  }
0x47: {  	_ =	shalt  }
0x48: {  	_ =	shalt  }
0x49: {  	_ =	shalt  }
0x4a: {  	_ =	shalt  }
0x4b: {  	_ =	shalt  }
0x4c: {  	_ =	shalt  }
0x4d: {  	_ =	shalt  }
0x4e: {  	_ =	shalt  }
0x4f: {  	_ =	shalt  }
0x50: {  	_ =	shalt  }
0x51: {  	_ =	shalt  }
0x52: {  	_ =	shalt  }
0x53: {  	_ =	shalt  }
0x54: {  	_ =	shalt  }
0x55: {  	_ =	shalt  }
0x56: {  	_ =	shalt  }
0x57: {  	_ =	shalt  }
0x58: {  	_ =	shalt  }
0x59: {  	_ =	shalt  }
0x5a: {  	_ =	shalt  }
0x5b: {  	_ =	shalt  }
0x5c: {  	_ =	shalt  }
0x5d: {  	_ =	shalt  }
0x5e: {  	_ =	shalt  }
0x5f: {  	_ =	shalt  }
0x60: {  	_ =	shalt  }
0x61: {  	_ =	shalt  }
0x62: {  	_ =	shalt  }
0x63: {  	_ =	shalt  }
0x64: {  	_ =	shalt  }
0x65: {  	_ =	shalt  }
0x66: {  	_ =	shalt  }
0x67: {  	_ =	shalt  }
0x68: {  	_ =	shalt  }
0x69: {  	_ =	shalt  }
0x6a: {  	_ =	shalt  }
0x6b: {  	_ =	shalt  }
0x6c: {  	_ =	shalt  }
0x6d: {  	_ =	shalt  }
0x6e: {  	_ =	shalt  }
0x6f: {  	_ =	shalt  }
0x70: {  	_ =	shalt  }
0x71: {  	_ =	shalt  }
0x72: {  	_ =	shalt  }
0x73: {  	_ =	shalt  }
0x74: {  	_ =	shalt  }
0x75: {  	_ =	shalt  }
0x76: {  	_ =	shalt  }
0x77: {  	_ =	shalt  }
0x78: {  	_ =	shalt  }
0x79: {  	_ =	shalt  }
0x7a: {  	_ =	shalt  }
0x7b: {  	_ =	shalt  }
0x7c: {  	_ =	shalt  }
0x7d: {  	_ =	shalt  }
0x7e: {  	_ =	shalt  }
0x7f: {  	_ =	shalt  }
0x80: {  	_ =	shalt  }
0x81: {  	_ =	shalt  }
0x82: {  	_ =	shalt  }
0x83: {  	_ =	shalt  }
0x84: {  	_ =	shalt  }
0x85: {  	_ =	shalt  }
0x86: {  	_ =	shalt  }
0x87: {  	_ =	shalt  }
.Lfunc_end0:
.L_simem_size_0:
called_computation.12_lowered:
.L_overlay_start_0:
0x88: {  	s2 =	sld [smem:$0x3FD9]  }
0x89: {  	s3 =	sld [smem:$0x3FFE];
	_ =	sdelay $0x1  }
0x8a: {  	s1 =	srdreg.scid  }
0x8b: {  	s0 =	sand.u32 $0x1, s1  }
0x8c: {  	s17 =	sshll.u32 s0, $0xA;
	s2 =	sadd.s32 s3, s2  }
0x8d: {  	s2 =	sadd.s32 s2, s17  }
0x8e: {  	[smem:$0x3FBF] =	sst s2  }
0x8f: {  	_ = 	snop  }
0x90: {  	s18 =	sld [smem:$0x3FD0];
	(tm) =	ssettm $0x1  }
0x91: {  	s19 =	sld [smem:$0x3FFB];
	_ =	sdelay $0x3  }
0x92: {  	_ =	strace s19  }
0x93: {  	s2 =	sld [smem:$0x3FFC];
	_ =	sdelay $0x3  }
0x94: {  	_ =	strace s2  }
0x95: {  	s2 =	sld [smem:$0x3FFD];
	_ =	sdelay $0x3  }
0x96: {  	_ =	strace s2  }
0x97: {  	_ =	strace $0x8FFFFFFF  }
0x98: {  	s20 =	sld [smem:$0x3FDB];
	_ =	sdelay $0x1  }
0x99: {  	s4 =	simm.s32 $_scs_section_size  }
0x9a: {  	s5 =	simm.s32 $_size__tile_overlayer_lowered;
	s6 =	simm.s32 $_tile_overlayer_lowered  }
0x9b: {  	s7 =	simm.s32 $0x1BFF;
	s21 =	sshll.u32 s6, $0x1;
	s4 =	sadd.s32 s4, s20  }
0x9c: {  	s22 =	simm.s32 $0x0;
	s5 =	sshll.u32 s5, $0x1;
	s6 =	sadd.s32 s21, s4  }
0x9d: {  	[timem:s22], [sflag:s7] =	dma.local [hbm:s6], s5  }
0x9e: {  	_ =	swait.ge [sflag:s7], s5  }
0x9f: {  	s5 =	ssub.s32 $0x0, s5;
	[sflag:s7] =	ssyncset.done $0x0  }
0xa0: {  	[sflag:s7] =	ssyncadd.s32 s5;
	_ =	sdelay $0x1  }
0xa1: {  	s23 =	simm.s32 $0x1B8B  }
0xa2: {  	_ =	swait.ge [sflag:s23], $0x1  }
0xa3: {  	[sflag:s23] =	ssyncset.done $0x0  }
0xa4: {  	[sflag:s23] =	ssyncadd.s32 $0xFFFFFFFF  }
0xa5: {  	s5 =	sld [smem:$0x0]  }
0xa6: {  	s6 =	sand.u32 $0xFFFFFFFE, s1  }
0xa7: {  	p0 =	sne.s32 s1, s6  }
0xa8: {  	s6 =	sshll.u32 @p0 s6, $0xE  }
0xa9: {  	s6 =	sadd.s32 @p0 $0x11B8D, s6;
	s7 =	sshll.u32 @p0 s5, $0x11  }
0xaa: {  	s6 =	sor.u32 @p0 s7, s6  }
0xab: {  	[sflag:s6] =	ssyncadd.remote.s32 @p0 $0x1;
	_ =	sdelay $0x1  }
0xac: {  	s6 =	simm.s32 @p0 $0x1B8D  }
0xad: {  	_ =	swait.eq @p0 [sflag:s6], $0x1  }
0xae: {  	[sflag:s6] =	ssyncadd.s32 @p0 $0xFFFFFFFF  }
0xaf: {  	s7 =	sshll.u32 @!p0 s1, $0xE  }
0xb0: {  	s7 =	sor.u32 @!p0 $0x4000, s7;
	s6 =	simm.s32 @!p0 $0x1B8D  }
0xb1: {  	s5 =	sshll.u32 @!p0 s5, $0x11;
	s7 =	sadd.s32 @!p0 $0x11B8D, s7;
	_ =	swait.eq @!p0 [sflag:s6], $0x1  }
0xb2: {  	s5 =	sor.u32 @!p0 s5, s7;
	[sflag:s6] =	ssyncadd.s32 @!p0 $0xFFFFFFFF  }
0xb3: {  	s25 =	simm.s32 $0x1B8E;
	s24 =	sld [smem:$0x3FFE];
	[sflag:s5] =	ssyncadd.remote.s32 @!p0 $0x1  }
0xb4: {  	s26 =	simm.s32 $execute0_lowered;
	[smem:$0x3FD2] =	sst s25  }
0xb5: {  	s6 =	sshll.u32 s26, $0x1;
	_ =	strace $0x80000067;
	[dreg:$0x1] =	wrdreg $0xFFFFFFFF  }
0xb6: {  	s28 =	simm.s32 $_size_execute0_lowered;
	s4 =	sadd.s32 s4, s6;
	[dreg:$0x0] =	wrdreg $0x0  }
0xb7: {  	s6 =	sshll.u32 s28, $0x1;
	[dreg:$0x2] =	wrdreg s4  }
0xb8: {  	[dreg:$0x3] =	wrdreg s6  }
0xb9: {  	[dreg:$0x4] =	wrdreg $0xC0  }
0xba: {  	_ =	task [dreg:s22], $0x5FFFF  }
0xbb: {  	[dreg:$0x1] =	wrdreg $0xFFFFFFFF  }
0xbc: {  	[dreg:$0x0] =	wrdreg $0x60  }
0xbd: {  	[dreg:$0x2] =	wrdreg s24  }
0xbe: {  	[dreg:$0x3] =	wrdreg s18  }
0xbf: {  	[dreg:$0x4] =	wrdreg $0x90000  }
0xc0: {  	[dreg:$0x5] =	wrdreg $0xC  }
0xc1: {  	_ =	task.clear_ibuf [dreg:s22], $0x6FFFF;
	_ =	strace $0x90000067  }
0xc2: {  	s29 =	simm.s32 $0xC;
	_ =	strace $0x80000069  }
0xc3: {  	_ =	swait.ge [sflag:s29], $0x1  }
0xc4: {  	[sflag:s29] =	ssyncadd.s32 $0xFFFFFFFF  }
0xc5: {  	_ =	strace $0x90000069  }
0xc6: {  	_ =	sfence  }
0xc7: {  	s30 =	sld [smem:$0x0];
	_ =	sdelay $0x2  }
0xc8: {  	s31 =	sshll.u32 s1, $0xD;
	s1 =	sshrl.u32 s1, $0x2  }
0xc9: {  	s4 =	sand.u32 $0x4000, s31;
	s1 =	sadd.s32 s1, s30  }
0xca: {  	s0 =	sor.u32 s4, s0;
	s1 =	sshll.u32 s1, $0x11  }
0xcb: {  	s0 =	sor.u32 s1, s0  }
0xcc: {  	s0 =	sadd.s32 $0x8F2B, s0  }
0xcd: {  	[sflag:s0] =	ssyncadd.remote.s32 $0x1  }
0xce: {  	_ =	sfence.sel $0xFFFF  }
0xcf: {  	[dreg:$0x0] =	wrdreg $0xFFFFFFFF;
	(pc) =	sbr.abs _section_cstart, $3  }
0xd0: {  	[dreg:$0x1] =	wrdreg $0xFFFFFFFF  }
0xd1: {  	_ =	task.clear_ibuf [dreg:s22], $0x2FFFF;
	_ =	strace $0x9FFFFFFF  }
0xd2: {  	(tm) =	ssettm $0x7FFFFFFF  }
0xd3: {  	_ =	shalt  }
tec
execute0_lowered:
.L_overlay_start_1:
0x0: {  	(tag) =	ssettag $0x1  }
0x1: {  	s5 =	rddreg [dreg:$0x0]  }
0x2: {  	s7 =	rddreg [dreg:$0x1]  }
0x3: {  	s0 =	srdreg.scid;
	s2 =	rddreg [dreg:$0x2]  }
0x4: {  	s3 =	simm.s32 $0x0;
	s6 =	sand.u32 $0x1, s0;
	s0 =	stileid.u32  }
0x5: {  	s15 =	simm.s32 $0x5000;
	s16 =	simm.s32 $0x1;
	s9 =	smul.u32 $0x2780, s0  }
0x6: {  	s17 =	simm.s32 $0x0;
	[smem:$0x7FF] =	sst s3;
	s10 =	smul.u32 $0x27800, s6  }
0x7: {  	s1 =	sshll.u32 s6, $0x4;
	s6 =	ssub.s32 $0x2, s6;
	s12 =	smul.u32 $0x4F000, s0  }
0x8: {  	s31 =	sshll.u32 s0, $0x6;
	s4 =	sor.u32 s0, s1;
	s1 =	rddreg [dreg:$0x3]  }
0x9: {  	_ =	strace $0x80000068;
	s30 =	sshrl.u32 s6, $0x1;
	s8 =	smul.u32 $0x500, s4  }
0xa: {  	s4 =	sadd.s32 $0xC8E00, s5;
	s13 =	sadd.s32 s9, s5;
	s9 =	sadd.s32 s9, s10  }
0xb: {  	s10 =	ssub.s32 s6, s30;
	s12 =	sshrl.u32 s12, $0x2;
	s9 =	sadd.s32 s9, s5  }
0xc: {  	s14 =	sadd.s32 s12, s2;
	s12 =	sor.u32 $0x1C02, s31;
	s11 =	sadd.s32 s8, s5  }
0xd: {  	s5 =	sadd.s32 s7, s8;
	s7 =	sadd.s32 $0x18E600, s13;
	s8 =	sadd.s32 $0x1B5E00, s9  }
0xe: {  	s9 =	smax.u32 s10, $0x1;
	s10 =	simm.s32 $0x2;
	s13 =	sshrl.u32 s14, $0x3  }
0xf: {  	s14 =	simm.s32 $0x80;
	s6 =	sadd.s32 $0xBE00, s11;
	s11 =	simm.s32 $0x2800  }
.LBB2_1:
0x10: {  	[tilespmem:s3], [sflag:$0x2] =	stream.linear.gather [hbm4b:s5+s3], $0x2780, $0x38;
	[tilespmem:$0x1CC00] =	vst v63  }
0x11: {  	_ =	swait.ge [sflag:s10], $0x2780  }
0x12: {  	[sflag:s10] =	ssyncset.done $0x0  }
0x13: {  	[sflag:s10] =	ssyncadd.s32 $0xFFFFD880  }
0x14: {  	[tilespmem:s11], [sflag:$0x2] =	stream.linear.gather [hbm4b:s6+s3], $0x2780, $0x38;
	[tilespmem:$0x1CC00] =	vst v63  }
0x15: {  	_ =	swait.ge [sflag:s10], $0x2780  }
0x16: {  	[sflag:s10] =	ssyncset.done $0x0  }
0x17: {  	[sflag:s10] =	ssyncadd.s32 $0xFFFFD880  }
0x18: {  	[spmem:s13], [sflag:s12] =	dma.local [hbm:s7], $0x2780  }
0x19: {  	_ =	swait.ge [sflag:s10], $0x2780  }
0x1a: {  	[sflag:s10] =	ssyncset.done $0x0  }
0x1b: {  	[sflag:s10] =	ssyncadd.s32 $0xFFFFD880  }
0x1c: {  	s18 =	simm.s32 $0x0;
	[bflag:$0x0] =	sbarrier.arrive $0xFFFF  }
0x1d: {  	[tilespmem:s15], [sflag:$0x1] =	stream.indirect.gather [hbm4b:s4+s14], $0x80, s18, s14, $0xb8;
	[tilespmem:$0x1CC00] =	vst v63  }
0x1e: {  	_ =	swait.ge [sflag:s16], $0x4000  }
0x1f: {  	[sflag:s16] =	ssyncset.done $0x0  }
0x20: {  	s31 =	simm.s32 $0x2800;
	[sflag:s16] =	ssyncadd.s32 $0xFFFFC000  }
0x21: {  	[spmem:s2] =	stream.indirect.scatter.add.f32 [tilespmem:s15], [sflag:$0x2], $0x80, s31, s14, $0xb8;
	[tilespmem:$0x1CC00] =	vst v63  }
0x22: {  	_ =	swait.ge [sflag:s10], $0x4000  }
0x23: {  	s19 =	simm.s32 $0x400;
	s18 =	simm.s32 $0x200;
	[sflag:s10] =	ssyncset.done $0x0  }
.LBB2_2:
0x24: {  	s20 =	sshra.s32 s18, $0x2  }
0x25: {  	[sflag:s10] =	ssyncadd.s32 $0xFFFFC000;
	s18 =	smov.u32 s19;
	s21 =	sadd.s32 $0x200, s19  }
0x26: {  	[tilespmem:s15], [sflag:$0x1] =	stream.indirect.gather [hbm4b:s4+s14], $0x80, s20, s14, $0xb8;
	[tilespmem:$0x1CC00] =	vst v63  }
0x27: {  	p0 =	sne.s32 s19, $0x9C00;
	_ =	swait.ge [sflag:s16], $0x4000  }
.Ltmp0:
0x28: {  	[sflag:s16] =	ssyncset.done $0x0;
	(pc) =	sbr.rel @p0 .LBB2_2-.Ltmp0, $4  }
0x29: {  	s19 =	sadd.s32 $0x2800, s20;
	[sflag:s16] =	ssyncadd.s32 $0xFFFFC000  }
0x2a: {  	[spmem:s2] =	stream.indirect.scatter.add.f32 [tilespmem:s15], [sflag:$0x2], $0x80, s19, s14, $0xb8;
	[tilespmem:$0x1CC00] =	vst v63  }
0x2b: {  	_ =	swait.ge [sflag:s10], $0x4000  }
0x2c: {  	s19 =	smov.u32 s21;
	[sflag:s10] =	ssyncset.done $0x0  }
0x2d: {  	s18 =	sshra.s32 s18, $0x2;
	[sflag:s10] =	ssyncadd.s32 $0xFFFFC000  }
0x2e: {  	[tilespmem:s15], [sflag:$0x1] =	stream.indirect.gather [hbm4b:s4+s14], $0x80, s18, s14, $0xb8;
	[tilespmem:$0x1CC00] =	vst v63  }
0x2f: {  	_ =	swait.ge [sflag:s16], $0x4000  }
0x30: {  	[sflag:s16] =	ssyncset.done $0x0  }
0x31: {  	s18 =	sadd.s32 $0x2800, s18;
	[sflag:s16] =	ssyncadd.s32 $0xFFFFC000  }
0x32: {  	[spmem:s2] =	stream.indirect.scatter.add.f32 [tilespmem:s15], [sflag:$0x2], $0x80, s18, s14, $0xb8;
	[tilespmem:$0x1CC00] =	vst v63  }
0x33: {  	_ =	swait.ge [sflag:s10], $0x4000  }
0x34: {  	s17 =	sadd.s32 $0x1, s17;
	[sflag:s10] =	ssyncset.done $0x0  }
0x35: {  	p0 =	sne.s32 s17, s9;
	[sflag:s10] =	ssyncadd.s32 $0xFFFFC000  }
.Ltmp1:
0x36: {  	[bflag:$0x0] =	sbarrier.arrive $0xFFFF;
	(pc) =	sbr.rel @p0 .LBB2_1-.Ltmp1, $4  }
0x37: {  	[hbm:s8], [sflag:s12] =	dma.local [spmem:s13], $0x2780  }
0x38: {  	_ =	swait.ge [sflag:s10], $0x2780  }
0x39: {  	[sflag:s10] =	ssyncset.done $0x0  }
0x3a: {  	[sflag:s10] =	ssyncadd.s32 $0xFFFFD880  }
0x3b: {  	_ =	sfence.sel $0x180000  }
0x3c: {  	[bflag:$0x0] =	sbarrier.arrive $0xFFFF  }
0x3d: {  	p0 =	sne.s32 s0, $0x0;
	_ =	strace $0x90000068  }
0x3e: {  	s0 =	sadd.s32 @!p0 $0x100000, s1;
	[bflag:$0x2] =	sbarrier.arrive $0xFFFF  }
0x3f: {  	[sflag:s0] =	ssyncadd.tile.s32 @!p0 $0x1;
	_ =	shalt  }
.Lfunc_end2:
_tile_overlayer_lowered:
.L_overlay_start_2:
0x40: {  	(tag) =	ssettag $0x2  }
0x41: {  	s0 =	rddreg [dreg:$0x0];
	s2 =	stileid.u32  }
0x42: {  	s1 =	rddreg [dreg:$0x1];
	p0 =	sne.s32 s2, $0x0  }
0x43: {  	s3 =	rddreg [dreg:$0x2];
	[bflag:$0x3] =	sbarrier.arrive $0xFFFF;
	s2 =	simm.s32 @!p0 $0x1C02  }
0x44: {  	[timem:s3], [sflag:s2] =	dma.local @!p0 [hbm:s0], s1  }
0x45: {  	s0 =	simm.s32 @!p0 $0x2  }
0x46: {  	_ =	swait.ge @!p0 [sflag:s0], s1  }
0x47: {  	s1 =	ssub.s32 @!p0 $0x0, s1;
	[sflag:s0] =	ssyncset.done @!p0 $0x0  }
0x48: {  	[sflag:s0] =	ssyncadd.s32 @!p0 s1  }
0x49: {  	[bflag:$0x3] =	sbarrier.arrive $0xFFFF  }
0x4a: {  	_ =	shalt  }

</sc_bundles>
